<compile_context>
chip_gen: v7x
topology: tpu7x:2x2x1
jax: 0.10.2.dev20260603
libtpu: 0.0.44.dev20260713+nightly
codegen_flags: <defaults>
</compile_context>

<pallas_src>
import functools

import jax
import jax.numpy as jnp
from jax import lax
from jax.experimental import pallas as pl
from jax.experimental.pallas import tpu as pltpu
from jax.experimental.pallas import tpu_sc as plsc

B, H, W, C = 4, 384, 384, 96
HO, WO = 384, 384
NPIX = B * HO * WO
NW = 32
PPW = NPIX // NW
CHUNK = 96
NCHUNK = PPW // CHUNK
MHALF = NCHUNK // 2
L = 16
NG = CHUNK // L
CP = 128


def _grids():
    x_linspace = jnp.linspace(-1.0, 1.0, WO)
    y_linspace = jnp.linspace(-1.0, 1.0, HO)
    x_coordinates, y_coordinates = jnp.meshgrid(x_linspace, y_linspace)
    x_coordinates = x_coordinates.ravel()
    y_coordinates = y_coordinates.ravel()
    ones = jnp.ones_like(x_coordinates)
    grid = jnp.concatenate([x_coordinates, y_coordinates, ones], axis=0)
    grids = jnp.tile(grid, (B,))
    return grids.reshape(B, 3, HO * WO)


def _body(x_hbm, xs_hbm, ys_hbm, out_hbm, xs_v, ys_v, ia, ib, ic, id_,
          wa_r, wb_r, wc_r, wd_r, va, vb, vc, vd, out_v,
          gsem, csem, osem):
    wid = lax.axis_index("s") * 2 + lax.axis_index("c")
    batch = wid // (NW // B)
    pix0 = wid * PPW
    base = batch * (H * W)

    def coords_fire(ci, s):
        p0 = pix0 + ci * CHUNK
        pltpu.async_copy(xs_hbm.at[pl.ds(p0, CHUNK)], xs_v[s], csem[s])
        pltpu.async_copy(ys_hbm.at[pl.ds(p0, CHUNK)], ys_v[s], csem[s])

    def coords_wait(ci, s):
        p0 = pix0 + ci * CHUNK
        pltpu.make_async_copy(
            xs_hbm.at[pl.ds(p0, CHUNK)], xs_v[s], csem[s]).wait()
        pltpu.make_async_copy(
            ys_hbm.at[pl.ds(p0, CHUNK)], ys_v[s], csem[s]).wait()

    def stage(s):
        for g in range(NG):
            sl = pl.ds(g * L, L)
            x = 0.5 * (xs_v[s][sl] + 1.0) * jnp.float32(W)
            y = 0.5 * (ys_v[s][sl] + 1.0) * jnp.float32(H)
            x0 = x.astype(jnp.int32)
            y0 = y.astype(jnp.int32)
            xm = jnp.clip(x0, 0, W - 2)
            ym = jnp.clip(y0, 0, H - 2)
            xmf = xm.astype(jnp.float32)
            ymf = ym.astype(jnp.float32)
            dx1 = (xmf + 1.0) - x
            dx0 = x - xmf
            dy1 = (ymf + 1.0) - y
            dy0 = y - ymf
            mask = ((x > -1.0) & (x < jnp.float32(W - 1))
                    & (y > -1.0) & (y < jnp.float32(H - 1)))
            mf = jnp.where(mask, jnp.float32(1.0), jnp.float32(0.0))
            idx_a = base + ym * W + xm
            ia[s][sl] = idx_a
            ib[s][sl] = idx_a + W
            ic[s][sl] = idx_a + 1
            id_[s][sl] = idx_a + (W + 1)
            wa_r[s][sl] = dx1 * dy1 * mf
            wb_r[s][sl] = dx1 * dy0 * mf
            wc_r[s][sl] = dx0 * dy1 * mf
            wd_r[s][sl] = dx0 * dy0 * mf

    def gather_fire(s):
        pltpu.async_copy(x_hbm.at[ia[s]], va[s], gsem[s])
        pltpu.async_copy(x_hbm.at[ib[s]], vb[s], gsem[s])
        pltpu.async_copy(x_hbm.at[ic[s]], vc[s], gsem[s])
        pltpu.async_copy(x_hbm.at[id_[s]], vd[s], gsem[s])

    def gather_wait(s):
        pltpu.make_async_copy(x_hbm.at[ia[s]], va[s], gsem[s]).wait()
        pltpu.make_async_copy(x_hbm.at[ib[s]], vb[s], gsem[s]).wait()
        pltpu.make_async_copy(x_hbm.at[ic[s]], vc[s], gsem[s]).wait()
        pltpu.make_async_copy(x_hbm.at[id_[s]], vd[s], gsem[s]).wait()

    def combine(s):
        dnums = lax.GatherDimensionNumbers(
            offset_dims=(), collapsed_slice_dims=(0,), start_index_map=(0,))

        def bcast_lane(vec, lvec):
            return lax.gather(
                vec, lvec[:, None], dnums, (1,),
                indices_are_sorted=True, unique_indices=False,
                mode=lax.GatherScatterMode.PROMISE_IN_BOUNDS)

        def grp_body(g, carry):
            del carry
            gsl = pl.ds(g * L, L)
            wav = wa_r[s][gsl]
            wbv = wb_r[s][gsl]
            wcv = wc_r[s][gsl]
            wdv = wd_r[s][gsl]

            def lp_body(lp, carry2):
                del carry2
                p = g * L + lp
                lvec = jnp.zeros((L,), jnp.int32) + lp
                pa = bcast_lane(wav, lvec)
                pb = bcast_lane(wbv, lvec)
                pc = bcast_lane(wcv, lvec)
                pd = bcast_lane(wdv, lvec)
                for v in range(C // L):
                    vsl = pl.ds(v * L, L)
                    acc = pa * va[s][p, vsl] + pb * vb[s][p, vsl]
                    acc = acc + pc * vc[s][p, vsl]
                    acc = acc + pd * vd[s][p, vsl]
                    out_v[s][p, vsl] = acc
                return 0

            lax.fori_loop(0, L, lp_body, 0, unroll=4)
            return 0

        lax.fori_loop(0, NG, grp_body, 0)

    def out_fire(ci, s):
        p0 = pix0 + ci * CHUNK
        pltpu.async_copy(out_v[s], out_hbm.at[pl.ds(p0, CHUNK)], osem[s])

    def out_wait(ci, s):
        p0 = pix0 + ci * CHUNK
        pltpu.make_async_copy(
            out_v[s], out_hbm.at[pl.ds(p0, CHUNK)], osem[s]).wait()

    coords_fire(0, 0)
    coords_wait(0, 0)
    stage(0)
    gather_fire(0)
    coords_fire(1, 1)

    def body2(m, carry):
        del carry
        ci0 = 2 * m
        ci1 = ci0 + 1

        coords_wait(ci1, 1)
        stage(1)
        gather_fire(1)

        @pl.when(m < MHALF - 1)
        def _():
            coords_fire(ci0 + 2, 0)

        gather_wait(0)

        @pl.when(m >= 1)
        def _():
            out_wait(ci0 - 2, 0)

        combine(0)
        out_fire(ci0, 0)

        @pl.when(m < MHALF - 1)
        def _():
            coords_wait(ci0 + 2, 0)
            stage(0)
            gather_fire(0)
            coords_fire(ci1 + 2, 1)

        gather_wait(1)

        @pl.when(m >= 1)
        def _():
            out_wait(ci1 - 2, 1)

        combine(1)
        out_fire(ci1, 1)
        return 0

    lax.fori_loop(0, MHALF, body2, 0)

    out_wait(NCHUNK - 2, 0)
    out_wait(NCHUNK - 1, 1)


@jax.jit
def kernel(X, transformation):
    x_flat = jnp.pad(X.reshape(NPIX, C), ((0, 0), (0, CP - C)))
    transformations = transformation.reshape(B, 2, 3)
    sampled = jnp.einsum('bij,bjk->bik', transformations, _grids())
    xs = sampled[:, 0, :].reshape(NPIX)
    ys = sampled[:, 1, :].reshape(NPIX)
    mesh = plsc.VectorSubcoreMesh(core_axis_name="c", subcore_axis_name="s")

    def two(shape, dtype):
        return [pltpu.VMEM(shape, dtype), pltpu.VMEM(shape, dtype)]

    scratch = [
        two((CHUNK,), jnp.float32),
        two((CHUNK,), jnp.float32),
        two((CHUNK,), jnp.int32),
        two((CHUNK,), jnp.int32),
        two((CHUNK,), jnp.int32),
        two((CHUNK,), jnp.int32),
        two((CHUNK,), jnp.float32),
        two((CHUNK,), jnp.float32),
        two((CHUNK,), jnp.float32),
        two((CHUNK,), jnp.float32),
        two((CHUNK, CP), jnp.float32),
        two((CHUNK, CP), jnp.float32),
        two((CHUNK, CP), jnp.float32),
        two((CHUNK, CP), jnp.float32),
        two((CHUNK, C), jnp.float32),
        [pltpu.SemaphoreType.DMA, pltpu.SemaphoreType.DMA],
        [pltpu.SemaphoreType.DMA, pltpu.SemaphoreType.DMA],
        [pltpu.SemaphoreType.DMA, pltpu.SemaphoreType.DMA],
    ]
    run = functools.partial(
        pl.kernel,
        out_type=jax.ShapeDtypeStruct((NPIX, C), jnp.float32),
        mesh=mesh,
        scratch_types=scratch,
    )(_body)
    out = run(x_flat, xs, ys)
    return out.reshape(B, HO, WO, C)

# --- scband reference (transcript-rebuilt; emitter-appended) ---
"""Pipeline reference for scband-bilinear-interpolation-6889127543174 (READ-ONLY COPY).

The authoritative reference and input builder live on the scoring server;
editing this copy changes nothing except your own understanding.
"""

import jax, jax.numpy as jnp
import numpy as np

OUTPUT_SIZE = (384, 384)


def setup_inputs(seed: int = 0) -> dict:
    key = jax.random.key(seed)
    k1, k2 = jax.random.split(key)
    X = jax.random.normal(k1, (4, 384, 384, 96), dtype=jnp.float32)
    transformation = jax.random.uniform(k2, (4, 6), dtype=jnp.float32)
    return {"X": X, "transformation": transformation}


def _make_regular_grids(batch_size, height, width):
    x_linspace = jnp.linspace(-1.0, 1.0, width)
    y_linspace = jnp.linspace(-1.0, 1.0, height)
    x_coordinates, y_coordinates = jnp.meshgrid(x_linspace, y_linspace)  # 'xy' indexing -> [height, width]
    x_coordinates = x_coordinates.ravel()
    y_coordinates = y_coordinates.ravel()
    ones = jnp.ones_like(x_coordinates)
    grid = jnp.concatenate([x_coordinates, y_coordinates, ones], axis=0)
    grids = jnp.tile(grid, (batch_size,))
    return grids.reshape(batch_size, 3, height * width)


def _interpolate(image, sampled_grids, output_size):
    batch_size, height, width, num_channels = image.shape
    x = sampled_grids[:, 0:1, :].ravel().astype(jnp.float32)
    y = sampled_grids[:, 1:2, :].ravel().astype(jnp.float32)
    x = 0.5 * (x + 1.0) * jnp.float32(width)
    y = 0.5 * (y + 1.0) * jnp.float32(height)
    x0 = x.astype(jnp.int32)
    x1 = x0 + 1
    y0 = y.astype(jnp.int32)
    y1 = y0 + 1
    max_x = width - 1
    max_y = height - 1
    x0 = jnp.clip(x0, 0, max_x)
    x1 = jnp.clip(x1, 0, max_x)
    y0 = jnp.clip(y0, 0, max_y)
    y1 = jnp.clip(y1, 0, max_y)
    flat_output_size = output_size[0] * output_size[1]
    pixels_batch = jnp.arange(batch_size, dtype=jnp.int32) * (height * width)
    base = jnp.repeat(pixels_batch, flat_output_size)
    base_y0 = base + y0 * width
    base_y1 = base + y1 * width
    indices_a = base_y0 + x0
    indices_b = base_y1 + x0
    indices_c = base_y0 + x1
    indices_d = base_y1 + x1
    flat_image = image.reshape(-1, num_channels).astype(jnp.float32)
    pixel_values_a = jnp.take(flat_image, indices_a, axis=0)
    pixel_values_b = jnp.take(flat_image, indices_b, axis=0)
    pixel_values_c = jnp.take(flat_image, indices_c, axis=0)
    pixel_values_d = jnp.take(flat_image, indices_d, axis=0)
    x0f = x0.astype(jnp.float32)
    x1f = x1.astype(jnp.float32)
    y0f = y0.astype(jnp.float32)
    y1f = y1.astype(jnp.float32)
    area_a = ((x1f - x) * (y1f - y))[:, None]
    area_b = ((x1f - x) * (y - y0f))[:, None]
    area_c = ((x - x0f) * (y1f - y))[:, None]
    area_d = ((x - x0f) * (y - y0f))[:, None]
    return (area_a * pixel_values_a + area_b * pixel_values_b
            + area_c * pixel_values_c + area_d * pixel_values_d)


def reference(X, transformation):
    output_size = OUTPUT_SIZE
    batch_size = X.shape[0]
    num_channels = X.shape[3]
    transformations = transformation.reshape(batch_size, 2, 3)
    regular_grids = _make_regular_grids(batch_size, output_size[0], output_size[1])
    sampled_grids = jnp.einsum('bij,bjk->bik', transformations, regular_grids)
    interpolated = _interpolate(X, sampled_grids, output_size)
    return interpolated.reshape(batch_size, output_size[0], output_size[1], num_channels)

if __name__ == "__main__":
    import jax
    _d = setup_inputs()
    print(jax.jit(kernel)(*tuple(_d.values())))

</pallas_src>

<mosaic_0001>
#map = affine_map<(d0, d1) -> (0, 0)>
#map1 = affine_map<(d0, d1) -> (0)>
module attributes {stable_mosaic.version = 14 : i64} {
  func.func @_body(%arg0: i32, %arg1: i32, %arg2: memref<589824x128xf32, #tpu.memory_space<hbm>>, %arg3: memref<589824xf32, #tpu.memory_space<hbm>>, %arg4: memref<589824xf32, #tpu.memory_space<hbm>>, %arg5: memref<589824x96xf32, #tpu.memory_space<hbm>>, %arg6: memref<96xf32, #tpu.memory_space<vmem>>, %arg7: memref<96xf32, #tpu.memory_space<vmem>>, %arg8: memref<96xf32, #tpu.memory_space<vmem>>, %arg9: memref<96xf32, #tpu.memory_space<vmem>>, %arg10: memref<96xi32, #tpu.memory_space<vmem>>, %arg11: memref<96xi32, #tpu.memory_space<vmem>>, %arg12: memref<96xi32, #tpu.memory_space<vmem>>, %arg13: memref<96xi32, #tpu.memory_space<vmem>>, %arg14: memref<96xi32, #tpu.memory_space<vmem>>, %arg15: memref<96xi32, #tpu.memory_space<vmem>>, %arg16: memref<96xi32, #tpu.memory_space<vmem>>, %arg17: memref<96xi32, #tpu.memory_space<vmem>>, %arg18: memref<96xf32, #tpu.memory_space<vmem>>, %arg19: memref<96xf32, #tpu.memory_space<vmem>>, %arg20: memref<96xf32, #tpu.memory_space<vmem>>, %arg21: memref<96xf32, #tpu.memory_space<vmem>>, %arg22: memref<96xf32, #tpu.memory_space<vmem>>, %arg23: memref<96xf32, #tpu.memory_space<vmem>>, %arg24: memref<96xf32, #tpu.memory_space<vmem>>, %arg25: memref<96xf32, #tpu.memory_space<vmem>>, %arg26: memref<96x128xf32, #tpu.memory_space<vmem>>, %arg27: memref<96x128xf32, #tpu.memory_space<vmem>>, %arg28: memref<96x128xf32, #tpu.memory_space<vmem>>, %arg29: memref<96x128xf32, #tpu.memory_space<vmem>>, %arg30: memref<96x128xf32, #tpu.memory_space<vmem>>, %arg31: memref<96x128xf32, #tpu.memory_space<vmem>>, %arg32: memref<96x128xf32, #tpu.memory_space<vmem>>, %arg33: memref<96x128xf32, #tpu.memory_space<vmem>>, %arg34: memref<96x96xf32, #tpu.memory_space<vmem>>, %arg35: memref<96x96xf32, #tpu.memory_space<vmem>>, %arg36: memref<!tpu.dma_semaphore, #tpu.memory_space<semaphore_mem>>, %arg37: memref<!tpu.dma_semaphore, #tpu.memory_space<semaphore_mem>>, %arg38: memref<!tpu.dma_semaphore, #tpu.memory_space<semaphore_mem>>, %arg39: memref<!tpu.dma_semaphore, #tpu.memory_space<semaphore_mem>>, %arg40: memref<!tpu.dma_semaphore, #tpu.memory_space<semaphore_mem>>, %arg41: memref<!tpu.dma_semaphore, #tpu.memory_space<semaphore_mem>>) attributes {dimension_semantics = [#tpu.dimension_semantics<core_parallel>, #tpu.dimension_semantics<subcore_parallel>], iteration_bounds = array<i64: 2, 16>, scalar_prefetch = 0 : i64, scratch_operands = 36 : i64, tpu.core_type = #tpu.core_type<sc_vector_subcore>, window_params = [{transform_indices = #map}, {transform_indices = #map1}, {transform_indices = #map1}, {transform_indices = #map}]} {
    %mul3A = arith.constant 2 : i32
    %mul3A_0 = arith.muli %arg1, %mul3A : i32
    %add3A = arith.addi %mul3A_0, %arg0 : i32
    %jit3A = arith.constant 8 : i32
    %div3A = arith.divsi %add3A, %jit3A : i32
    %sign3A = arith.constant 0 : i32
    %sign3A_1 = arith.cmpi sgt, %add3A, %sign3A : i32
    %sign3A_2 = arith.extui %sign3A_1 : i1 to i32
    %sign3A_3 = arith.constant 0 : i32
    %sign3A_4 = arith.cmpi slt, %add3A, %sign3A_3 : i32
    %sign3A_5 = arith.extui %sign3A_4 : i1 to i32
    %sign3A_6 = arith.subi %sign3A_2, %sign3A_5 : i32
    %sign3A_7 = arith.constant 0 : i32
    %sign3A_8 = arith.cmpi sgt, %jit3A, %sign3A_7 : i32
    %sign3A_9 = arith.extui %sign3A_8 : i1 to i32
    %sign3A_10 = arith.constant 0 : i32
    %sign3A_11 = arith.cmpi slt, %jit3A, %sign3A_10 : i32
    %sign3A_12 = arith.extui %sign3A_11 : i1 to i32
    %sign3A_13 = arith.subi %sign3A_9, %sign3A_12 : i32
    %ne3A = arith.cmpi ne, %sign3A_6, %sign3A_13 : i32
    %rem3A = arith.remsi %add3A, %jit3A : i32
    %ne3A_14 = arith.constant 0 : i32
    %ne3A_15 = arith.cmpi ne, %rem3A, %ne3A_14 : i32
    %and3A = arith.andi %ne3A, %ne3A_15 : i1
    %sub3A = arith.constant 1 : i32
    %sub3A_16 = arith.subi %div3A, %sub3A : i32
    %select_n3A = arith.select %and3A, %sub3A_16, %div3A : i32
    %mul3A_17 = arith.constant 18432 : i32
    %mul3A_18 = arith.muli %add3A, %mul3A_17 : i32
    %mul3A_19 = arith.constant 147456 : i32
    %mul3A_20 = arith.muli %select_n3A, %mul3A_19 : i32
    %add3A_21 = arith.constant 0 : i32
    %add3A_22 = arith.addi %mul3A_18, %add3A_21 : i32
    %dma_start3A = tpu.memref_slice %arg3[%add3A_22] : memref<589824xf32, #tpu.memory_space<hbm>> -> memref<96xf32, #tpu.memory_space<hbm>>
    %dma_start3A_23 = tpu.memref_slice %arg3[%add3A_22] : memref<589824xf32, #tpu.memory_space<hbm>> -> memref<96xf32, #tpu.memory_space<hbm>>
    tpu.enqueue_dma source(%dma_start3A_23 : memref<96xf32, #tpu.memory_space<hbm>>) target(%arg6 : memref<96xf32, #tpu.memory_space<vmem>>) target_semaphore(%arg38 : memref<!tpu.dma_semaphore, #tpu.memory_space<semaphore_mem>>)
    %dma_start3A_24 = tpu.memref_slice %arg4[%add3A_22] : memref<589824xf32, #tpu.memory_space<hbm>> -> memref<96xf32, #tpu.memory_space<hbm>>
    %dma_start3A_25 = tpu.memref_slice %arg4[%add3A_22] : memref<589824xf32, #tpu.memory_space<hbm>> -> memref<96xf32, #tpu.memory_space<hbm>>
    tpu.enqueue_dma source(%dma_start3A_25 : memref<96xf32, #tpu.memory_space<hbm>>) target(%arg8 : memref<96xf32, #tpu.memory_space<vmem>>) target_semaphore(%arg38 : memref<!tpu.dma_semaphore, #tpu.memory_space<semaphore_mem>>)
    %add3A_26 = arith.constant 0 : i32
    %add3A_27 = arith.addi %mul3A_18, %add3A_26 : i32
    %dma_wait3A = tpu.memref_slice %arg3[%add3A_27] : memref<589824xf32, #tpu.memory_space<hbm>> -> memref<96xf32, #tpu.memory_space<hbm>>
    %dma_wait3A_28 = tpu.memref_slice %arg3[%add3A_27] : memref<589824xf32, #tpu.memory_space<hbm>> -> memref<96xf32, #tpu.memory_space<hbm>>
    tpu.wait_dma2 semaphore(%arg38 : memref<!tpu.dma_semaphore, #tpu.memory_space<semaphore_mem>>) src(%dma_wait3A_28 : memref<96xf32, #tpu.memory_space<hbm>>) dst(%arg6 : memref<96xf32, #tpu.memory_space<vmem>>)
    %dma_wait3A_29 = tpu.memref_slice %arg4[%add3A_27] : memref<589824xf32, #tpu.memory_space<hbm>> -> memref<96xf32, #tpu.memory_space<hbm>>
    %dma_wait3A_30 = tpu.memref_slice %arg4[%add3A_27] : memref<589824xf32, #tpu.memory_space<hbm>> -> memref<96xf32, #tpu.memory_space<hbm>>
    tpu.wait_dma2 semaphore(%arg38 : memref<!tpu.dma_semaphore, #tpu.memory_space<semaphore_mem>>) src(%dma_wait3A_30 : memref<96xf32, #tpu.memory_space<hbm>>) dst(%arg8 : memref<96xf32, #tpu.memory_space<vmem>>)
    %get3A = arith.constant 0 : index
    %get3A_31 = tpu.vector_load %arg6[%get3A] {strides = array<i32>} : memref<96xf32, #tpu.memory_space<vmem>>, vector<16xf32>,
    %get3A_32 = vector.shape_cast %get3A_31 : vector<16xf32> to vector<16xf32>
    %add3A_33 = arith.constant 1.000000e+00 : f32
    %add3A_34 = vector.broadcast %add3A_33 : f32 to vector<16xf32>
    %add3A_35 = arith.addf %get3A_32, %add3A_34 : vector<16xf32>
    %mul3A_36 = arith.constant 5.000000e-01 : f32
    %mul3A_37 = vector.broadcast %mul3A_36 : f32 to vector<16xf32>
    %mul3A_38 = arith.mulf %mul3A_37, %add3A_35 : vector<16xf32>
    %mul3A_39 = arith.constant 3.840000e+02 : f32
    %mul3A_40 = vector.broadcast %mul3A_39 : f32 to vector<16xf32>
    %mul3A_41 = arith.mulf %mul3A_38, %mul3A_40 : vector<16xf32>
    %get3A_42 = arith.constant 0 : index
    %get3A_43 = tpu.vector_load %arg8[%get3A_42] {strides = array<i32>} : memref<96xf32, #tpu.memory_space<vmem>>, vector<16xf32>,
    %get3A_44 = vector.shape_cast %get3A_43 : vector<16xf32> to vector<16xf32>
    %add3A_45 = arith.constant 1.000000e+00 : f32
    %add3A_46 = vector.broadcast %add3A_45 : f32 to vector<16xf32>
    %add3A_47 = arith.addf %get3A_44, %add3A_46 : vector<16xf32>
    %mul3A_48 = arith.constant 5.000000e-01 : f32
    %mul3A_49 = vector.broadcast %mul3A_48 : f32 to vector<16xf32>
    %mul3A_50 = arith.mulf %mul3A_49, %add3A_47 : vector<16xf32>
    %mul3A_51 = arith.constant 3.840000e+02 : f32
    %mul3A_52 = vector.broadcast %mul3A_51 : f32 to vector<16xf32>
    %mul3A_53 = arith.mulf %mul3A_50, %mul3A_52 : vector<16xf32>
    %convert_element_type3A = arith.fptosi %mul3A_41 : vector<16xf32> to vector<16xi32>
    %convert_element_type3A_54 = arith.fptosi %mul3A_53 : vector<16xf32> to vector<16xi32>
    %jit3A_55 = arith.constant 0 : i32
    %jit3A_56 = arith.constant 382 : i32
    %max3A = vector.broadcast %jit3A_55 : i32 to vector<16xi32>
    %max3A_57 = arith.maxsi %max3A, %convert_element_type3A : vector<16xi32>
    %min3A = vector.broadcast %jit3A_56 : i32 to vector<16xi32>
    %min3A_58 = arith.minsi %min3A, %max3A_57 : vector<16xi32>
    %jit3A_59 = arith.constant 0 : i32
    %jit3A_60 = arith.constant 382 : i32
    %max3A_61 = vector.broadcast %jit3A_59 : i32 to vector<16xi32>
    %max3A_62 = arith.maxsi %max3A_61, %convert_element_type3A_54 : vector<16xi32>
    %min3A_63 = vector.broadcast %jit3A_60 : i32 to vector<16xi32>
    %min3A_64 = arith.minsi %min3A_63, %max3A_62 : vector<16xi32>
    %convert_element_type3A_65 = arith.sitofp %min3A_58 : vector<16xi32> to vector<16xf32>
    %convert_element_type3A_66 = arith.sitofp %min3A_64 : vector<16xi32> to vector<16xf32>
    %add3A_67 = arith.constant 1.000000e+00 : f32
    %add3A_68 = vector.broadcast %add3A_67 : f32 to vector<16xf32>
    %add3A_69 = arith.addf %convert_element_type3A_65, %add3A_68 : vector<16xf32>
    %sub3A_70 = arith.subf %add3A_69, %mul3A_41 : vector<16xf32>
    %sub3A_71 = arith.subf %mul3A_41, %convert_element_type3A_65 : vector<16xf32>
    %add3A_72 = arith.constant 1.000000e+00 : f32
    %add3A_73 = vector.broadcast %add3A_72 : f32 to vector<16xf32>
    %add3A_74 = arith.addf %convert_element_type3A_66, %add3A_73 : vector<16xf32>
    %sub3A_75 = arith.subf %add3A_74, %mul3A_53 : vector<16xf32>
    %sub3A_76 = arith.subf %mul3A_53, %convert_element_type3A_66 : vector<16xf32>
    %gt3A = arith.constant -1.000000e+00 : f32
    %gt3A_77 = vector.broadcast %gt3A : f32 to vector<16xf32>
    %gt3A_78 = arith.cmpf ogt, %mul3A_41, %gt3A_77 : vector<16xf32>
    %lt3A = arith.constant 3.830000e+02 : f32
    %lt3A_79 = vector.broadcast %lt3A : f32 to vector<16xf32>
    %lt3A_80 = arith.cmpf olt, %mul3A_41, %lt3A_79 : vector<16xf32>
    %and3A_81 = arith.andi %gt3A_78, %lt3A_80 : vector<16xi1>
    %gt3A_82 = arith.constant -1.000000e+00 : f32
    %gt3A_83 = vector.broadcast %gt3A_82 : f32 to vector<16xf32>
    %gt3A_84 = arith.cmpf ogt, %mul3A_53, %gt3A_83 : vector<16xf32>
    %and3A_85 = arith.andi %and3A_81, %gt3A_84 : vector<16xi1>
    %lt3A_86 = arith.constant 3.830000e+02 : f32
    %lt3A_87 = vector.broadcast %lt3A_86 : f32 to vector<16xf32>
    %lt3A_88 = arith.cmpf olt, %mul3A_53, %lt3A_87 : vector<16xf32>
    %and3A_89 = arith.andi %and3A_85, %lt3A_88 : vector<16xi1>
    %jit3A_90 = arith.constant 1.000000e+00 : f32
    %jit3A_91 = arith.constant 0.000000e+00 : f32
    %broadcast_in_dim3A = vector.broadcast %jit3A_90 : f32 to vector<16xf32>
    %broadcast_in_dim3A_92 = vector.broadcast %jit3A_91 : f32 to vector<16xf32>
    %select_n3A_93 = arith.select %and3A_89, %broadcast_in_dim3A, %broadcast_in_dim3A_92 : vector<16xi1>, vector<16xf32>
    %mul3A_94 = arith.constant 384 : i32
    %mul3A_95 = vector.broadcast %mul3A_94 : i32 to vector<16xi32>
    %mul3A_96 = arith.muli %min3A_64, %mul3A_95 : vector<16xi32>
    %add3A_97 = vector.broadcast %mul3A_20 : i32 to vector<16xi32>
    %add3A_98 = arith.addi %add3A_97, %mul3A_96 : vector<16xi32>
    %add3A_99 = arith.addi %add3A_98, %min3A_58 : vector<16xi32>
    %swap3A = arith.constant 0 : index
    %swap3A_100 = tpu.vector_load %arg10[%swap3A] {strides = array<i32>} : memref<96xi32, #tpu.memory_space<vmem>>, vector<16xi32>,
    %swap3A_101 = vector.shape_cast %swap3A_100 : vector<16xi32> to vector<16xi32>
    %swap3A_102 = vector.shape_cast %add3A_99 : vector<16xi32> to vector<16xi32>
    tpu.vector_store %arg10[%swap3A], %swap3A_102 {strides = array<i32>} : memref<96xi32, #tpu.memory_space<vmem>>, vector<16xi32>,
    %add3A_103 = arith.constant 384 : i32
    %add3A_104 = vector.broadcast %add3A_103 : i32 to vector<16xi32>
    %add3A_105 = arith.addi %add3A_99, %add3A_104 : vector<16xi32>
    %swap3A_106 = arith.constant 0 : index
    %swap3A_107 = tpu.vector_load %arg12[%swap3A_106] {strides = array<i32>} : memref<96xi32, #tpu.memory_space<vmem>>, vector<16xi32>,
    %swap3A_108 = vector.shape_cast %swap3A_107 : vector<16xi32> to vector<16xi32>
    %swap3A_109 = vector.shape_cast %add3A_105 : vector<16xi32> to vector<16xi32>
    tpu.vector_store %arg12[%swap3A_106], %swap3A_109 {strides = array<i32>} : memref<96xi32, #tpu.memory_space<vmem>>, vector<16xi32>,
    %add3A_110 = arith.constant 1 : i32
    %add3A_111 = vector.broadcast %add3A_110 : i32 to vector<16xi32>
    %add3A_112 = arith.addi %add3A_99, %add3A_111 : vector<16xi32>
    %swap3A_113 = arith.constant 0 : index
    %swap3A_114 = tpu.vector_load %arg14[%swap3A_113] {strides = array<i32>} : memref<96xi32, #tpu.memory_space<vmem>>, vector<16xi32>,
    %swap3A_115 = vector.shape_cast %swap3A_114 : vector<16xi32> to vector<16xi32>
    %swap3A_116 = vector.shape_cast %add3A_112 : vector<16xi32> to vector<16xi32>
    tpu.vector_store %arg14[%swap3A_113], %swap3A_116 {strides = array<i32>} : memref<96xi32, #tpu.memory_space<vmem>>, vector<16xi32>,
    %add3A_117 = arith.constant 385 : i32
    %add3A_118 = vector.broadcast %add3A_117 : i32 to vector<16xi32>
    %add3A_119 = arith.addi %add3A_99, %add3A_118 : vector<16xi32>
    %swap3A_120 = arith.constant 0 : index
    %swap3A_121 = tpu.vector_load %arg16[%swap3A_120] {strides = array<i32>} : memref<96xi32, #tpu.memory_space<vmem>>, vector<16xi32>,
    %swap3A_122 = vector.shape_cast %swap3A_121 : vector<16xi32> to vector<16xi32>
    %swap3A_123 = vector.shape_cast %add3A_119 : vector<16xi32> to vector<16xi32>
    tpu.vector_store %arg16[%swap3A_120], %swap3A_123 {strides = array<i32>} : memref<96xi32, #tpu.memory_space<vmem>>, vector<16xi32>,
    %mul3A_124 = arith.mulf %sub3A_70, %sub3A_75 : vector<16xf32>
    %mul3A_125 = arith.mulf %mul3A_124, %select_n3A_93 : vector<16xf32>
    %swap3A_126 = arith.constant 0 : index
    %swap3A_127 = tpu.vector_load %arg18[%swap3A_126] {strides = array<i32>} : memref<96xf32, #tpu.memory_space<vmem>>, vector<16xf32>,
    %swap3A_128 = vector.shape_cast %swap3A_127 : vector<16xf32> to vector<16xf32>
    %swap3A_129 = vector.shape_cast %mul3A_125 : vector<16xf32> to vector<16xf32>
    tpu.vector_store %arg18[%swap3A_126], %swap3A_129 {strides = array<i32>} : memref<96xf32, #tpu.memory_space<vmem>>, vector<16xf32>,
    %mul3A_130 = arith.mulf %sub3A_70, %sub3A_76 : vector<16xf32>
    %mul3A_131 = arith.mulf %mul3A_130, %select_n3A_93 : vector<16xf32>
    %swap3A_132 = arith.constant 0 : index
    %swap3A_133 = tpu.vector_load %arg20[%swap3A_132] {strides = array<i32>} : memref<96xf32, #tpu.memory_space<vmem>>, vector<16xf32>,
    %swap3A_134 = vector.shape_cast %swap3A_133 : vector<16xf32> to vector<16xf32>
    %swap3A_135 = vector.shape_cast %mul3A_131 : vector<16xf32> to vector<16xf32>
    tpu.vector_store %arg20[%swap3A_132], %swap3A_135 {strides = array<i32>} : memref<96xf32, #tpu.memory_space<vmem>>, vector<16xf32>,
    %mul3A_136 = arith.mulf %sub3A_71, %sub3A_75 : vector<16xf32>
    %mul3A_137 = arith.mulf %mul3A_136, %select_n3A_93 : vector<16xf32>
    %swap3A_138 = arith.constant 0 : index
    %swap3A_139 = tpu.vector_load %arg22[%swap3A_138] {strides = array<i32>} : memref<96xf32, #tpu.memory_space<vmem>>, vector<16xf32>,
    %swap3A_140 = vector.shape_cast %swap3A_139 : vector<16xf32> to vector<16xf32>
    %swap3A_141 = vector.shape_cast %mul3A_137 : vector<16xf32> to vector<16xf32>
    tpu.vector_store %arg22[%swap3A_138], %swap3A_141 {strides = array<i32>} : memref<96xf32, #tpu.memory_space<vmem>>, vector<16xf32>,
    %mul3A_142 = arith.mulf %sub3A_71, %sub3A_76 : vector<16xf32>
    %mul3A_143 = arith.mulf %mul3A_142, %select_n3A_93 : vector<16xf32>
    %swap3A_144 = arith.constant 0 : index
    %swap3A_145 = tpu.vector_load %arg24[%swap3A_144] {strides = array<i32>} : memref<96xf32, #tpu.memory_space<vmem>>, vector<16xf32>,
    %swap3A_146 = vector.shape_cast %swap3A_145 : vector<16xf32> to vector<16xf32>
    %swap3A_147 = vector.shape_cast %mul3A_143 : vector<16xf32> to vector<16xf32>
    tpu.vector_store %arg24[%swap3A_144], %swap3A_147 {strides = array<i32>} : memref<96xf32, #tpu.memory_space<vmem>>, vector<16xf32>,
    %get3A_148 = arith.constant 16 : index
    %get3A_149 = tpu.vector_load %arg6[%get3A_148] {strides = array<i32>} : memref<96xf32, #tpu.memory_space<vmem>>, vector<16xf32>,
    %get3A_150 = vector.shape_cast %get3A_149 : vector<16xf32> to vector<16xf32>
    %add3A_151 = arith.constant 1.000000e+00 : f32
    %add3A_152 = vector.broadcast %add3A_151 : f32 to vector<16xf32>
    %add3A_153 = arith.addf %get3A_150, %add3A_152 : vector<16xf32>
    %mul3A_154 = arith.constant 5.000000e-01 : f32
    %mul3A_155 = vector.broadcast %mul3A_154 : f32 to vector<16xf32>
    %mul3A_156 = arith.mulf %mul3A_155, %add3A_153 : vector<16xf32>
    %mul3A_157 = arith.constant 3.840000e+02 : f32
    %mul3A_158 = vector.broadcast %mul3A_157 : f32 to vector<16xf32>
    %mul3A_159 = arith.mulf %mul3A_156, %mul3A_158 : vector<16xf32>
    %get3A_160 = arith.constant 16 : index
    %get3A_161 = tpu.vector_load %arg8[%get3A_160] {strides = array<i32>} : memref<96xf32, #tpu.memory_space<vmem>>, vector<16xf32>,
    %get3A_162 = vector.shape_cast %get3A_161 : vector<16xf32> to vector<16xf32>
    %add3A_163 = arith.constant 1.000000e+00 : f32
    %add3A_164 = vector.broadcast %add3A_163 : f32 to vector<16xf32>
    %add3A_165 = arith.addf %get3A_162, %add3A_164 : vector<16xf32>
    %mul3A_166 = arith.constant 5.000000e-01 : f32
    %mul3A_167 = vector.broadcast %mul3A_166 : f32 to vector<16xf32>
    %mul3A_168 = arith.mulf %mul3A_167, %add3A_165 : vector<16xf32>
    %mul3A_169 = arith.constant 3.840000e+02 : f32
    %mul3A_170 = vector.broadcast %mul3A_169 : f32 to vector<16xf32>
    %mul3A_171 = arith.mulf %mul3A_168, %mul3A_170 : vector<16xf32>
    %convert_element_type3A_172 = arith.fptosi %mul3A_159 : vector<16xf32> to vector<16xi32>
    %convert_element_type3A_173 = arith.fptosi %mul3A_171 : vector<16xf32> to vector<16xi32>
    %jit3A_174 = arith.constant 0 : i32
    %jit3A_175 = arith.constant 382 : i32
    %max3A_176 = vector.broadcast %jit3A_174 : i32 to vector<16xi32>
    %max3A_177 = arith.maxsi %max3A_176, %convert_element_type3A_172 : vector<16xi32>
    %min3A_178 = vector.broadcast %jit3A_175 : i32 to vector<16xi32>
    %min3A_179 = arith.minsi %min3A_178, %max3A_177 : vector<16xi32>
    %jit3A_180 = arith.constant 0 : i32
    %jit3A_181 = arith.constant 382 : i32
    %max3A_182 = vector.broadcast %jit3A_180 : i32 to vector<16xi32>
    %max3A_183 = arith.maxsi %max3A_182, %convert_element_type3A_173 : vector<16xi32>
    %min3A_184 = vector.broadcast %jit3A_181 : i32 to vector<16xi32>
    %min3A_185 = arith.minsi %min3A_184, %max3A_183 : vector<16xi32>
    %convert_element_type3A_186 = arith.sitofp %min3A_179 : vector<16xi32> to vector<16xf32>
    %convert_element_type3A_187 = arith.sitofp %min3A_185 : vector<16xi32> to vector<16xf32>
    %add3A_188 = arith.constant 1.000000e+00 : f32
    %add3A_189 = vector.broadcast %add3A_188 : f32 to vector<16xf32>
    %add3A_190 = arith.addf %convert_element_type3A_186, %add3A_189 : vector<16xf32>
    %sub3A_191 = arith.subf %add3A_190, %mul3A_159 : vector<16xf32>
    %sub3A_192 = arith.subf %mul3A_159, %convert_element_type3A_186 : vector<16xf32>
    %add3A_193 = arith.constant 1.000000e+00 : f32
    %add3A_194 = vector.broadcast %add3A_193 : f32 to vector<16xf32>
    %add3A_195 = arith.addf %convert_element_type3A_187, %add3A_194 : vector<16xf32>
    %sub3A_196 = arith.subf %add3A_195, %mul3A_171 : vector<16xf32>
    %sub3A_197 = arith.subf %mul3A_171, %convert_element_type3A_187 : vector<16xf32>
    %gt3A_198 = arith.constant -1.000000e+00 : f32
    %gt3A_199 = vector.broadcast %gt3A_198 : f32 to vector<16xf32>
    %gt3A_200 = arith.cmpf ogt, %mul3A_159, %gt3A_199 : vector<16xf32>
    %lt3A_201 = arith.constant 3.830000e+02 : f32
    %lt3A_202 = vector.broadcast %lt3A_201 : f32 to vector<16xf32>
    %lt3A_203 = arith.cmpf olt, %mul3A_159, %lt3A_202 : vector<16xf32>
    %and3A_204 = arith.andi %gt3A_200, %lt3A_203 : vector<16xi1>
    %gt3A_205 = arith.constant -1.000000e+00 : f32
    %gt3A_206 = vector.broadcast %gt3A_205 : f32 to vector<16xf32>
    %gt3A_207 = arith.cmpf ogt, %mul3A_171, %gt3A_206 : vector<16xf32>
    %and3A_208 = arith.andi %and3A_204, %gt3A_207 : vector<16xi1>
    %lt3A_209 = arith.constant 3.830000e+02 : f32
    %lt3A_210 = vector.broadcast %lt3A_209 : f32 to vector<16xf32>
    %lt3A_211 = arith.cmpf olt, %mul3A_171, %lt3A_210 : vector<16xf32>
    %and3A_212 = arith.andi %and3A_208, %lt3A_211 : vector<16xi1>
    %jit3A_213 = arith.constant 1.000000e+00 : f32
    %jit3A_214 = arith.constant 0.000000e+00 : f32
    %broadcast_in_dim3A_215 = vector.broadcast %jit3A_213 : f32 to vector<16xf32>
    %broadcast_in_dim3A_216 = vector.broadcast %jit3A_214 : f32 to vector<16xf32>
    %select_n3A_217 = arith.select %and3A_212, %broadcast_in_dim3A_215, %broadcast_in_dim3A_216 : vector<16xi1>, vector<16xf32>
    %mul3A_218 = arith.constant 384 : i32
    %mul3A_219 = vector.broadcast %mul3A_218 : i32 to vector<16xi32>
    %mul3A_220 = arith.muli %min3A_185, %mul3A_219 : vector<16xi32>
    %add3A_221 = vector.broadcast %mul3A_20 : i32 to vector<16xi32>
    %add3A_222 = arith.addi %add3A_221, %mul3A_220 : vector<16xi32>
    %add3A_223 = arith.addi %add3A_222, %min3A_179 : vector<16xi32>
    %swap3A_224 = arith.constant 16 : index
    %swap3A_225 = tpu.vector_load %arg10[%swap3A_224] {strides = array<i32>} : memref<96xi32, #tpu.memory_space<vmem>>, vector<16xi32>,
    %swap3A_226 = vector.shape_cast %swap3A_225 : vector<16xi32> to vector<16xi32>
    %swap3A_227 = vector.shape_cast %add3A_223 : vector<16xi32> to vector<16xi32>
    tpu.vector_store %arg10[%swap3A_224], %swap3A_227 {strides = array<i32>} : memref<96xi32, #tpu.memory_space<vmem>>, vector<16xi32>,
    %add3A_228 = arith.constant 384 : i32
    %add3A_229 = vector.broadcast %add3A_228 : i32 to vector<16xi32>
    %add3A_230 = arith.addi %add3A_223, %add3A_229 : vector<16xi32>
    %swap3A_231 = arith.constant 16 : index
    %swap3A_232 = tpu.vector_load %arg12[%swap3A_231] {strides = array<i32>} : memref<96xi32, #tpu.memory_space<vmem>>, vector<16xi32>,
    %swap3A_233 = vector.shape_cast %swap3A_232 : vector<16xi32> to vector<16xi32>
    %swap3A_234 = vector.shape_cast %add3A_230 : vector<16xi32> to vector<16xi32>
    tpu.vector_store %arg12[%swap3A_231], %swap3A_234 {strides = array<i32>} : memref<96xi32, #tpu.memory_space<vmem>>, vector<16xi32>,
    %add3A_235 = arith.constant 1 : i32
    %add3A_236 = vector.broadcast %add3A_235 : i32 to vector<16xi32>
    %add3A_237 = arith.addi %add3A_223, %add3A_236 : vector<16xi32>
    %swap3A_238 = arith.constant 16 : index
    %swap3A_239 = tpu.vector_load %arg14[%swap3A_238] {strides = array<i32>} : memref<96xi32, #tpu.memory_space<vmem>>, vector<16xi32>,
    %swap3A_240 = vector.shape_cast %swap3A_239 : vector<16xi32> to vector<16xi32>
    %swap3A_241 = vector.shape_cast %add3A_237 : vector<16xi32> to vector<16xi32>
    tpu.vector_store %arg14[%swap3A_238], %swap3A_241 {strides = array<i32>} : memref<96xi32, #tpu.memory_space<vmem>>, vector<16xi32>,
    %add3A_242 = arith.constant 385 : i32
    %add3A_243 = vector.broadcast %add3A_242 : i32 to vector<16xi32>
    %add3A_244 = arith.addi %add3A_223, %add3A_243 : vector<16xi32>
    %swap3A_245 = arith.constant 16 : index
    %swap3A_246 = tpu.vector_load %arg16[%swap3A_245] {strides = array<i32>} : memref<96xi32, #tpu.memory_space<vmem>>, vector<16xi32>,
    %swap3A_247 = vector.shape_cast %swap3A_246 : vector<16xi32> to vector<16xi32>
    %swap3A_248 = vector.shape_cast %add3A_244 : vector<16xi32> to vector<16xi32>
    tpu.vector_store %arg16[%swap3A_245], %swap3A_248 {strides = array<i32>} : memref<96xi32, #tpu.memory_space<vmem>>, vector<16xi32>,
    %mul3A_249 = arith.mulf %sub3A_191, %sub3A_196 : vector<16xf32>
    %mul3A_250 = arith.mulf %mul3A_249, %select_n3A_217 : vector<16xf32>
    %swap3A_251 = arith.constant 16 : index
    %swap3A_252 = tpu.vector_load %arg18[%swap3A_251] {strides = array<i32>} : memref<96xf32, #tpu.memory_space<vmem>>, vector<16xf32>,
    %swap3A_253 = vector.shape_cast %swap3A_252 : vector<16xf32> to vector<16xf32>
    %swap3A_254 = vector.shape_cast %mul3A_250 : vector<16xf32> to vector<16xf32>
    tpu.vector_store %arg18[%swap3A_251], %swap3A_254 {strides = array<i32>} : memref<96xf32, #tpu.memory_space<vmem>>, vector<16xf32>,
    %mul3A_255 = arith.mulf %sub3A_191, %sub3A_197 : vector<16xf32>
    %mul3A_256 = arith.mulf %mul3A_255, %select_n3A_217 : vector<16xf32>
    %swap3A_257 = arith.constant 16 : index
    %swap3A_258 = tpu.vector_load %arg20[%swap3A_257] {strides = array<i32>} : memref<96xf32, #tpu.memory_space<vmem>>, vector<16xf32>,
    %swap3A_259 = vector.shape_cast %swap3A_258 : vector<16xf32> to vector<16xf32>
    %swap3A_260 = vector.shape_cast %mul3A_256 : vector<16xf32> to vector<16xf32>
    tpu.vector_store %arg20[%swap3A_257], %swap3A_260 {strides = array<i32>} : memref<96xf32, #tpu.memory_space<vmem>>, vector<16xf32>,
    %mul3A_261 = arith.mulf %sub3A_192, %sub3A_196 : vector<16xf32>
    %mul3A_262 = arith.mulf %mul3A_261, %select_n3A_217 : vector<16xf32>
    %swap3A_263 = arith.constant 16 : index
    %swap3A_264 = tpu.vector_load %arg22[%swap3A_263] {strides = array<i32>} : memref<96xf32, #tpu.memory_space<vmem>>, vector<16xf32>,
    %swap3A_265 = vector.shape_cast %swap3A_264 : vector<16xf32> to vector<16xf32>
    %swap3A_266 = vector.shape_cast %mul3A_262 : vector<16xf32> to vector<16xf32>
    tpu.vector_store %arg22[%swap3A_263], %swap3A_266 {strides = array<i32>} : memref<96xf32, #tpu.memory_space<vmem>>, vector<16xf32>,
    %mul3A_267 = arith.mulf %sub3A_192, %sub3A_197 : vector<16xf32>
    %mul3A_268 = arith.mulf %mul3A_267, %select_n3A_217 : vector<16xf32>
    %swap3A_269 = arith.constant 16 : index
    %swap3A_270 = tpu.vector_load %arg24[%swap3A_269] {strides = array<i32>} : memref<96xf32, #tpu.memory_space<vmem>>, vector<16xf32>,
    %swap3A_271 = vector.shape_cast %swap3A_270 : vector<16xf32> to vector<16xf32>
    %swap3A_272 = vector.shape_cast %mul3A_268 : vector<16xf32> to vector<16xf32>
    tpu.vector_store %arg24[%swap3A_269], %swap3A_272 {strides = array<i32>} : memref<96xf32, #tpu.memory_space<vmem>>, vector<16xf32>,
    %get3A_273 = arith.constant 32 : index
    %get3A_274 = tpu.vector_load %arg6[%get3A_273] {strides = array<i32>} : memref<96xf32, #tpu.memory_space<vmem>>, vector<16xf32>,
    %get3A_275 = vector.shape_cast %get3A_274 : vector<16xf32> to vector<16xf32>
    %add3A_276 = arith.constant 1.000000e+00 : f32
    %add3A_277 = vector.broadcast %add3A_276 : f32 to vector<16xf32>
    %add3A_278 = arith.addf %get3A_275, %add3A_277 : vector<16xf32>
    %mul3A_279 = arith.constant 5.000000e-01 : f32
    %mul3A_280 = vector.broadcast %mul3A_279 : f32 to vector<16xf32>
    %mul3A_281 = arith.mulf %mul3A_280, %add3A_278 : vector<16xf32>
    %mul3A_282 = arith.constant 3.840000e+02 : f32
    %mul3A_283 = vector.broadcast %mul3A_282 : f32 to vector<16xf32>
    %mul3A_284 = arith.mulf %mul3A_281, %mul3A_283 : vector<16xf32>
    %get3A_285 = arith.constant 32 : index
    %get3A_286 = tpu.vector_load %arg8[%get3A_285] {strides = array<i32>} : memref<96xf32, #tpu.memory_space<vmem>>, vector<16xf32>,
    %get3A_287 = vector.shape_cast %get3A_286 : vector<16xf32> to vector<16xf32>
    %add3A_288 = arith.constant 1.000000e+00 : f32
    %add3A_289 = vector.broadcast %add3A_288 : f32 to vector<16xf32>
    %add3A_290 = arith.addf %get3A_287, %add3A_289 : vector<16xf32>
    %mul3A_291 = arith.constant 5.000000e-01 : f32
    %mul3A_292 = vector.broadcast %mul3A_291 : f32 to vector<16xf32>
    %mul3A_293 = arith.mulf %mul3A_292, %add3A_290 : vector<16xf32>
    %mul3A_294 = arith.constant 3.840000e+02 : f32
    %mul3A_295 = vector.broadcast %mul3A_294 : f32 to vector<16xf32>
    %mul3A_296 = arith.mulf %mul3A_293, %mul3A_295 : vector<16xf32>
    %convert_element_type3A_297 = arith.fptosi %mul3A_284 : vector<16xf32> to vector<16xi32>
    %convert_element_type3A_298 = arith.fptosi %mul3A_296 : vector<16xf32> to vector<16xi32>
    %jit3A_299 = arith.constant 0 : i32
    %jit3A_300 = arith.constant 382 : i32
    %max3A_301 = vector.broadcast %jit3A_299 : i32 to vector<16xi32>
    %max3A_302 = arith.maxsi %max3A_301, %convert_element_type3A_297 : vector<16xi32>
    %min3A_303 = vector.broadcast %jit3A_300 : i32 to vector<16xi32>
    %min3A_304 = arith.minsi %min3A_303, %max3A_302 : vector<16xi32>
    %jit3A_305 = arith.constant 0 : i32
    %jit3A_306 = arith.constant 382 : i32
    %max3A_307 = vector.broadcast %jit3A_305 : i32 to vector<16xi32>
    %max3A_308 = arith.maxsi %max3A_307, %convert_element_type3A_298 : vector<16xi32>
    %min3A_309 = vector.broadcast %jit3A_306 : i32 to vector<16xi32>
    %min3A_310 = arith.minsi %min3A_309, %max3A_308 : vector<16xi32>
    %convert_element_type3A_311 = arith.sitofp %min3A_304 : vector<16xi32> to vector<16xf32>
    %convert_element_type3A_312 = arith.sitofp %min3A_310 : vector<16xi32> to vector<16xf32>
    %add3A_313 = arith.constant 1.000000e+00 : f32
    %add3A_314 = vector.broadcast %add3A_313 : f32 to vector<16xf32>
    %add3A_315 = arith.addf %convert_element_type3A_311, %add3A_314 : vector<16xf32>
    %sub3A_316 = arith.subf %add3A_315, %mul3A_284 : vector<16xf32>
    %sub3A_317 = arith.subf %mul3A_284, %convert_element_type3A_311 : vector<16xf32>
    %add3A_318 = arith.constant 1.000000e+00 : f32
    %add3A_319 = vector.broadcast %add3A_318 : f32 to vector<16xf32>
    %add3A_320 = arith.addf %convert_element_type3A_312, %add3A_319 : vector<16xf32>
    %sub3A_321 = arith.subf %add3A_320, %mul3A_296 : vector<16xf32>
    %sub3A_322 = arith.subf %mul3A_296, %convert_element_type3A_312 : vector<16xf32>
    %gt3A_323 = arith.constant -1.000000e+00 : f32
    %gt3A_324 = vector.broadcast %gt3A_323 : f32 to vector<16xf32>
    %gt3A_325 = arith.cmpf ogt, %mul3A_284, %gt3A_324 : vector<16xf32>
    %lt3A_326 = arith.constant 3.830000e+02 : f32
    %lt3A_327 = vector.broadcast %lt3A_326 : f32 to vector<16xf32>
    %lt3A_328 = arith.cmpf olt, %mul3A_284, %lt3A_327 : vector<16xf32>
    %and3A_329 = arith.andi %gt3A_325, %lt3A_328 : vector<16xi1>
    %gt3A_330 = arith.constant -1.000000e+00 : f32
    %gt3A_331 = vector.broadcast %gt3A_330 : f32 to vector<16xf32>
    %gt3A_332 = arith.cmpf ogt, %mul3A_296, %gt3A_331 : vector<16xf32>
    %and3A_333 = arith.andi %and3A_329, %gt3A_332 : vector<16xi1>
    %lt3A_334 = arith.constant 3.830000e+02 : f32
    %lt3A_335 = vector.broadcast %lt3A_334 : f32 to vector<16xf32>
    %lt3A_336 = arith.cmpf olt, %mul3A_296, %lt3A_335 : vector<16xf32>
    %and3A_337 = arith.andi %and3A_333, %lt3A_336 : vector<16xi1>
    %jit3A_338 = arith.constant 1.000000e+00 : f32
    %jit3A_339 = arith.constant 0.000000e+00 : f32
    %broadcast_in_dim3A_340 = vector.broadcast %jit3A_338 : f32 to vector<16xf32>
    %broadcast_in_dim3A_341 = vector.broadcast %jit3A_339 : f32 to vector<16xf32>
    %select_n3A_342 = arith.select %and3A_337, %broadcast_in_dim3A_340, %broadcast_in_dim3A_341 : vector<16xi1>, vector<16xf32>
    %mul3A_343 = arith.constant 384 : i32
    %mul3A_344 = vector.broadcast %mul3A_343 : i32 to vector<16xi32>
    %mul3A_345 = arith.muli %min3A_310, %mul3A_344 : vector<16xi32>
    %add3A_346 = vector.broadcast %mul3A_20 : i32 to vector<16xi32>
    %add3A_347 = arith.addi %add3A_346, %mul3A_345 : vector<16xi32>
    %add3A_348 = arith.addi %add3A_347, %min3A_304 : vector<16xi32>
    %swap3A_349 = arith.constant 32 : index
    %swap3A_350 = tpu.vector_load %arg10[%swap3A_349] {strides = array<i32>} : memref<96xi32, #tpu.memory_space<vmem>>, vector<16xi32>,
    %swap3A_351 = vector.shape_cast %swap3A_350 : vector<16xi32> to vector<16xi32>
    %swap3A_352 = vector.shape_cast %add3A_348 : vector<16xi32> to vector<16xi32>
    tpu.vector_store %arg10[%swap3A_349], %swap3A_352 {strides = array<i32>} : memref<96xi32, #tpu.memory_space<vmem>>, vector<16xi32>,
    %add3A_353 = arith.constant 384 : i32
    %add3A_354 = vector.broadcast %add3A_353 : i32 to vector<16xi32>
    %add3A_355 = arith.addi %add3A_348, %add3A_354 : vector<16xi32>
    %swap3A_356 = arith.constant 32 : index
    %swap3A_357 = tpu.vector_load %arg12[%swap3A_356] {strides = array<i32>} : memref<96xi32, #tpu.memory_space<vmem>>, vector<16xi32>,
    %swap3A_358 = vector.shape_cast %swap3A_357 : vector<16xi32> to vector<16xi32>
    %swap3A_359 = vector.shape_cast %add3A_355 : vector<16xi32> to vector<16xi32>
    tpu.vector_store %arg12[%swap3A_356], %swap3A_359 {strides = array<i32>} : memref<96xi32, #tpu.memory_space<vmem>>, vector<16xi32>,
    %add3A_360 = arith.constant 1 : i32
    %add3A_361 = vector.broadcast %add3A_360 : i32 to vector<16xi32>
    %add3A_362 = arith.addi %add3A_348, %add3A_361 : vector<16xi32>
    %swap3A_363 = arith.constant 32 : index
    %swap3A_364 = tpu.vector_load %arg14[%swap3A_363] {strides = array<i32>} : memref<96xi32, #tpu.memory_space<vmem>>, vector<16xi32>,
    %swap3A_365 = vector.shape_cast %swap3A_364 : vector<16xi32> to vector<16xi32>
    %swap3A_366 = vector.shape_cast %add3A_362 : vector<16xi32> to vector<16xi32>
    tpu.vector_store %arg14[%swap3A_363], %swap3A_366 {strides = array<i32>} : memref<96xi32, #tpu.memory_space<vmem>>, vector<16xi32>,
    %add3A_367 = arith.constant 385 : i32
    %add3A_368 = vector.broadcast %add3A_367 : i32 to vector<16xi32>
    %add3A_369 = arith.addi %add3A_348, %add3A_368 : vector<16xi32>
    %swap3A_370 = arith.constant 32 : index
    %swap3A_371 = tpu.vector_load %arg16[%swap3A_370] {strides = array<i32>} : memref<96xi32, #tpu.memory_space<vmem>>, vector<16xi32>,
    %swap3A_372 = vector.shape_cast %swap3A_371 : vector<16xi32> to vector<16xi32>
    %swap3A_373 = vector.shape_cast %add3A_369 : vector<16xi32> to vector<16xi32>
    tpu.vector_store %arg16[%swap3A_370], %swap3A_373 {strides = array<i32>} : memref<96xi32, #tpu.memory_space<vmem>>, vector<16xi32>,
    %mul3A_374 = arith.mulf %sub3A_316, %sub3A_321 : vector<16xf32>
    %mul3A_375 = arith.mulf %mul3A_374, %select_n3A_342 : vector<16xf32>
    %swap3A_376 = arith.constant 32 : index
    %swap3A_377 = tpu.vector_load %arg18[%swap3A_376] {strides = array<i32>} : memref<96xf32, #tpu.memory_space<vmem>>, vector<16xf32>,
    %swap3A_378 = vector.shape_cast %swap3A_377 : vector<16xf32> to vector<16xf32>
    %swap3A_379 = vector.shape_cast %mul3A_375 : vector<16xf32> to vector<16xf32>
    tpu.vector_store %arg18[%swap3A_376], %swap3A_379 {strides = array<i32>} : memref<96xf32, #tpu.memory_space<vmem>>, vector<16xf32>,
    %mul3A_380 = arith.mulf %sub3A_316, %sub3A_322 : vector<16xf32>
    %mul3A_381 = arith.mulf %mul3A_380, %select_n3A_342 : vector<16xf32>
    %swap3A_382 = arith.constant 32 : index
    %swap3A_383 = tpu.vector_load %arg20[%swap3A_382] {strides = array<i32>} : memref<96xf32, #tpu.memory_space<vmem>>, vector<16xf32>,
    %swap3A_384 = vector.shape_cast %swap3A_383 : vector<16xf32> to vector<16xf32>
    %swap3A_385 = vector.shape_cast %mul3A_381 : vector<16xf32> to vector<16xf32>
    tpu.vector_store %arg20[%swap3A_382], %swap3A_385 {strides = array<i32>} : memref<96xf32, #tpu.memory_space<vmem>>, vector<16xf32>,
    %mul3A_386 = arith.mulf %sub3A_317, %sub3A_321 : vector<16xf32>
    %mul3A_387 = arith.mulf %mul3A_386, %select_n3A_342 : vector<16xf32>
    %swap3A_388 = arith.constant 32 : index
    %swap3A_389 = tpu.vector_load %arg22[%swap3A_388] {strides = array<i32>} : memref<96xf32, #tpu.memory_space<vmem>>, vector<16xf32>,
    %swap3A_390 = vector.shape_cast %swap3A_389 : vector<16xf32> to vector<16xf32>
    %swap3A_391 = vector.shape_cast %mul3A_387 : vector<16xf32> to vector<16xf32>
    tpu.vector_store %arg22[%swap3A_388], %swap3A_391 {strides = array<i32>} : memref<96xf32, #tpu.memory_space<vmem>>, vector<16xf32>,
    %mul3A_392 = arith.mulf %sub3A_317, %sub3A_322 : vector<16xf32>
    %mul3A_393 = arith.mulf %mul3A_392, %select_n3A_342 : vector<16xf32>
    %swap3A_394 = arith.constant 32 : index
    %swap3A_395 = tpu.vector_load %arg24[%swap3A_394] {strides = array<i32>} : memref<96xf32, #tpu.memory_space<vmem>>, vector<16xf32>,
    %swap3A_396 = vector.shape_cast %swap3A_395 : vector<16xf32> to vector<16xf32>
    %swap3A_397 = vector.shape_cast %mul3A_393 : vector<16xf32> to vector<16xf32>
    tpu.vector_store %arg24[%swap3A_394], %swap3A_397 {strides = array<i32>} : memref<96xf32, #tpu.memory_space<vmem>>, vector<16xf32>,
    %get3A_398 = arith.constant 48 : index
    %get3A_399 = tpu.vector_load %arg6[%get3A_398] {strides = array<i32>} : memref<96xf32, #tpu.memory_space<vmem>>, vector<16xf32>,
    %get3A_400 = vector.shape_cast %get3A_399 : vector<16xf32> to vector<16xf32>
    %add3A_401 = arith.constant 1.000000e+00 : f32
    %add3A_402 = vector.broadcast %add3A_401 : f32 to vector<16xf32>
    %add3A_403 = arith.addf %get3A_400, %add3A_402 : vector<16xf32>
    %mul3A_404 = arith.constant 5.000000e-01 : f32
    %mul3A_405 = vector.broadcast %mul3A_404 : f32 to vector<16xf32>
    %mul3A_406 = arith.mulf %mul3A_405, %add3A_403 : vector<16xf32>
    %mul3A_407 = arith.constant 3.840000e+02 : f32
    %mul3A_408 = vector.broadcast %mul3A_407 : f32 to vector<16xf32>
    %mul3A_409 = arith.mulf %mul3A_406, %mul3A_408 : vector<16xf32>
    %get3A_410 = arith.constant 48 : index
    %get3A_411 = tpu.vector_load %arg8[%get3A_410] {strides = array<i32>} : memref<96xf32, #tpu.memory_space<vmem>>, vector<16xf32>,
    %get3A_412 = vector.shape_cast %get3A_411 : vector<16xf32> to vector<16xf32>
    %add3A_413 = arith.constant 1.000000e+00 : f32
    %add3A_414 = vector.broadcast %add3A_413 : f32 to vector<16xf32>
    %add3A_415 = arith.addf %get3A_412, %add3A_414 : vector<16xf32>
    %mul3A_416 = arith.constant 5.000000e-01 : f32
    %mul3A_417 = vector.broadcast %mul3A_416 : f32 to vector<16xf32>
    %mul3A_418 = arith.mulf %mul3A_417, %add3A_415 : vector<16xf32>
    %mul3A_419 = arith.constant 3.840000e+02 : f32
    %mul3A_420 = vector.broadcast %mul3A_419 : f32 to vector<16xf32>
    %mul3A_421 = arith.mulf %mul3A_418, %mul3A_420 : vector<16xf32>
    %convert_element_type3A_422 = arith.fptosi %mul3A_409 : vector<16xf32> to vector<16xi32>
    %convert_element_type3A_423 = arith.fptosi %mul3A_421 : vector<16xf32> to vector<16xi32>
    %jit3A_424 = arith.constant 0 : i32
    %jit3A_425 = arith.constant 382 : i32
    %max3A_426 = vector.broadcast %jit3A_424 : i32 to vector<16xi32>
    %max3A_427 = arith.maxsi %max3A_426, %convert_element_type3A_422 : vector<16xi32>
    %min3A_428 = vector.broadcast %jit3A_425 : i32 to vector<16xi32>
    %min3A_429 = arith.minsi %min3A_428, %max3A_427 : vector<16xi32>
    %jit3A_430 = arith.constant 0 : i32
    %jit3A_431 = arith.constant 382 : i32
    %max3A_432 = vector.broadcast %jit3A_430 : i32 to vector<16xi32>
    %max3A_433 = arith.maxsi %max3A_432, %convert_element_type3A_423 : vector<16xi32>
    %min3A_434 = vector.broadcast %jit3A_431 : i32 to vector<16xi32>
    %min3A_435 = arith.minsi %min3A_434, %max3A_433 : vector<16xi32>
    %convert_element_type3A_436 = arith.sitofp %min3A_429 : vector<16xi32> to vector<16xf32>
    %convert_element_type3A_437 = arith.sitofp %min3A_435 : vector<16xi32> to vector<16xf32>
    %add3A_438 = arith.constant 1.000000e+00 : f32
    %add3A_439 = vector.broadcast %add3A_438 : f32 to vector<16xf32>
    %add3A_440 = arith.addf %convert_element_type3A_436, %add3A_439 : vector<16xf32>
    %sub3A_441 = arith.subf %add3A_440, %mul3A_409 : vector<16xf32>
    %sub3A_442 = arith.subf %mul3A_409, %convert_element_type3A_436 : vector<16xf32>
    %add3A_443 = arith.constant 1.000000e+00 : f32
    %add3A_444 = vector.broadcast %add3A_443 : f32 to vector<16xf32>
    %add3A_445 = arith.addf %convert_element_type3A_437, %add3A_444 : vector<16xf32>
    %sub3A_446 = arith.subf %add3A_445, %mul3A_421 : vector<16xf32>
    %sub3A_447 = arith.subf %mul3A_421, %convert_element_type3A_437 : vector<16xf32>
    %gt3A_448 = arith.constant -1.000000e+00 : f32
    %gt3A_449 = vector.broadcast %gt3A_448 : f32 to vector<16xf32>
    %gt3A_450 = arith.cmpf ogt, %mul3A_409, %gt3A_449 : vector<16xf32>
    %lt3A_451 = arith.constant 3.830000e+02 : f32
    %lt3A_452 = vector.broadcast %lt3A_451 : f32 to vector<16xf32>
    %lt3A_453 = arith.cmpf olt, %mul3A_409, %lt3A_452 : vector<16xf32>
    %and3A_454 = arith.andi %gt3A_450, %lt3A_453 : vector<16xi1>
    %gt3A_455 = arith.constant -1.000000e+00 : f32
    %gt3A_456 = vector.broadcast %gt3A_455 : f32 to vector<16xf32>
    %gt3A_457 = arith.cmpf ogt, %mul3A_421, %gt3A_456 : vector<16xf32>
    %and3A_458 = arith.andi %and3A_454, %gt3A_457 : vector<16xi1>
    %lt3A_459 = arith.constant 3.830000e+02 : f32
    %lt3A_460 = vector.broadcast %lt3A_459 : f32 to vector<16xf32>
    %lt3A_461 = arith.cmpf olt, %mul3A_421, %lt3A_460 : vector<16xf32>
    %and3A_462 = arith.andi %and3A_458, %lt3A_461 : vector<16xi1>
    %jit3A_463 = arith.constant 1.000000e+00 : f32
    %jit3A_464 = arith.constant 0.000000e+00 : f32
    %broadcast_in_dim3A_465 = vector.broadcast %jit3A_463 : f32 to vector<16xf32>
    %broadcast_in_dim3A_466 = vector.broadcast %jit3A_464 : f32 to vector<16xf32>
    %select_n3A_467 = arith.select %and3A_462, %broadcast_in_dim3A_465, %broadcast_in_dim3A_466 : vector<16xi1>, vector<16xf32>
    %mul3A_468 = arith.constant 384 : i32
    %mul3A_469 = vector.broadcast %mul3A_468 : i32 to vector<16xi32>
    %mul3A_470 = arith.muli %min3A_435, %mul3A_469 : vector<16xi32>
    %add3A_471 = vector.broadcast %mul3A_20 : i32 to vector<16xi32>
    %add3A_472 = arith.addi %add3A_471, %mul3A_470 : vector<16xi32>
    %add3A_473 = arith.addi %add3A_472, %min3A_429 : vector<16xi32>
    %swap3A_474 = arith.constant 48 : index
    %swap3A_475 = tpu.vector_load %arg10[%swap3A_474] {strides = array<i32>} : memref<96xi32, #tpu.memory_space<vmem>>, vector<16xi32>,
    %swap3A_476 = vector.shape_cast %swap3A_475 : vector<16xi32> to vector<16xi32>
    %swap3A_477 = vector.shape_cast %add3A_473 : vector<16xi32> to vector<16xi32>
    tpu.vector_store %arg10[%swap3A_474], %swap3A_477 {strides = array<i32>} : memref<96xi32, #tpu.memory_space<vmem>>, vector<16xi32>,
    %add3A_478 = arith.constant 384 : i32
    %add3A_479 = vector.broadcast %add3A_478 : i32 to vector<16xi32>
    %add3A_480 = arith.addi %add3A_473, %add3A_479 : vector<16xi32>
    %swap3A_481 = arith.constant 48 : index
    %swap3A_482 = tpu.vector_load %arg12[%swap3A_481] {strides = array<i32>} : memref<96xi32, #tpu.memory_space<vmem>>, vector<16xi32>,
    %swap3A_483 = vector.shape_cast %swap3A_482 : vector<16xi32> to vector<16xi32>
    %swap3A_484 = vector.shape_cast %add3A_480 : vector<16xi32> to vector<16xi32>
    tpu.vector_store %arg12[%swap3A_481], %swap3A_484 {strides = array<i32>} : memref<96xi32, #tpu.memory_space<vmem>>, vector<16xi32>,
    %add3A_485 = arith.constant 1 : i32
    %add3A_486 = vector.broadcast %add3A_485 : i32 to vector<16xi32>
    %add3A_487 = arith.addi %add3A_473, %add3A_486 : vector<16xi32>
    %swap3A_488 = arith.constant 48 : index
    %swap3A_489 = tpu.vector_load %arg14[%swap3A_488] {strides = array<i32>} : memref<96xi32, #tpu.memory_space<vmem>>, vector<16xi32>,
    %swap3A_490 = vector.shape_cast %swap3A_489 : vector<16xi32> to vector<16xi32>
    %swap3A_491 = vector.shape_cast %add3A_487 : vector<16xi32> to vector<16xi32>
    tpu.vector_store %arg14[%swap3A_488], %swap3A_491 {strides = array<i32>} : memref<96xi32, #tpu.memory_space<vmem>>, vector<16xi32>,
    %add3A_492 = arith.constant 385 : i32
    %add3A_493 = vector.broadcast %add3A_492 : i32 to vector<16xi32>
    %add3A_494 = arith.addi %add3A_473, %add3A_493 : vector<16xi32>
    %swap3A_495 = arith.constant 48 : index
    %swap3A_496 = tpu.vector_load %arg16[%swap3A_495] {strides = array<i32>} : memref<96xi32, #tpu.memory_space<vmem>>, vector<16xi32>,
    %swap3A_497 = vector.shape_cast %swap3A_496 : vector<16xi32> to vector<16xi32>
    %swap3A_498 = vector.shape_cast %add3A_494 : vector<16xi32> to vector<16xi32>
    tpu.vector_store %arg16[%swap3A_495], %swap3A_498 {strides = array<i32>} : memref<96xi32, #tpu.memory_space<vmem>>, vector<16xi32>,
    %mul3A_499 = arith.mulf %sub3A_441, %sub3A_446 : vector<16xf32>
    %mul3A_500 = arith.mulf %mul3A_499, %select_n3A_467 : vector<16xf32>
    %swap3A_501 = arith.constant 48 : index
    %swap3A_502 = tpu.vector_load %arg18[%swap3A_501] {strides = array<i32>} : memref<96xf32, #tpu.memory_space<vmem>>, vector<16xf32>,
    %swap3A_503 = vector.shape_cast %swap3A_502 : vector<16xf32> to vector<16xf32>
    %swap3A_504 = vector.shape_cast %mul3A_500 : vector<16xf32> to vector<16xf32>
    tpu.vector_store %arg18[%swap3A_501], %swap3A_504 {strides = array<i32>} : memref<96xf32, #tpu.memory_space<vmem>>, vector<16xf32>,
    %mul3A_505 = arith.mulf %sub3A_441, %sub3A_447 : vector<16xf32>
    %mul3A_506 = arith.mulf %mul3A_505, %select_n3A_467 : vector<16xf32>
    %swap3A_507 = arith.constant 48 : index
    %swap3A_508 = tpu.vector_load %arg20[%swap3A_507] {strides = array<i32>} : memref<96xf32, #tpu.memory_space<vmem>>, vector<16xf32>,
    %swap3A_509 = vector.shape_cast %swap3A_508 : vector<16xf32> to vector<16xf32>
    %swap3A_510 = vector.shape_cast %mul3A_506 : vector<16xf32> to vector<16xf32>
    tpu.vector_store %arg20[%swap3A_507], %swap3A_510 {strides = array<i32>} : memref<96xf32, #tpu.memory_space<vmem>>, vector<16xf32>,
    %mul3A_511 = arith.mulf %sub3A_442, %sub3A_446 : vector<16xf32>
    %mul3A_512 = arith.mulf %mul3A_511, %select_n3A_467 : vector<16xf32>
    %swap3A_513 = arith.constant 48 : index
    %swap3A_514 = tpu.vector_load %arg22[%swap3A_513] {strides = array<i32>} : memref<96xf32, #tpu.memory_space<vmem>>, vector<16xf32>,
    %swap3A_515 = vector.shape_cast %swap3A_514 : vector<16xf32> to vector<16xf32>
    %swap3A_516 = vector.shape_cast %mul3A_512 : vector<16xf32> to vector<16xf32>
    tpu.vector_store %arg22[%swap3A_513], %swap3A_516 {strides = array<i32>} : memref<96xf32, #tpu.memory_space<vmem>>, vector<16xf32>,
    %mul3A_517 = arith.mulf %sub3A_442, %sub3A_447 : vector<16xf32>
    %mul3A_518 = arith.mulf %mul3A_517, %select_n3A_467 : vector<16xf32>
    %swap3A_519 = arith.constant 48 : index
    %swap3A_520 = tpu.vector_load %arg24[%swap3A_519] {strides = array<i32>} : memref<96xf32, #tpu.memory_space<vmem>>, vector<16xf32>,
    %swap3A_521 = vector.shape_cast %swap3A_520 : vector<16xf32> to vector<16xf32>
    %swap3A_522 = vector.shape_cast %mul3A_518 : vector<16xf32> to vector<16xf32>
    tpu.vector_store %arg24[%swap3A_519], %swap3A_522 {strides = array<i32>} : memref<96xf32, #tpu.memory_space<vmem>>, vector<16xf32>,
    %get3A_523 = arith.constant 64 : index
    %get3A_524 = tpu.vector_load %arg6[%get3A_523] {strides = array<i32>} : memref<96xf32, #tpu.memory_space<vmem>>, vector<16xf32>,
    %get3A_525 = vector.shape_cast %get3A_524 : vector<16xf32> to vector<16xf32>
    %add3A_526 = arith.constant 1.000000e+00 : f32
    %add3A_527 = vector.broadcast %add3A_526 : f32 to vector<16xf32>
    %add3A_528 = arith.addf %get3A_525, %add3A_527 : vector<16xf32>
    %mul3A_529 = arith.constant 5.000000e-01 : f32
    %mul3A_530 = vector.broadcast %mul3A_529 : f32 to vector<16xf32>
    %mul3A_531 = arith.mulf %mul3A_530, %add3A_528 : vector<16xf32>
    %mul3A_532 = arith.constant 3.840000e+02 : f32
    %mul3A_533 = vector.broadcast %mul3A_532 : f32 to vector<16xf32>
    %mul3A_534 = arith.mulf %mul3A_531, %mul3A_533 : vector<16xf32>
    %get3A_535 = arith.constant 64 : index
    %get3A_536 = tpu.vector_load %arg8[%get3A_535] {strides = array<i32>} : memref<96xf32, #tpu.memory_space<vmem>>, vector<16xf32>,
    %get3A_537 = vector.shape_cast %get3A_536 : vector<16xf32> to vector<16xf32>
    %add3A_538 = arith.constant 1.000000e+00 : f32
    %add3A_539 = vector.broadcast %add3A_538 : f32 to vector<16xf32>
    %add3A_540 = arith.addf %get3A_537, %add3A_539 : vector<16xf32>
    %mul3A_541 = arith.constant 5.000000e-01 : f32
    %mul3A_542 = vector.broadcast %mul3A_541 : f32 to vector<16xf32>
    %mul3A_543 = arith.mulf %mul3A_542, %add3A_540 : vector<16xf32>
    %mul3A_544 = arith.constant 3.840000e+02 : f32
    %mul3A_545 = vector.broadcast %mul3A_544 : f32 to vector<16xf32>
    %mul3A_546 = arith.mulf %mul3A_543, %mul3A_545 : vector<16xf32>
    %convert_element_type3A_547 = arith.fptosi %mul3A_534 : vector<16xf32> to vector<16xi32>
    %convert_element_type3A_548 = arith.fptosi %mul3A_546 : vector<16xf32> to vector<16xi32>
    %jit3A_549 = arith.constant 0 : i32
    %jit3A_550 = arith.constant 382 : i32
    %max3A_551 = vector.broadcast %jit3A_549 : i32 to vector<16xi32>
    %max3A_552 = arith.maxsi %max3A_551, %convert_element_type3A_547 : vector<16xi32>
    %min3A_553 = vector.broadcast %jit3A_550 : i32 to vector<16xi32>
    %min3A_554 = arith.minsi %min3A_553, %max3A_552 : vector<16xi32>
    %jit3A_555 = arith.constant 0 : i32
    %jit3A_556 = arith.constant 382 : i32
    %max3A_557 = vector.broadcast %jit3A_555 : i32 to vector<16xi32>
    %max3A_558 = arith.maxsi %max3A_557, %convert_element_type3A_548 : vector<16xi32>
    %min3A_559 = vector.broadcast %jit3A_556 : i32 to vector<16xi32>
    %min3A_560 = arith.minsi %min3A_559, %max3A_558 : vector<16xi32>
    %convert_element_type3A_561 = arith.sitofp %min3A_554 : vector<16xi32> to vector<16xf32>
    %convert_element_type3A_562 = arith.sitofp %min3A_560 : vector<16xi32> to vector<16xf32>
    %add3A_563 = arith.constant 1.000000e+00 : f32
    %add3A_564 = vector.broadcast %add3A_563 : f32 to vector<16xf32>
    %add3A_565 = arith.addf %convert_element_type3A_561, %add3A_564 : vector<16xf32>
    %sub3A_566 = arith.subf %add3A_565, %mul3A_534 : vector<16xf32>
    %sub3A_567 = arith.subf %mul3A_534, %convert_element_type3A_561 : vector<16xf32>
    %add3A_568 = arith.constant 1.000000e+00 : f32
    %add3A_569 = vector.broadcast %add3A_568 : f32 to vector<16xf32>
    %add3A_570 = arith.addf %convert_element_type3A_562, %add3A_569 : vector<16xf32>
    %sub3A_571 = arith.subf %add3A_570, %mul3A_546 : vector<16xf32>
    %sub3A_572 = arith.subf %mul3A_546, %convert_element_type3A_562 : vector<16xf32>
    %gt3A_573 = arith.constant -1.000000e+00 : f32
    %gt3A_574 = vector.broadcast %gt3A_573 : f32 to vector<16xf32>
    %gt3A_575 = arith.cmpf ogt, %mul3A_534, %gt3A_574 : vector<16xf32>
    %lt3A_576 = arith.constant 3.830000e+02 : f32
    %lt3A_577 = vector.broadcast %lt3A_576 : f32 to vector<16xf32>
    %lt3A_578 = arith.cmpf olt, %mul3A_534, %lt3A_577 : vector<16xf32>
    %and3A_579 = arith.andi %gt3A_575, %lt3A_578 : vector<16xi1>
    %gt3A_580 = arith.constant -1.000000e+00 : f32
    %gt3A_581 = vector.broadcast %gt3A_580 : f32 to vector<16xf32>
    %gt3A_582 = arith.cmpf ogt, %mul3A_546, %gt3A_581 : vector<16xf32>
    %and3A_583 = arith.andi %and3A_579, %gt3A_582 : vector<16xi1>
    %lt3A_584 = arith.constant 3.830000e+02 : f32
    %lt3A_585 = vector.broadcast %lt3A_584 : f32 to vector<16xf32>
    %lt3A_586 = arith.cmpf olt, %mul3A_546, %lt3A_585 : vector<16xf32>
    %and3A_587 = arith.andi %and3A_583, %lt3A_586 : vector<16xi1>
    %jit3A_588 = arith.constant 1.000000e+00 : f32
    %jit3A_589 = arith.constant 0.000000e+00 : f32
    %broadcast_in_dim3A_590 = vector.broadcast %jit3A_588 : f32 to vector<16xf32>
    %broadcast_in_dim3A_591 = vector.broadcast %jit3A_589 : f32 to vector<16xf32>
    %select_n3A_592 = arith.select %and3A_587, %broadcast_in_dim3A_590, %broadcast_in_dim3A_591 : vector<16xi1>, vector<16xf32>
    %mul3A_593 = arith.constant 384 : i32
    %mul3A_594 = vector.broadcast %mul3A_593 : i32 to vector<16xi32>
    %mul3A_595 = arith.muli %min3A_560, %mul3A_594 : vector<16xi32>
    %add3A_596 = vector.broadcast %mul3A_20 : i32 to vector<16xi32>
    %add3A_597 = arith.addi %add3A_596, %mul3A_595 : vector<16xi32>
    %add3A_598 = arith.addi %add3A_597, %min3A_554 : vector<16xi32>
    %swap3A_599 = arith.constant 64 : index
    %swap3A_600 = tpu.vector_load %arg10[%swap3A_599] {strides = array<i32>} : memref<96xi32, #tpu.memory_space<vmem>>, vector<16xi32>,
    %swap3A_601 = vector.shape_cast %swap3A_600 : vector<16xi32> to vector<16xi32>
    %swap3A_602 = vector.shape_cast %add3A_598 : vector<16xi32> to vector<16xi32>
    tpu.vector_store %arg10[%swap3A_599], %swap3A_602 {strides = array<i32>} : memref<96xi32, #tpu.memory_space<vmem>>, vector<16xi32>,
    %add3A_603 = arith.constant 384 : i32
    %add3A_604 = vector.broadcast %add3A_603 : i32 to vector<16xi32>
    %add3A_605 = arith.addi %add3A_598, %add3A_604 : vector<16xi32>
    %swap3A_606 = arith.constant 64 : index
    %swap3A_607 = tpu.vector_load %arg12[%swap3A_606] {strides = array<i32>} : memref<96xi32, #tpu.memory_space<vmem>>, vector<16xi32>,
    %swap3A_608 = vector.shape_cast %swap3A_607 : vector<16xi32> to vector<16xi32>
    %swap3A_609 = vector.shape_cast %add3A_605 : vector<16xi32> to vector<16xi32>
    tpu.vector_store %arg12[%swap3A_606], %swap3A_609 {strides = array<i32>} : memref<96xi32, #tpu.memory_space<vmem>>, vector<16xi32>,
    %add3A_610 = arith.constant 1 : i32
    %add3A_611 = vector.broadcast %add3A_610 : i32 to vector<16xi32>
    %add3A_612 = arith.addi %add3A_598, %add3A_611 : vector<16xi32>
    %swap3A_613 = arith.constant 64 : index
    %swap3A_614 = tpu.vector_load %arg14[%swap3A_613] {strides = array<i32>} : memref<96xi32, #tpu.memory_space<vmem>>, vector<16xi32>,
    %swap3A_615 = vector.shape_cast %swap3A_614 : vector<16xi32> to vector<16xi32>
    %swap3A_616 = vector.shape_cast %add3A_612 : vector<16xi32> to vector<16xi32>
    tpu.vector_store %arg14[%swap3A_613], %swap3A_616 {strides = array<i32>} : memref<96xi32, #tpu.memory_space<vmem>>, vector<16xi32>,
    %add3A_617 = arith.constant 385 : i32
    %add3A_618 = vector.broadcast %add3A_617 : i32 to vector<16xi32>
    %add3A_619 = arith.addi %add3A_598, %add3A_618 : vector<16xi32>
    %swap3A_620 = arith.constant 64 : index
    %swap3A_621 = tpu.vector_load %arg16[%swap3A_620] {strides = array<i32>} : memref<96xi32, #tpu.memory_space<vmem>>, vector<16xi32>,
    %swap3A_622 = vector.shape_cast %swap3A_621 : vector<16xi32> to vector<16xi32>
    %swap3A_623 = vector.shape_cast %add3A_619 : vector<16xi32> to vector<16xi32>
    tpu.vector_store %arg16[%swap3A_620], %swap3A_623 {strides = array<i32>} : memref<96xi32, #tpu.memory_space<vmem>>, vector<16xi32>,
    %mul3A_624 = arith.mulf %sub3A_566, %sub3A_571 : vector<16xf32>
    %mul3A_625 = arith.mulf %mul3A_624, %select_n3A_592 : vector<16xf32>
    %swap3A_626 = arith.constant 64 : index
    %swap3A_627 = tpu.vector_load %arg18[%swap3A_626] {strides = array<i32>} : memref<96xf32, #tpu.memory_space<vmem>>, vector<16xf32>,
    %swap3A_628 = vector.shape_cast %swap3A_627 : vector<16xf32> to vector<16xf32>
    %swap3A_629 = vector.shape_cast %mul3A_625 : vector<16xf32> to vector<16xf32>
    tpu.vector_store %arg18[%swap3A_626], %swap3A_629 {strides = array<i32>} : memref<96xf32, #tpu.memory_space<vmem>>, vector<16xf32>,
    %mul3A_630 = arith.mulf %sub3A_566, %sub3A_572 : vector<16xf32>
    %mul3A_631 = arith.mulf %mul3A_630, %select_n3A_592 : vector<16xf32>
    %swap3A_632 = arith.constant 64 : index
    %swap3A_633 = tpu.vector_load %arg20[%swap3A_632] {strides = array<i32>} : memref<96xf32, #tpu.memory_space<vmem>>, vector<16xf32>,
    %swap3A_634 = vector.shape_cast %swap3A_633 : vector<16xf32> to vector<16xf32>
    %swap3A_635 = vector.shape_cast %mul3A_631 : vector<16xf32> to vector<16xf32>
    tpu.vector_store %arg20[%swap3A_632], %swap3A_635 {strides = array<i32>} : memref<96xf32, #tpu.memory_space<vmem>>, vector<16xf32>,
    %mul3A_636 = arith.mulf %sub3A_567, %sub3A_571 : vector<16xf32>
    %mul3A_637 = arith.mulf %mul3A_636, %select_n3A_592 : vector<16xf32>
    %swap3A_638 = arith.constant 64 : index
    %swap3A_639 = tpu.vector_load %arg22[%swap3A_638] {strides = array<i32>} : memref<96xf32, #tpu.memory_space<vmem>>, vector<16xf32>,
    %swap3A_640 = vector.shape_cast %swap3A_639 : vector<16xf32> to vector<16xf32>
    %swap3A_641 = vector.shape_cast %mul3A_637 : vector<16xf32> to vector<16xf32>
    tpu.vector_store %arg22[%swap3A_638], %swap3A_641 {strides = array<i32>} : memref<96xf32, #tpu.memory_space<vmem>>, vector<16xf32>,
    %mul3A_642 = arith.mulf %sub3A_567, %sub3A_572 : vector<16xf32>
    %mul3A_643 = arith.mulf %mul3A_642, %select_n3A_592 : vector<16xf32>
    %swap3A_644 = arith.constant 64 : index
    %swap3A_645 = tpu.vector_load %arg24[%swap3A_644] {strides = array<i32>} : memref<96xf32, #tpu.memory_space<vmem>>, vector<16xf32>,
    %swap3A_646 = vector.shape_cast %swap3A_645 : vector<16xf32> to vector<16xf32>
    %swap3A_647 = vector.shape_cast %mul3A_643 : vector<16xf32> to vector<16xf32>
    tpu.vector_store %arg24[%swap3A_644], %swap3A_647 {strides = array<i32>} : memref<96xf32, #tpu.memory_space<vmem>>, vector<16xf32>,
    %get3A_648 = arith.constant 80 : index
    %get3A_649 = tpu.vector_load %arg6[%get3A_648] {strides = array<i32>} : memref<96xf32, #tpu.memory_space<vmem>>, vector<16xf32>,
    %get3A_650 = vector.shape_cast %get3A_649 : vector<16xf32> to vector<16xf32>
    %add3A_651 = arith.constant 1.000000e+00 : f32
    %add3A_652 = vector.broadcast %add3A_651 : f32 to vector<16xf32>
    %add3A_653 = arith.addf %get3A_650, %add3A_652 : vector<16xf32>
    %mul3A_654 = arith.constant 5.000000e-01 : f32
    %mul3A_655 = vector.broadcast %mul3A_654 : f32 to vector<16xf32>
    %mul3A_656 = arith.mulf %mul3A_655, %add3A_653 : vector<16xf32>
    %mul3A_657 = arith.constant 3.840000e+02 : f32
    %mul3A_658 = vector.broadcast %mul3A_657 : f32 to vector<16xf32>
    %mul3A_659 = arith.mulf %mul3A_656, %mul3A_658 : vector<16xf32>
    %get3A_660 = arith.constant 80 : index
    %get3A_661 = tpu.vector_load %arg8[%get3A_660] {strides = array<i32>} : memref<96xf32, #tpu.memory_space<vmem>>, vector<16xf32>,
    %get3A_662 = vector.shape_cast %get3A_661 : vector<16xf32> to vector<16xf32>
    %add3A_663 = arith.constant 1.000000e+00 : f32
    %add3A_664 = vector.broadcast %add3A_663 : f32 to vector<16xf32>
    %add3A_665 = arith.addf %get3A_662, %add3A_664 : vector<16xf32>
    %mul3A_666 = arith.constant 5.000000e-01 : f32
    %mul3A_667 = vector.broadcast %mul3A_666 : f32 to vector<16xf32>
    %mul3A_668 = arith.mulf %mul3A_667, %add3A_665 : vector<16xf32>
    %mul3A_669 = arith.constant 3.840000e+02 : f32
    %mul3A_670 = vector.broadcast %mul3A_669 : f32 to vector<16xf32>
    %mul3A_671 = arith.mulf %mul3A_668, %mul3A_670 : vector<16xf32>
    %convert_element_type3A_672 = arith.fptosi %mul3A_659 : vector<16xf32> to vector<16xi32>
    %convert_element_type3A_673 = arith.fptosi %mul3A_671 : vector<16xf32> to vector<16xi32>
    %jit3A_674 = arith.constant 0 : i32
    %jit3A_675 = arith.constant 382 : i32
    %max3A_676 = vector.broadcast %jit3A_674 : i32 to vector<16xi32>
    %max3A_677 = arith.maxsi %max3A_676, %convert_element_type3A_672 : vector<16xi32>
    %min3A_678 = vector.broadcast %jit3A_675 : i32 to vector<16xi32>
    %min3A_679 = arith.minsi %min3A_678, %max3A_677 : vector<16xi32>
    %jit3A_680 = arith.constant 0 : i32
    %jit3A_681 = arith.constant 382 : i32
    %max3A_682 = vector.broadcast %jit3A_680 : i32 to vector<16xi32>
    %max3A_683 = arith.maxsi %max3A_682, %convert_element_type3A_673 : vector<16xi32>
    %min3A_684 = vector.broadcast %jit3A_681 : i32 to vector<16xi32>
    %min3A_685 = arith.minsi %min3A_684, %max3A_683 : vector<16xi32>
    %convert_element_type3A_686 = arith.sitofp %min3A_679 : vector<16xi32> to vector<16xf32>
    %convert_element_type3A_687 = arith.sitofp %min3A_685 : vector<16xi32> to vector<16xf32>
    %add3A_688 = arith.constant 1.000000e+00 : f32
    %add3A_689 = vector.broadcast %add3A_688 : f32 to vector<16xf32>
    %add3A_690 = arith.addf %convert_element_type3A_686, %add3A_689 : vector<16xf32>
    %sub3A_691 = arith.subf %add3A_690, %mul3A_659 : vector<16xf32>
    %sub3A_692 = arith.subf %mul3A_659, %convert_element_type3A_686 : vector<16xf32>
    %add3A_693 = arith.constant 1.000000e+00 : f32
    %add3A_694 = vector.broadcast %add3A_693 : f32 to vector<16xf32>
    %add3A_695 = arith.addf %convert_element_type3A_687, %add3A_694 : vector<16xf32>
    %sub3A_696 = arith.subf %add3A_695, %mul3A_671 : vector<16xf32>
    %sub3A_697 = arith.subf %mul3A_671, %convert_element_type3A_687 : vector<16xf32>
    %gt3A_698 = arith.constant -1.000000e+00 : f32
    %gt3A_699 = vector.broadcast %gt3A_698 : f32 to vector<16xf32>
    %gt3A_700 = arith.cmpf ogt, %mul3A_659, %gt3A_699 : vector<16xf32>
    %lt3A_701 = arith.constant 3.830000e+02 : f32
    %lt3A_702 = vector.broadcast %lt3A_701 : f32 to vector<16xf32>
    %lt3A_703 = arith.cmpf olt, %mul3A_659, %lt3A_702 : vector<16xf32>
    %and3A_704 = arith.andi %gt3A_700, %lt3A_703 : vector<16xi1>
    %gt3A_705 = arith.constant -1.000000e+00 : f32
    %gt3A_706 = vector.broadcast %gt3A_705 : f32 to vector<16xf32>
    %gt3A_707 = arith.cmpf ogt, %mul3A_671, %gt3A_706 : vector<16xf32>
    %and3A_708 = arith.andi %and3A_704, %gt3A_707 : vector<16xi1>
    %lt3A_709 = arith.constant 3.830000e+02 : f32
    %lt3A_710 = vector.broadcast %lt3A_709 : f32 to vector<16xf32>
    %lt3A_711 = arith.cmpf olt, %mul3A_671, %lt3A_710 : vector<16xf32>
    %and3A_712 = arith.andi %and3A_708, %lt3A_711 : vector<16xi1>
    %jit3A_713 = arith.constant 1.000000e+00 : f32
    %jit3A_714 = arith.constant 0.000000e+00 : f32
    %broadcast_in_dim3A_715 = vector.broadcast %jit3A_713 : f32 to vector<16xf32>
    %broadcast_in_dim3A_716 = vector.broadcast %jit3A_714 : f32 to vector<16xf32>
    %select_n3A_717 = arith.select %and3A_712, %broadcast_in_dim3A_715, %broadcast_in_dim3A_716 : vector<16xi1>, vector<16xf32>
    %mul3A_718 = arith.constant 384 : i32
    %mul3A_719 = vector.broadcast %mul3A_718 : i32 to vector<16xi32>
    %mul3A_720 = arith.muli %min3A_685, %mul3A_719 : vector<16xi32>
    %add3A_721 = vector.broadcast %mul3A_20 : i32 to vector<16xi32>
    %add3A_722 = arith.addi %add3A_721, %mul3A_720 : vector<16xi32>
    %add3A_723 = arith.addi %add3A_722, %min3A_679 : vector<16xi32>
    %swap3A_724 = arith.constant 80 : index
    %swap3A_725 = tpu.vector_load %arg10[%swap3A_724] {strides = array<i32>} : memref<96xi32, #tpu.memory_space<vmem>>, vector<16xi32>,
    %swap3A_726 = vector.shape_cast %swap3A_725 : vector<16xi32> to vector<16xi32>
    %swap3A_727 = vector.shape_cast %add3A_723 : vector<16xi32> to vector<16xi32>
    tpu.vector_store %arg10[%swap3A_724], %swap3A_727 {strides = array<i32>} : memref<96xi32, #tpu.memory_space<vmem>>, vector<16xi32>,
    %add3A_728 = arith.constant 384 : i32
    %add3A_729 = vector.broadcast %add3A_728 : i32 to vector<16xi32>
    %add3A_730 = arith.addi %add3A_723, %add3A_729 : vector<16xi32>
    %swap3A_731 = arith.constant 80 : index
    %swap3A_732 = tpu.vector_load %arg12[%swap3A_731] {strides = array<i32>} : memref<96xi32, #tpu.memory_space<vmem>>, vector<16xi32>,
    %swap3A_733 = vector.shape_cast %swap3A_732 : vector<16xi32> to vector<16xi32>
    %swap3A_734 = vector.shape_cast %add3A_730 : vector<16xi32> to vector<16xi32>
    tpu.vector_store %arg12[%swap3A_731], %swap3A_734 {strides = array<i32>} : memref<96xi32, #tpu.memory_space<vmem>>, vector<16xi32>,
    %add3A_735 = arith.constant 1 : i32
    %add3A_736 = vector.broadcast %add3A_735 : i32 to vector<16xi32>
    %add3A_737 = arith.addi %add3A_723, %add3A_736 : vector<16xi32>
    %swap3A_738 = arith.constant 80 : index
    %swap3A_739 = tpu.vector_load %arg14[%swap3A_738] {strides = array<i32>} : memref<96xi32, #tpu.memory_space<vmem>>, vector<16xi32>,
    %swap3A_740 = vector.shape_cast %swap3A_739 : vector<16xi32> to vector<16xi32>
    %swap3A_741 = vector.shape_cast %add3A_737 : vector<16xi32> to vector<16xi32>
    tpu.vector_store %arg14[%swap3A_738], %swap3A_741 {strides = array<i32>} : memref<96xi32, #tpu.memory_space<vmem>>, vector<16xi32>,
    %add3A_742 = arith.constant 385 : i32
    %add3A_743 = vector.broadcast %add3A_742 : i32 to vector<16xi32>
    %add3A_744 = arith.addi %add3A_723, %add3A_743 : vector<16xi32>
    %swap3A_745 = arith.constant 80 : index
    %swap3A_746 = tpu.vector_load %arg16[%swap3A_745] {strides = array<i32>} : memref<96xi32, #tpu.memory_space<vmem>>, vector<16xi32>,
    %swap3A_747 = vector.shape_cast %swap3A_746 : vector<16xi32> to vector<16xi32>
    %swap3A_748 = vector.shape_cast %add3A_744 : vector<16xi32> to vector<16xi32>
    tpu.vector_store %arg16[%swap3A_745], %swap3A_748 {strides = array<i32>} : memref<96xi32, #tpu.memory_space<vmem>>, vector<16xi32>,
    %mul3A_749 = arith.mulf %sub3A_691, %sub3A_696 : vector<16xf32>
    %mul3A_750 = arith.mulf %mul3A_749, %select_n3A_717 : vector<16xf32>
    %swap3A_751 = arith.constant 80 : index
    %swap3A_752 = tpu.vector_load %arg18[%swap3A_751] {strides = array<i32>} : memref<96xf32, #tpu.memory_space<vmem>>, vector<16xf32>,
    %swap3A_753 = vector.shape_cast %swap3A_752 : vector<16xf32> to vector<16xf32>
    %swap3A_754 = vector.shape_cast %mul3A_750 : vector<16xf32> to vector<16xf32>
    tpu.vector_store %arg18[%swap3A_751], %swap3A_754 {strides = array<i32>} : memref<96xf32, #tpu.memory_space<vmem>>, vector<16xf32>,
    %mul3A_755 = arith.mulf %sub3A_691, %sub3A_697 : vector<16xf32>
    %mul3A_756 = arith.mulf %mul3A_755, %select_n3A_717 : vector<16xf32>
    %swap3A_757 = arith.constant 80 : index
    %swap3A_758 = tpu.vector_load %arg20[%swap3A_757] {strides = array<i32>} : memref<96xf32, #tpu.memory_space<vmem>>, vector<16xf32>,
    %swap3A_759 = vector.shape_cast %swap3A_758 : vector<16xf32> to vector<16xf32>
    %swap3A_760 = vector.shape_cast %mul3A_756 : vector<16xf32> to vector<16xf32>
    tpu.vector_store %arg20[%swap3A_757], %swap3A_760 {strides = array<i32>} : memref<96xf32, #tpu.memory_space<vmem>>, vector<16xf32>,
    %mul3A_761 = arith.mulf %sub3A_692, %sub3A_696 : vector<16xf32>
    %mul3A_762 = arith.mulf %mul3A_761, %select_n3A_717 : vector<16xf32>
    %swap3A_763 = arith.constant 80 : index
    %swap3A_764 = tpu.vector_load %arg22[%swap3A_763] {strides = array<i32>} : memref<96xf32, #tpu.memory_space<vmem>>, vector<16xf32>,
    %swap3A_765 = vector.shape_cast %swap3A_764 : vector<16xf32> to vector<16xf32>
    %swap3A_766 = vector.shape_cast %mul3A_762 : vector<16xf32> to vector<16xf32>
    tpu.vector_store %arg22[%swap3A_763], %swap3A_766 {strides = array<i32>} : memref<96xf32, #tpu.memory_space<vmem>>, vector<16xf32>,
    %mul3A_767 = arith.mulf %sub3A_692, %sub3A_697 : vector<16xf32>
    %mul3A_768 = arith.mulf %mul3A_767, %select_n3A_717 : vector<16xf32>
    %swap3A_769 = arith.constant 80 : index
    %swap3A_770 = tpu.vector_load %arg24[%swap3A_769] {strides = array<i32>} : memref<96xf32, #tpu.memory_space<vmem>>, vector<16xf32>,
    %swap3A_771 = vector.shape_cast %swap3A_770 : vector<16xf32> to vector<16xf32>
    %swap3A_772 = vector.shape_cast %mul3A_768 : vector<16xf32> to vector<16xf32>
    tpu.vector_store %arg24[%swap3A_769], %swap3A_772 {strides = array<i32>} : memref<96xf32, #tpu.memory_space<vmem>>, vector<16xf32>,
    %dma_start3A_773 = arith.constant 0 : i32
    %dma_start3A_774 = arith.constant 0 : i32
    %dma_start3A_775 = tpu.memref_slice %arg2[%dma_start3A_773, %dma_start3A_774] : memref<589824x128xf32, #tpu.memory_space<hbm>> -> memref<589824x128xf32, #tpu.memory_space<hbm>>
    tpu.enqueue_indirect_dma source(%dma_start3A_775 : memref<589824x128xf32, #tpu.memory_space<hbm>>) target(%arg26 : memref<96x128xf32, #tpu.memory_space<vmem>>) offsets(%arg10 : memref<96xi32, #tpu.memory_space<vmem>>) semaphore(%arg36 : memref<!tpu.dma_semaphore, #tpu.memory_space<semaphore_mem>>)
    %dma_start3A_776 = arith.constant 0 : i32
    %dma_start3A_777 = arith.constant 0 : i32
    %dma_start3A_778 = tpu.memref_slice %arg2[%dma_start3A_776, %dma_start3A_777] : memref<589824x128xf32, #tpu.memory_space<hbm>> -> memref<589824x128xf32, #tpu.memory_space<hbm>>
    tpu.enqueue_indirect_dma source(%dma_start3A_778 : memref<589824x128xf32, #tpu.memory_space<hbm>>) target(%arg28 : memref<96x128xf32, #tpu.memory_space<vmem>>) offsets(%arg12 : memref<96xi32, #tpu.memory_space<vmem>>) semaphore(%arg36 : memref<!tpu.dma_semaphore, #tpu.memory_space<semaphore_mem>>)
    %dma_start3A_779 = arith.constant 0 : i32
    %dma_start3A_780 = arith.constant 0 : i32
    %dma_start3A_781 = tpu.memref_slice %arg2[%dma_start3A_779, %dma_start3A_780] : memref<589824x128xf32, #tpu.memory_space<hbm>> -> memref<589824x128xf32, #tpu.memory_space<hbm>>
    tpu.enqueue_indirect_dma source(%dma_start3A_781 : memref<589824x128xf32, #tpu.memory_space<hbm>>) target(%arg30 : memref<96x128xf32, #tpu.memory_space<vmem>>) offsets(%arg14 : memref<96xi32, #tpu.memory_space<vmem>>) semaphore(%arg36 : memref<!tpu.dma_semaphore, #tpu.memory_space<semaphore_mem>>)
    %dma_start3A_782 = arith.constant 0 : i32
    %dma_start3A_783 = arith.constant 0 : i32
    %dma_start3A_784 = tpu.memref_slice %arg2[%dma_start3A_782, %dma_start3A_783] : memref<589824x128xf32, #tpu.memory_space<hbm>> -> memref<589824x128xf32, #tpu.memory_space<hbm>>
    tpu.enqueue_indirect_dma source(%dma_start3A_784 : memref<589824x128xf32, #tpu.memory_space<hbm>>) target(%arg32 : memref<96x128xf32, #tpu.memory_space<vmem>>) offsets(%arg16 : memref<96xi32, #tpu.memory_space<vmem>>) semaphore(%arg36 : memref<!tpu.dma_semaphore, #tpu.memory_space<semaphore_mem>>)
    %add3A_785 = arith.constant 96 : i32
    %add3A_786 = arith.addi %mul3A_18, %add3A_785 : i32
    %dma_start3A_787 = tpu.memref_slice %arg3[%add3A_786] : memref<589824xf32, #tpu.memory_space<hbm>> -> memref<96xf32, #tpu.memory_space<hbm>>
    %dma_start3A_788 = tpu.memref_slice %arg3[%add3A_786] : memref<589824xf32, #tpu.memory_space<hbm>> -> memref<96xf32, #tpu.memory_space<hbm>>
    tpu.enqueue_dma source(%dma_start3A_788 : memref<96xf32, #tpu.memory_space<hbm>>) target(%arg7 : memref<96xf32, #tpu.memory_space<vmem>>) target_semaphore(%arg39 : memref<!tpu.dma_semaphore, #tpu.memory_space<semaphore_mem>>)
    %dma_start3A_789 = tpu.memref_slice %arg4[%add3A_786] : memref<589824xf32, #tpu.memory_space<hbm>> -> memref<96xf32, #tpu.memory_space<hbm>>
    %dma_start3A_790 = tpu.memref_slice %arg4[%add3A_786] : memref<589824xf32, #tpu.memory_space<hbm>> -> memref<96xf32, #tpu.memory_space<hbm>>
    tpu.enqueue_dma source(%dma_start3A_790 : memref<96xf32, #tpu.memory_space<hbm>>) target(%arg9 : memref<96xf32, #tpu.memory_space<vmem>>) target_semaphore(%arg39 : memref<!tpu.dma_semaphore, #tpu.memory_space<semaphore_mem>>)
    %scan3A = arith.constant 0 : i32
    %scan3A_791 = arith.constant 0 : i32
    %scan3A_792 = arith.constant 96 : i32
    %scan3A_793 = arith.addi %scan3A_791, %scan3A_792 : i32
    %scan3A_794 = arith.constant 1 : i32
    %scan3A_795 = scf.for %scan3A_809 = %scan3A_791 to %scan3A_793 step %scan3A_794 iter_args(%scan3A_810 = %scan3A) -> (i32)  : i32 {
      %mul3A_811 = arith.constant 2 : i32
      %mul3A_812 = arith.muli %mul3A_811, %scan3A_809 : i32
      %add3A_813 = arith.constant 1 : i32
      %add3A_814 = arith.addi %mul3A_812, %add3A_813 : i32
      %mul3A_815 = arith.constant 96 : i32
      %mul3A_816 = arith.muli %add3A_814, %mul3A_815 : i32
      %add3A_817 = arith.addi %mul3A_18, %mul3A_816 : i32
      %dma_wait3A_818 = tpu.memref_slice %arg3[%add3A_817] : memref<589824xf32, #tpu.memory_space<hbm>> -> memref<96xf32, #tpu.memory_space<hbm>>
      %dma_wait3A_819 = tpu.memref_slice %arg3[%add3A_817] : memref<589824xf32, #tpu.memory_space<hbm>> -> memref<96xf32, #tpu.memory_space<hbm>>
      tpu.wait_dma2 semaphore(%arg39 : memref<!tpu.dma_semaphore, #tpu.memory_space<semaphore_mem>>) src(%dma_wait3A_819 : memref<96xf32, #tpu.memory_space<hbm>>) dst(%arg7 : memref<96xf32, #tpu.memory_space<vmem>>)
      %dma_wait3A_820 = tpu.memref_slice %arg4[%add3A_817] : memref<589824xf32, #tpu.memory_space<hbm>> -> memref<96xf32, #tpu.memory_space<hbm>>
      %dma_wait3A_821 = tpu.memref_slice %arg4[%add3A_817] : memref<589824xf32, #tpu.memory_space<hbm>> -> memref<96xf32, #tpu.memory_space<hbm>>
      tpu.wait_dma2 semaphore(%arg39 : memref<!tpu.dma_semaphore, #tpu.memory_space<semaphore_mem>>) src(%dma_wait3A_821 : memref<96xf32, #tpu.memory_space<hbm>>) dst(%arg9 : memref<96xf32, #tpu.memory_space<vmem>>)
      %get3A_822 = arith.constant 0 : index
      %get3A_823 = tpu.vector_load %arg7[%get3A_822] {strides = array<i32>} : memref<96xf32, #tpu.memory_space<vmem>>, vector<16xf32>,
      %get3A_824 = vector.shape_cast %get3A_823 : vector<16xf32> to vector<16xf32>
      %add3A_825 = arith.constant 1.000000e+00 : f32
      %add3A_826 = vector.broadcast %add3A_825 : f32 to vector<16xf32>
      %add3A_827 = arith.addf %get3A_824, %add3A_826 : vector<16xf32>
      %mul3A_828 = arith.constant 5.000000e-01 : f32
      %mul3A_829 = vector.broadcast %mul3A_828 : f32 to vector<16xf32>
      %mul3A_830 = arith.mulf %mul3A_829, %add3A_827 : vector<16xf32>
      %mul3A_831 = arith.constant 3.840000e+02 : f32
      %mul3A_832 = vector.broadcast %mul3A_831 : f32 to vector<16xf32>
      %mul3A_833 = arith.mulf %mul3A_830, %mul3A_832 : vector<16xf32>
      %get3A_834 = arith.constant 0 : index
      %get3A_835 = tpu.vector_load %arg9[%get3A_834] {strides = array<i32>} : memref<96xf32, #tpu.memory_space<vmem>>, vector<16xf32>,
      %get3A_836 = vector.shape_cast %get3A_835 : vector<16xf32> to vector<16xf32>
      %add3A_837 = arith.constant 1.000000e+00 : f32
      %add3A_838 = vector.broadcast %add3A_837 : f32 to vector<16xf32>
      %add3A_839 = arith.addf %get3A_836, %add3A_838 : vector<16xf32>
      %mul3A_840 = arith.constant 5.000000e-01 : f32
      %mul3A_841 = vector.broadcast %mul3A_840 : f32 to vector<16xf32>
      %mul3A_842 = arith.mulf %mul3A_841, %add3A_839 : vector<16xf32>
      %mul3A_843 = arith.constant 3.840000e+02 : f32
      %mul3A_844 = vector.broadcast %mul3A_843 : f32 to vector<16xf32>
      %mul3A_845 = arith.mulf %mul3A_842, %mul3A_844 : vector<16xf32>
      %convert_element_type3A_846 = arith.fptosi %mul3A_833 : vector<16xf32> to vector<16xi32>
      %convert_element_type3A_847 = arith.fptosi %mul3A_845 : vector<16xf32> to vector<16xi32>
      %jit3A_848 = arith.constant 0 : i32
      %jit3A_849 = arith.constant 382 : i32
      %max3A_850 = vector.broadcast %jit3A_848 : i32 to vector<16xi32>
      %max3A_851 = arith.maxsi %max3A_850, %convert_element_type3A_846 : vector<16xi32>
      %min3A_852 = vector.broadcast %jit3A_849 : i32 to vector<16xi32>
      %min3A_853 = arith.minsi %min3A_852, %max3A_851 : vector<16xi32>
      %jit3A_854 = arith.constant 0 : i32
      %jit3A_855 = arith.constant 382 : i32
      %max3A_856 = vector.broadcast %jit3A_854 : i32 to vector<16xi32>
      %max3A_857 = arith.maxsi %max3A_856, %convert_element_type3A_847 : vector<16xi32>
      %min3A_858 = vector.broadcast %jit3A_855 : i32 to vector<16xi32>
      %min3A_859 = arith.minsi %min3A_858, %max3A_857 : vector<16xi32>
      %convert_element_type3A_860 = arith.sitofp %min3A_853 : vector<16xi32> to vector<16xf32>
      %convert_element_type3A_861 = arith.sitofp %min3A_859 : vector<16xi32> to vector<16xf32>
      %add3A_862 = arith.constant 1.000000e+00 : f32
      %add3A_863 = vector.broadcast %add3A_862 : f32 to vector<16xf32>
      %add3A_864 = arith.addf %convert_element_type3A_860, %add3A_863 : vector<16xf32>
      %sub3A_865 = arith.subf %add3A_864, %mul3A_833 : vector<16xf32>
      %sub3A_866 = arith.subf %mul3A_833, %convert_element_type3A_860 : vector<16xf32>
      %add3A_867 = arith.constant 1.000000e+00 : f32
      %add3A_868 = vector.broadcast %add3A_867 : f32 to vector<16xf32>
      %add3A_869 = arith.addf %convert_element_type3A_861, %add3A_868 : vector<16xf32>
      %sub3A_870 = arith.subf %add3A_869, %mul3A_845 : vector<16xf32>
      %sub3A_871 = arith.subf %mul3A_845, %convert_element_type3A_861 : vector<16xf32>
      %gt3A_872 = arith.constant -1.000000e+00 : f32
      %gt3A_873 = vector.broadcast %gt3A_872 : f32 to vector<16xf32>
      %gt3A_874 = arith.cmpf ogt, %mul3A_833, %gt3A_873 : vector<16xf32>
      %lt3A_875 = arith.constant 3.830000e+02 : f32
      %lt3A_876 = vector.broadcast %lt3A_875 : f32 to vector<16xf32>
      %lt3A_877 = arith.cmpf olt, %mul3A_833, %lt3A_876 : vector<16xf32>
      %and3A_878 = arith.andi %gt3A_874, %lt3A_877 : vector<16xi1>
      %gt3A_879 = arith.constant -1.000000e+00 : f32
      %gt3A_880 = vector.broadcast %gt3A_879 : f32 to vector<16xf32>
      %gt3A_881 = arith.cmpf ogt, %mul3A_845, %gt3A_880 : vector<16xf32>
      %and3A_882 = arith.andi %and3A_878, %gt3A_881 : vector<16xi1>
      %lt3A_883 = arith.constant 3.830000e+02 : f32
      %lt3A_884 = vector.broadcast %lt3A_883 : f32 to vector<16xf32>
      %lt3A_885 = arith.cmpf olt, %mul3A_845, %lt3A_884 : vector<16xf32>
      %and3A_886 = arith.andi %and3A_882, %lt3A_885 : vector<16xi1>
      %jit3A_887 = arith.constant 1.000000e+00 : f32
      %jit3A_888 = arith.constant 0.000000e+00 : f32
      %broadcast_in_dim3A_889 = vector.broadcast %jit3A_887 : f32 to vector<16xf32>
      %broadcast_in_dim3A_890 = vector.broadcast %jit3A_888 : f32 to vector<16xf32>
      %select_n3A_891 = arith.select %and3A_886, %broadcast_in_dim3A_889, %broadcast_in_dim3A_890 : vector<16xi1>, vector<16xf32>
      %mul3A_892 = arith.constant 384 : i32
      %mul3A_893 = vector.broadcast %mul3A_892 : i32 to vector<16xi32>
      %mul3A_894 = arith.muli %min3A_859, %mul3A_893 : vector<16xi32>
      %add3A_895 = vector.broadcast %mul3A_20 : i32 to vector<16xi32>
      %add3A_896 = arith.addi %add3A_895, %mul3A_894 : vector<16xi32>
      %add3A_897 = arith.addi %add3A_896, %min3A_853 : vector<16xi32>
      %swap3A_898 = arith.constant 0 : index
      %swap3A_899 = tpu.vector_load %arg11[%swap3A_898] {strides = array<i32>} : memref<96xi32, #tpu.memory_space<vmem>>, vector<16xi32>,
      %swap3A_900 = vector.shape_cast %swap3A_899 : vector<16xi32> to vector<16xi32>
      %swap3A_901 = vector.shape_cast %add3A_897 : vector<16xi32> to vector<16xi32>
      tpu.vector_store %arg11[%swap3A_898], %swap3A_901 {strides = array<i32>} : memref<96xi32, #tpu.memory_space<vmem>>, vector<16xi32>,
      %add3A_902 = arith.constant 384 : i32
      %add3A_903 = vector.broadcast %add3A_902 : i32 to vector<16xi32>
      %add3A_904 = arith.addi %add3A_897, %add3A_903 : vector<16xi32>
      %swap3A_905 = arith.constant 0 : index
      %swap3A_906 = tpu.vector_load %arg13[%swap3A_905] {strides = array<i32>} : memref<96xi32, #tpu.memory_space<vmem>>, vector<16xi32>,
      %swap3A_907 = vector.shape_cast %swap3A_906 : vector<16xi32> to vector<16xi32>
      %swap3A_908 = vector.shape_cast %add3A_904 : vector<16xi32> to vector<16xi32>
      tpu.vector_store %arg13[%swap3A_905], %swap3A_908 {strides = array<i32>} : memref<96xi32, #tpu.memory_space<vmem>>, vector<16xi32>,
      %add3A_909 = arith.constant 1 : i32
      %add3A_910 = vector.broadcast %add3A_909 : i32 to vector<16xi32>
      %add3A_911 = arith.addi %add3A_897, %add3A_910 : vector<16xi32>
      %swap3A_912 = arith.constant 0 : index
      %swap3A_913 = tpu.vector_load %arg15[%swap3A_912] {strides = array<i32>} : memref<96xi32, #tpu.memory_space<vmem>>, vector<16xi32>,
      %swap3A_914 = vector.shape_cast %swap3A_913 : vector<16xi32> to vector<16xi32>
      %swap3A_915 = vector.shape_cast %add3A_911 : vector<16xi32> to vector<16xi32>
      tpu.vector_store %arg15[%swap3A_912], %swap3A_915 {strides = array<i32>} : memref<96xi32, #tpu.memory_space<vmem>>, vector<16xi32>,
      %add3A_916 = arith.constant 385 : i32
      %add3A_917 = vector.broadcast %add3A_916 : i32 to vector<16xi32>
      %add3A_918 = arith.addi %add3A_897, %add3A_917 : vector<16xi32>
      %swap3A_919 = arith.constant 0 : index
      %swap3A_920 = tpu.vector_load %arg17[%swap3A_919] {strides = array<i32>} : memref<96xi32, #tpu.memory_space<vmem>>, vector<16xi32>,
      %swap3A_921 = vector.shape_cast %swap3A_920 : vector<16xi32> to vector<16xi32>
      %swap3A_922 = vector.shape_cast %add3A_918 : vector<16xi32> to vector<16xi32>
      tpu.vector_store %arg17[%swap3A_919], %swap3A_922 {strides = array<i32>} : memref<96xi32, #tpu.memory_space<vmem>>, vector<16xi32>,
      %mul3A_923 = arith.mulf %sub3A_865, %sub3A_870 : vector<16xf32>
      %mul3A_924 = arith.mulf %mul3A_923, %select_n3A_891 : vector<16xf32>
      %swap3A_925 = arith.constant 0 : index
      %swap3A_926 = tpu.vector_load %arg19[%swap3A_925] {strides = array<i32>} : memref<96xf32, #tpu.memory_space<vmem>>, vector<16xf32>,
      %swap3A_927 = vector.shape_cast %swap3A_926 : vector<16xf32> to vector<16xf32>
      %swap3A_928 = vector.shape_cast %mul3A_924 : vector<16xf32> to vector<16xf32>
      tpu.vector_store %arg19[%swap3A_925], %swap3A_928 {strides = array<i32>} : memref<96xf32, #tpu.memory_space<vmem>>, vector<16xf32>,
      %mul3A_929 = arith.mulf %sub3A_865, %sub3A_871 : vector<16xf32>
      %mul3A_930 = arith.mulf %mul3A_929, %select_n3A_891 : vector<16xf32>
      %swap3A_931 = arith.constant 0 : index
      %swap3A_932 = tpu.vector_load %arg21[%swap3A_931] {strides = array<i32>} : memref<96xf32, #tpu.memory_space<vmem>>, vector<16xf32>,
      %swap3A_933 = vector.shape_cast %swap3A_932 : vector<16xf32> to vector<16xf32>
      %swap3A_934 = vector.shape_cast %mul3A_930 : vector<16xf32> to vector<16xf32>
      tpu.vector_store %arg21[%swap3A_931], %swap3A_934 {strides = array<i32>} : memref<96xf32, #tpu.memory_space<vmem>>, vector<16xf32>,
      %mul3A_935 = arith.mulf %sub3A_866, %sub3A_870 : vector<16xf32>
      %mul3A_936 = arith.mulf %mul3A_935, %select_n3A_891 : vector<16xf32>
      %swap3A_937 = arith.constant 0 : index
      %swap3A_938 = tpu.vector_load %arg23[%swap3A_937] {strides = array<i32>} : memref<96xf32, #tpu.memory_space<vmem>>, vector<16xf32>,
      %swap3A_939 = vector.shape_cast %swap3A_938 : vector<16xf32> to vector<16xf32>
      %swap3A_940 = vector.shape_cast %mul3A_936 : vector<16xf32> to vector<16xf32>
      tpu.vector_store %arg23[%swap3A_937], %swap3A_940 {strides = array<i32>} : memref<96xf32, #tpu.memory_space<vmem>>, vector<16xf32>,
      %mul3A_941 = arith.mulf %sub3A_866, %sub3A_871 : vector<16xf32>
      %mul3A_942 = arith.mulf %mul3A_941, %select_n3A_891 : vector<16xf32>
      %swap3A_943 = arith.constant 0 : index
      %swap3A_944 = tpu.vector_load %arg25[%swap3A_943] {strides = array<i32>} : memref<96xf32, #tpu.memory_space<vmem>>, vector<16xf32>,
      %swap3A_945 = vector.shape_cast %swap3A_944 : vector<16xf32> to vector<16xf32>
      %swap3A_946 = vector.shape_cast %mul3A_942 : vector<16xf32> to vector<16xf32>
      tpu.vector_store %arg25[%swap3A_943], %swap3A_946 {strides = array<i32>} : memref<96xf32, #tpu.memory_space<vmem>>, vector<16xf32>,
      %get3A_947 = arith.constant 16 : index
      %get3A_948 = tpu.vector_load %arg7[%get3A_947] {strides = array<i32>} : memref<96xf32, #tpu.memory_space<vmem>>, vector<16xf32>,
      %get3A_949 = vector.shape_cast %get3A_948 : vector<16xf32> to vector<16xf32>
      %add3A_950 = arith.constant 1.000000e+00 : f32
      %add3A_951 = vector.broadcast %add3A_950 : f32 to vector<16xf32>
      %add3A_952 = arith.addf %get3A_949, %add3A_951 : vector<16xf32>
      %mul3A_953 = arith.constant 5.000000e-01 : f32
      %mul3A_954 = vector.broadcast %mul3A_953 : f32 to vector<16xf32>
      %mul3A_955 = arith.mulf %mul3A_954, %add3A_952 : vector<16xf32>
      %mul3A_956 = arith.constant 3.840000e+02 : f32
      %mul3A_957 = vector.broadcast %mul3A_956 : f32 to vector<16xf32>
      %mul3A_958 = arith.mulf %mul3A_955, %mul3A_957 : vector<16xf32>
      %get3A_959 = arith.constant 16 : index
      %get3A_960 = tpu.vector_load %arg9[%get3A_959] {strides = array<i32>} : memref<96xf32, #tpu.memory_space<vmem>>, vector<16xf32>,
      %get3A_961 = vector.shape_cast %get3A_960 : vector<16xf32> to vector<16xf32>
      %add3A_962 = arith.constant 1.000000e+00 : f32
      %add3A_963 = vector.broadcast %add3A_962 : f32 to vector<16xf32>
      %add3A_964 = arith.addf %get3A_961, %add3A_963 : vector<16xf32>
      %mul3A_965 = arith.constant 5.000000e-01 : f32
      %mul3A_966 = vector.broadcast %mul3A_965 : f32 to vector<16xf32>
      %mul3A_967 = arith.mulf %mul3A_966, %add3A_964 : vector<16xf32>
      %mul3A_968 = arith.constant 3.840000e+02 : f32
      %mul3A_969 = vector.broadcast %mul3A_968 : f32 to vector<16xf32>
      %mul3A_970 = arith.mulf %mul3A_967, %mul3A_969 : vector<16xf32>
      %convert_element_type3A_971 = arith.fptosi %mul3A_958 : vector<16xf32> to vector<16xi32>
      %convert_element_type3A_972 = arith.fptosi %mul3A_970 : vector<16xf32> to vector<16xi32>
      %jit3A_973 = arith.constant 0 : i32
      %jit3A_974 = arith.constant 382 : i32
      %max3A_975 = vector.broadcast %jit3A_973 : i32 to vector<16xi32>
      %max3A_976 = arith.maxsi %max3A_975, %convert_element_type3A_971 : vector<16xi32>
      %min3A_977 = vector.broadcast %jit3A_974 : i32 to vector<16xi32>
      %min3A_978 = arith.minsi %min3A_977, %max3A_976 : vector<16xi32>
      %jit3A_979 = arith.constant 0 : i32
      %jit3A_980 = arith.constant 382 : i32
      %max3A_981 = vector.broadcast %jit3A_979 : i32 to vector<16xi32>
      %max3A_982 = arith.maxsi %max3A_981, %convert_element_type3A_972 : vector<16xi32>
      %min3A_983 = vector.broadcast %jit3A_980 : i32 to vector<16xi32>
      %min3A_984 = arith.minsi %min3A_983, %max3A_982 : vector<16xi32>
      %convert_element_type3A_985 = arith.sitofp %min3A_978 : vector<16xi32> to vector<16xf32>
      %convert_element_type3A_986 = arith.sitofp %min3A_984 : vector<16xi32> to vector<16xf32>
      %add3A_987 = arith.constant 1.000000e+00 : f32
      %add3A_988 = vector.broadcast %add3A_987 : f32 to vector<16xf32>
      %add3A_989 = arith.addf %convert_element_type3A_985, %add3A_988 : vector<16xf32>
      %sub3A_990 = arith.subf %add3A_989, %mul3A_958 : vector<16xf32>
      %sub3A_991 = arith.subf %mul3A_958, %convert_element_type3A_985 : vector<16xf32>
      %add3A_992 = arith.constant 1.000000e+00 : f32
      %add3A_993 = vector.broadcast %add3A_992 : f32 to vector<16xf32>
      %add3A_994 = arith.addf %convert_element_type3A_986, %add3A_993 : vector<16xf32>
      %sub3A_995 = arith.subf %add3A_994, %mul3A_970 : vector<16xf32>
      %sub3A_996 = arith.subf %mul3A_970, %convert_element_type3A_986 : vector<16xf32>
      %gt3A_997 = arith.constant -1.000000e+00 : f32
      %gt3A_998 = vector.broadcast %gt3A_997 : f32 to vector<16xf32>
      %gt3A_999 = arith.cmpf ogt, %mul3A_958, %gt3A_998 : vector<16xf32>
      %lt3A_1000 = arith.constant 3.830000e+02 : f32
      %lt3A_1001 = vector.broadcast %lt3A_1000 : f32 to vector<16xf32>
      %lt3A_1002 = arith.cmpf olt, %mul3A_958, %lt3A_1001 : vector<16xf32>
      %and3A_1003 = arith.andi %gt3A_999, %lt3A_1002 : vector<16xi1>
      %gt3A_1004 = arith.constant -1.000000e+00 : f32
      %gt3A_1005 = vector.broadcast %gt3A_1004 : f32 to vector<16xf32>
      %gt3A_1006 = arith.cmpf ogt, %mul3A_970, %gt3A_1005 : vector<16xf32>
      %and3A_1007 = arith.andi %and3A_1003, %gt3A_1006 : vector<16xi1>
      %lt3A_1008 = arith.constant 3.830000e+02 : f32
      %lt3A_1009 = vector.broadcast %lt3A_1008 : f32 to vector<16xf32>
      %lt3A_1010 = arith.cmpf olt, %mul3A_970, %lt3A_1009 : vector<16xf32>
      %and3A_1011 = arith.andi %and3A_1007, %lt3A_1010 : vector<16xi1>
      %jit3A_1012 = arith.constant 1.000000e+00 : f32
      %jit3A_1013 = arith.constant 0.000000e+00 : f32
      %broadcast_in_dim3A_1014 = vector.broadcast %jit3A_1012 : f32 to vector<16xf32>
      %broadcast_in_dim3A_1015 = vector.broadcast %jit3A_1013 : f32 to vector<16xf32>
      %select_n3A_1016 = arith.select %and3A_1011, %broadcast_in_dim3A_1014, %broadcast_in_dim3A_1015 : vector<16xi1>, vector<16xf32>
      %mul3A_1017 = arith.constant 384 : i32
      %mul3A_1018 = vector.broadcast %mul3A_1017 : i32 to vector<16xi32>
      %mul3A_1019 = arith.muli %min3A_984, %mul3A_1018 : vector<16xi32>
      %add3A_1020 = vector.broadcast %mul3A_20 : i32 to vector<16xi32>
      %add3A_1021 = arith.addi %add3A_1020, %mul3A_1019 : vector<16xi32>
      %add3A_1022 = arith.addi %add3A_1021, %min3A_978 : vector<16xi32>
      %swap3A_1023 = arith.constant 16 : index
      %swap3A_1024 = tpu.vector_load %arg11[%swap3A_1023] {strides = array<i32>} : memref<96xi32, #tpu.memory_space<vmem>>, vector<16xi32>,
      %swap3A_1025 = vector.shape_cast %swap3A_1024 : vector<16xi32> to vector<16xi32>
      %swap3A_1026 = vector.shape_cast %add3A_1022 : vector<16xi32> to vector<16xi32>
      tpu.vector_store %arg11[%swap3A_1023], %swap3A_1026 {strides = array<i32>} : memref<96xi32, #tpu.memory_space<vmem>>, vector<16xi32>,
      %add3A_1027 = arith.constant 384 : i32
      %add3A_1028 = vector.broadcast %add3A_1027 : i32 to vector<16xi32>
      %add3A_1029 = arith.addi %add3A_1022, %add3A_1028 : vector<16xi32>
      %swap3A_1030 = arith.constant 16 : index
      %swap3A_1031 = tpu.vector_load %arg13[%swap3A_1030] {strides = array<i32>} : memref<96xi32, #tpu.memory_space<vmem>>, vector<16xi32>,
      %swap3A_1032 = vector.shape_cast %swap3A_1031 : vector<16xi32> to vector<16xi32>
      %swap3A_1033 = vector.shape_cast %add3A_1029 : vector<16xi32> to vector<16xi32>
      tpu.vector_store %arg13[%swap3A_1030], %swap3A_1033 {strides = array<i32>} : memref<96xi32, #tpu.memory_space<vmem>>, vector<16xi32>,
      %add3A_1034 = arith.constant 1 : i32
      %add3A_1035 = vector.broadcast %add3A_1034 : i32 to vector<16xi32>
      %add3A_1036 = arith.addi %add3A_1022, %add3A_1035 : vector<16xi32>
      %swap3A_1037 = arith.constant 16 : index
      %swap3A_1038 = tpu.vector_load %arg15[%swap3A_1037] {strides = array<i32>} : memref<96xi32, #tpu.memory_space<vmem>>, vector<16xi32>,
      %swap3A_1039 = vector.shape_cast %swap3A_1038 : vector<16xi32> to vector<16xi32>
      %swap3A_1040 = vector.shape_cast %add3A_1036 : vector<16xi32> to vector<16xi32>
      tpu.vector_store %arg15[%swap3A_1037], %swap3A_1040 {strides = array<i32>} : memref<96xi32, #tpu.memory_space<vmem>>, vector<16xi32>,
      %add3A_1041 = arith.constant 385 : i32
      %add3A_1042 = vector.broadcast %add3A_1041 : i32 to vector<16xi32>
      %add3A_1043 = arith.addi %add3A_1022, %add3A_1042 : vector<16xi32>
      %swap3A_1044 = arith.constant 16 : index
      %swap3A_1045 = tpu.vector_load %arg17[%swap3A_1044] {strides = array<i32>} : memref<96xi32, #tpu.memory_space<vmem>>, vector<16xi32>,
      %swap3A_1046 = vector.shape_cast %swap3A_1045 : vector<16xi32> to vector<16xi32>
      %swap3A_1047 = vector.shape_cast %add3A_1043 : vector<16xi32> to vector<16xi32>
      tpu.vector_store %arg17[%swap3A_1044], %swap3A_1047 {strides = array<i32>} : memref<96xi32, #tpu.memory_space<vmem>>, vector<16xi32>,
      %mul3A_1048 = arith.mulf %sub3A_990, %sub3A_995 : vector<16xf32>
      %mul3A_1049 = arith.mulf %mul3A_1048, %select_n3A_1016 : vector<16xf32>
      %swap3A_1050 = arith.constant 16 : index
      %swap3A_1051 = tpu.vector_load %arg19[%swap3A_1050] {strides = array<i32>} : memref<96xf32, #tpu.memory_space<vmem>>, vector<16xf32>,
      %swap3A_1052 = vector.shape_cast %swap3A_1051 : vector<16xf32> to vector<16xf32>
      %swap3A_1053 = vector.shape_cast %mul3A_1049 : vector<16xf32> to vector<16xf32>
      tpu.vector_store %arg19[%swap3A_1050], %swap3A_1053 {strides = array<i32>} : memref<96xf32, #tpu.memory_space<vmem>>, vector<16xf32>,
      %mul3A_1054 = arith.mulf %sub3A_990, %sub3A_996 : vector<16xf32>
      %mul3A_1055 = arith.mulf %mul3A_1054, %select_n3A_1016 : vector<16xf32>
      %swap3A_1056 = arith.constant 16 : index
      %swap3A_1057 = tpu.vector_load %arg21[%swap3A_1056] {strides = array<i32>} : memref<96xf32, #tpu.memory_space<vmem>>, vector<16xf32>,
      %swap3A_1058 = vector.shape_cast %swap3A_1057 : vector<16xf32> to vector<16xf32>
      %swap3A_1059 = vector.shape_cast %mul3A_1055 : vector<16xf32> to vector<16xf32>
      tpu.vector_store %arg21[%swap3A_1056], %swap3A_1059 {strides = array<i32>} : memref<96xf32, #tpu.memory_space<vmem>>, vector<16xf32>,
      %mul3A_1060 = arith.mulf %sub3A_991, %sub3A_995 : vector<16xf32>
      %mul3A_1061 = arith.mulf %mul3A_1060, %select_n3A_1016 : vector<16xf32>
      %swap3A_1062 = arith.constant 16 : index
      %swap3A_1063 = tpu.vector_load %arg23[%swap3A_1062] {strides = array<i32>} : memref<96xf32, #tpu.memory_space<vmem>>, vector<16xf32>,
      %swap3A_1064 = vector.shape_cast %swap3A_1063 : vector<16xf32> to vector<16xf32>
      %swap3A_1065 = vector.shape_cast %mul3A_1061 : vector<16xf32> to vector<16xf32>
      tpu.vector_store %arg23[%swap3A_1062], %swap3A_1065 {strides = array<i32>} : memref<96xf32, #tpu.memory_space<vmem>>, vector<16xf32>,
      %mul3A_1066 = arith.mulf %sub3A_991, %sub3A_996 : vector<16xf32>
      %mul3A_1067 = arith.mulf %mul3A_1066, %select_n3A_1016 : vector<16xf32>
      %swap3A_1068 = arith.constant 16 : index
      %swap3A_1069 = tpu.vector_load %arg25[%swap3A_1068] {strides = array<i32>} : memref<96xf32, #tpu.memory_space<vmem>>, vector<16xf32>,
      %swap3A_1070 = vector.shape_cast %swap3A_1069 : vector<16xf32> to vector<16xf32>
      %swap3A_1071 = vector.shape_cast %mul3A_1067 : vector<16xf32> to vector<16xf32>
      tpu.vector_store %arg25[%swap3A_1068], %swap3A_1071 {strides = array<i32>} : memref<96xf32, #tpu.memory_space<vmem>>, vector<16xf32>,
      %get3A_1072 = arith.constant 32 : index
      %get3A_1073 = tpu.vector_load %arg7[%get3A_1072] {strides = array<i32>} : memref<96xf32, #tpu.memory_space<vmem>>, vector<16xf32>,
      %get3A_1074 = vector.shape_cast %get3A_1073 : vector<16xf32> to vector<16xf32>
      %add3A_1075 = arith.constant 1.000000e+00 : f32
      %add3A_1076 = vector.broadcast %add3A_1075 : f32 to vector<16xf32>
      %add3A_1077 = arith.addf %get3A_1074, %add3A_1076 : vector<16xf32>
      %mul3A_1078 = arith.constant 5.000000e-01 : f32
      %mul3A_1079 = vector.broadcast %mul3A_1078 : f32 to vector<16xf32>
      %mul3A_1080 = arith.mulf %mul3A_1079, %add3A_1077 : vector<16xf32>
      %mul3A_1081 = arith.constant 3.840000e+02 : f32
      %mul3A_1082 = vector.broadcast %mul3A_1081 : f32 to vector<16xf32>
      %mul3A_1083 = arith.mulf %mul3A_1080, %mul3A_1082 : vector<16xf32>
      %get3A_1084 = arith.constant 32 : index
      %get3A_1085 = tpu.vector_load %arg9[%get3A_1084] {strides = array<i32>} : memref<96xf32, #tpu.memory_space<vmem>>, vector<16xf32>,
      %get3A_1086 = vector.shape_cast %get3A_1085 : vector<16xf32> to vector<16xf32>
      %add3A_1087 = arith.constant 1.000000e+00 : f32
      %add3A_1088 = vector.broadcast %add3A_1087 : f32 to vector<16xf32>
      %add3A_1089 = arith.addf %get3A_1086, %add3A_1088 : vector<16xf32>
      %mul3A_1090 = arith.constant 5.000000e-01 : f32
      %mul3A_1091 = vector.broadcast %mul3A_1090 : f32 to vector<16xf32>
      %mul3A_1092 = arith.mulf %mul3A_1091, %add3A_1089 : vector<16xf32>
      %mul3A_1093 = arith.constant 3.840000e+02 : f32
      %mul3A_1094 = vector.broadcast %mul3A_1093 : f32 to vector<16xf32>
      %mul3A_1095 = arith.mulf %mul3A_1092, %mul3A_1094 : vector<16xf32>
      %convert_element_type3A_1096 = arith.fptosi %mul3A_1083 : vector<16xf32> to vector<16xi32>
      %convert_element_type3A_1097 = arith.fptosi %mul3A_1095 : vector<16xf32> to vector<16xi32>
      %jit3A_1098 = arith.constant 0 : i32
      %jit3A_1099 = arith.constant 382 : i32
      %max3A_1100 = vector.broadcast %jit3A_1098 : i32 to vector<16xi32>
      %max3A_1101 = arith.maxsi %max3A_1100, %convert_element_type3A_1096 : vector<16xi32>
      %min3A_1102 = vector.broadcast %jit3A_1099 : i32 to vector<16xi32>
      %min3A_1103 = arith.minsi %min3A_1102, %max3A_1101 : vector<16xi32>
      %jit3A_1104 = arith.constant 0 : i32
      %jit3A_1105 = arith.constant 382 : i32
      %max3A_1106 = vector.broadcast %jit3A_1104 : i32 to vector<16xi32>
      %max3A_1107 = arith.maxsi %max3A_1106, %convert_element_type3A_1097 : vector<16xi32>
      %min3A_1108 = vector.broadcast %jit3A_1105 : i32 to vector<16xi32>
      %min3A_1109 = arith.minsi %min3A_1108, %max3A_1107 : vector<16xi32>
      %convert_element_type3A_1110 = arith.sitofp %min3A_1103 : vector<16xi32> to vector<16xf32>
      %convert_element_type3A_1111 = arith.sitofp %min3A_1109 : vector<16xi32> to vector<16xf32>
      %add3A_1112 = arith.constant 1.000000e+00 : f32
      %add3A_1113 = vector.broadcast %add3A_1112 : f32 to vector<16xf32>
      %add3A_1114 = arith.addf %convert_element_type3A_1110, %add3A_1113 : vector<16xf32>
      %sub3A_1115 = arith.subf %add3A_1114, %mul3A_1083 : vector<16xf32>
      %sub3A_1116 = arith.subf %mul3A_1083, %convert_element_type3A_1110 : vector<16xf32>
      %add3A_1117 = arith.constant 1.000000e+00 : f32
      %add3A_1118 = vector.broadcast %add3A_1117 : f32 to vector<16xf32>
      %add3A_1119 = arith.addf %convert_element_type3A_1111, %add3A_1118 : vector<16xf32>
      %sub3A_1120 = arith.subf %add3A_1119, %mul3A_1095 : vector<16xf32>
      %sub3A_1121 = arith.subf %mul3A_1095, %convert_element_type3A_1111 : vector<16xf32>
      %gt3A_1122 = arith.constant -1.000000e+00 : f32
      %gt3A_1123 = vector.broadcast %gt3A_1122 : f32 to vector<16xf32>
      %gt3A_1124 = arith.cmpf ogt, %mul3A_1083, %gt3A_1123 : vector<16xf32>
      %lt3A_1125 = arith.constant 3.830000e+02 : f32
      %lt3A_1126 = vector.broadcast %lt3A_1125 : f32 to vector<16xf32>
      %lt3A_1127 = arith.cmpf olt, %mul3A_1083, %lt3A_1126 : vector<16xf32>
      %and3A_1128 = arith.andi %gt3A_1124, %lt3A_1127 : vector<16xi1>
      %gt3A_1129 = arith.constant -1.000000e+00 : f32
      %gt3A_1130 = vector.broadcast %gt3A_1129 : f32 to vector<16xf32>
      %gt3A_1131 = arith.cmpf ogt, %mul3A_1095, %gt3A_1130 : vector<16xf32>
      %and3A_1132 = arith.andi %and3A_1128, %gt3A_1131 : vector<16xi1>
      %lt3A_1133 = arith.constant 3.830000e+02 : f32
      %lt3A_1134 = vector.broadcast %lt3A_1133 : f32 to vector<16xf32>
      %lt3A_1135 = arith.cmpf olt, %mul3A_1095, %lt3A_1134 : vector<16xf32>
      %and3A_1136 = arith.andi %and3A_1132, %lt3A_1135 : vector<16xi1>
      %jit3A_1137 = arith.constant 1.000000e+00 : f32
      %jit3A_1138 = arith.constant 0.000000e+00 : f32
      %broadcast_in_dim3A_1139 = vector.broadcast %jit3A_1137 : f32 to vector<16xf32>
      %broadcast_in_dim3A_1140 = vector.broadcast %jit3A_1138 : f32 to vector<16xf32>
      %select_n3A_1141 = arith.select %and3A_1136, %broadcast_in_dim3A_1139, %broadcast_in_dim3A_1140 : vector<16xi1>, vector<16xf32>
      %mul3A_1142 = arith.constant 384 : i32
      %mul3A_1143 = vector.broadcast %mul3A_1142 : i32 to vector<16xi32>
      %mul3A_1144 = arith.muli %min3A_1109, %mul3A_1143 : vector<16xi32>
      %add3A_1145 = vector.broadcast %mul3A_20 : i32 to vector<16xi32>
      %add3A_1146 = arith.addi %add3A_1145, %mul3A_1144 : vector<16xi32>
      %add3A_1147 = arith.addi %add3A_1146, %min3A_1103 : vector<16xi32>
      %swap3A_1148 = arith.constant 32 : index
      %swap3A_1149 = tpu.vector_load %arg11[%swap3A_1148] {strides = array<i32>} : memref<96xi32, #tpu.memory_space<vmem>>, vector<16xi32>,
      %swap3A_1150 = vector.shape_cast %swap3A_1149 : vector<16xi32> to vector<16xi32>
      %swap3A_1151 = vector.shape_cast %add3A_1147 : vector<16xi32> to vector<16xi32>
      tpu.vector_store %arg11[%swap3A_1148], %swap3A_1151 {strides = array<i32>} : memref<96xi32, #tpu.memory_space<vmem>>, vector<16xi32>,
      %add3A_1152 = arith.constant 384 : i32
      %add3A_1153 = vector.broadcast %add3A_1152 : i32 to vector<16xi32>
      %add3A_1154 = arith.addi %add3A_1147, %add3A_1153 : vector<16xi32>
      %swap3A_1155 = arith.constant 32 : index
      %swap3A_1156 = tpu.vector_load %arg13[%swap3A_1155] {strides = array<i32>} : memref<96xi32, #tpu.memory_space<vmem>>, vector<16xi32>,
      %swap3A_1157 = vector.shape_cast %swap3A_1156 : vector<16xi32> to vector<16xi32>
      %swap3A_1158 = vector.shape_cast %add3A_1154 : vector<16xi32> to vector<16xi32>
      tpu.vector_store %arg13[%swap3A_1155], %swap3A_1158 {strides = array<i32>} : memref<96xi32, #tpu.memory_space<vmem>>, vector<16xi32>,
      %add3A_1159 = arith.constant 1 : i32
      %add3A_1160 = vector.broadcast %add3A_1159 : i32 to vector<16xi32>
      %add3A_1161 = arith.addi %add3A_1147, %add3A_1160 : vector<16xi32>
      %swap3A_1162 = arith.constant 32 : index
      %swap3A_1163 = tpu.vector_load %arg15[%swap3A_1162] {strides = array<i32>} : memref<96xi32, #tpu.memory_space<vmem>>, vector<16xi32>,
      %swap3A_1164 = vector.shape_cast %swap3A_1163 : vector<16xi32> to vector<16xi32>
      %swap3A_1165 = vector.shape_cast %add3A_1161 : vector<16xi32> to vector<16xi32>
      tpu.vector_store %arg15[%swap3A_1162], %swap3A_1165 {strides = array<i32>} : memref<96xi32, #tpu.memory_space<vmem>>, vector<16xi32>,
      %add3A_1166 = arith.constant 385 : i32
      %add3A_1167 = vector.broadcast %add3A_1166 : i32 to vector<16xi32>
      %add3A_1168 = arith.addi %add3A_1147, %add3A_1167 : vector<16xi32>
      %swap3A_1169 = arith.constant 32 : index
      %swap3A_1170 = tpu.vector_load %arg17[%swap3A_1169] {strides = array<i32>} : memref<96xi32, #tpu.memory_space<vmem>>, vector<16xi32>,
      %swap3A_1171 = vector.shape_cast %swap3A_1170 : vector<16xi32> to vector<16xi32>
      %swap3A_1172 = vector.shape_cast %add3A_1168 : vector<16xi32> to vector<16xi32>
      tpu.vector_store %arg17[%swap3A_1169], %swap3A_1172 {strides = array<i32>} : memref<96xi32, #tpu.memory_space<vmem>>, vector<16xi32>,
      %mul3A_1173 = arith.mulf %sub3A_1115, %sub3A_1120 : vector<16xf32>
      %mul3A_1174 = arith.mulf %mul3A_1173, %select_n3A_1141 : vector<16xf32>
      %swap3A_1175 = arith.constant 32 : index
      %swap3A_1176 = tpu.vector_load %arg19[%swap3A_1175] {strides = array<i32>} : memref<96xf32, #tpu.memory_space<vmem>>, vector<16xf32>,
      %swap3A_1177 = vector.shape_cast %swap3A_1176 : vector<16xf32> to vector<16xf32>
      %swap3A_1178 = vector.shape_cast %mul3A_1174 : vector<16xf32> to vector<16xf32>
      tpu.vector_store %arg19[%swap3A_1175], %swap3A_1178 {strides = array<i32>} : memref<96xf32, #tpu.memory_space<vmem>>, vector<16xf32>,
      %mul3A_1179 = arith.mulf %sub3A_1115, %sub3A_1121 : vector<16xf32>
      %mul3A_1180 = arith.mulf %mul3A_1179, %select_n3A_1141 : vector<16xf32>
      %swap3A_1181 = arith.constant 32 : index
      %swap3A_1182 = tpu.vector_load %arg21[%swap3A_1181] {strides = array<i32>} : memref<96xf32, #tpu.memory_space<vmem>>, vector<16xf32>,
      %swap3A_1183 = vector.shape_cast %swap3A_1182 : vector<16xf32> to vector<16xf32>
      %swap3A_1184 = vector.shape_cast %mul3A_1180 : vector<16xf32> to vector<16xf32>
      tpu.vector_store %arg21[%swap3A_1181], %swap3A_1184 {strides = array<i32>} : memref<96xf32, #tpu.memory_space<vmem>>, vector<16xf32>,
      %mul3A_1185 = arith.mulf %sub3A_1116, %sub3A_1120 : vector<16xf32>
      %mul3A_1186 = arith.mulf %mul3A_1185, %select_n3A_1141 : vector<16xf32>
      %swap3A_1187 = arith.constant 32 : index
      %swap3A_1188 = tpu.vector_load %arg23[%swap3A_1187] {strides = array<i32>} : memref<96xf32, #tpu.memory_space<vmem>>, vector<16xf32>,
      %swap3A_1189 = vector.shape_cast %swap3A_1188 : vector<16xf32> to vector<16xf32>
      %swap3A_1190 = vector.shape_cast %mul3A_1186 : vector<16xf32> to vector<16xf32>
      tpu.vector_store %arg23[%swap3A_1187], %swap3A_1190 {strides = array<i32>} : memref<96xf32, #tpu.memory_space<vmem>>, vector<16xf32>,
      %mul3A_1191 = arith.mulf %sub3A_1116, %sub3A_1121 : vector<16xf32>
      %mul3A_1192 = arith.mulf %mul3A_1191, %select_n3A_1141 : vector<16xf32>
      %swap3A_1193 = arith.constant 32 : index
      %swap3A_1194 = tpu.vector_load %arg25[%swap3A_1193] {strides = array<i32>} : memref<96xf32, #tpu.memory_space<vmem>>, vector<16xf32>,
      %swap3A_1195 = vector.shape_cast %swap3A_1194 : vector<16xf32> to vector<16xf32>
      %swap3A_1196 = vector.shape_cast %mul3A_1192 : vector<16xf32> to vector<16xf32>
      tpu.vector_store %arg25[%swap3A_1193], %swap3A_1196 {strides = array<i32>} : memref<96xf32, #tpu.memory_space<vmem>>, vector<16xf32>,
      %get3A_1197 = arith.constant 48 : index
      %get3A_1198 = tpu.vector_load %arg7[%get3A_1197] {strides = array<i32>} : memref<96xf32, #tpu.memory_space<vmem>>, vector<16xf32>,
      %get3A_1199 = vector.shape_cast %get3A_1198 : vector<16xf32> to vector<16xf32>
      %add3A_1200 = arith.constant 1.000000e+00 : f32
      %add3A_1201 = vector.broadcast %add3A_1200 : f32 to vector<16xf32>
      %add3A_1202 = arith.addf %get3A_1199, %add3A_1201 : vector<16xf32>
      %mul3A_1203 = arith.constant 5.000000e-01 : f32
      %mul3A_1204 = vector.broadcast %mul3A_1203 : f32 to vector<16xf32>
      %mul3A_1205 = arith.mulf %mul3A_1204, %add3A_1202 : vector<16xf32>
      %mul3A_1206 = arith.constant 3.840000e+02 : f32
      %mul3A_1207 = vector.broadcast %mul3A_1206 : f32 to vector<16xf32>
      %mul3A_1208 = arith.mulf %mul3A_1205, %mul3A_1207 : vector<16xf32>
      %get3A_1209 = arith.constant 48 : index
      %get3A_1210 = tpu.vector_load %arg9[%get3A_1209] {strides = array<i32>} : memref<96xf32, #tpu.memory_space<vmem>>, vector<16xf32>,
      %get3A_1211 = vector.shape_cast %get3A_1210 : vector<16xf32> to vector<16xf32>
      %add3A_1212 = arith.constant 1.000000e+00 : f32
      %add3A_1213 = vector.broadcast %add3A_1212 : f32 to vector<16xf32>
      %add3A_1214 = arith.addf %get3A_1211, %add3A_1213 : vector<16xf32>
      %mul3A_1215 = arith.constant 5.000000e-01 : f32
      %mul3A_1216 = vector.broadcast %mul3A_1215 : f32 to vector<16xf32>
      %mul3A_1217 = arith.mulf %mul3A_1216, %add3A_1214 : vector<16xf32>
      %mul3A_1218 = arith.constant 3.840000e+02 : f32
      %mul3A_1219 = vector.broadcast %mul3A_1218 : f32 to vector<16xf32>
      %mul3A_1220 = arith.mulf %mul3A_1217, %mul3A_1219 : vector<16xf32>
      %convert_element_type3A_1221 = arith.fptosi %mul3A_1208 : vector<16xf32> to vector<16xi32>
      %convert_element_type3A_1222 = arith.fptosi %mul3A_1220 : vector<16xf32> to vector<16xi32>
      %jit3A_1223 = arith.constant 0 : i32
      %jit3A_1224 = arith.constant 382 : i32
      %max3A_1225 = vector.broadcast %jit3A_1223 : i32 to vector<16xi32>
      %max3A_1226 = arith.maxsi %max3A_1225, %convert_element_type3A_1221 : vector<16xi32>
      %min3A_1227 = vector.broadcast %jit3A_1224 : i32 to vector<16xi32>
      %min3A_1228 = arith.minsi %min3A_1227, %max3A_1226 : vector<16xi32>
      %jit3A_1229 = arith.constant 0 : i32
      %jit3A_1230 = arith.constant 382 : i32
      %max3A_1231 = vector.broadcast %jit3A_1229 : i32 to vector<16xi32>
      %max3A_1232 = arith.maxsi %max3A_1231, %convert_element_type3A_1222 : vector<16xi32>
      %min3A_1233 = vector.broadcast %jit3A_1230 : i32 to vector<16xi32>
      %min3A_1234 = arith.minsi %min3A_1233, %max3A_1232 : vector<16xi32>
      %convert_element_type3A_1235 = arith.sitofp %min3A_1228 : vector<16xi32> to vector<16xf32>
      %convert_element_type3A_1236 = arith.sitofp %min3A_1234 : vector<16xi32> to vector<16xf32>
      %add3A_1237 = arith.constant 1.000000e+00 : f32
      %add3A_1238 = vector.broadcast %add3A_1237 : f32 to vector<16xf32>
      %add3A_1239 = arith.addf %convert_element_type3A_1235, %add3A_1238 : vector<16xf32>
      %sub3A_1240 = arith.subf %add3A_1239, %mul3A_1208 : vector<16xf32>
      %sub3A_1241 = arith.subf %mul3A_1208, %convert_element_type3A_1235 : vector<16xf32>
      %add3A_1242 = arith.constant 1.000000e+00 : f32
      %add3A_1243 = vector.broadcast %add3A_1242 : f32 to vector<16xf32>
      %add3A_1244 = arith.addf %convert_element_type3A_1236, %add3A_1243 : vector<16xf32>
      %sub3A_1245 = arith.subf %add3A_1244, %mul3A_1220 : vector<16xf32>
      %sub3A_1246 = arith.subf %mul3A_1220, %convert_element_type3A_1236 : vector<16xf32>
      %gt3A_1247 = arith.constant -1.000000e+00 : f32
      %gt3A_1248 = vector.broadcast %gt3A_1247 : f32 to vector<16xf32>
      %gt3A_1249 = arith.cmpf ogt, %mul3A_1208, %gt3A_1248 : vector<16xf32>
      %lt3A_1250 = arith.constant 3.830000e+02 : f32
      %lt3A_1251 = vector.broadcast %lt3A_1250 : f32 to vector<16xf32>
      %lt3A_1252 = arith.cmpf olt, %mul3A_1208, %lt3A_1251 : vector<16xf32>
      %and3A_1253 = arith.andi %gt3A_1249, %lt3A_1252 : vector<16xi1>
      %gt3A_1254 = arith.constant -1.000000e+00 : f32
      %gt3A_1255 = vector.broadcast %gt3A_1254 : f32 to vector<16xf32>
      %gt3A_1256 = arith.cmpf ogt, %mul3A_1220, %gt3A_1255 : vector<16xf32>
      %and3A_1257 = arith.andi %and3A_1253, %gt3A_1256 : vector<16xi1>
      %lt3A_1258 = arith.constant 3.830000e+02 : f32
      %lt3A_1259 = vector.broadcast %lt3A_1258 : f32 to vector<16xf32>
      %lt3A_1260 = arith.cmpf olt, %mul3A_1220, %lt3A_1259 : vector<16xf32>
      %and3A_1261 = arith.andi %and3A_1257, %lt3A_1260 : vector<16xi1>
      %jit3A_1262 = arith.constant 1.000000e+00 : f32
      %jit3A_1263 = arith.constant 0.000000e+00 : f32
      %broadcast_in_dim3A_1264 = vector.broadcast %jit3A_1262 : f32 to vector<16xf32>
      %broadcast_in_dim3A_1265 = vector.broadcast %jit3A_1263 : f32 to vector<16xf32>
      %select_n3A_1266 = arith.select %and3A_1261, %broadcast_in_dim3A_1264, %broadcast_in_dim3A_1265 : vector<16xi1>, vector<16xf32>
      %mul3A_1267 = arith.constant 384 : i32
      %mul3A_1268 = vector.broadcast %mul3A_1267 : i32 to vector<16xi32>
      %mul3A_1269 = arith.muli %min3A_1234, %mul3A_1268 : vector<16xi32>
      %add3A_1270 = vector.broadcast %mul3A_20 : i32 to vector<16xi32>
      %add3A_1271 = arith.addi %add3A_1270, %mul3A_1269 : vector<16xi32>
      %add3A_1272 = arith.addi %add3A_1271, %min3A_1228 : vector<16xi32>
      %swap3A_1273 = arith.constant 48 : index
      %swap3A_1274 = tpu.vector_load %arg11[%swap3A_1273] {strides = array<i32>} : memref<96xi32, #tpu.memory_space<vmem>>, vector<16xi32>,
      %swap3A_1275 = vector.shape_cast %swap3A_1274 : vector<16xi32> to vector<16xi32>
      %swap3A_1276 = vector.shape_cast %add3A_1272 : vector<16xi32> to vector<16xi32>
      tpu.vector_store %arg11[%swap3A_1273], %swap3A_1276 {strides = array<i32>} : memref<96xi32, #tpu.memory_space<vmem>>, vector<16xi32>,
      %add3A_1277 = arith.constant 384 : i32
      %add3A_1278 = vector.broadcast %add3A_1277 : i32 to vector<16xi32>
      %add3A_1279 = arith.addi %add3A_1272, %add3A_1278 : vector<16xi32>
      %swap3A_1280 = arith.constant 48 : index
      %swap3A_1281 = tpu.vector_load %arg13[%swap3A_1280] {strides = array<i32>} : memref<96xi32, #tpu.memory_space<vmem>>, vector<16xi32>,
      %swap3A_1282 = vector.shape_cast %swap3A_1281 : vector<16xi32> to vector<16xi32>
      %swap3A_1283 = vector.shape_cast %add3A_1279 : vector<16xi32> to vector<16xi32>
      tpu.vector_store %arg13[%swap3A_1280], %swap3A_1283 {strides = array<i32>} : memref<96xi32, #tpu.memory_space<vmem>>, vector<16xi32>,
      %add3A_1284 = arith.constant 1 : i32
      %add3A_1285 = vector.broadcast %add3A_1284 : i32 to vector<16xi32>
      %add3A_1286 = arith.addi %add3A_1272, %add3A_1285 : vector<16xi32>
      %swap3A_1287 = arith.constant 48 : index
      %swap3A_1288 = tpu.vector_load %arg15[%swap3A_1287] {strides = array<i32>} : memref<96xi32, #tpu.memory_space<vmem>>, vector<16xi32>,
      %swap3A_1289 = vector.shape_cast %swap3A_1288 : vector<16xi32> to vector<16xi32>
      %swap3A_1290 = vector.shape_cast %add3A_1286 : vector<16xi32> to vector<16xi32>
      tpu.vector_store %arg15[%swap3A_1287], %swap3A_1290 {strides = array<i32>} : memref<96xi32, #tpu.memory_space<vmem>>, vector<16xi32>,
      %add3A_1291 = arith.constant 385 : i32
      %add3A_1292 = vector.broadcast %add3A_1291 : i32 to vector<16xi32>
      %add3A_1293 = arith.addi %add3A_1272, %add3A_1292 : vector<16xi32>
      %swap3A_1294 = arith.constant 48 : index
      %swap3A_1295 = tpu.vector_load %arg17[%swap3A_1294] {strides = array<i32>} : memref<96xi32, #tpu.memory_space<vmem>>, vector<16xi32>,
      %swap3A_1296 = vector.shape_cast %swap3A_1295 : vector<16xi32> to vector<16xi32>
      %swap3A_1297 = vector.shape_cast %add3A_1293 : vector<16xi32> to vector<16xi32>
      tpu.vector_store %arg17[%swap3A_1294], %swap3A_1297 {strides = array<i32>} : memref<96xi32, #tpu.memory_space<vmem>>, vector<16xi32>,
      %mul3A_1298 = arith.mulf %sub3A_1240, %sub3A_1245 : vector<16xf32>
      %mul3A_1299 = arith.mulf %mul3A_1298, %select_n3A_1266 : vector<16xf32>
      %swap3A_1300 = arith.constant 48 : index
      %swap3A_1301 = tpu.vector_load %arg19[%swap3A_1300] {strides = array<i32>} : memref<96xf32, #tpu.memory_space<vmem>>, vector<16xf32>,
      %swap3A_1302 = vector.shape_cast %swap3A_1301 : vector<16xf32> to vector<16xf32>
      %swap3A_1303 = vector.shape_cast %mul3A_1299 : vector<16xf32> to vector<16xf32>
      tpu.vector_store %arg19[%swap3A_1300], %swap3A_1303 {strides = array<i32>} : memref<96xf32, #tpu.memory_space<vmem>>, vector<16xf32>,
      %mul3A_1304 = arith.mulf %sub3A_1240, %sub3A_1246 : vector<16xf32>
      %mul3A_1305 = arith.mulf %mul3A_1304, %select_n3A_1266 : vector<16xf32>
      %swap3A_1306 = arith.constant 48 : index
      %swap3A_1307 = tpu.vector_load %arg21[%swap3A_1306] {strides = array<i32>} : memref<96xf32, #tpu.memory_space<vmem>>, vector<16xf32>,
      %swap3A_1308 = vector.shape_cast %swap3A_1307 : vector<16xf32> to vector<16xf32>
      %swap3A_1309 = vector.shape_cast %mul3A_1305 : vector<16xf32> to vector<16xf32>
      tpu.vector_store %arg21[%swap3A_1306], %swap3A_1309 {strides = array<i32>} : memref<96xf32, #tpu.memory_space<vmem>>, vector<16xf32>,
      %mul3A_1310 = arith.mulf %sub3A_1241, %sub3A_1245 : vector<16xf32>
      %mul3A_1311 = arith.mulf %mul3A_1310, %select_n3A_1266 : vector<16xf32>
      %swap3A_1312 = arith.constant 48 : index
      %swap3A_1313 = tpu.vector_load %arg23[%swap3A_1312] {strides = array<i32>} : memref<96xf32, #tpu.memory_space<vmem>>, vector<16xf32>,
      %swap3A_1314 = vector.shape_cast %swap3A_1313 : vector<16xf32> to vector<16xf32>
      %swap3A_1315 = vector.shape_cast %mul3A_1311 : vector<16xf32> to vector<16xf32>
      tpu.vector_store %arg23[%swap3A_1312], %swap3A_1315 {strides = array<i32>} : memref<96xf32, #tpu.memory_space<vmem>>, vector<16xf32>,
      %mul3A_1316 = arith.mulf %sub3A_1241, %sub3A_1246 : vector<16xf32>
      %mul3A_1317 = arith.mulf %mul3A_1316, %select_n3A_1266 : vector<16xf32>
      %swap3A_1318 = arith.constant 48 : index
      %swap3A_1319 = tpu.vector_load %arg25[%swap3A_1318] {strides = array<i32>} : memref<96xf32, #tpu.memory_space<vmem>>, vector<16xf32>,
      %swap3A_1320 = vector.shape_cast %swap3A_1319 : vector<16xf32> to vector<16xf32>
      %swap3A_1321 = vector.shape_cast %mul3A_1317 : vector<16xf32> to vector<16xf32>
      tpu.vector_store %arg25[%swap3A_1318], %swap3A_1321 {strides = array<i32>} : memref<96xf32, #tpu.memory_space<vmem>>, vector<16xf32>,
      %get3A_1322 = arith.constant 64 : index
      %get3A_1323 = tpu.vector_load %arg7[%get3A_1322] {strides = array<i32>} : memref<96xf32, #tpu.memory_space<vmem>>, vector<16xf32>,
      %get3A_1324 = vector.shape_cast %get3A_1323 : vector<16xf32> to vector<16xf32>
      %add3A_1325 = arith.constant 1.000000e+00 : f32
      %add3A_1326 = vector.broadcast %add3A_1325 : f32 to vector<16xf32>
      %add3A_1327 = arith.addf %get3A_1324, %add3A_1326 : vector<16xf32>
      %mul3A_1328 = arith.constant 5.000000e-01 : f32
      %mul3A_1329 = vector.broadcast %mul3A_1328 : f32 to vector<16xf32>
      %mul3A_1330 = arith.mulf %mul3A_1329, %add3A_1327 : vector<16xf32>
      %mul3A_1331 = arith.constant 3.840000e+02 : f32
      %mul3A_1332 = vector.broadcast %mul3A_1331 : f32 to vector<16xf32>
      %mul3A_1333 = arith.mulf %mul3A_1330, %mul3A_1332 : vector<16xf32>
      %get3A_1334 = arith.constant 64 : index
      %get3A_1335 = tpu.vector_load %arg9[%get3A_1334] {strides = array<i32>} : memref<96xf32, #tpu.memory_space<vmem>>, vector<16xf32>,
      %get3A_1336 = vector.shape_cast %get3A_1335 : vector<16xf32> to vector<16xf32>
      %add3A_1337 = arith.constant 1.000000e+00 : f32
      %add3A_1338 = vector.broadcast %add3A_1337 : f32 to vector<16xf32>
      %add3A_1339 = arith.addf %get3A_1336, %add3A_1338 : vector<16xf32>
      %mul3A_1340 = arith.constant 5.000000e-01 : f32
      %mul3A_1341 = vector.broadcast %mul3A_1340 : f32 to vector<16xf32>
      %mul3A_1342 = arith.mulf %mul3A_1341, %add3A_1339 : vector<16xf32>
      %mul3A_1343 = arith.constant 3.840000e+02 : f32
      %mul3A_1344 = vector.broadcast %mul3A_1343 : f32 to vector<16xf32>
      %mul3A_1345 = arith.mulf %mul3A_1342, %mul3A_1344 : vector<16xf32>
      %convert_element_type3A_1346 = arith.fptosi %mul3A_1333 : vector<16xf32> to vector<16xi32>
      %convert_element_type3A_1347 = arith.fptosi %mul3A_1345 : vector<16xf32> to vector<16xi32>
      %jit3A_1348 = arith.constant 0 : i32
      %jit3A_1349 = arith.constant 382 : i32
      %max3A_1350 = vector.broadcast %jit3A_1348 : i32 to vector<16xi32>
      %max3A_1351 = arith.maxsi %max3A_1350, %convert_element_type3A_1346 : vector<16xi32>
      %min3A_1352 = vector.broadcast %jit3A_1349 : i32 to vector<16xi32>
      %min3A_1353 = arith.minsi %min3A_1352, %max3A_1351 : vector<16xi32>
      %jit3A_1354 = arith.constant 0 : i32
      %jit3A_1355 = arith.constant 382 : i32
      %max3A_1356 = vector.broadcast %jit3A_1354 : i32 to vector<16xi32>
      %max3A_1357 = arith.maxsi %max3A_1356, %convert_element_type3A_1347 : vector<16xi32>
      %min3A_1358 = vector.broadcast %jit3A_1355 : i32 to vector<16xi32>
      %min3A_1359 = arith.minsi %min3A_1358, %max3A_1357 : vector<16xi32>
      %convert_element_type3A_1360 = arith.sitofp %min3A_1353 : vector<16xi32> to vector<16xf32>
      %convert_element_type3A_1361 = arith.sitofp %min3A_1359 : vector<16xi32> to vector<16xf32>
      %add3A_1362 = arith.constant 1.000000e+00 : f32
      %add3A_1363 = vector.broadcast %add3A_1362 : f32 to vector<16xf32>
      %add3A_1364 = arith.addf %convert_element_type3A_1360, %add3A_1363 : vector<16xf32>
      %sub3A_1365 = arith.subf %add3A_1364, %mul3A_1333 : vector<16xf32>
      %sub3A_1366 = arith.subf %mul3A_1333, %convert_element_type3A_1360 : vector<16xf32>
      %add3A_1367 = arith.constant 1.000000e+00 : f32
      %add3A_1368 = vector.broadcast %add3A_1367 : f32 to vector<16xf32>
      %add3A_1369 = arith.addf %convert_element_type3A_1361, %add3A_1368 : vector<16xf32>
      %sub3A_1370 = arith.subf %add3A_1369, %mul3A_1345 : vector<16xf32>
      %sub3A_1371 = arith.subf %mul3A_1345, %convert_element_type3A_1361 : vector<16xf32>
      %gt3A_1372 = arith.constant -1.000000e+00 : f32
      %gt3A_1373 = vector.broadcast %gt3A_1372 : f32 to vector<16xf32>
      %gt3A_1374 = arith.cmpf ogt, %mul3A_1333, %gt3A_1373 : vector<16xf32>
      %lt3A_1375 = arith.constant 3.830000e+02 : f32
      %lt3A_1376 = vector.broadcast %lt3A_1375 : f32 to vector<16xf32>
      %lt3A_1377 = arith.cmpf olt, %mul3A_1333, %lt3A_1376 : vector<16xf32>
      %and3A_1378 = arith.andi %gt3A_1374, %lt3A_1377 : vector<16xi1>
      %gt3A_1379 = arith.constant -1.000000e+00 : f32
      %gt3A_1380 = vector.broadcast %gt3A_1379 : f32 to vector<16xf32>
      %gt3A_1381 = arith.cmpf ogt, %mul3A_1345, %gt3A_1380 : vector<16xf32>
      %and3A_1382 = arith.andi %and3A_1378, %gt3A_1381 : vector<16xi1>
      %lt3A_1383 = arith.constant 3.830000e+02 : f32
      %lt3A_1384 = vector.broadcast %lt3A_1383 : f32 to vector<16xf32>
      %lt3A_1385 = arith.cmpf olt, %mul3A_1345, %lt3A_1384 : vector<16xf32>
      %and3A_1386 = arith.andi %and3A_1382, %lt3A_1385 : vector<16xi1>
      %jit3A_1387 = arith.constant 1.000000e+00 : f32
      %jit3A_1388 = arith.constant 0.000000e+00 : f32
      %broadcast_in_dim3A_1389 = vector.broadcast %jit3A_1387 : f32 to vector<16xf32>
      %broadcast_in_dim3A_1390 = vector.broadcast %jit3A_1388 : f32 to vector<16xf32>
      %select_n3A_1391 = arith.select %and3A_1386, %broadcast_in_dim3A_1389, %broadcast_in_dim3A_1390 : vector<16xi1>, vector<16xf32>
      %mul3A_1392 = arith.constant 384 : i32
      %mul3A_1393 = vector.broadcast %mul3A_1392 : i32 to vector<16xi32>
      %mul3A_1394 = arith.muli %min3A_1359, %mul3A_1393 : vector<16xi32>
      %add3A_1395 = vector.broadcast %mul3A_20 : i32 to vector<16xi32>
      %add3A_1396 = arith.addi %add3A_1395, %mul3A_1394 : vector<16xi32>
      %add3A_1397 = arith.addi %add3A_1396, %min3A_1353 : vector<16xi32>
      %swap3A_1398 = arith.constant 64 : index
      %swap3A_1399 = tpu.vector_load %arg11[%swap3A_1398] {strides = array<i32>} : memref<96xi32, #tpu.memory_space<vmem>>, vector<16xi32>,
      %swap3A_1400 = vector.shape_cast %swap3A_1399 : vector<16xi32> to vector<16xi32>
      %swap3A_1401 = vector.shape_cast %add3A_1397 : vector<16xi32> to vector<16xi32>
      tpu.vector_store %arg11[%swap3A_1398], %swap3A_1401 {strides = array<i32>} : memref<96xi32, #tpu.memory_space<vmem>>, vector<16xi32>,
      %add3A_1402 = arith.constant 384 : i32
      %add3A_1403 = vector.broadcast %add3A_1402 : i32 to vector<16xi32>
      %add3A_1404 = arith.addi %add3A_1397, %add3A_1403 : vector<16xi32>
      %swap3A_1405 = arith.constant 64 : index
      %swap3A_1406 = tpu.vector_load %arg13[%swap3A_1405] {strides = array<i32>} : memref<96xi32, #tpu.memory_space<vmem>>, vector<16xi32>,
      %swap3A_1407 = vector.shape_cast %swap3A_1406 : vector<16xi32> to vector<16xi32>
      %swap3A_1408 = vector.shape_cast %add3A_1404 : vector<16xi32> to vector<16xi32>
      tpu.vector_store %arg13[%swap3A_1405], %swap3A_1408 {strides = array<i32>} : memref<96xi32, #tpu.memory_space<vmem>>, vector<16xi32>,
      %add3A_1409 = arith.constant 1 : i32
      %add3A_1410 = vector.broadcast %add3A_1409 : i32 to vector<16xi32>
      %add3A_1411 = arith.addi %add3A_1397, %add3A_1410 : vector<16xi32>
      %swap3A_1412 = arith.constant 64 : index
      %swap3A_1413 = tpu.vector_load %arg15[%swap3A_1412] {strides = array<i32>} : memref<96xi32, #tpu.memory_space<vmem>>, vector<16xi32>,
      %swap3A_1414 = vector.shape_cast %swap3A_1413 : vector<16xi32> to vector<16xi32>
      %swap3A_1415 = vector.shape_cast %add3A_1411 : vector<16xi32> to vector<16xi32>
      tpu.vector_store %arg15[%swap3A_1412], %swap3A_1415 {strides = array<i32>} : memref<96xi32, #tpu.memory_space<vmem>>, vector<16xi32>,
      %add3A_1416 = arith.constant 385 : i32
      %add3A_1417 = vector.broadcast %add3A_1416 : i32 to vector<16xi32>
      %add3A_1418 = arith.addi %add3A_1397, %add3A_1417 : vector<16xi32>
      %swap3A_1419 = arith.constant 64 : index
      %swap3A_1420 = tpu.vector_load %arg17[%swap3A_1419] {strides = array<i32>} : memref<96xi32, #tpu.memory_space<vmem>>, vector<16xi32>,
      %swap3A_1421 = vector.shape_cast %swap3A_1420 : vector<16xi32> to vector<16xi32>
      %swap3A_1422 = vector.shape_cast %add3A_1418 : vector<16xi32> to vector<16xi32>
      tpu.vector_store %arg17[%swap3A_1419], %swap3A_1422 {strides = array<i32>} : memref<96xi32, #tpu.memory_space<vmem>>, vector<16xi32>,
      %mul3A_1423 = arith.mulf %sub3A_1365, %sub3A_1370 : vector<16xf32>
      %mul3A_1424 = arith.mulf %mul3A_1423, %select_n3A_1391 : vector<16xf32>
      %swap3A_1425 = arith.constant 64 : index
      %swap3A_1426 = tpu.vector_load %arg19[%swap3A_1425] {strides = array<i32>} : memref<96xf32, #tpu.memory_space<vmem>>, vector<16xf32>,
      %swap3A_1427 = vector.shape_cast %swap3A_1426 : vector<16xf32> to vector<16xf32>
      %swap3A_1428 = vector.shape_cast %mul3A_1424 : vector<16xf32> to vector<16xf32>
      tpu.vector_store %arg19[%swap3A_1425], %swap3A_1428 {strides = array<i32>} : memref<96xf32, #tpu.memory_space<vmem>>, vector<16xf32>,
      %mul3A_1429 = arith.mulf %sub3A_1365, %sub3A_1371 : vector<16xf32>
      %mul3A_1430 = arith.mulf %mul3A_1429, %select_n3A_1391 : vector<16xf32>
      %swap3A_1431 = arith.constant 64 : index
      %swap3A_1432 = tpu.vector_load %arg21[%swap3A_1431] {strides = array<i32>} : memref<96xf32, #tpu.memory_space<vmem>>, vector<16xf32>,
      %swap3A_1433 = vector.shape_cast %swap3A_1432 : vector<16xf32> to vector<16xf32>
      %swap3A_1434 = vector.shape_cast %mul3A_1430 : vector<16xf32> to vector<16xf32>
      tpu.vector_store %arg21[%swap3A_1431], %swap3A_1434 {strides = array<i32>} : memref<96xf32, #tpu.memory_space<vmem>>, vector<16xf32>,
      %mul3A_1435 = arith.mulf %sub3A_1366, %sub3A_1370 : vector<16xf32>
      %mul3A_1436 = arith.mulf %mul3A_1435, %select_n3A_1391 : vector<16xf32>
      %swap3A_1437 = arith.constant 64 : index
      %swap3A_1438 = tpu.vector_load %arg23[%swap3A_1437] {strides = array<i32>} : memref<96xf32, #tpu.memory_space<vmem>>, vector<16xf32>,
      %swap3A_1439 = vector.shape_cast %swap3A_1438 : vector<16xf32> to vector<16xf32>
      %swap3A_1440 = vector.shape_cast %mul3A_1436 : vector<16xf32> to vector<16xf32>
      tpu.vector_store %arg23[%swap3A_1437], %swap3A_1440 {strides = array<i32>} : memref<96xf32, #tpu.memory_space<vmem>>, vector<16xf32>,
      %mul3A_1441 = arith.mulf %sub3A_1366, %sub3A_1371 : vector<16xf32>
      %mul3A_1442 = arith.mulf %mul3A_1441, %select_n3A_1391 : vector<16xf32>
      %swap3A_1443 = arith.constant 64 : index
      %swap3A_1444 = tpu.vector_load %arg25[%swap3A_1443] {strides = array<i32>} : memref<96xf32, #tpu.memory_space<vmem>>, vector<16xf32>,
      %swap3A_1445 = vector.shape_cast %swap3A_1444 : vector<16xf32> to vector<16xf32>
      %swap3A_1446 = vector.shape_cast %mul3A_1442 : vector<16xf32> to vector<16xf32>
      tpu.vector_store %arg25[%swap3A_1443], %swap3A_1446 {strides = array<i32>} : memref<96xf32, #tpu.memory_space<vmem>>, vector<16xf32>,
      %get3A_1447 = arith.constant 80 : index
      %get3A_1448 = tpu.vector_load %arg7[%get3A_1447] {strides = array<i32>} : memref<96xf32, #tpu.memory_space<vmem>>, vector<16xf32>,
      %get3A_1449 = vector.shape_cast %get3A_1448 : vector<16xf32> to vector<16xf32>
      %add3A_1450 = arith.constant 1.000000e+00 : f32
      %add3A_1451 = vector.broadcast %add3A_1450 : f32 to vector<16xf32>
      %add3A_1452 = arith.addf %get3A_1449, %add3A_1451 : vector<16xf32>
      %mul3A_1453 = arith.constant 5.000000e-01 : f32
      %mul3A_1454 = vector.broadcast %mul3A_1453 : f32 to vector<16xf32>
      %mul3A_1455 = arith.mulf %mul3A_1454, %add3A_1452 : vector<16xf32>
      %mul3A_1456 = arith.constant 3.840000e+02 : f32
      %mul3A_1457 = vector.broadcast %mul3A_1456 : f32 to vector<16xf32>
      %mul3A_1458 = arith.mulf %mul3A_1455, %mul3A_1457 : vector<16xf32>
      %get3A_1459 = arith.constant 80 : index
      %get3A_1460 = tpu.vector_load %arg9[%get3A_1459] {strides = array<i32>} : memref<96xf32, #tpu.memory_space<vmem>>, vector<16xf32>,
      %get3A_1461 = vector.shape_cast %get3A_1460 : vector<16xf32> to vector<16xf32>
      %add3A_1462 = arith.constant 1.000000e+00 : f32
      %add3A_1463 = vector.broadcast %add3A_1462 : f32 to vector<16xf32>
      %add3A_1464 = arith.addf %get3A_1461, %add3A_1463 : vector<16xf32>
      %mul3A_1465 = arith.constant 5.000000e-01 : f32
      %mul3A_1466 = vector.broadcast %mul3A_1465 : f32 to vector<16xf32>
      %mul3A_1467 = arith.mulf %mul3A_1466, %add3A_1464 : vector<16xf32>
      %mul3A_1468 = arith.constant 3.840000e+02 : f32
      %mul3A_1469 = vector.broadcast %mul3A_1468 : f32 to vector<16xf32>
      %mul3A_1470 = arith.mulf %mul3A_1467, %mul3A_1469 : vector<16xf32>
      %convert_element_type3A_1471 = arith.fptosi %mul3A_1458 : vector<16xf32> to vector<16xi32>
      %convert_element_type3A_1472 = arith.fptosi %mul3A_1470 : vector<16xf32> to vector<16xi32>
      %jit3A_1473 = arith.constant 0 : i32
      %jit3A_1474 = arith.constant 382 : i32
      %max3A_1475 = vector.broadcast %jit3A_1473 : i32 to vector<16xi32>
      %max3A_1476 = arith.maxsi %max3A_1475, %convert_element_type3A_1471 : vector<16xi32>
      %min3A_1477 = vector.broadcast %jit3A_1474 : i32 to vector<16xi32>
      %min3A_1478 = arith.minsi %min3A_1477, %max3A_1476 : vector<16xi32>
      %jit3A_1479 = arith.constant 0 : i32
      %jit3A_1480 = arith.constant 382 : i32
      %max3A_1481 = vector.broadcast %jit3A_1479 : i32 to vector<16xi32>
      %max3A_1482 = arith.maxsi %max3A_1481, %convert_element_type3A_1472 : vector<16xi32>
      %min3A_1483 = vector.broadcast %jit3A_1480 : i32 to vector<16xi32>
      %min3A_1484 = arith.minsi %min3A_1483, %max3A_1482 : vector<16xi32>
      %convert_element_type3A_1485 = arith.sitofp %min3A_1478 : vector<16xi32> to vector<16xf32>
      %convert_element_type3A_1486 = arith.sitofp %min3A_1484 : vector<16xi32> to vector<16xf32>
      %add3A_1487 = arith.constant 1.000000e+00 : f32
      %add3A_1488 = vector.broadcast %add3A_1487 : f32 to vector<16xf32>
      %add3A_1489 = arith.addf %convert_element_type3A_1485, %add3A_1488 : vector<16xf32>
      %sub3A_1490 = arith.subf %add3A_1489, %mul3A_1458 : vector<16xf32>
      %sub3A_1491 = arith.subf %mul3A_1458, %convert_element_type3A_1485 : vector<16xf32>
      %add3A_1492 = arith.constant 1.000000e+00 : f32
      %add3A_1493 = vector.broadcast %add3A_1492 : f32 to vector<16xf32>
      %add3A_1494 = arith.addf %convert_element_type3A_1486, %add3A_1493 : vector<16xf32>
      %sub3A_1495 = arith.subf %add3A_1494, %mul3A_1470 : vector<16xf32>
      %sub3A_1496 = arith.subf %mul3A_1470, %convert_element_type3A_1486 : vector<16xf32>
      %gt3A_1497 = arith.constant -1.000000e+00 : f32
      %gt3A_1498 = vector.broadcast %gt3A_1497 : f32 to vector<16xf32>
      %gt3A_1499 = arith.cmpf ogt, %mul3A_1458, %gt3A_1498 : vector<16xf32>
      %lt3A_1500 = arith.constant 3.830000e+02 : f32
      %lt3A_1501 = vector.broadcast %lt3A_1500 : f32 to vector<16xf32>
      %lt3A_1502 = arith.cmpf olt, %mul3A_1458, %lt3A_1501 : vector<16xf32>
      %and3A_1503 = arith.andi %gt3A_1499, %lt3A_1502 : vector<16xi1>
      %gt3A_1504 = arith.constant -1.000000e+00 : f32
      %gt3A_1505 = vector.broadcast %gt3A_1504 : f32 to vector<16xf32>
      %gt3A_1506 = arith.cmpf ogt, %mul3A_1470, %gt3A_1505 : vector<16xf32>
      %and3A_1507 = arith.andi %and3A_1503, %gt3A_1506 : vector<16xi1>
      %lt3A_1508 = arith.constant 3.830000e+02 : f32
      %lt3A_1509 = vector.broadcast %lt3A_1508 : f32 to vector<16xf32>
      %lt3A_1510 = arith.cmpf olt, %mul3A_1470, %lt3A_1509 : vector<16xf32>
      %and3A_1511 = arith.andi %and3A_1507, %lt3A_1510 : vector<16xi1>
      %jit3A_1512 = arith.constant 1.000000e+00 : f32
      %jit3A_1513 = arith.constant 0.000000e+00 : f32
      %broadcast_in_dim3A_1514 = vector.broadcast %jit3A_1512 : f32 to vector<16xf32>
      %broadcast_in_dim3A_1515 = vector.broadcast %jit3A_1513 : f32 to vector<16xf32>
      %select_n3A_1516 = arith.select %and3A_1511, %broadcast_in_dim3A_1514, %broadcast_in_dim3A_1515 : vector<16xi1>, vector<16xf32>
      %mul3A_1517 = arith.constant 384 : i32
      %mul3A_1518 = vector.broadcast %mul3A_1517 : i32 to vector<16xi32>
      %mul3A_1519 = arith.muli %min3A_1484, %mul3A_1518 : vector<16xi32>
      %add3A_1520 = vector.broadcast %mul3A_20 : i32 to vector<16xi32>
      %add3A_1521 = arith.addi %add3A_1520, %mul3A_1519 : vector<16xi32>
      %add3A_1522 = arith.addi %add3A_1521, %min3A_1478 : vector<16xi32>
      %swap3A_1523 = arith.constant 80 : index
      %swap3A_1524 = tpu.vector_load %arg11[%swap3A_1523] {strides = array<i32>} : memref<96xi32, #tpu.memory_space<vmem>>, vector<16xi32>,
      %swap3A_1525 = vector.shape_cast %swap3A_1524 : vector<16xi32> to vector<16xi32>
      %swap3A_1526 = vector.shape_cast %add3A_1522 : vector<16xi32> to vector<16xi32>
      tpu.vector_store %arg11[%swap3A_1523], %swap3A_1526 {strides = array<i32>} : memref<96xi32, #tpu.memory_space<vmem>>, vector<16xi32>,
      %add3A_1527 = arith.constant 384 : i32
      %add3A_1528 = vector.broadcast %add3A_1527 : i32 to vector<16xi32>
      %add3A_1529 = arith.addi %add3A_1522, %add3A_1528 : vector<16xi32>
      %swap3A_1530 = arith.constant 80 : index
      %swap3A_1531 = tpu.vector_load %arg13[%swap3A_1530] {strides = array<i32>} : memref<96xi32, #tpu.memory_space<vmem>>, vector<16xi32>,
      %swap3A_1532 = vector.shape_cast %swap3A_1531 : vector<16xi32> to vector<16xi32>
      %swap3A_1533 = vector.shape_cast %add3A_1529 : vector<16xi32> to vector<16xi32>
      tpu.vector_store %arg13[%swap3A_1530], %swap3A_1533 {strides = array<i32>} : memref<96xi32, #tpu.memory_space<vmem>>, vector<16xi32>,
      %add3A_1534 = arith.constant 1 : i32
      %add3A_1535 = vector.broadcast %add3A_1534 : i32 to vector<16xi32>
      %add3A_1536 = arith.addi %add3A_1522, %add3A_1535 : vector<16xi32>
      %swap3A_1537 = arith.constant 80 : index
      %swap3A_1538 = tpu.vector_load %arg15[%swap3A_1537] {strides = array<i32>} : memref<96xi32, #tpu.memory_space<vmem>>, vector<16xi32>,
      %swap3A_1539 = vector.shape_cast %swap3A_1538 : vector<16xi32> to vector<16xi32>
      %swap3A_1540 = vector.shape_cast %add3A_1536 : vector<16xi32> to vector<16xi32>
      tpu.vector_store %arg15[%swap3A_1537], %swap3A_1540 {strides = array<i32>} : memref<96xi32, #tpu.memory_space<vmem>>, vector<16xi32>,
      %add3A_1541 = arith.constant 385 : i32
      %add3A_1542 = vector.broadcast %add3A_1541 : i32 to vector<16xi32>
      %add3A_1543 = arith.addi %add3A_1522, %add3A_1542 : vector<16xi32>
      %swap3A_1544 = arith.constant 80 : index
      %swap3A_1545 = tpu.vector_load %arg17[%swap3A_1544] {strides = array<i32>} : memref<96xi32, #tpu.memory_space<vmem>>, vector<16xi32>,
      %swap3A_1546 = vector.shape_cast %swap3A_1545 : vector<16xi32> to vector<16xi32>
      %swap3A_1547 = vector.shape_cast %add3A_1543 : vector<16xi32> to vector<16xi32>
      tpu.vector_store %arg17[%swap3A_1544], %swap3A_1547 {strides = array<i32>} : memref<96xi32, #tpu.memory_space<vmem>>, vector<16xi32>,
      %mul3A_1548 = arith.mulf %sub3A_1490, %sub3A_1495 : vector<16xf32>
      %mul3A_1549 = arith.mulf %mul3A_1548, %select_n3A_1516 : vector<16xf32>
      %swap3A_1550 = arith.constant 80 : index
      %swap3A_1551 = tpu.vector_load %arg19[%swap3A_1550] {strides = array<i32>} : memref<96xf32, #tpu.memory_space<vmem>>, vector<16xf32>,
      %swap3A_1552 = vector.shape_cast %swap3A_1551 : vector<16xf32> to vector<16xf32>
      %swap3A_1553 = vector.shape_cast %mul3A_1549 : vector<16xf32> to vector<16xf32>
      tpu.vector_store %arg19[%swap3A_1550], %swap3A_1553 {strides = array<i32>} : memref<96xf32, #tpu.memory_space<vmem>>, vector<16xf32>,
      %mul3A_1554 = arith.mulf %sub3A_1490, %sub3A_1496 : vector<16xf32>
      %mul3A_1555 = arith.mulf %mul3A_1554, %select_n3A_1516 : vector<16xf32>
      %swap3A_1556 = arith.constant 80 : index
      %swap3A_1557 = tpu.vector_load %arg21[%swap3A_1556] {strides = array<i32>} : memref<96xf32, #tpu.memory_space<vmem>>, vector<16xf32>,
      %swap3A_1558 = vector.shape_cast %swap3A_1557 : vector<16xf32> to vector<16xf32>
      %swap3A_1559 = vector.shape_cast %mul3A_1555 : vector<16xf32> to vector<16xf32>
      tpu.vector_store %arg21[%swap3A_1556], %swap3A_1559 {strides = array<i32>} : memref<96xf32, #tpu.memory_space<vmem>>, vector<16xf32>,
      %mul3A_1560 = arith.mulf %sub3A_1491, %sub3A_1495 : vector<16xf32>
      %mul3A_1561 = arith.mulf %mul3A_1560, %select_n3A_1516 : vector<16xf32>
      %swap3A_1562 = arith.constant 80 : index
      %swap3A_1563 = tpu.vector_load %arg23[%swap3A_1562] {strides = array<i32>} : memref<96xf32, #tpu.memory_space<vmem>>, vector<16xf32>,
      %swap3A_1564 = vector.shape_cast %swap3A_1563 : vector<16xf32> to vector<16xf32>
      %swap3A_1565 = vector.shape_cast %mul3A_1561 : vector<16xf32> to vector<16xf32>
      tpu.vector_store %arg23[%swap3A_1562], %swap3A_1565 {strides = array<i32>} : memref<96xf32, #tpu.memory_space<vmem>>, vector<16xf32>,
      %mul3A_1566 = arith.mulf %sub3A_1491, %sub3A_1496 : vector<16xf32>
      %mul3A_1567 = arith.mulf %mul3A_1566, %select_n3A_1516 : vector<16xf32>
      %swap3A_1568 = arith.constant 80 : index
      %swap3A_1569 = tpu.vector_load %arg25[%swap3A_1568] {strides = array<i32>} : memref<96xf32, #tpu.memory_space<vmem>>, vector<16xf32>,
      %swap3A_1570 = vector.shape_cast %swap3A_1569 : vector<16xf32> to vector<16xf32>
      %swap3A_1571 = vector.shape_cast %mul3A_1567 : vector<16xf32> to vector<16xf32>
      tpu.vector_store %arg25[%swap3A_1568], %swap3A_1571 {strides = array<i32>} : memref<96xf32, #tpu.memory_space<vmem>>, vector<16xf32>,
      %dma_start3A_1572 = arith.constant 0 : i32
      %dma_start3A_1573 = arith.constant 0 : i32
      %dma_start3A_1574 = tpu.memref_slice %arg2[%dma_start3A_1572, %dma_start3A_1573] : memref<589824x128xf32, #tpu.memory_space<hbm>> -> memref<589824x128xf32, #tpu.memory_space<hbm>>
      tpu.enqueue_indirect_dma source(%dma_start3A_1574 : memref<589824x128xf32, #tpu.memory_space<hbm>>) target(%arg27 : memref<96x128xf32, #tpu.memory_space<vmem>>) offsets(%arg11 : memref<96xi32, #tpu.memory_space<vmem>>) semaphore(%arg37 : memref<!tpu.dma_semaphore, #tpu.memory_space<semaphore_mem>>)
      %dma_start3A_1575 = arith.constant 0 : i32
      %dma_start3A_1576 = arith.constant 0 : i32
      %dma_start3A_1577 = tpu.memref_slice %arg2[%dma_start3A_1575, %dma_start3A_1576] : memref<589824x128xf32, #tpu.memory_space<hbm>> -> memref<589824x128xf32, #tpu.memory_space<hbm>>
      tpu.enqueue_indirect_dma source(%dma_start3A_1577 : memref<589824x128xf32, #tpu.memory_space<hbm>>) target(%arg29 : memref<96x128xf32, #tpu.memory_space<vmem>>) offsets(%arg13 : memref<96xi32, #tpu.memory_space<vmem>>) semaphore(%arg37 : memref<!tpu.dma_semaphore, #tpu.memory_space<semaphore_mem>>)
      %dma_start3A_1578 = arith.constant 0 : i32
      %dma_start3A_1579 = arith.constant 0 : i32
      %dma_start3A_1580 = tpu.memref_slice %arg2[%dma_start3A_1578, %dma_start3A_1579] : memref<589824x128xf32, #tpu.memory_space<hbm>> -> memref<589824x128xf32, #tpu.memory_space<hbm>>
      tpu.enqueue_indirect_dma source(%dma_start3A_1580 : memref<589824x128xf32, #tpu.memory_space<hbm>>) target(%arg31 : memref<96x128xf32, #tpu.memory_space<vmem>>) offsets(%arg15 : memref<96xi32, #tpu.memory_space<vmem>>) semaphore(%arg37 : memref<!tpu.dma_semaphore, #tpu.memory_space<semaphore_mem>>)
      %dma_start3A_1581 = arith.constant 0 : i32
      %dma_start3A_1582 = arith.constant 0 : i32
      %dma_start3A_1583 = tpu.memref_slice %arg2[%dma_start3A_1581, %dma_start3A_1582] : memref<589824x128xf32, #tpu.memory_space<hbm>> -> memref<589824x128xf32, #tpu.memory_space<hbm>>
      tpu.enqueue_indirect_dma source(%dma_start3A_1583 : memref<589824x128xf32, #tpu.memory_space<hbm>>) target(%arg33 : memref<96x128xf32, #tpu.memory_space<vmem>>) offsets(%arg17 : memref<96xi32, #tpu.memory_space<vmem>>) semaphore(%arg37 : memref<!tpu.dma_semaphore, #tpu.memory_space<semaphore_mem>>)
      %lt3A_1584 = arith.constant 95 : i32
      %lt3A_1585 = arith.cmpi slt, %scan3A_809, %lt3A_1584 : i32
      %convert_element_type3A_1586 = arith.extui %lt3A_1585 : i1 to i32
      %cond3A = arith.constant 0 : i32
      %cond3A_1587 = arith.cmpi ne, %convert_element_type3A_1586, %cond3A : i32
      scf.if %cond3A_1587 {
        %add3A_1655 = arith.constant 2 : i32
        %add3A_1656 = arith.addi %mul3A_812, %add3A_1655 : i32
        %mul3A_1657 = arith.constant 96 : i32
        %mul3A_1658 = arith.muli %add3A_1656, %mul3A_1657 : i32
        %add3A_1659 = arith.addi %mul3A_18, %mul3A_1658 : i32
        %dma_start3A_1660 = tpu.memref_slice %arg3[%add3A_1659] : memref<589824xf32, #tpu.memory_space<hbm>> -> memref<96xf32, #tpu.memory_space<hbm>>
        %dma_start3A_1661 = tpu.memref_slice %arg3[%add3A_1659] : memref<589824xf32, #tpu.memory_space<hbm>> -> memref<96xf32, #tpu.memory_space<hbm>>
        tpu.enqueue_dma source(%dma_start3A_1661 : memref<96xf32, #tpu.memory_space<hbm>>) target(%arg6 : memref<96xf32, #tpu.memory_space<vmem>>) target_semaphore(%arg38 : memref<!tpu.dma_semaphore, #tpu.memory_space<semaphore_mem>>)
        %dma_start3A_1662 = tpu.memref_slice %arg4[%add3A_1659] : memref<589824xf32, #tpu.memory_space<hbm>> -> memref<96xf32, #tpu.memory_space<hbm>>
        %dma_start3A_1663 = tpu.memref_slice %arg4[%add3A_1659] : memref<589824xf32, #tpu.memory_space<hbm>> -> memref<96xf32, #tpu.memory_space<hbm>>
        tpu.enqueue_dma source(%dma_start3A_1663 : memref<96xf32, #tpu.memory_space<hbm>>) target(%arg8 : memref<96xf32, #tpu.memory_space<vmem>>) target_semaphore(%arg38 : memref<!tpu.dma_semaphore, #tpu.memory_space<semaphore_mem>>)
      } else {
      }
      %dma_wait3A_1588 = arith.constant 0 : i32
      %dma_wait3A_1589 = arith.constant 0 : i32
      %dma_wait3A_1590 = tpu.memref_slice %arg2[%dma_wait3A_1588, %dma_wait3A_1589] : memref<589824x128xf32, #tpu.memory_space<hbm>> -> memref<589824x128xf32, #tpu.memory_space<hbm>>
      tpu.wait_indirect_dma semaphore(%arg36 : memref<!tpu.dma_semaphore, #tpu.memory_space<semaphore_mem>>) src(%dma_wait3A_1590 : memref<589824x128xf32, #tpu.memory_space<hbm>>) dst(%arg26 : memref<96x128xf32, #tpu.memory_space<vmem>>)
      %dma_wait3A_1591 = arith.constant 0 : i32
      %dma_wait3A_1592 = arith.constant 0 : i32
      %dma_wait3A_1593 = tpu.memref_slice %arg2[%dma_wait3A_1591, %dma_wait3A_1592] : memref<589824x128xf32, #tpu.memory_space<hbm>> -> memref<589824x128xf32, #tpu.memory_space<hbm>>
      tpu.wait_indirect_dma semaphore(%arg36 : memref<!tpu.dma_semaphore, #tpu.memory_space<semaphore_mem>>) src(%dma_wait3A_1593 : memref<589824x128xf32, #tpu.memory_space<hbm>>) dst(%arg28 : memref<96x128xf32, #tpu.memory_space<vmem>>)
      %dma_wait3A_1594 = arith.constant 0 : i32
      %dma_wait3A_1595 = arith.constant 0 : i32
      %dma_wait3A_1596 = tpu.memref_slice %arg2[%dma_wait3A_1594, %dma_wait3A_1595] : memref<589824x128xf32, #tpu.memory_space<hbm>> -> memref<589824x128xf32, #tpu.memory_space<hbm>>
      tpu.wait_indirect_dma semaphore(%arg36 : memref<!tpu.dma_semaphore, #tpu.memory_space<semaphore_mem>>) src(%dma_wait3A_1596 : memref<589824x128xf32, #tpu.memory_space<hbm>>) dst(%arg30 : memref<96x128xf32, #tpu.memory_space<vmem>>)
      %dma_wait3A_1597 = arith.constant 0 : i32
      %dma_wait3A_1598 = arith.constant 0 : i32
      %dma_wait3A_1599 = tpu.memref_slice %arg2[%dma_wait3A_1597, %dma_wait3A_1598] : memref<589824x128xf32, #tpu.memory_space<hbm>> -> memref<589824x128xf32, #tpu.memory_space<hbm>>
      tpu.wait_indirect_dma semaphore(%arg36 : memref<!tpu.dma_semaphore, #tpu.memory_space<semaphore_mem>>) src(%dma_wait3A_1599 : memref<589824x128xf32, #tpu.memory_space<hbm>>) dst(%arg32 : memref<96x128xf32, #tpu.memory_space<vmem>>)
      %ge3A = arith.constant 1 : i32
      %ge3A_1600 = arith.cmpi sge, %scan3A_809, %ge3A : i32
      %convert_element_type3A_1601 = arith.extui %ge3A_1600 : i1 to i32
      %cond3A_1602 = arith.constant 0 : i32
      %cond3A_1603 = arith.cmpi ne, %convert_element_type3A_1601, %cond3A_1602 : i32
      scf.if %cond3A_1603 {
        %sub3A_1655 = arith.constant 2 : i32
        %sub3A_1656 = arith.subi %mul3A_812, %sub3A_1655 : i32
        %mul3A_1657 = arith.constant 96 : i32
        %mul3A_1658 = arith.muli %sub3A_1656, %mul3A_1657 : i32
        %add3A_1659 = arith.addi %mul3A_18, %mul3A_1658 : i32
        %dma_wait3A_1660 = arith.constant 0 : i32
        %dma_wait3A_1661 = tpu.memref_slice %arg5[%add3A_1659, %dma_wait3A_1660] : memref<589824x96xf32, #tpu.memory_space<hbm>> -> memref<96x96xf32, #tpu.memory_space<hbm>>
        %dma_wait3A_1662 = arith.constant 0 : i32
        %dma_wait3A_1663 = tpu.memref_slice %arg5[%add3A_1659, %dma_wait3A_1662] : memref<589824x96xf32, #tpu.memory_space<hbm>> -> memref<96x96xf32, #tpu.memory_space<hbm>>
        tpu.wait_dma2 semaphore(%arg40 : memref<!tpu.dma_semaphore, #tpu.memory_space<semaphore_mem>>) src(%arg34 : memref<96x96xf32, #tpu.memory_space<vmem>>) dst(%dma_wait3A_1663 : memref<96x96xf32, #tpu.memory_space<hbm>>)
      } else {
      }
      %scan3A_1604 = arith.constant 0 : i32
      %scan3A_1605 = arith.constant 0 : i32
      %scan3A_1606 = arith.constant 6 : i32
      %scan3A_1607 = arith.addi %scan3A_1605, %scan3A_1606 : i32
      %scan3A_1608 = arith.constant 1 : i32
      %scan3A_1609 = scf.for %scan3A_1655 = %scan3A_1605 to %scan3A_1607 step %scan3A_1608 iter_args(%scan3A_1656 = %scan3A_1604) -> (i32)  : i32 {
        %mul3A_1657 = arith.constant 16 : i32
        %mul3A_1658 = arith.muli %scan3A_1655, %mul3A_1657 : i32
        %get3A_1659 = arith.index_cast %mul3A_1658 : i32 to index
        %get3A_1660 = tpu.vector_load %arg18[%get3A_1659] {strides = array<i32>} : memref<96xf32, #tpu.memory_space<vmem>>, vector<16xf32>,
        %get3A_1661 = vector.shape_cast %get3A_1660 : vector<16xf32> to vector<16xf32>
        %get3A_1662 = arith.index_cast %mul3A_1658 : i32 to index
        %get3A_1663 = tpu.vector_load %arg20[%get3A_1662] {strides = array<i32>} : memref<96xf32, #tpu.memory_space<vmem>>, vector<16xf32>,
        %get3A_1664 = vector.shape_cast %get3A_1663 : vector<16xf32> to vector<16xf32>
        %get3A_1665 = arith.index_cast %mul3A_1658 : i32 to index
        %get3A_1666 = tpu.vector_load %arg22[%get3A_1665] {strides = array<i32>} : memref<96xf32, #tpu.memory_space<vmem>>, vector<16xf32>,
        %get3A_1667 = vector.shape_cast %get3A_1666 : vector<16xf32> to vector<16xf32>
        %get3A_1668 = arith.index_cast %mul3A_1658 : i32 to index
        %get3A_1669 = tpu.vector_load %arg24[%get3A_1668] {strides = array<i32>} : memref<96xf32, #tpu.memory_space<vmem>>, vector<16xf32>,
        %get3A_1670 = vector.shape_cast %get3A_1669 : vector<16xf32> to vector<16xf32>
        %scan3A_1671 = arith.constant 0 : i32
        %scan3A_1672 = arith.constant 0 : i32
        %scan3A_1673 = arith.constant 16 : i32
        %scan3A_1674 = arith.addi %scan3A_1672, %scan3A_1673 : i32
        %scan3A_1675 = arith.constant 4 : i32
        %scan3A_1676 = scf.for %scan3A_1679 = %scan3A_1672 to %scan3A_1674 step %scan3A_1675 iter_args(%scan3A_1680 = %scan3A_1671) -> (i32)  : i32 {
          %mul3A_1681 = arith.constant 16 : i32
          %mul3A_1682 = arith.muli %scan3A_1655, %mul3A_1681 : i32
          %add3A_1683 = arith.addi %mul3A_1682, %scan3A_1679 : i32
          %broadcast_in_dim3A_1684 = arith.constant 0 : i32
          %broadcast_in_dim3A_1685 = vector.broadcast %broadcast_in_dim3A_1684 : i32 to vector<16xi32>
          %add3A_1686 = vector.broadcast %scan3A_1679 : i32 to vector<16xi32>
          %add3A_1687 = arith.addi %broadcast_in_dim3A_1685, %add3A_1686 : vector<16xi32>
          %broadcast_in_dim3A_1688 = vector.shape_cast %add3A_1687 : vector<16xi32> to vector<16x1xi32>
          %gather3A = vector.shape_cast %broadcast_in_dim3A_1688 : vector<16x1xi32> to vector<16xi32>
          %gather3A_1689 = tpu.dynamic_gather %get3A_1661[%gather3A] in [0] : vector<16xf32>, vector<16xi32> -> vector<16xf32>
          %broadcast_in_dim3A_1690 = vector.shape_cast %add3A_1687 : vector<16xi32> to vector<16x1xi32>
          %gather3A_1691 = vector.shape_cast %broadcast_in_dim3A_1690 : vector<16x1xi32> to vector<16xi32>
          %gather3A_1692 = tpu.dynamic_gather %get3A_1664[%gather3A_1691] in [0] : vector<16xf32>, vector<16xi32> -> vector<16xf32>
          %broadcast_in_dim3A_1693 = vector.shape_cast %add3A_1687 : vector<16xi32> to vector<16x1xi32>
          %gather3A_1694 = vector.shape_cast %broadcast_in_dim3A_1693 : vector<16x1xi32> to vector<16xi32>
          %gather3A_1695 = tpu.dynamic_gather %get3A_1667[%gather3A_1694] in [0] : vector<16xf32>, vector<16xi32> -> vector<16xf32>
          %broadcast_in_dim3A_1696 = vector.shape_cast %add3A_1687 : vector<16xi32> to vector<16x1xi32>
          %gather3A_1697 = vector.shape_cast %broadcast_in_dim3A_1696 : vector<16x1xi32> to vector<16xi32>
          %gather3A_1698 = tpu.dynamic_gather %get3A_1670[%gather3A_1697] in [0] : vector<16xf32>, vector<16xi32> -> vector<16xf32>
          %get3A_1699 = arith.index_cast %add3A_1683 : i32 to index
          %get3A_1700 = arith.constant 0 : index
          %get3A_1701 = tpu.vector_load %arg26[%get3A_1699, %get3A_1700] {strides = array<i32>} : memref<96x128xf32, #tpu.memory_space<vmem>>, vector<1x16xf32>,
          %get3A_1702 = vector.shape_cast %get3A_1701 : vector<1x16xf32> to vector<16xf32>
          %mul3A_1703 = arith.mulf %gather3A_1689, %get3A_1702 : vector<16xf32>
          %get3A_1704 = arith.index_cast %add3A_1683 : i32 to index
          %get3A_1705 = arith.constant 0 : index
          %get3A_1706 = tpu.vector_load %arg28[%get3A_1704, %get3A_1705] {strides = array<i32>} : memref<96x128xf32, #tpu.memory_space<vmem>>, vector<1x16xf32>,
          %get3A_1707 = vector.shape_cast %get3A_1706 : vector<1x16xf32> to vector<16xf32>
          %mul3A_1708 = arith.mulf %gather3A_1692, %get3A_1707 : vector<16xf32>
          %add3A_1709 = arith.addf %mul3A_1703, %mul3A_1708 : vector<16xf32>
          %get3A_1710 = arith.index_cast %add3A_1683 : i32 to index
          %get3A_1711 = arith.constant 0 : index
          %get3A_1712 = tpu.vector_load %arg30[%get3A_1710, %get3A_1711] {strides = array<i32>} : memref<96x128xf32, #tpu.memory_space<vmem>>, vector<1x16xf32>,
          %get3A_1713 = vector.shape_cast %get3A_1712 : vector<1x16xf32> to vector<16xf32>
          %mul3A_1714 = arith.mulf %gather3A_1695, %get3A_1713 : vector<16xf32>
          %add3A_1715 = arith.addf %add3A_1709, %mul3A_1714 : vector<16xf32>
          %get3A_1716 = arith.index_cast %add3A_1683 : i32 to index
          %get3A_1717 = arith.constant 0 : index
          %get3A_1718 = tpu.vector_load %arg32[%get3A_1716, %get3A_1717] {strides = array<i32>} : memref<96x128xf32, #tpu.memory_space<vmem>>, vector<1x16xf32>,
          %get3A_1719 = vector.shape_cast %get3A_1718 : vector<1x16xf32> to vector<16xf32>
          %mul3A_1720 = arith.mulf %gather3A_1698, %get3A_1719 : vector<16xf32>
          %add3A_1721 = arith.addf %add3A_1715, %mul3A_1720 : vector<16xf32>
          %swap3A_1722 = arith.index_cast %add3A_1683 : i32 to index
          %swap3A_1723 = arith.constant 0 : index
          %swap3A_1724 = tpu.vector_load %arg34[%swap3A_1722, %swap3A_1723] {strides = array<i32>} : memref<96x96xf32, #tpu.memory_space<vmem>>, vector<1x16xf32>,
          %swap3A_1725 = vector.shape_cast %swap3A_1724 : vector<1x16xf32> to vector<16xf32>
          %swap3A_1726 = vector.shape_cast %add3A_1721 : vector<16xf32> to vector<1x16xf32>
          tpu.vector_store %arg34[%swap3A_1722, %swap3A_1723], %swap3A_1726 {strides = array<i32>} : memref<96x96xf32, #tpu.memory_space<vmem>>, vector<1x16xf32>,
          %get3A_1727 = arith.index_cast %add3A_1683 : i32 to index
          %get3A_1728 = arith.constant 16 : index
          %get3A_1729 = tpu.vector_load %arg26[%get3A_1727, %get3A_1728] {strides = array<i32>} : memref<96x128xf32, #tpu.memory_space<vmem>>, vector<1x16xf32>,
          %get3A_1730 = vector.shape_cast %get3A_1729 : vector<1x16xf32> to vector<16xf32>
          %mul3A_1731 = arith.mulf %gather3A_1689, %get3A_1730 : vector<16xf32>
          %get3A_1732 = arith.index_cast %add3A_1683 : i32 to index
          %get3A_1733 = arith.constant 16 : index
          %get3A_1734 = tpu.vector_load %arg28[%get3A_1732, %get3A_1733] {strides = array<i32>} : memref<96x128xf32, #tpu.memory_space<vmem>>, vector<1x16xf32>,
          %get3A_1735 = vector.shape_cast %get3A_1734 : vector<1x16xf32> to vector<16xf32>
          %mul3A_1736 = arith.mulf %gather3A_1692, %get3A_1735 : vector<16xf32>
          %add3A_1737 = arith.addf %mul3A_1731, %mul3A_1736 : vector<16xf32>
          %get3A_1738 = arith.index_cast %add3A_1683 : i32 to index
          %get3A_1739 = arith.constant 16 : index
          %get3A_1740 = tpu.vector_load %arg30[%get3A_1738, %get3A_1739] {strides = array<i32>} : memref<96x128xf32, #tpu.memory_space<vmem>>, vector<1x16xf32>,
          %get3A_1741 = vector.shape_cast %get3A_1740 : vector<1x16xf32> to vector<16xf32>
          %mul3A_1742 = arith.mulf %gather3A_1695, %get3A_1741 : vector<16xf32>
          %add3A_1743 = arith.addf %add3A_1737, %mul3A_1742 : vector<16xf32>
          %get3A_1744 = arith.index_cast %add3A_1683 : i32 to index
          %get3A_1745 = arith.constant 16 : index
          %get3A_1746 = tpu.vector_load %arg32[%get3A_1744, %get3A_1745] {strides = array<i32>} : memref<96x128xf32, #tpu.memory_space<vmem>>, vector<1x16xf32>,
          %get3A_1747 = vector.shape_cast %get3A_1746 : vector<1x16xf32> to vector<16xf32>
          %mul3A_1748 = arith.mulf %gather3A_1698, %get3A_1747 : vector<16xf32>
          %add3A_1749 = arith.addf %add3A_1743, %mul3A_1748 : vector<16xf32>
          %swap3A_1750 = arith.index_cast %add3A_1683 : i32 to index
          %swap3A_1751 = arith.constant 16 : index
          %swap3A_1752 = tpu.vector_load %arg34[%swap3A_1750, %swap3A_1751] {strides = array<i32>} : memref<96x96xf32, #tpu.memory_space<vmem>>, vector<1x16xf32>,
          %swap3A_1753 = vector.shape_cast %swap3A_1752 : vector<1x16xf32> to vector<16xf32>
          %swap3A_1754 = vector.shape_cast %add3A_1749 : vector<16xf32> to vector<1x16xf32>
          tpu.vector_store %arg34[%swap3A_1750, %swap3A_1751], %swap3A_1754 {strides = array<i32>} : memref<96x96xf32, #tpu.memory_space<vmem>>, vector<1x16xf32>,
          %get3A_1755 = arith.index_cast %add3A_1683 : i32 to index
          %get3A_1756 = arith.constant 32 : index
          %get3A_1757 = tpu.vector_load %arg26[%get3A_1755, %get3A_1756] {strides = array<i32>} : memref<96x128xf32, #tpu.memory_space<vmem>>, vector<1x16xf32>,
          %get3A_1758 = vector.shape_cast %get3A_1757 : vector<1x16xf32> to vector<16xf32>
          %mul3A_1759 = arith.mulf %gather3A_1689, %get3A_1758 : vector<16xf32>
          %get3A_1760 = arith.index_cast %add3A_1683 : i32 to index
          %get3A_1761 = arith.constant 32 : index
          %get3A_1762 = tpu.vector_load %arg28[%get3A_1760, %get3A_1761] {strides = array<i32>} : memref<96x128xf32, #tpu.memory_space<vmem>>, vector<1x16xf32>,
          %get3A_1763 = vector.shape_cast %get3A_1762 : vector<1x16xf32> to vector<16xf32>
          %mul3A_1764 = arith.mulf %gather3A_1692, %get3A_1763 : vector<16xf32>
          %add3A_1765 = arith.addf %mul3A_1759, %mul3A_1764 : vector<16xf32>
          %get3A_1766 = arith.index_cast %add3A_1683 : i32 to index
          %get3A_1767 = arith.constant 32 : index
          %get3A_1768 = tpu.vector_load %arg30[%get3A_1766, %get3A_1767] {strides = array<i32>} : memref<96x128xf32, #tpu.memory_space<vmem>>, vector<1x16xf32>,
          %get3A_1769 = vector.shape_cast %get3A_1768 : vector<1x16xf32> to vector<16xf32>
          %mul3A_1770 = arith.mulf %gather3A_1695, %get3A_1769 : vector<16xf32>
          %add3A_1771 = arith.addf %add3A_1765, %mul3A_1770 : vector<16xf32>
          %get3A_1772 = arith.index_cast %add3A_1683 : i32 to index
          %get3A_1773 = arith.constant 32 : index
          %get3A_1774 = tpu.vector_load %arg32[%get3A_1772, %get3A_1773] {strides = array<i32>} : memref<96x128xf32, #tpu.memory_space<vmem>>, vector<1x16xf32>,
          %get3A_1775 = vector.shape_cast %get3A_1774 : vector<1x16xf32> to vector<16xf32>
          %mul3A_1776 = arith.mulf %gather3A_1698, %get3A_1775 : vector<16xf32>
          %add3A_1777 = arith.addf %add3A_1771, %mul3A_1776 : vector<16xf32>
          %swap3A_1778 = arith.index_cast %add3A_1683 : i32 to index
          %swap3A_1779 = arith.constant 32 : index
          %swap3A_1780 = tpu.vector_load %arg34[%swap3A_1778, %swap3A_1779] {strides = array<i32>} : memref<96x96xf32, #tpu.memory_space<vmem>>, vector<1x16xf32>,
          %swap3A_1781 = vector.shape_cast %swap3A_1780 : vector<1x16xf32> to vector<16xf32>
          %swap3A_1782 = vector.shape_cast %add3A_1777 : vector<16xf32> to vector<1x16xf32>
          tpu.vector_store %arg34[%swap3A_1778, %swap3A_1779], %swap3A_1782 {strides = array<i32>} : memref<96x96xf32, #tpu.memory_space<vmem>>, vector<1x16xf32>,
          %get3A_1783 = arith.index_cast %add3A_1683 : i32 to index
          %get3A_1784 = arith.constant 48 : index
          %get3A_1785 = tpu.vector_load %arg26[%get3A_1783, %get3A_1784] {strides = array<i32>} : memref<96x128xf32, #tpu.memory_space<vmem>>, vector<1x16xf32>,
          %get3A_1786 = vector.shape_cast %get3A_1785 : vector<1x16xf32> to vector<16xf32>
          %mul3A_1787 = arith.mulf %gather3A_1689, %get3A_1786 : vector<16xf32>
          %get3A_1788 = arith.index_cast %add3A_1683 : i32 to index
          %get3A_1789 = arith.constant 48 : index
          %get3A_1790 = tpu.vector_load %arg28[%get3A_1788, %get3A_1789] {strides = array<i32>} : memref<96x128xf32, #tpu.memory_space<vmem>>, vector<1x16xf32>,
          %get3A_1791 = vector.shape_cast %get3A_1790 : vector<1x16xf32> to vector<16xf32>
          %mul3A_1792 = arith.mulf %gather3A_1692, %get3A_1791 : vector<16xf32>
          %add3A_1793 = arith.addf %mul3A_1787, %mul3A_1792 : vector<16xf32>
          %get3A_1794 = arith.index_cast %add3A_1683 : i32 to index
          %get3A_1795 = arith.constant 48 : index
          %get3A_1796 = tpu.vector_load %arg30[%get3A_1794, %get3A_1795] {strides = array<i32>} : memref<96x128xf32, #tpu.memory_space<vmem>>, vector<1x16xf32>,
          %get3A_1797 = vector.shape_cast %get3A_1796 : vector<1x16xf32> to vector<16xf32>
          %mul3A_1798 = arith.mulf %gather3A_1695, %get3A_1797 : vector<16xf32>
          %add3A_1799 = arith.addf %add3A_1793, %mul3A_1798 : vector<16xf32>
          %get3A_1800 = arith.index_cast %add3A_1683 : i32 to index
          %get3A_1801 = arith.constant 48 : index
          %get3A_1802 = tpu.vector_load %arg32[%get3A_1800, %get3A_1801] {strides = array<i32>} : memref<96x128xf32, #tpu.memory_space<vmem>>, vector<1x16xf32>,
          %get3A_1803 = vector.shape_cast %get3A_1802 : vector<1x16xf32> to vector<16xf32>
          %mul3A_1804 = arith.mulf %gather3A_1698, %get3A_1803 : vector<16xf32>
          %add3A_1805 = arith.addf %add3A_1799, %mul3A_1804 : vector<16xf32>
          %swap3A_1806 = arith.index_cast %add3A_1683 : i32 to index
          %swap3A_1807 = arith.constant 48 : index
          %swap3A_1808 = tpu.vector_load %arg34[%swap3A_1806, %swap3A_1807] {strides = array<i32>} : memref<96x96xf32, #tpu.memory_space<vmem>>, vector<1x16xf32>,
          %swap3A_1809 = vector.shape_cast %swap3A_1808 : vector<1x16xf32> to vector<16xf32>
          %swap3A_1810 = vector.shape_cast %add3A_1805 : vector<16xf32> to vector<1x16xf32>
          tpu.vector_store %arg34[%swap3A_1806, %swap3A_1807], %swap3A_1810 {strides = array<i32>} : memref<96x96xf32, #tpu.memory_space<vmem>>, vector<1x16xf32>,
          %get3A_1811 = arith.index_cast %add3A_1683 : i32 to index
          %get3A_1812 = arith.constant 64 : index
          %get3A_1813 = tpu.vector_load %arg26[%get3A_1811, %get3A_1812] {strides = array<i32>} : memref<96x128xf32, #tpu.memory_space<vmem>>, vector<1x16xf32>,
          %get3A_1814 = vector.shape_cast %get3A_1813 : vector<1x16xf32> to vector<16xf32>
          %mul3A_1815 = arith.mulf %gather3A_1689, %get3A_1814 : vector<16xf32>
          %get3A_1816 = arith.index_cast %add3A_1683 : i32 to index
          %get3A_1817 = arith.constant 64 : index
          %get3A_1818 = tpu.vector_load %arg28[%get3A_1816, %get3A_1817] {strides = array<i32>} : memref<96x128xf32, #tpu.memory_space<vmem>>, vector<1x16xf32>,
          %get3A_1819 = vector.shape_cast %get3A_1818 : vector<1x16xf32> to vector<16xf32>
          %mul3A_1820 = arith.mulf %gather3A_1692, %get3A_1819 : vector<16xf32>
          %add3A_1821 = arith.addf %mul3A_1815, %mul3A_1820 : vector<16xf32>
          %get3A_1822 = arith.index_cast %add3A_1683 : i32 to index
          %get3A_1823 = arith.constant 64 : index
          %get3A_1824 = tpu.vector_load %arg30[%get3A_1822, %get3A_1823] {strides = array<i32>} : memref<96x128xf32, #tpu.memory_space<vmem>>, vector<1x16xf32>,
          %get3A_1825 = vector.shape_cast %get3A_1824 : vector<1x16xf32> to vector<16xf32>
          %mul3A_1826 = arith.mulf %gather3A_1695, %get3A_1825 : vector<16xf32>
          %add3A_1827 = arith.addf %add3A_1821, %mul3A_1826 : vector<16xf32>
          %get3A_1828 = arith.index_cast %add3A_1683 : i32 to index
          %get3A_1829 = arith.constant 64 : index
          %get3A_1830 = tpu.vector_load %arg32[%get3A_1828, %get3A_1829] {strides = array<i32>} : memref<96x128xf32, #tpu.memory_space<vmem>>, vector<1x16xf32>,
          %get3A_1831 = vector.shape_cast %get3A_1830 : vector<1x16xf32> to vector<16xf32>
          %mul3A_1832 = arith.mulf %gather3A_1698, %get3A_1831 : vector<16xf32>
          %add3A_1833 = arith.addf %add3A_1827, %mul3A_1832 : vector<16xf32>
          %swap3A_1834 = arith.index_cast %add3A_1683 : i32 to index
          %swap3A_1835 = arith.constant 64 : index
          %swap3A_1836 = tpu.vector_load %arg34[%swap3A_1834, %swap3A_1835] {strides = array<i32>} : memref<96x96xf32, #tpu.memory_space<vmem>>, vector<1x16xf32>,
          %swap3A_1837 = vector.shape_cast %swap3A_1836 : vector<1x16xf32> to vector<16xf32>
          %swap3A_1838 = vector.shape_cast %add3A_1833 : vector<16xf32> to vector<1x16xf32>
          tpu.vector_store %arg34[%swap3A_1834, %swap3A_1835], %swap3A_1838 {strides = array<i32>} : memref<96x96xf32, #tpu.memory_space<vmem>>, vector<1x16xf32>,
          %get3A_1839 = arith.index_cast %add3A_1683 : i32 to index
          %get3A_1840 = arith.constant 80 : index
          %get3A_1841 = tpu.vector_load %arg26[%get3A_1839, %get3A_1840] {strides = array<i32>} : memref<96x128xf32, #tpu.memory_space<vmem>>, vector<1x16xf32>,
          %get3A_1842 = vector.shape_cast %get3A_1841 : vector<1x16xf32> to vector<16xf32>
          %mul3A_1843 = arith.mulf %gather3A_1689, %get3A_1842 : vector<16xf32>
          %get3A_1844 = arith.index_cast %add3A_1683 : i32 to index
          %get3A_1845 = arith.constant 80 : index
          %get3A_1846 = tpu.vector_load %arg28[%get3A_1844, %get3A_1845] {strides = array<i32>} : memref<96x128xf32, #tpu.memory_space<vmem>>, vector<1x16xf32>,
          %get3A_1847 = vector.shape_cast %get3A_1846 : vector<1x16xf32> to vector<16xf32>
          %mul3A_1848 = arith.mulf %gather3A_1692, %get3A_1847 : vector<16xf32>
          %add3A_1849 = arith.addf %mul3A_1843, %mul3A_1848 : vector<16xf32>
          %get3A_1850 = arith.index_cast %add3A_1683 : i32 to index
          %get3A_1851 = arith.constant 80 : index
          %get3A_1852 = tpu.vector_load %arg30[%get3A_1850, %get3A_1851] {strides = array<i32>} : memref<96x128xf32, #tpu.memory_space<vmem>>, vector<1x16xf32>,
          %get3A_1853 = vector.shape_cast %get3A_1852 : vector<1x16xf32> to vector<16xf32>
          %mul3A_1854 = arith.mulf %gather3A_1695, %get3A_1853 : vector<16xf32>
          %add3A_1855 = arith.addf %add3A_1849, %mul3A_1854 : vector<16xf32>
          %get3A_1856 = arith.index_cast %add3A_1683 : i32 to index
          %get3A_1857 = arith.constant 80 : index
          %get3A_1858 = tpu.vector_load %arg32[%get3A_1856, %get3A_1857] {strides = array<i32>} : memref<96x128xf32, #tpu.memory_space<vmem>>, vector<1x16xf32>,
          %get3A_1859 = vector.shape_cast %get3A_1858 : vector<1x16xf32> to vector<16xf32>
          %mul3A_1860 = arith.mulf %gather3A_1698, %get3A_1859 : vector<16xf32>
          %add3A_1861 = arith.addf %add3A_1855, %mul3A_1860 : vector<16xf32>
          %swap3A_1862 = arith.index_cast %add3A_1683 : i32 to index
          %swap3A_1863 = arith.constant 80 : index
          %swap3A_1864 = tpu.vector_load %arg34[%swap3A_1862, %swap3A_1863] {strides = array<i32>} : memref<96x96xf32, #tpu.memory_space<vmem>>, vector<1x16xf32>,
          %swap3A_1865 = vector.shape_cast %swap3A_1864 : vector<1x16xf32> to vector<16xf32>
          %swap3A_1866 = vector.shape_cast %add3A_1861 : vector<16xf32> to vector<1x16xf32>
          tpu.vector_store %arg34[%swap3A_1862, %swap3A_1863], %swap3A_1866 {strides = array<i32>} : memref<96x96xf32, #tpu.memory_space<vmem>>, vector<1x16xf32>,
          %scan3A_1867 = arith.constant 0 : i32
          %scan3A_1868 = arith.constant 1 : i32
          %scan3A_1869 = arith.addi %scan3A_1679, %scan3A_1868 : i32
          %mul3A_1870 = arith.constant 16 : i32
          %mul3A_1871 = arith.muli %scan3A_1655, %mul3A_1870 : i32
          %add3A_1872 = arith.addi %mul3A_1871, %scan3A_1869 : i32
          %broadcast_in_dim3A_1873 = arith.constant 0 : i32
          %broadcast_in_dim3A_1874 = vector.broadcast %broadcast_in_dim3A_1873 : i32 to vector<16xi32>
          %add3A_1875 = vector.broadcast %scan3A_1869 : i32 to vector<16xi32>
          %add3A_1876 = arith.addi %broadcast_in_dim3A_1874, %add3A_1875 : vector<16xi32>
          %broadcast_in_dim3A_1877 = vector.shape_cast %add3A_1876 : vector<16xi32> to vector<16x1xi32>
          %gather3A_1878 = vector.shape_cast %broadcast_in_dim3A_1877 : vector<16x1xi32> to vector<16xi32>
          %gather3A_1879 = tpu.dynamic_gather %get3A_1661[%gather3A_1878] in [0] : vector<16xf32>, vector<16xi32> -> vector<16xf32>
          %broadcast_in_dim3A_1880 = vector.shape_cast %add3A_1876 : vector<16xi32> to vector<16x1xi32>
          %gather3A_1881 = vector.shape_cast %broadcast_in_dim3A_1880 : vector<16x1xi32> to vector<16xi32>
          %gather3A_1882 = tpu.dynamic_gather %get3A_1664[%gather3A_1881] in [0] : vector<16xf32>, vector<16xi32> -> vector<16xf32>
          %broadcast_in_dim3A_1883 = vector.shape_cast %add3A_1876 : vector<16xi32> to vector<16x1xi32>
          %gather3A_1884 = vector.shape_cast %broadcast_in_dim3A_1883 : vector<16x1xi32> to vector<16xi32>
          %gather3A_1885 = tpu.dynamic_gather %get3A_1667[%gather3A_1884] in [0] : vector<16xf32>, vector<16xi32> -> vector<16xf32>
          %broadcast_in_dim3A_1886 = vector.shape_cast %add3A_1876 : vector<16xi32> to vector<16x1xi32>
          %gather3A_1887 = vector.shape_cast %broadcast_in_dim3A_1886 : vector<16x1xi32> to vector<16xi32>
          %gather3A_1888 = tpu.dynamic_gather %get3A_1670[%gather3A_1887] in [0] : vector<16xf32>, vector<16xi32> -> vector<16xf32>
          %get3A_1889 = arith.index_cast %add3A_1872 : i32 to index
          %get3A_1890 = arith.constant 0 : index
          %get3A_1891 = tpu.vector_load %arg26[%get3A_1889, %get3A_1890] {strides = array<i32>} : memref<96x128xf32, #tpu.memory_space<vmem>>, vector<1x16xf32>,
          %get3A_1892 = vector.shape_cast %get3A_1891 : vector<1x16xf32> to vector<16xf32>
          %mul3A_1893 = arith.mulf %gather3A_1879, %get3A_1892 : vector<16xf32>
          %get3A_1894 = arith.index_cast %add3A_1872 : i32 to index
          %get3A_1895 = arith.constant 0 : index
          %get3A_1896 = tpu.vector_load %arg28[%get3A_1894, %get3A_1895] {strides = array<i32>} : memref<96x128xf32, #tpu.memory_space<vmem>>, vector<1x16xf32>,
          %get3A_1897 = vector.shape_cast %get3A_1896 : vector<1x16xf32> to vector<16xf32>
          %mul3A_1898 = arith.mulf %gather3A_1882, %get3A_1897 : vector<16xf32>
          %add3A_1899 = arith.addf %mul3A_1893, %mul3A_1898 : vector<16xf32>
          %get3A_1900 = arith.index_cast %add3A_1872 : i32 to index
          %get3A_1901 = arith.constant 0 : index
          %get3A_1902 = tpu.vector_load %arg30[%get3A_1900, %get3A_1901] {strides = array<i32>} : memref<96x128xf32, #tpu.memory_space<vmem>>, vector<1x16xf32>,
          %get3A_1903 = vector.shape_cast %get3A_1902 : vector<1x16xf32> to vector<16xf32>
          %mul3A_1904 = arith.mulf %gather3A_1885, %get3A_1903 : vector<16xf32>
          %add3A_1905 = arith.addf %add3A_1899, %mul3A_1904 : vector<16xf32>
          %get3A_1906 = arith.index_cast %add3A_1872 : i32 to index
          %get3A_1907 = arith.constant 0 : index
          %get3A_1908 = tpu.vector_load %arg32[%get3A_1906, %get3A_1907] {strides = array<i32>} : memref<96x128xf32, #tpu.memory_space<vmem>>, vector<1x16xf32>,
          %get3A_1909 = vector.shape_cast %get3A_1908 : vector<1x16xf32> to vector<16xf32>
          %mul3A_1910 = arith.mulf %gather3A_1888, %get3A_1909 : vector<16xf32>
          %add3A_1911 = arith.addf %add3A_1905, %mul3A_1910 : vector<16xf32>
          %swap3A_1912 = arith.index_cast %add3A_1872 : i32 to index
          %swap3A_1913 = arith.constant 0 : index
          %swap3A_1914 = tpu.vector_load %arg34[%swap3A_1912, %swap3A_1913] {strides = array<i32>} : memref<96x96xf32, #tpu.memory_space<vmem>>, vector<1x16xf32>,
          %swap3A_1915 = vector.shape_cast %swap3A_1914 : vector<1x16xf32> to vector<16xf32>
          %swap3A_1916 = vector.shape_cast %add3A_1911 : vector<16xf32> to vector<1x16xf32>
          tpu.vector_store %arg34[%swap3A_1912, %swap3A_1913], %swap3A_1916 {strides = array<i32>} : memref<96x96xf32, #tpu.memory_space<vmem>>, vector<1x16xf32>,
          %get3A_1917 = arith.index_cast %add3A_1872 : i32 to index
          %get3A_1918 = arith.constant 16 : index
          %get3A_1919 = tpu.vector_load %arg26[%get3A_1917, %get3A_1918] {strides = array<i32>} : memref<96x128xf32, #tpu.memory_space<vmem>>, vector<1x16xf32>,
          %get3A_1920 = vector.shape_cast %get3A_1919 : vector<1x16xf32> to vector<16xf32>
          %mul3A_1921 = arith.mulf %gather3A_1879, %get3A_1920 : vector<16xf32>
          %get3A_1922 = arith.index_cast %add3A_1872 : i32 to index
          %get3A_1923 = arith.constant 16 : index
          %get3A_1924 = tpu.vector_load %arg28[%get3A_1922, %get3A_1923] {strides = array<i32>} : memref<96x128xf32, #tpu.memory_space<vmem>>, vector<1x16xf32>,
          %get3A_1925 = vector.shape_cast %get3A_1924 : vector<1x16xf32> to vector<16xf32>
          %mul3A_1926 = arith.mulf %gather3A_1882, %get3A_1925 : vector<16xf32>
          %add3A_1927 = arith.addf %mul3A_1921, %mul3A_1926 : vector<16xf32>
          %get3A_1928 = arith.index_cast %add3A_1872 : i32 to index
          %get3A_1929 = arith.constant 16 : index
          %get3A_1930 = tpu.vector_load %arg30[%get3A_1928, %get3A_1929] {strides = array<i32>} : memref<96x128xf32, #tpu.memory_space<vmem>>, vector<1x16xf32>,
          %get3A_1931 = vector.shape_cast %get3A_1930 : vector<1x16xf32> to vector<16xf32>
          %mul3A_1932 = arith.mulf %gather3A_1885, %get3A_1931 : vector<16xf32>
          %add3A_1933 = arith.addf %add3A_1927, %mul3A_1932 : vector<16xf32>
          %get3A_1934 = arith.index_cast %add3A_1872 : i32 to index
          %get3A_1935 = arith.constant 16 : index
          %get3A_1936 = tpu.vector_load %arg32[%get3A_1934, %get3A_1935] {strides = array<i32>} : memref<96x128xf32, #tpu.memory_space<vmem>>, vector<1x16xf32>,
          %get3A_1937 = vector.shape_cast %get3A_1936 : vector<1x16xf32> to vector<16xf32>
          %mul3A_1938 = arith.mulf %gather3A_1888, %get3A_1937 : vector<16xf32>
          %add3A_1939 = arith.addf %add3A_1933, %mul3A_1938 : vector<16xf32>
          %swap3A_1940 = arith.index_cast %add3A_1872 : i32 to index
          %swap3A_1941 = arith.constant 16 : index
          %swap3A_1942 = tpu.vector_load %arg34[%swap3A_1940, %swap3A_1941] {strides = array<i32>} : memref<96x96xf32, #tpu.memory_space<vmem>>, vector<1x16xf32>,
          %swap3A_1943 = vector.shape_cast %swap3A_1942 : vector<1x16xf32> to vector<16xf32>
          %swap3A_1944 = vector.shape_cast %add3A_1939 : vector<16xf32> to vector<1x16xf32>
          tpu.vector_store %arg34[%swap3A_1940, %swap3A_1941], %swap3A_1944 {strides = array<i32>} : memref<96x96xf32, #tpu.memory_space<vmem>>, vector<1x16xf32>,
          %get3A_1945 = arith.index_cast %add3A_1872 : i32 to index
          %get3A_1946 = arith.constant 32 : index
          %get3A_1947 = tpu.vector_load %arg26[%get3A_1945, %get3A_1946] {strides = array<i32>} : memref<96x128xf32, #tpu.memory_space<vmem>>, vector<1x16xf32>,
          %get3A_1948 = vector.shape_cast %get3A_1947 : vector<1x16xf32> to vector<16xf32>
          %mul3A_1949 = arith.mulf %gather3A_1879, %get3A_1948 : vector<16xf32>
          %get3A_1950 = arith.index_cast %add3A_1872 : i32 to index
          %get3A_1951 = arith.constant 32 : index
          %get3A_1952 = tpu.vector_load %arg28[%get3A_1950, %get3A_1951] {strides = array<i32>} : memref<96x128xf32, #tpu.memory_space<vmem>>, vector<1x16xf32>,
          %get3A_1953 = vector.shape_cast %get3A_1952 : vector<1x16xf32> to vector<16xf32>
          %mul3A_1954 = arith.mulf %gather3A_1882, %get3A_1953 : vector<16xf32>
          %add3A_1955 = arith.addf %mul3A_1949, %mul3A_1954 : vector<16xf32>
          %get3A_1956 = arith.index_cast %add3A_1872 : i32 to index
          %get3A_1957 = arith.constant 32 : index
          %get3A_1958 = tpu.vector_load %arg30[%get3A_1956, %get3A_1957] {strides = array<i32>} : memref<96x128xf32, #tpu.memory_space<vmem>>, vector<1x16xf32>,
          %get3A_1959 = vector.shape_cast %get3A_1958 : vector<1x16xf32> to vector<16xf32>
          %mul3A_1960 = arith.mulf %gather3A_1885, %get3A_1959 : vector<16xf32>
          %add3A_1961 = arith.addf %add3A_1955, %mul3A_1960 : vector<16xf32>
          %get3A_1962 = arith.index_cast %add3A_1872 : i32 to index
          %get3A_1963 = arith.constant 32 : index
          %get3A_1964 = tpu.vector_load %arg32[%get3A_1962, %get3A_1963] {strides = array<i32>} : memref<96x128xf32, #tpu.memory_space<vmem>>, vector<1x16xf32>,
          %get3A_1965 = vector.shape_cast %get3A_1964 : vector<1x16xf32> to vector<16xf32>
          %mul3A_1966 = arith.mulf %gather3A_1888, %get3A_1965 : vector<16xf32>
          %add3A_1967 = arith.addf %add3A_1961, %mul3A_1966 : vector<16xf32>
          %swap3A_1968 = arith.index_cast %add3A_1872 : i32 to index
          %swap3A_1969 = arith.constant 32 : index
          %swap3A_1970 = tpu.vector_load %arg34[%swap3A_1968, %swap3A_1969] {strides = array<i32>} : memref<96x96xf32, #tpu.memory_space<vmem>>, vector<1x16xf32>,
          %swap3A_1971 = vector.shape_cast %swap3A_1970 : vector<1x16xf32> to vector<16xf32>
          %swap3A_1972 = vector.shape_cast %add3A_1967 : vector<16xf32> to vector<1x16xf32>
          tpu.vector_store %arg34[%swap3A_1968, %swap3A_1969], %swap3A_1972 {strides = array<i32>} : memref<96x96xf32, #tpu.memory_space<vmem>>, vector<1x16xf32>,
          %get3A_1973 = arith.index_cast %add3A_1872 : i32 to index
          %get3A_1974 = arith.constant 48 : index
          %get3A_1975 = tpu.vector_load %arg26[%get3A_1973, %get3A_1974] {strides = array<i32>} : memref<96x128xf32, #tpu.memory_space<vmem>>, vector<1x16xf32>,
          %get3A_1976 = vector.shape_cast %get3A_1975 : vector<1x16xf32> to vector<16xf32>
          %mul3A_1977 = arith.mulf %gather3A_1879, %get3A_1976 : vector<16xf32>
          %get3A_1978 = arith.index_cast %add3A_1872 : i32 to index
          %get3A_1979 = arith.constant 48 : index
          %get3A_1980 = tpu.vector_load %arg28[%get3A_1978, %get3A_1979] {strides = array<i32>} : memref<96x128xf32, #tpu.memory_space<vmem>>, vector<1x16xf32>,
          %get3A_1981 = vector.shape_cast %get3A_1980 : vector<1x16xf32> to vector<16xf32>
          %mul3A_1982 = arith.mulf %gather3A_1882, %get3A_1981 : vector<16xf32>
          %add3A_1983 = arith.addf %mul3A_1977, %mul3A_1982 : vector<16xf32>
          %get3A_1984 = arith.index_cast %add3A_1872 : i32 to index
          %get3A_1985 = arith.constant 48 : index
          %get3A_1986 = tpu.vector_load %arg30[%get3A_1984, %get3A_1985] {strides = array<i32>} : memref<96x128xf32, #tpu.memory_space<vmem>>, vector<1x16xf32>,
          %get3A_1987 = vector.shape_cast %get3A_1986 : vector<1x16xf32> to vector<16xf32>
          %mul3A_1988 = arith.mulf %gather3A_1885, %get3A_1987 : vector<16xf32>
          %add3A_1989 = arith.addf %add3A_1983, %mul3A_1988 : vector<16xf32>
          %get3A_1990 = arith.index_cast %add3A_1872 : i32 to index
          %get3A_1991 = arith.constant 48 : index
          %get3A_1992 = tpu.vector_load %arg32[%get3A_1990, %get3A_1991] {strides = array<i32>} : memref<96x128xf32, #tpu.memory_space<vmem>>, vector<1x16xf32>,
          %get3A_1993 = vector.shape_cast %get3A_1992 : vector<1x16xf32> to vector<16xf32>
          %mul3A_1994 = arith.mulf %gather3A_1888, %get3A_1993 : vector<16xf32>
          %add3A_1995 = arith.addf %add3A_1989, %mul3A_1994 : vector<16xf32>
          %swap3A_1996 = arith.index_cast %add3A_1872 : i32 to index
          %swap3A_1997 = arith.constant 48 : index
          %swap3A_1998 = tpu.vector_load %arg34[%swap3A_1996, %swap3A_1997] {strides = array<i32>} : memref<96x96xf32, #tpu.memory_space<vmem>>, vector<1x16xf32>,
          %swap3A_1999 = vector.shape_cast %swap3A_1998 : vector<1x16xf32> to vector<16xf32>
          %swap3A_2000 = vector.shape_cast %add3A_1995 : vector<16xf32> to vector<1x16xf32>
          tpu.vector_store %arg34[%swap3A_1996, %swap3A_1997], %swap3A_2000 {strides = array<i32>} : memref<96x96xf32, #tpu.memory_space<vmem>>, vector<1x16xf32>,
          %get3A_2001 = arith.index_cast %add3A_1872 : i32 to index
          %get3A_2002 = arith.constant 64 : index
          %get3A_2003 = tpu.vector_load %arg26[%get3A_2001, %get3A_2002] {strides = array<i32>} : memref<96x128xf32, #tpu.memory_space<vmem>>, vector<1x16xf32>,
          %get3A_2004 = vector.shape_cast %get3A_2003 : vector<1x16xf32> to vector<16xf32>
          %mul3A_2005 = arith.mulf %gather3A_1879, %get3A_2004 : vector<16xf32>
          %get3A_2006 = arith.index_cast %add3A_1872 : i32 to index
          %get3A_2007 = arith.constant 64 : index
          %get3A_2008 = tpu.vector_load %arg28[%get3A_2006, %get3A_2007] {strides = array<i32>} : memref<96x128xf32, #tpu.memory_space<vmem>>, vector<1x16xf32>,
          %get3A_2009 = vector.shape_cast %get3A_2008 : vector<1x16xf32> to vector<16xf32>
          %mul3A_2010 = arith.mulf %gather3A_1882, %get3A_2009 : vector<16xf32>
          %add3A_2011 = arith.addf %mul3A_2005, %mul3A_2010 : vector<16xf32>
          %get3A_2012 = arith.index_cast %add3A_1872 : i32 to index
          %get3A_2013 = arith.constant 64 : index
          %get3A_2014 = tpu.vector_load %arg30[%get3A_2012, %get3A_2013] {strides = array<i32>} : memref<96x128xf32, #tpu.memory_space<vmem>>, vector<1x16xf32>,
          %get3A_2015 = vector.shape_cast %get3A_2014 : vector<1x16xf32> to vector<16xf32>
          %mul3A_2016 = arith.mulf %gather3A_1885, %get3A_2015 : vector<16xf32>
          %add3A_2017 = arith.addf %add3A_2011, %mul3A_2016 : vector<16xf32>
          %get3A_2018 = arith.index_cast %add3A_1872 : i32 to index
          %get3A_2019 = arith.constant 64 : index
          %get3A_2020 = tpu.vector_load %arg32[%get3A_2018, %get3A_2019] {strides = array<i32>} : memref<96x128xf32, #tpu.memory_space<vmem>>, vector<1x16xf32>,
          %get3A_2021 = vector.shape_cast %get3A_2020 : vector<1x16xf32> to vector<16xf32>
          %mul3A_2022 = arith.mulf %gather3A_1888, %get3A_2021 : vector<16xf32>
          %add3A_2023 = arith.addf %add3A_2017, %mul3A_2022 : vector<16xf32>
          %swap3A_2024 = arith.index_cast %add3A_1872 : i32 to index
          %swap3A_2025 = arith.constant 64 : index
          %swap3A_2026 = tpu.vector_load %arg34[%swap3A_2024, %swap3A_2025] {strides = array<i32>} : memref<96x96xf32, #tpu.memory_space<vmem>>, vector<1x16xf32>,
          %swap3A_2027 = vector.shape_cast %swap3A_2026 : vector<1x16xf32> to vector<16xf32>
          %swap3A_2028 = vector.shape_cast %add3A_2023 : vector<16xf32> to vector<1x16xf32>
          tpu.vector_store %arg34[%swap3A_2024, %swap3A_2025], %swap3A_2028 {strides = array<i32>} : memref<96x96xf32, #tpu.memory_space<vmem>>, vector<1x16xf32>,
          %get3A_2029 = arith.index_cast %add3A_1872 : i32 to index
          %get3A_2030 = arith.constant 80 : index
          %get3A_2031 = tpu.vector_load %arg26[%get3A_2029, %get3A_2030] {strides = array<i32>} : memref<96x128xf32, #tpu.memory_space<vmem>>, vector<1x16xf32>,
          %get3A_2032 = vector.shape_cast %get3A_2031 : vector<1x16xf32> to vector<16xf32>
          %mul3A_2033 = arith.mulf %gather3A_1879, %get3A_2032 : vector<16xf32>
          %get3A_2034 = arith.index_cast %add3A_1872 : i32 to index
          %get3A_2035 = arith.constant 80 : index
          %get3A_2036 = tpu.vector_load %arg28[%get3A_2034, %get3A_2035] {strides = array<i32>} : memref<96x128xf32, #tpu.memory_space<vmem>>, vector<1x16xf32>,
          %get3A_2037 = vector.shape_cast %get3A_2036 : vector<1x16xf32> to vector<16xf32>
          %mul3A_2038 = arith.mulf %gather3A_1882, %get3A_2037 : vector<16xf32>
          %add3A_2039 = arith.addf %mul3A_2033, %mul3A_2038 : vector<16xf32>
          %get3A_2040 = arith.index_cast %add3A_1872 : i32 to index
          %get3A_2041 = arith.constant 80 : index
          %get3A_2042 = tpu.vector_load %arg30[%get3A_2040, %get3A_2041] {strides = array<i32>} : memref<96x128xf32, #tpu.memory_space<vmem>>, vector<1x16xf32>,
          %get3A_2043 = vector.shape_cast %get3A_2042 : vector<1x16xf32> to vector<16xf32>
          %mul3A_2044 = arith.mulf %gather3A_1885, %get3A_2043 : vector<16xf32>
          %add3A_2045 = arith.addf %add3A_2039, %mul3A_2044 : vector<16xf32>
          %get3A_2046 = arith.index_cast %add3A_1872 : i32 to index
          %get3A_2047 = arith.constant 80 : index
          %get3A_2048 = tpu.vector_load %arg32[%get3A_2046, %get3A_2047] {strides = array<i32>} : memref<96x128xf32, #tpu.memory_space<vmem>>, vector<1x16xf32>,
          %get3A_2049 = vector.shape_cast %get3A_2048 : vector<1x16xf32> to vector<16xf32>
          %mul3A_2050 = arith.mulf %gather3A_1888, %get3A_2049 : vector<16xf32>
          %add3A_2051 = arith.addf %add3A_2045, %mul3A_2050 : vector<16xf32>
          %swap3A_2052 = arith.index_cast %add3A_1872 : i32 to index
          %swap3A_2053 = arith.constant 80 : index
          %swap3A_2054 = tpu.vector_load %arg34[%swap3A_2052, %swap3A_2053] {strides = array<i32>} : memref<96x96xf32, #tpu.memory_space<vmem>>, vector<1x16xf32>,
          %swap3A_2055 = vector.shape_cast %swap3A_2054 : vector<1x16xf32> to vector<16xf32>
          %swap3A_2056 = vector.shape_cast %add3A_2051 : vector<16xf32> to vector<1x16xf32>
          tpu.vector_store %arg34[%swap3A_2052, %swap3A_2053], %swap3A_2056 {strides = array<i32>} : memref<96x96xf32, #tpu.memory_space<vmem>>, vector<1x16xf32>,
          %scan3A_2057 = arith.constant 0 : i32
          %scan3A_2058 = arith.constant 2 : i32
          %scan3A_2059 = arith.addi %scan3A_1679, %scan3A_2058 : i32
          %mul3A_2060 = arith.constant 16 : i32
          %mul3A_2061 = arith.muli %scan3A_1655, %mul3A_2060 : i32
          %add3A_2062 = arith.addi %mul3A_2061, %scan3A_2059 : i32
          %broadcast_in_dim3A_2063 = arith.constant 0 : i32
          %broadcast_in_dim3A_2064 = vector.broadcast %broadcast_in_dim3A_2063 : i32 to vector<16xi32>
          %add3A_2065 = vector.broadcast %scan3A_2059 : i32 to vector<16xi32>
          %add3A_2066 = arith.addi %broadcast_in_dim3A_2064, %add3A_2065 : vector<16xi32>
          %broadcast_in_dim3A_2067 = vector.shape_cast %add3A_2066 : vector<16xi32> to vector<16x1xi32>
          %gather3A_2068 = vector.shape_cast %broadcast_in_dim3A_2067 : vector<16x1xi32> to vector<16xi32>
          %gather3A_2069 = tpu.dynamic_gather %get3A_1661[%gather3A_2068] in [0] : vector<16xf32>, vector<16xi32> -> vector<16xf32>
          %broadcast_in_dim3A_2070 = vector.shape_cast %add3A_2066 : vector<16xi32> to vector<16x1xi32>
          %gather3A_2071 = vector.shape_cast %broadcast_in_dim3A_2070 : vector<16x1xi32> to vector<16xi32>
          %gather3A_2072 = tpu.dynamic_gather %get3A_1664[%gather3A_2071] in [0] : vector<16xf32>, vector<16xi32> -> vector<16xf32>
          %broadcast_in_dim3A_2073 = vector.shape_cast %add3A_2066 : vector<16xi32> to vector<16x1xi32>
          %gather3A_2074 = vector.shape_cast %broadcast_in_dim3A_2073 : vector<16x1xi32> to vector<16xi32>
          %gather3A_2075 = tpu.dynamic_gather %get3A_1667[%gather3A_2074] in [0] : vector<16xf32>, vector<16xi32> -> vector<16xf32>
          %broadcast_in_dim3A_2076 = vector.shape_cast %add3A_2066 : vector<16xi32> to vector<16x1xi32>
          %gather3A_2077 = vector.shape_cast %broadcast_in_dim3A_2076 : vector<16x1xi32> to vector<16xi32>
          %gather3A_2078 = tpu.dynamic_gather %get3A_1670[%gather3A_2077] in [0] : vector<16xf32>, vector<16xi32> -> vector<16xf32>
          %get3A_2079 = arith.index_cast %add3A_2062 : i32 to index
          %get3A_2080 = arith.constant 0 : index
          %get3A_2081 = tpu.vector_load %arg26[%get3A_2079, %get3A_2080] {strides = array<i32>} : memref<96x128xf32, #tpu.memory_space<vmem>>, vector<1x16xf32>,
          %get3A_2082 = vector.shape_cast %get3A_2081 : vector<1x16xf32> to vector<16xf32>
          %mul3A_2083 = arith.mulf %gather3A_2069, %get3A_2082 : vector<16xf32>
          %get3A_2084 = arith.index_cast %add3A_2062 : i32 to index
          %get3A_2085 = arith.constant 0 : index
          %get3A_2086 = tpu.vector_load %arg28[%get3A_2084, %get3A_2085] {strides = array<i32>} : memref<96x128xf32, #tpu.memory_space<vmem>>, vector<1x16xf32>,
          %get3A_2087 = vector.shape_cast %get3A_2086 : vector<1x16xf32> to vector<16xf32>
          %mul3A_2088 = arith.mulf %gather3A_2072, %get3A_2087 : vector<16xf32>
          %add3A_2089 = arith.addf %mul3A_2083, %mul3A_2088 : vector<16xf32>
          %get3A_2090 = arith.index_cast %add3A_2062 : i32 to index
          %get3A_2091 = arith.constant 0 : index
          %get3A_2092 = tpu.vector_load %arg30[%get3A_2090, %get3A_2091] {strides = array<i32>} : memref<96x128xf32, #tpu.memory_space<vmem>>, vector<1x16xf32>,
          %get3A_2093 = vector.shape_cast %get3A_2092 : vector<1x16xf32> to vector<16xf32>
          %mul3A_2094 = arith.mulf %gather3A_2075, %get3A_2093 : vector<16xf32>
          %add3A_2095 = arith.addf %add3A_2089, %mul3A_2094 : vector<16xf32>
          %get3A_2096 = arith.index_cast %add3A_2062 : i32 to index
          %get3A_2097 = arith.constant 0 : index
          %get3A_2098 = tpu.vector_load %arg32[%get3A_2096, %get3A_2097] {strides = array<i32>} : memref<96x128xf32, #tpu.memory_space<vmem>>, vector<1x16xf32>,
          %get3A_2099 = vector.shape_cast %get3A_2098 : vector<1x16xf32> to vector<16xf32>
          %mul3A_2100 = arith.mulf %gather3A_2078, %get3A_2099 : vector<16xf32>
          %add3A_2101 = arith.addf %add3A_2095, %mul3A_2100 : vector<16xf32>
          %swap3A_2102 = arith.index_cast %add3A_2062 : i32 to index
          %swap3A_2103 = arith.constant 0 : index
          %swap3A_2104 = tpu.vector_load %arg34[%swap3A_2102, %swap3A_2103] {strides = array<i32>} : memref<96x96xf32, #tpu.memory_space<vmem>>, vector<1x16xf32>,
          %swap3A_2105 = vector.shape_cast %swap3A_2104 : vector<1x16xf32> to vector<16xf32>
          %swap3A_2106 = vector.shape_cast %add3A_2101 : vector<16xf32> to vector<1x16xf32>
          tpu.vector_store %arg34[%swap3A_2102, %swap3A_2103], %swap3A_2106 {strides = array<i32>} : memref<96x96xf32, #tpu.memory_space<vmem>>, vector<1x16xf32>,
          %get3A_2107 = arith.index_cast %add3A_2062 : i32 to index
          %get3A_2108 = arith.constant 16 : index
          %get3A_2109 = tpu.vector_load %arg26[%get3A_2107, %get3A_2108] {strides = array<i32>} : memref<96x128xf32, #tpu.memory_space<vmem>>, vector<1x16xf32>,
          %get3A_2110 = vector.shape_cast %get3A_2109 : vector<1x16xf32> to vector<16xf32>
          %mul3A_2111 = arith.mulf %gather3A_2069, %get3A_2110 : vector<16xf32>
          %get3A_2112 = arith.index_cast %add3A_2062 : i32 to index
          %get3A_2113 = arith.constant 16 : index
          %get3A_2114 = tpu.vector_load %arg28[%get3A_2112, %get3A_2113] {strides = array<i32>} : memref<96x128xf32, #tpu.memory_space<vmem>>, vector<1x16xf32>,
          %get3A_2115 = vector.shape_cast %get3A_2114 : vector<1x16xf32> to vector<16xf32>
          %mul3A_2116 = arith.mulf %gather3A_2072, %get3A_2115 : vector<16xf32>
          %add3A_2117 = arith.addf %mul3A_2111, %mul3A_2116 : vector<16xf32>
          %get3A_2118 = arith.index_cast %add3A_2062 : i32 to index
          %get3A_2119 = arith.constant 16 : index
          %get3A_2120 = tpu.vector_load %arg30[%get3A_2118, %get3A_2119] {strides = array<i32>} : memref<96x128xf32, #tpu.memory_space<vmem>>, vector<1x16xf32>,
          %get3A_2121 = vector.shape_cast %get3A_2120 : vector<1x16xf32> to vector<16xf32>
          %mul3A_2122 = arith.mulf %gather3A_2075, %get3A_2121 : vector<16xf32>
          %add3A_2123 = arith.addf %add3A_2117, %mul3A_2122 : vector<16xf32>
          %get3A_2124 = arith.index_cast %add3A_2062 : i32 to index
          %get3A_2125 = arith.constant 16 : index
          %get3A_2126 = tpu.vector_load %arg32[%get3A_2124, %get3A_2125] {strides = array<i32>} : memref<96x128xf32, #tpu.memory_space<vmem>>, vector<1x16xf32>,
          %get3A_2127 = vector.shape_cast %get3A_2126 : vector<1x16xf32> to vector<16xf32>
          %mul3A_2128 = arith.mulf %gather3A_2078, %get3A_2127 : vector<16xf32>
          %add3A_2129 = arith.addf %add3A_2123, %mul3A_2128 : vector<16xf32>
          %swap3A_2130 = arith.index_cast %add3A_2062 : i32 to index
          %swap3A_2131 = arith.constant 16 : index
          %swap3A_2132 = tpu.vector_load %arg34[%swap3A_2130, %swap3A_2131] {strides = array<i32>} : memref<96x96xf32, #tpu.memory_space<vmem>>, vector<1x16xf32>,
          %swap3A_2133 = vector.shape_cast %swap3A_2132 : vector<1x16xf32> to vector<16xf32>
          %swap3A_2134 = vector.shape_cast %add3A_2129 : vector<16xf32> to vector<1x16xf32>
          tpu.vector_store %arg34[%swap3A_2130, %swap3A_2131], %swap3A_2134 {strides = array<i32>} : memref<96x96xf32, #tpu.memory_space<vmem>>, vector<1x16xf32>,
          %get3A_2135 = arith.index_cast %add3A_2062 : i32 to index
          %get3A_2136 = arith.constant 32 : index
          %get3A_2137 = tpu.vector_load %arg26[%get3A_2135, %get3A_2136] {strides = array<i32>} : memref<96x128xf32, #tpu.memory_space<vmem>>, vector<1x16xf32>,
          %get3A_2138 = vector.shape_cast %get3A_2137 : vector<1x16xf32> to vector<16xf32>
          %mul3A_2139 = arith.mulf %gather3A_2069, %get3A_2138 : vector<16xf32>
          %get3A_2140 = arith.index_cast %add3A_2062 : i32 to index
          %get3A_2141 = arith.constant 32 : index
          %get3A_2142 = tpu.vector_load %arg28[%get3A_2140, %get3A_2141] {strides = array<i32>} : memref<96x128xf32, #tpu.memory_space<vmem>>, vector<1x16xf32>,
          %get3A_2143 = vector.shape_cast %get3A_2142 : vector<1x16xf32> to vector<16xf32>
          %mul3A_2144 = arith.mulf %gather3A_2072, %get3A_2143 : vector<16xf32>
          %add3A_2145 = arith.addf %mul3A_2139, %mul3A_2144 : vector<16xf32>
          %get3A_2146 = arith.index_cast %add3A_2062 : i32 to index
          %get3A_2147 = arith.constant 32 : index
          %get3A_2148 = tpu.vector_load %arg30[%get3A_2146, %get3A_2147] {strides = array<i32>} : memref<96x128xf32, #tpu.memory_space<vmem>>, vector<1x16xf32>,
          %get3A_2149 = vector.shape_cast %get3A_2148 : vector<1x16xf32> to vector<16xf32>
          %mul3A_2150 = arith.mulf %gather3A_2075, %get3A_2149 : vector<16xf32>
          %add3A_2151 = arith.addf %add3A_2145, %mul3A_2150 : vector<16xf32>
          %get3A_2152 = arith.index_cast %add3A_2062 : i32 to index
          %get3A_2153 = arith.constant 32 : index
          %get3A_2154 = tpu.vector_load %arg32[%get3A_2152, %get3A_2153] {strides = array<i32>} : memref<96x128xf32, #tpu.memory_space<vmem>>, vector<1x16xf32>,
          %get3A_2155 = vector.shape_cast %get3A_2154 : vector<1x16xf32> to vector<16xf32>
          %mul3A_2156 = arith.mulf %gather3A_2078, %get3A_2155 : vector<16xf32>
          %add3A_2157 = arith.addf %add3A_2151, %mul3A_2156 : vector<16xf32>
          %swap3A_2158 = arith.index_cast %add3A_2062 : i32 to index
          %swap3A_2159 = arith.constant 32 : index
          %swap3A_2160 = tpu.vector_load %arg34[%swap3A_2158, %swap3A_2159] {strides = array<i32>} : memref<96x96xf32, #tpu.memory_space<vmem>>, vector<1x16xf32>,
          %swap3A_2161 = vector.shape_cast %swap3A_2160 : vector<1x16xf32> to vector<16xf32>
          %swap3A_2162 = vector.shape_cast %add3A_2157 : vector<16xf32> to vector<1x16xf32>
          tpu.vector_store %arg34[%swap3A_2158, %swap3A_2159], %swap3A_2162 {strides = array<i32>} : memref<96x96xf32, #tpu.memory_space<vmem>>, vector<1x16xf32>,
          %get3A_2163 = arith.index_cast %add3A_2062 : i32 to index
          %get3A_2164 = arith.constant 48 : index
          %get3A_2165 = tpu.vector_load %arg26[%get3A_2163, %get3A_2164] {strides = array<i32>} : memref<96x128xf32, #tpu.memory_space<vmem>>, vector<1x16xf32>,
          %get3A_2166 = vector.shape_cast %get3A_2165 : vector<1x16xf32> to vector<16xf32>
          %mul3A_2167 = arith.mulf %gather3A_2069, %get3A_2166 : vector<16xf32>
          %get3A_2168 = arith.index_cast %add3A_2062 : i32 to index
          %get3A_2169 = arith.constant 48 : index
          %get3A_2170 = tpu.vector_load %arg28[%get3A_2168, %get3A_2169] {strides = array<i32>} : memref<96x128xf32, #tpu.memory_space<vmem>>, vector<1x16xf32>,
          %get3A_2171 = vector.shape_cast %get3A_2170 : vector<1x16xf32> to vector<16xf32>
          %mul3A_2172 = arith.mulf %gather3A_2072, %get3A_2171 : vector<16xf32>
          %add3A_2173 = arith.addf %mul3A_2167, %mul3A_2172 : vector<16xf32>
          %get3A_2174 = arith.index_cast %add3A_2062 : i32 to index
          %get3A_2175 = arith.constant 48 : index
          %get3A_2176 = tpu.vector_load %arg30[%get3A_2174, %get3A_2175] {strides = array<i32>} : memref<96x128xf32, #tpu.memory_space<vmem>>, vector<1x16xf32>,
          %get3A_2177 = vector.shape_cast %get3A_2176 : vector<1x16xf32> to vector<16xf32>
          %mul3A_2178 = arith.mulf %gather3A_2075, %get3A_2177 : vector<16xf32>
          %add3A_2179 = arith.addf %add3A_2173, %mul3A_2178 : vector<16xf32>
          %get3A_2180 = arith.index_cast %add3A_2062 : i32 to index
          %get3A_2181 = arith.constant 48 : index
          %get3A_2182 = tpu.vector_load %arg32[%get3A_2180, %get3A_2181] {strides = array<i32>} : memref<96x128xf32, #tpu.memory_space<vmem>>, vector<1x16xf32>,
          %get3A_2183 = vector.shape_cast %get3A_2182 : vector<1x16xf32> to vector<16xf32>
          %mul3A_2184 = arith.mulf %gather3A_2078, %get3A_2183 : vector<16xf32>
          %add3A_2185 = arith.addf %add3A_2179, %mul3A_2184 : vector<16xf32>
          %swap3A_2186 = arith.index_cast %add3A_2062 : i32 to index
          %swap3A_2187 = arith.constant 48 : index
          %swap3A_2188 = tpu.vector_load %arg34[%swap3A_2186, %swap3A_2187] {strides = array<i32>} : memref<96x96xf32, #tpu.memory_space<vmem>>, vector<1x16xf32>,
          %swap3A_2189 = vector.shape_cast %swap3A_2188 : vector<1x16xf32> to vector<16xf32>
          %swap3A_2190 = vector.shape_cast %add3A_2185 : vector<16xf32> to vector<1x16xf32>
          tpu.vector_store %arg34[%swap3A_2186, %swap3A_2187], %swap3A_2190 {strides = array<i32>} : memref<96x96xf32, #tpu.memory_space<vmem>>, vector<1x16xf32>,
          %get3A_2191 = arith.index_cast %add3A_2062 : i32 to index
          %get3A_2192 = arith.constant 64 : index
          %get3A_2193 = tpu.vector_load %arg26[%get3A_2191, %get3A_2192] {strides = array<i32>} : memref<96x128xf32, #tpu.memory_space<vmem>>, vector<1x16xf32>,
          %get3A_2194 = vector.shape_cast %get3A_2193 : vector<1x16xf32> to vector<16xf32>
          %mul3A_2195 = arith.mulf %gather3A_2069, %get3A_2194 : vector<16xf32>
          %get3A_2196 = arith.index_cast %add3A_2062 : i32 to index
          %get3A_2197 = arith.constant 64 : index
          %get3A_2198 = tpu.vector_load %arg28[%get3A_2196, %get3A_2197] {strides = array<i32>} : memref<96x128xf32, #tpu.memory_space<vmem>>, vector<1x16xf32>,
          %get3A_2199 = vector.shape_cast %get3A_2198 : vector<1x16xf32> to vector<16xf32>
          %mul3A_2200 = arith.mulf %gather3A_2072, %get3A_2199 : vector<16xf32>
          %add3A_2201 = arith.addf %mul3A_2195, %mul3A_2200 : vector<16xf32>
          %get3A_2202 = arith.index_cast %add3A_2062 : i32 to index
          %get3A_2203 = arith.constant 64 : index
          %get3A_2204 = tpu.vector_load %arg30[%get3A_2202, %get3A_2203] {strides = array<i32>} : memref<96x128xf32, #tpu.memory_space<vmem>>, vector<1x16xf32>,
          %get3A_2205 = vector.shape_cast %get3A_2204 : vector<1x16xf32> to vector<16xf32>
          %mul3A_2206 = arith.mulf %gather3A_2075, %get3A_2205 : vector<16xf32>
          %add3A_2207 = arith.addf %add3A_2201, %mul3A_2206 : vector<16xf32>
          %get3A_2208 = arith.index_cast %add3A_2062 : i32 to index
          %get3A_2209 = arith.constant 64 : index
          %get3A_2210 = tpu.vector_load %arg32[%get3A_2208, %get3A_2209] {strides = array<i32>} : memref<96x128xf32, #tpu.memory_space<vmem>>, vector<1x16xf32>,
          %get3A_2211 = vector.shape_cast %get3A_2210 : vector<1x16xf32> to vector<16xf32>
          %mul3A_2212 = arith.mulf %gather3A_2078, %get3A_2211 : vector<16xf32>
          %add3A_2213 = arith.addf %add3A_2207, %mul3A_2212 : vector<16xf32>
          %swap3A_2214 = arith.index_cast %add3A_2062 : i32 to index
          %swap3A_2215 = arith.constant 64 : index
          %swap3A_2216 = tpu.vector_load %arg34[%swap3A_2214, %swap3A_2215] {strides = array<i32>} : memref<96x96xf32, #tpu.memory_space<vmem>>, vector<1x16xf32>,
          %swap3A_2217 = vector.shape_cast %swap3A_2216 : vector<1x16xf32> to vector<16xf32>
          %swap3A_2218 = vector.shape_cast %add3A_2213 : vector<16xf32> to vector<1x16xf32>
          tpu.vector_store %arg34[%swap3A_2214, %swap3A_2215], %swap3A_2218 {strides = array<i32>} : memref<96x96xf32, #tpu.memory_space<vmem>>, vector<1x16xf32>,
          %get3A_2219 = arith.index_cast %add3A_2062 : i32 to index
          %get3A_2220 = arith.constant 80 : index
          %get3A_2221 = tpu.vector_load %arg26[%get3A_2219, %get3A_2220] {strides = array<i32>} : memref<96x128xf32, #tpu.memory_space<vmem>>, vector<1x16xf32>,
          %get3A_2222 = vector.shape_cast %get3A_2221 : vector<1x16xf32> to vector<16xf32>
          %mul3A_2223 = arith.mulf %gather3A_2069, %get3A_2222 : vector<16xf32>
          %get3A_2224 = arith.index_cast %add3A_2062 : i32 to index
          %get3A_2225 = arith.constant 80 : index
          %get3A_2226 = tpu.vector_load %arg28[%get3A_2224, %get3A_2225] {strides = array<i32>} : memref<96x128xf32, #tpu.memory_space<vmem>>, vector<1x16xf32>,
          %get3A_2227 = vector.shape_cast %get3A_2226 : vector<1x16xf32> to vector<16xf32>
          %mul3A_2228 = arith.mulf %gather3A_2072, %get3A_2227 : vector<16xf32>
          %add3A_2229 = arith.addf %mul3A_2223, %mul3A_2228 : vector<16xf32>
          %get3A_2230 = arith.index_cast %add3A_2062 : i32 to index
          %get3A_2231 = arith.constant 80 : index
          %get3A_2232 = tpu.vector_load %arg30[%get3A_2230, %get3A_2231] {strides = array<i32>} : memref<96x128xf32, #tpu.memory_space<vmem>>, vector<1x16xf32>,
          %get3A_2233 = vector.shape_cast %get3A_2232 : vector<1x16xf32> to vector<16xf32>
          %mul3A_2234 = arith.mulf %gather3A_2075, %get3A_2233 : vector<16xf32>
          %add3A_2235 = arith.addf %add3A_2229, %mul3A_2234 : vector<16xf32>
          %get3A_2236 = arith.index_cast %add3A_2062 : i32 to index
          %get3A_2237 = arith.constant 80 : index
          %get3A_2238 = tpu.vector_load %arg32[%get3A_2236, %get3A_2237] {strides = array<i32>} : memref<96x128xf32, #tpu.memory_space<vmem>>, vector<1x16xf32>,
          %get3A_2239 = vector.shape_cast %get3A_2238 : vector<1x16xf32> to vector<16xf32>
          %mul3A_2240 = arith.mulf %gather3A_2078, %get3A_2239 : vector<16xf32>
          %add3A_2241 = arith.addf %add3A_2235, %mul3A_2240 : vector<16xf32>
          %swap3A_2242 = arith.index_cast %add3A_2062 : i32 to index
          %swap3A_2243 = arith.constant 80 : index
          %swap3A_2244 = tpu.vector_load %arg34[%swap3A_2242, %swap3A_2243] {strides = array<i32>} : memref<96x96xf32, #tpu.memory_space<vmem>>, vector<1x16xf32>,
          %swap3A_2245 = vector.shape_cast %swap3A_2244 : vector<1x16xf32> to vector<16xf32>
          %swap3A_2246 = vector.shape_cast %add3A_2241 : vector<16xf32> to vector<1x16xf32>
          tpu.vector_store %arg34[%swap3A_2242, %swap3A_2243], %swap3A_2246 {strides = array<i32>} : memref<96x96xf32, #tpu.memory_space<vmem>>, vector<1x16xf32>,
          %scan3A_2247 = arith.constant 0 : i32
          %scan3A_2248 = arith.constant 3 : i32
          %scan3A_2249 = arith.addi %scan3A_1679, %scan3A_2248 : i32
          %mul3A_2250 = arith.constant 16 : i32
          %mul3A_2251 = arith.muli %scan3A_1655, %mul3A_2250 : i32
          %add3A_2252 = arith.addi %mul3A_2251, %scan3A_2249 : i32
          %broadcast_in_dim3A_2253 = arith.constant 0 : i32
          %broadcast_in_dim3A_2254 = vector.broadcast %broadcast_in_dim3A_2253 : i32 to vector<16xi32>
          %add3A_2255 = vector.broadcast %scan3A_2249 : i32 to vector<16xi32>
          %add3A_2256 = arith.addi %broadcast_in_dim3A_2254, %add3A_2255 : vector<16xi32>
          %broadcast_in_dim3A_2257 = vector.shape_cast %add3A_2256 : vector<16xi32> to vector<16x1xi32>
          %gather3A_2258 = vector.shape_cast %broadcast_in_dim3A_2257 : vector<16x1xi32> to vector<16xi32>
          %gather3A_2259 = tpu.dynamic_gather %get3A_1661[%gather3A_2258] in [0] : vector<16xf32>, vector<16xi32> -> vector<16xf32>
          %broadcast_in_dim3A_2260 = vector.shape_cast %add3A_2256 : vector<16xi32> to vector<16x1xi32>
          %gather3A_2261 = vector.shape_cast %broadcast_in_dim3A_2260 : vector<16x1xi32> to vector<16xi32>
          %gather3A_2262 = tpu.dynamic_gather %get3A_1664[%gather3A_2261] in [0] : vector<16xf32>, vector<16xi32> -> vector<16xf32>
          %broadcast_in_dim3A_2263 = vector.shape_cast %add3A_2256 : vector<16xi32> to vector<16x1xi32>
          %gather3A_2264 = vector.shape_cast %broadcast_in_dim3A_2263 : vector<16x1xi32> to vector<16xi32>
          %gather3A_2265 = tpu.dynamic_gather %get3A_1667[%gather3A_2264] in [0] : vector<16xf32>, vector<16xi32> -> vector<16xf32>
          %broadcast_in_dim3A_2266 = vector.shape_cast %add3A_2256 : vector<16xi32> to vector<16x1xi32>
          %gather3A_2267 = vector.shape_cast %broadcast_in_dim3A_2266 : vector<16x1xi32> to vector<16xi32>
          %gather3A_2268 = tpu.dynamic_gather %get3A_1670[%gather3A_2267] in [0] : vector<16xf32>, vector<16xi32> -> vector<16xf32>
          %get3A_2269 = arith.index_cast %add3A_2252 : i32 to index
          %get3A_2270 = arith.constant 0 : index
          %get3A_2271 = tpu.vector_load %arg26[%get3A_2269, %get3A_2270] {strides = array<i32>} : memref<96x128xf32, #tpu.memory_space<vmem>>, vector<1x16xf32>,
          %get3A_2272 = vector.shape_cast %get3A_2271 : vector<1x16xf32> to vector<16xf32>
          %mul3A_2273 = arith.mulf %gather3A_2259, %get3A_2272 : vector<16xf32>
          %get3A_2274 = arith.index_cast %add3A_2252 : i32 to index
          %get3A_2275 = arith.constant 0 : index
          %get3A_2276 = tpu.vector_load %arg28[%get3A_2274, %get3A_2275] {strides = array<i32>} : memref<96x128xf32, #tpu.memory_space<vmem>>, vector<1x16xf32>,
          %get3A_2277 = vector.shape_cast %get3A_2276 : vector<1x16xf32> to vector<16xf32>
          %mul3A_2278 = arith.mulf %gather3A_2262, %get3A_2277 : vector<16xf32>
          %add3A_2279 = arith.addf %mul3A_2273, %mul3A_2278 : vector<16xf32>
          %get3A_2280 = arith.index_cast %add3A_2252 : i32 to index
          %get3A_2281 = arith.constant 0 : index
          %get3A_2282 = tpu.vector_load %arg30[%get3A_2280, %get3A_2281] {strides = array<i32>} : memref<96x128xf32, #tpu.memory_space<vmem>>, vector<1x16xf32>,
          %get3A_2283 = vector.shape_cast %get3A_2282 : vector<1x16xf32> to vector<16xf32>
          %mul3A_2284 = arith.mulf %gather3A_2265, %get3A_2283 : vector<16xf32>
          %add3A_2285 = arith.addf %add3A_2279, %mul3A_2284 : vector<16xf32>
          %get3A_2286 = arith.index_cast %add3A_2252 : i32 to index
          %get3A_2287 = arith.constant 0 : index
          %get3A_2288 = tpu.vector_load %arg32[%get3A_2286, %get3A_2287] {strides = array<i32>} : memref<96x128xf32, #tpu.memory_space<vmem>>, vector<1x16xf32>,
          %get3A_2289 = vector.shape_cast %get3A_2288 : vector<1x16xf32> to vector<16xf32>
          %mul3A_2290 = arith.mulf %gather3A_2268, %get3A_2289 : vector<16xf32>
          %add3A_2291 = arith.addf %add3A_2285, %mul3A_2290 : vector<16xf32>
          %swap3A_2292 = arith.index_cast %add3A_2252 : i32 to index
          %swap3A_2293 = arith.constant 0 : index
          %swap3A_2294 = tpu.vector_load %arg34[%swap3A_2292, %swap3A_2293] {strides = array<i32>} : memref<96x96xf32, #tpu.memory_space<vmem>>, vector<1x16xf32>,
          %swap3A_2295 = vector.shape_cast %swap3A_2294 : vector<1x16xf32> to vector<16xf32>
          %swap3A_2296 = vector.shape_cast %add3A_2291 : vector<16xf32> to vector<1x16xf32>
          tpu.vector_store %arg34[%swap3A_2292, %swap3A_2293], %swap3A_2296 {strides = array<i32>} : memref<96x96xf32, #tpu.memory_space<vmem>>, vector<1x16xf32>,
          %get3A_2297 = arith.index_cast %add3A_2252 : i32 to index
          %get3A_2298 = arith.constant 16 : index
          %get3A_2299 = tpu.vector_load %arg26[%get3A_2297, %get3A_2298] {strides = array<i32>} : memref<96x128xf32, #tpu.memory_space<vmem>>, vector<1x16xf32>,
          %get3A_2300 = vector.shape_cast %get3A_2299 : vector<1x16xf32> to vector<16xf32>
          %mul3A_2301 = arith.mulf %gather3A_2259, %get3A_2300 : vector<16xf32>
          %get3A_2302 = arith.index_cast %add3A_2252 : i32 to index
          %get3A_2303 = arith.constant 16 : index
          %get3A_2304 = tpu.vector_load %arg28[%get3A_2302, %get3A_2303] {strides = array<i32>} : memref<96x128xf32, #tpu.memory_space<vmem>>, vector<1x16xf32>,
          %get3A_2305 = vector.shape_cast %get3A_2304 : vector<1x16xf32> to vector<16xf32>
          %mul3A_2306 = arith.mulf %gather3A_2262, %get3A_2305 : vector<16xf32>
          %add3A_2307 = arith.addf %mul3A_2301, %mul3A_2306 : vector<16xf32>
          %get3A_2308 = arith.index_cast %add3A_2252 : i32 to index
          %get3A_2309 = arith.constant 16 : index
          %get3A_2310 = tpu.vector_load %arg30[%get3A_2308, %get3A_2309] {strides = array<i32>} : memref<96x128xf32, #tpu.memory_space<vmem>>, vector<1x16xf32>,
          %get3A_2311 = vector.shape_cast %get3A_2310 : vector<1x16xf32> to vector<16xf32>
          %mul3A_2312 = arith.mulf %gather3A_2265, %get3A_2311 : vector<16xf32>
          %add3A_2313 = arith.addf %add3A_2307, %mul3A_2312 : vector<16xf32>
          %get3A_2314 = arith.index_cast %add3A_2252 : i32 to index
          %get3A_2315 = arith.constant 16 : index
          %get3A_2316 = tpu.vector_load %arg32[%get3A_2314, %get3A_2315] {strides = array<i32>} : memref<96x128xf32, #tpu.memory_space<vmem>>, vector<1x16xf32>,
          %get3A_2317 = vector.shape_cast %get3A_2316 : vector<1x16xf32> to vector<16xf32>
          %mul3A_2318 = arith.mulf %gather3A_2268, %get3A_2317 : vector<16xf32>
          %add3A_2319 = arith.addf %add3A_2313, %mul3A_2318 : vector<16xf32>
          %swap3A_2320 = arith.index_cast %add3A_2252 : i32 to index
          %swap3A_2321 = arith.constant 16 : index
          %swap3A_2322 = tpu.vector_load %arg34[%swap3A_2320, %swap3A_2321] {strides = array<i32>} : memref<96x96xf32, #tpu.memory_space<vmem>>, vector<1x16xf32>,
          %swap3A_2323 = vector.shape_cast %swap3A_2322 : vector<1x16xf32> to vector<16xf32>
          %swap3A_2324 = vector.shape_cast %add3A_2319 : vector<16xf32> to vector<1x16xf32>
          tpu.vector_store %arg34[%swap3A_2320, %swap3A_2321], %swap3A_2324 {strides = array<i32>} : memref<96x96xf32, #tpu.memory_space<vmem>>, vector<1x16xf32>,
          %get3A_2325 = arith.index_cast %add3A_2252 : i32 to index
          %get3A_2326 = arith.constant 32 : index
          %get3A_2327 = tpu.vector_load %arg26[%get3A_2325, %get3A_2326] {strides = array<i32>} : memref<96x128xf32, #tpu.memory_space<vmem>>, vector<1x16xf32>,
          %get3A_2328 = vector.shape_cast %get3A_2327 : vector<1x16xf32> to vector<16xf32>
          %mul3A_2329 = arith.mulf %gather3A_2259, %get3A_2328 : vector<16xf32>
          %get3A_2330 = arith.index_cast %add3A_2252 : i32 to index
          %get3A_2331 = arith.constant 32 : index
          %get3A_2332 = tpu.vector_load %arg28[%get3A_2330, %get3A_2331] {strides = array<i32>} : memref<96x128xf32, #tpu.memory_space<vmem>>, vector<1x16xf32>,
          %get3A_2333 = vector.shape_cast %get3A_2332 : vector<1x16xf32> to vector<16xf32>
          %mul3A_2334 = arith.mulf %gather3A_2262, %get3A_2333 : vector<16xf32>
          %add3A_2335 = arith.addf %mul3A_2329, %mul3A_2334 : vector<16xf32>
          %get3A_2336 = arith.index_cast %add3A_2252 : i32 to index
          %get3A_2337 = arith.constant 32 : index
          %get3A_2338 = tpu.vector_load %arg30[%get3A_2336, %get3A_2337] {strides = array<i32>} : memref<96x128xf32, #tpu.memory_space<vmem>>, vector<1x16xf32>,
          %get3A_2339 = vector.shape_cast %get3A_2338 : vector<1x16xf32> to vector<16xf32>
          %mul3A_2340 = arith.mulf %gather3A_2265, %get3A_2339 : vector<16xf32>
          %add3A_2341 = arith.addf %add3A_2335, %mul3A_2340 : vector<16xf32>
          %get3A_2342 = arith.index_cast %add3A_2252 : i32 to index
          %get3A_2343 = arith.constant 32 : index
          %get3A_2344 = tpu.vector_load %arg32[%get3A_2342, %get3A_2343] {strides = array<i32>} : memref<96x128xf32, #tpu.memory_space<vmem>>, vector<1x16xf32>,
          %get3A_2345 = vector.shape_cast %get3A_2344 : vector<1x16xf32> to vector<16xf32>
          %mul3A_2346 = arith.mulf %gather3A_2268, %get3A_2345 : vector<16xf32>
          %add3A_2347 = arith.addf %add3A_2341, %mul3A_2346 : vector<16xf32>
          %swap3A_2348 = arith.index_cast %add3A_2252 : i32 to index
          %swap3A_2349 = arith.constant 32 : index
          %swap3A_2350 = tpu.vector_load %arg34[%swap3A_2348, %swap3A_2349] {strides = array<i32>} : memref<96x96xf32, #tpu.memory_space<vmem>>, vector<1x16xf32>,
          %swap3A_2351 = vector.shape_cast %swap3A_2350 : vector<1x16xf32> to vector<16xf32>
          %swap3A_2352 = vector.shape_cast %add3A_2347 : vector<16xf32> to vector<1x16xf32>
          tpu.vector_store %arg34[%swap3A_2348, %swap3A_2349], %swap3A_2352 {strides = array<i32>} : memref<96x96xf32, #tpu.memory_space<vmem>>, vector<1x16xf32>,
          %get3A_2353 = arith.index_cast %add3A_2252 : i32 to index
          %get3A_2354 = arith.constant 48 : index
          %get3A_2355 = tpu.vector_load %arg26[%get3A_2353, %get3A_2354] {strides = array<i32>} : memref<96x128xf32, #tpu.memory_space<vmem>>, vector<1x16xf32>,
          %get3A_2356 = vector.shape_cast %get3A_2355 : vector<1x16xf32> to vector<16xf32>
          %mul3A_2357 = arith.mulf %gather3A_2259, %get3A_2356 : vector<16xf32>
          %get3A_2358 = arith.index_cast %add3A_2252 : i32 to index
          %get3A_2359 = arith.constant 48 : index
          %get3A_2360 = tpu.vector_load %arg28[%get3A_2358, %get3A_2359] {strides = array<i32>} : memref<96x128xf32, #tpu.memory_space<vmem>>, vector<1x16xf32>,
          %get3A_2361 = vector.shape_cast %get3A_2360 : vector<1x16xf32> to vector<16xf32>
          %mul3A_2362 = arith.mulf %gather3A_2262, %get3A_2361 : vector<16xf32>
          %add3A_2363 = arith.addf %mul3A_2357, %mul3A_2362 : vector<16xf32>
          %get3A_2364 = arith.index_cast %add3A_2252 : i32 to index
          %get3A_2365 = arith.constant 48 : index
          %get3A_2366 = tpu.vector_load %arg30[%get3A_2364, %get3A_2365] {strides = array<i32>} : memref<96x128xf32, #tpu.memory_space<vmem>>, vector<1x16xf32>,
          %get3A_2367 = vector.shape_cast %get3A_2366 : vector<1x16xf32> to vector<16xf32>
          %mul3A_2368 = arith.mulf %gather3A_2265, %get3A_2367 : vector<16xf32>
          %add3A_2369 = arith.addf %add3A_2363, %mul3A_2368 : vector<16xf32>
          %get3A_2370 = arith.index_cast %add3A_2252 : i32 to index
          %get3A_2371 = arith.constant 48 : index
          %get3A_2372 = tpu.vector_load %arg32[%get3A_2370, %get3A_2371] {strides = array<i32>} : memref<96x128xf32, #tpu.memory_space<vmem>>, vector<1x16xf32>,
          %get3A_2373 = vector.shape_cast %get3A_2372 : vector<1x16xf32> to vector<16xf32>
          %mul3A_2374 = arith.mulf %gather3A_2268, %get3A_2373 : vector<16xf32>
          %add3A_2375 = arith.addf %add3A_2369, %mul3A_2374 : vector<16xf32>
          %swap3A_2376 = arith.index_cast %add3A_2252 : i32 to index
          %swap3A_2377 = arith.constant 48 : index
          %swap3A_2378 = tpu.vector_load %arg34[%swap3A_2376, %swap3A_2377] {strides = array<i32>} : memref<96x96xf32, #tpu.memory_space<vmem>>, vector<1x16xf32>,
          %swap3A_2379 = vector.shape_cast %swap3A_2378 : vector<1x16xf32> to vector<16xf32>
          %swap3A_2380 = vector.shape_cast %add3A_2375 : vector<16xf32> to vector<1x16xf32>
          tpu.vector_store %arg34[%swap3A_2376, %swap3A_2377], %swap3A_2380 {strides = array<i32>} : memref<96x96xf32, #tpu.memory_space<vmem>>, vector<1x16xf32>,
          %get3A_2381 = arith.index_cast %add3A_2252 : i32 to index
          %get3A_2382 = arith.constant 64 : index
          %get3A_2383 = tpu.vector_load %arg26[%get3A_2381, %get3A_2382] {strides = array<i32>} : memref<96x128xf32, #tpu.memory_space<vmem>>, vector<1x16xf32>,
          %get3A_2384 = vector.shape_cast %get3A_2383 : vector<1x16xf32> to vector<16xf32>
          %mul3A_2385 = arith.mulf %gather3A_2259, %get3A_2384 : vector<16xf32>
          %get3A_2386 = arith.index_cast %add3A_2252 : i32 to index
          %get3A_2387 = arith.constant 64 : index
          %get3A_2388 = tpu.vector_load %arg28[%get3A_2386, %get3A_2387] {strides = array<i32>} : memref<96x128xf32, #tpu.memory_space<vmem>>, vector<1x16xf32>,
          %get3A_2389 = vector.shape_cast %get3A_2388 : vector<1x16xf32> to vector<16xf32>
          %mul3A_2390 = arith.mulf %gather3A_2262, %get3A_2389 : vector<16xf32>
          %add3A_2391 = arith.addf %mul3A_2385, %mul3A_2390 : vector<16xf32>
          %get3A_2392 = arith.index_cast %add3A_2252 : i32 to index
          %get3A_2393 = arith.constant 64 : index
          %get3A_2394 = tpu.vector_load %arg30[%get3A_2392, %get3A_2393] {strides = array<i32>} : memref<96x128xf32, #tpu.memory_space<vmem>>, vector<1x16xf32>,
          %get3A_2395 = vector.shape_cast %get3A_2394 : vector<1x16xf32> to vector<16xf32>
          %mul3A_2396 = arith.mulf %gather3A_2265, %get3A_2395 : vector<16xf32>
          %add3A_2397 = arith.addf %add3A_2391, %mul3A_2396 : vector<16xf32>
          %get3A_2398 = arith.index_cast %add3A_2252 : i32 to index
          %get3A_2399 = arith.constant 64 : index
          %get3A_2400 = tpu.vector_load %arg32[%get3A_2398, %get3A_2399] {strides = array<i32>} : memref<96x128xf32, #tpu.memory_space<vmem>>, vector<1x16xf32>,
          %get3A_2401 = vector.shape_cast %get3A_2400 : vector<1x16xf32> to vector<16xf32>
          %mul3A_2402 = arith.mulf %gather3A_2268, %get3A_2401 : vector<16xf32>
          %add3A_2403 = arith.addf %add3A_2397, %mul3A_2402 : vector<16xf32>
          %swap3A_2404 = arith.index_cast %add3A_2252 : i32 to index
          %swap3A_2405 = arith.constant 64 : index
          %swap3A_2406 = tpu.vector_load %arg34[%swap3A_2404, %swap3A_2405] {strides = array<i32>} : memref<96x96xf32, #tpu.memory_space<vmem>>, vector<1x16xf32>,
          %swap3A_2407 = vector.shape_cast %swap3A_2406 : vector<1x16xf32> to vector<16xf32>
          %swap3A_2408 = vector.shape_cast %add3A_2403 : vector<16xf32> to vector<1x16xf32>
          tpu.vector_store %arg34[%swap3A_2404, %swap3A_2405], %swap3A_2408 {strides = array<i32>} : memref<96x96xf32, #tpu.memory_space<vmem>>, vector<1x16xf32>,
          %get3A_2409 = arith.index_cast %add3A_2252 : i32 to index
          %get3A_2410 = arith.constant 80 : index
          %get3A_2411 = tpu.vector_load %arg26[%get3A_2409, %get3A_2410] {strides = array<i32>} : memref<96x128xf32, #tpu.memory_space<vmem>>, vector<1x16xf32>,
          %get3A_2412 = vector.shape_cast %get3A_2411 : vector<1x16xf32> to vector<16xf32>
          %mul3A_2413 = arith.mulf %gather3A_2259, %get3A_2412 : vector<16xf32>
          %get3A_2414 = arith.index_cast %add3A_2252 : i32 to index
          %get3A_2415 = arith.constant 80 : index
          %get3A_2416 = tpu.vector_load %arg28[%get3A_2414, %get3A_2415] {strides = array<i32>} : memref<96x128xf32, #tpu.memory_space<vmem>>, vector<1x16xf32>,
          %get3A_2417 = vector.shape_cast %get3A_2416 : vector<1x16xf32> to vector<16xf32>
          %mul3A_2418 = arith.mulf %gather3A_2262, %get3A_2417 : vector<16xf32>
          %add3A_2419 = arith.addf %mul3A_2413, %mul3A_2418 : vector<16xf32>
          %get3A_2420 = arith.index_cast %add3A_2252 : i32 to index
          %get3A_2421 = arith.constant 80 : index
          %get3A_2422 = tpu.vector_load %arg30[%get3A_2420, %get3A_2421] {strides = array<i32>} : memref<96x128xf32, #tpu.memory_space<vmem>>, vector<1x16xf32>,
          %get3A_2423 = vector.shape_cast %get3A_2422 : vector<1x16xf32> to vector<16xf32>
          %mul3A_2424 = arith.mulf %gather3A_2265, %get3A_2423 : vector<16xf32>
          %add3A_2425 = arith.addf %add3A_2419, %mul3A_2424 : vector<16xf32>
          %get3A_2426 = arith.index_cast %add3A_2252 : i32 to index
          %get3A_2427 = arith.constant 80 : index
          %get3A_2428 = tpu.vector_load %arg32[%get3A_2426, %get3A_2427] {strides = array<i32>} : memref<96x128xf32, #tpu.memory_space<vmem>>, vector<1x16xf32>,
          %get3A_2429 = vector.shape_cast %get3A_2428 : vector<1x16xf32> to vector<16xf32>
          %mul3A_2430 = arith.mulf %gather3A_2268, %get3A_2429 : vector<16xf32>
          %add3A_2431 = arith.addf %add3A_2425, %mul3A_2430 : vector<16xf32>
          %swap3A_2432 = arith.index_cast %add3A_2252 : i32 to index
          %swap3A_2433 = arith.constant 80 : index
          %swap3A_2434 = tpu.vector_load %arg34[%swap3A_2432, %swap3A_2433] {strides = array<i32>} : memref<96x96xf32, #tpu.memory_space<vmem>>, vector<1x16xf32>,
          %swap3A_2435 = vector.shape_cast %swap3A_2434 : vector<1x16xf32> to vector<16xf32>
          %swap3A_2436 = vector.shape_cast %add3A_2431 : vector<16xf32> to vector<1x16xf32>
          tpu.vector_store %arg34[%swap3A_2432, %swap3A_2433], %swap3A_2436 {strides = array<i32>} : memref<96x96xf32, #tpu.memory_space<vmem>>, vector<1x16xf32>,
          %scan3A_2437 = arith.constant 0 : i32
          scf.yield %scan3A_2437 : i32
        }
        %scan3A_1677 = arith.constant 16 : i32
        %scan3A_1678 = arith.constant 0 : i32
        scf.yield %scan3A_1678 : i32
      }
      %scan3A_1610 = arith.constant 6 : i32
      %mul3A_1611 = arith.constant 96 : i32
      %mul3A_1612 = arith.muli %mul3A_812, %mul3A_1611 : i32
      %add3A_1613 = arith.addi %mul3A_18, %mul3A_1612 : i32
      %dma_start3A_1614 = arith.constant 0 : i32
      %dma_start3A_1615 = tpu.memref_slice %arg5[%add3A_1613, %dma_start3A_1614] : memref<589824x96xf32, #tpu.memory_space<hbm>> -> memref<96x96xf32, #tpu.memory_space<hbm>>
      %dma_start3A_1616 = arith.constant 0 : i32
      %dma_start3A_1617 = tpu.memref_slice %arg5[%add3A_1613, %dma_start3A_1616] : memref<589824x96xf32, #tpu.memory_space<hbm>> -> memref<96x96xf32, #tpu.memory_space<hbm>>
      tpu.enqueue_dma source(%arg34 : memref<96x96xf32, #tpu.memory_space<vmem>>) target(%dma_start3A_1617 : memref<96x96xf32, #tpu.memory_space<hbm>>) target_semaphore(%arg40 : memref<!tpu.dma_semaphore, #tpu.memory_space<semaphore_mem>>)
      %lt3A_1618 = arith.constant 95 : i32
      %lt3A_1619 = arith.cmpi slt, %scan3A_809, %lt3A_1618 : i32
      %convert_element_type3A_1620 = arith.extui %lt3A_1619 : i1 to i32
      %cond3A_1621 = arith.constant 0 : i32
      %cond3A_1622 = arith.cmpi ne, %convert_element_type3A_1620, %cond3A_1621 : i32
      scf.if %cond3A_1622 {
        %add3A_1655 = arith.constant 2 : i32
        %add3A_1656 = arith.addi %mul3A_812, %add3A_1655 : i32
        %mul3A_1657 = arith.constant 96 : i32
        %mul3A_1658 = arith.muli %add3A_1656, %mul3A_1657 : i32
        %add3A_1659 = arith.addi %mul3A_18, %mul3A_1658 : i32
        %dma_wait3A_1660 = tpu.memref_slice %arg3[%add3A_1659] : memref<589824xf32, #tpu.memory_space<hbm>> -> memref<96xf32, #tpu.memory_space<hbm>>
        %dma_wait3A_1661 = tpu.memref_slice %arg3[%add3A_1659] : memref<589824xf32, #tpu.memory_space<hbm>> -> memref<96xf32, #tpu.memory_space<hbm>>
        tpu.wait_dma2 semaphore(%arg38 : memref<!tpu.dma_semaphore, #tpu.memory_space<semaphore_mem>>) src(%dma_wait3A_1661 : memref<96xf32, #tpu.memory_space<hbm>>) dst(%arg6 : memref<96xf32, #tpu.memory_space<vmem>>)
        %dma_wait3A_1662 = tpu.memref_slice %arg4[%add3A_1659] : memref<589824xf32, #tpu.memory_space<hbm>> -> memref<96xf32, #tpu.memory_space<hbm>>
        %dma_wait3A_1663 = tpu.memref_slice %arg4[%add3A_1659] : memref<589824xf32, #tpu.memory_space<hbm>> -> memref<96xf32, #tpu.memory_space<hbm>>
        tpu.wait_dma2 semaphore(%arg38 : memref<!tpu.dma_semaphore, #tpu.memory_space<semaphore_mem>>) src(%dma_wait3A_1663 : memref<96xf32, #tpu.memory_space<hbm>>) dst(%arg8 : memref<96xf32, #tpu.memory_space<vmem>>)
        %get3A_1664 = arith.constant 0 : index
        %get3A_1665 = tpu.vector_load %arg6[%get3A_1664] {strides = array<i32>} : memref<96xf32, #tpu.memory_space<vmem>>, vector<16xf32>,
        %get3A_1666 = vector.shape_cast %get3A_1665 : vector<16xf32> to vector<16xf32>
        %add3A_1667 = arith.constant 1.000000e+00 : f32
        %add3A_1668 = vector.broadcast %add3A_1667 : f32 to vector<16xf32>
        %add3A_1669 = arith.addf %get3A_1666, %add3A_1668 : vector<16xf32>
        %mul3A_1670 = arith.constant 5.000000e-01 : f32
        %mul3A_1671 = vector.broadcast %mul3A_1670 : f32 to vector<16xf32>
        %mul3A_1672 = arith.mulf %mul3A_1671, %add3A_1669 : vector<16xf32>
        %mul3A_1673 = arith.constant 3.840000e+02 : f32
        %mul3A_1674 = vector.broadcast %mul3A_1673 : f32 to vector<16xf32>
        %mul3A_1675 = arith.mulf %mul3A_1672, %mul3A_1674 : vector<16xf32>
        %get3A_1676 = arith.constant 0 : index
        %get3A_1677 = tpu.vector_load %arg8[%get3A_1676] {strides = array<i32>} : memref<96xf32, #tpu.memory_space<vmem>>, vector<16xf32>,
        %get3A_1678 = vector.shape_cast %get3A_1677 : vector<16xf32> to vector<16xf32>
        %add3A_1679 = arith.constant 1.000000e+00 : f32
        %add3A_1680 = vector.broadcast %add3A_1679 : f32 to vector<16xf32>
        %add3A_1681 = arith.addf %get3A_1678, %add3A_1680 : vector<16xf32>
        %mul3A_1682 = arith.constant 5.000000e-01 : f32
        %mul3A_1683 = vector.broadcast %mul3A_1682 : f32 to vector<16xf32>
        %mul3A_1684 = arith.mulf %mul3A_1683, %add3A_1681 : vector<16xf32>
        %mul3A_1685 = arith.constant 3.840000e+02 : f32
        %mul3A_1686 = vector.broadcast %mul3A_1685 : f32 to vector<16xf32>
        %mul3A_1687 = arith.mulf %mul3A_1684, %mul3A_1686 : vector<16xf32>
        %convert_element_type3A_1688 = arith.fptosi %mul3A_1675 : vector<16xf32> to vector<16xi32>
        %convert_element_type3A_1689 = arith.fptosi %mul3A_1687 : vector<16xf32> to vector<16xi32>
        %jit3A_1690 = arith.constant 0 : i32
        %jit3A_1691 = arith.constant 382 : i32
        %max3A_1692 = vector.broadcast %jit3A_1690 : i32 to vector<16xi32>
        %max3A_1693 = arith.maxsi %max3A_1692, %convert_element_type3A_1688 : vector<16xi32>
        %min3A_1694 = vector.broadcast %jit3A_1691 : i32 to vector<16xi32>
        %min3A_1695 = arith.minsi %min3A_1694, %max3A_1693 : vector<16xi32>
        %jit3A_1696 = arith.constant 0 : i32
        %jit3A_1697 = arith.constant 382 : i32
        %max3A_1698 = vector.broadcast %jit3A_1696 : i32 to vector<16xi32>
        %max3A_1699 = arith.maxsi %max3A_1698, %convert_element_type3A_1689 : vector<16xi32>
        %min3A_1700 = vector.broadcast %jit3A_1697 : i32 to vector<16xi32>
        %min3A_1701 = arith.minsi %min3A_1700, %max3A_1699 : vector<16xi32>
        %convert_element_type3A_1702 = arith.sitofp %min3A_1695 : vector<16xi32> to vector<16xf32>
        %convert_element_type3A_1703 = arith.sitofp %min3A_1701 : vector<16xi32> to vector<16xf32>
        %add3A_1704 = arith.constant 1.000000e+00 : f32
        %add3A_1705 = vector.broadcast %add3A_1704 : f32 to vector<16xf32>
        %add3A_1706 = arith.addf %convert_element_type3A_1702, %add3A_1705 : vector<16xf32>
        %sub3A_1707 = arith.subf %add3A_1706, %mul3A_1675 : vector<16xf32>
        %sub3A_1708 = arith.subf %mul3A_1675, %convert_element_type3A_1702 : vector<16xf32>
        %add3A_1709 = arith.constant 1.000000e+00 : f32
        %add3A_1710 = vector.broadcast %add3A_1709 : f32 to vector<16xf32>
        %add3A_1711 = arith.addf %convert_element_type3A_1703, %add3A_1710 : vector<16xf32>
        %sub3A_1712 = arith.subf %add3A_1711, %mul3A_1687 : vector<16xf32>
        %sub3A_1713 = arith.subf %mul3A_1687, %convert_element_type3A_1703 : vector<16xf32>
        %gt3A_1714 = arith.constant -1.000000e+00 : f32
        %gt3A_1715 = vector.broadcast %gt3A_1714 : f32 to vector<16xf32>
        %gt3A_1716 = arith.cmpf ogt, %mul3A_1675, %gt3A_1715 : vector<16xf32>
        %lt3A_1717 = arith.constant 3.830000e+02 : f32
        %lt3A_1718 = vector.broadcast %lt3A_1717 : f32 to vector<16xf32>
        %lt3A_1719 = arith.cmpf olt, %mul3A_1675, %lt3A_1718 : vector<16xf32>
        %and3A_1720 = arith.andi %gt3A_1716, %lt3A_1719 : vector<16xi1>
        %gt3A_1721 = arith.constant -1.000000e+00 : f32
        %gt3A_1722 = vector.broadcast %gt3A_1721 : f32 to vector<16xf32>
        %gt3A_1723 = arith.cmpf ogt, %mul3A_1687, %gt3A_1722 : vector<16xf32>
        %and3A_1724 = arith.andi %and3A_1720, %gt3A_1723 : vector<16xi1>
        %lt3A_1725 = arith.constant 3.830000e+02 : f32
        %lt3A_1726 = vector.broadcast %lt3A_1725 : f32 to vector<16xf32>
        %lt3A_1727 = arith.cmpf olt, %mul3A_1687, %lt3A_1726 : vector<16xf32>
        %and3A_1728 = arith.andi %and3A_1724, %lt3A_1727 : vector<16xi1>
        %jit3A_1729 = arith.constant 1.000000e+00 : f32
        %jit3A_1730 = arith.constant 0.000000e+00 : f32
        %broadcast_in_dim3A_1731 = vector.broadcast %jit3A_1729 : f32 to vector<16xf32>
        %broadcast_in_dim3A_1732 = vector.broadcast %jit3A_1730 : f32 to vector<16xf32>
        %select_n3A_1733 = arith.select %and3A_1728, %broadcast_in_dim3A_1731, %broadcast_in_dim3A_1732 : vector<16xi1>, vector<16xf32>
        %mul3A_1734 = arith.constant 384 : i32
        %mul3A_1735 = vector.broadcast %mul3A_1734 : i32 to vector<16xi32>
        %mul3A_1736 = arith.muli %min3A_1701, %mul3A_1735 : vector<16xi32>
        %add3A_1737 = vector.broadcast %mul3A_20 : i32 to vector<16xi32>
        %add3A_1738 = arith.addi %add3A_1737, %mul3A_1736 : vector<16xi32>
        %add3A_1739 = arith.addi %add3A_1738, %min3A_1695 : vector<16xi32>
        %swap3A_1740 = arith.constant 0 : index
        %swap3A_1741 = tpu.vector_load %arg10[%swap3A_1740] {strides = array<i32>} : memref<96xi32, #tpu.memory_space<vmem>>, vector<16xi32>,
        %swap3A_1742 = vector.shape_cast %swap3A_1741 : vector<16xi32> to vector<16xi32>
        %swap3A_1743 = vector.shape_cast %add3A_1739 : vector<16xi32> to vector<16xi32>
        tpu.vector_store %arg10[%swap3A_1740], %swap3A_1743 {strides = array<i32>} : memref<96xi32, #tpu.memory_space<vmem>>, vector<16xi32>,
        %add3A_1744 = arith.constant 384 : i32
        %add3A_1745 = vector.broadcast %add3A_1744 : i32 to vector<16xi32>
        %add3A_1746 = arith.addi %add3A_1739, %add3A_1745 : vector<16xi32>
        %swap3A_1747 = arith.constant 0 : index
        %swap3A_1748 = tpu.vector_load %arg12[%swap3A_1747] {strides = array<i32>} : memref<96xi32, #tpu.memory_space<vmem>>, vector<16xi32>,
        %swap3A_1749 = vector.shape_cast %swap3A_1748 : vector<16xi32> to vector<16xi32>
        %swap3A_1750 = vector.shape_cast %add3A_1746 : vector<16xi32> to vector<16xi32>
        tpu.vector_store %arg12[%swap3A_1747], %swap3A_1750 {strides = array<i32>} : memref<96xi32, #tpu.memory_space<vmem>>, vector<16xi32>,
        %add3A_1751 = arith.constant 1 : i32
        %add3A_1752 = vector.broadcast %add3A_1751 : i32 to vector<16xi32>
        %add3A_1753 = arith.addi %add3A_1739, %add3A_1752 : vector<16xi32>
        %swap3A_1754 = arith.constant 0 : index
        %swap3A_1755 = tpu.vector_load %arg14[%swap3A_1754] {strides = array<i32>} : memref<96xi32, #tpu.memory_space<vmem>>, vector<16xi32>,
        %swap3A_1756 = vector.shape_cast %swap3A_1755 : vector<16xi32> to vector<16xi32>
        %swap3A_1757 = vector.shape_cast %add3A_1753 : vector<16xi32> to vector<16xi32>
        tpu.vector_store %arg14[%swap3A_1754], %swap3A_1757 {strides = array<i32>} : memref<96xi32, #tpu.memory_space<vmem>>, vector<16xi32>,
        %add3A_1758 = arith.constant 385 : i32
        %add3A_1759 = vector.broadcast %add3A_1758 : i32 to vector<16xi32>
        %add3A_1760 = arith.addi %add3A_1739, %add3A_1759 : vector<16xi32>
        %swap3A_1761 = arith.constant 0 : index
        %swap3A_1762 = tpu.vector_load %arg16[%swap3A_1761] {strides = array<i32>} : memref<96xi32, #tpu.memory_space<vmem>>, vector<16xi32>,
        %swap3A_1763 = vector.shape_cast %swap3A_1762 : vector<16xi32> to vector<16xi32>
        %swap3A_1764 = vector.shape_cast %add3A_1760 : vector<16xi32> to vector<16xi32>
        tpu.vector_store %arg16[%swap3A_1761], %swap3A_1764 {strides = array<i32>} : memref<96xi32, #tpu.memory_space<vmem>>, vector<16xi32>,
        %mul3A_1765 = arith.mulf %sub3A_1707, %sub3A_1712 : vector<16xf32>
        %mul3A_1766 = arith.mulf %mul3A_1765, %select_n3A_1733 : vector<16xf32>
        %swap3A_1767 = arith.constant 0 : index
        %swap3A_1768 = tpu.vector_load %arg18[%swap3A_1767] {strides = array<i32>} : memref<96xf32, #tpu.memory_space<vmem>>, vector<16xf32>,
        %swap3A_1769 = vector.shape_cast %swap3A_1768 : vector<16xf32> to vector<16xf32>
        %swap3A_1770 = vector.shape_cast %mul3A_1766 : vector<16xf32> to vector<16xf32>
        tpu.vector_store %arg18[%swap3A_1767], %swap3A_1770 {strides = array<i32>} : memref<96xf32, #tpu.memory_space<vmem>>, vector<16xf32>,
        %mul3A_1771 = arith.mulf %sub3A_1707, %sub3A_1713 : vector<16xf32>
        %mul3A_1772 = arith.mulf %mul3A_1771, %select_n3A_1733 : vector<16xf32>
        %swap3A_1773 = arith.constant 0 : index
        %swap3A_1774 = tpu.vector_load %arg20[%swap3A_1773] {strides = array<i32>} : memref<96xf32, #tpu.memory_space<vmem>>, vector<16xf32>,
        %swap3A_1775 = vector.shape_cast %swap3A_1774 : vector<16xf32> to vector<16xf32>
        %swap3A_1776 = vector.shape_cast %mul3A_1772 : vector<16xf32> to vector<16xf32>
        tpu.vector_store %arg20[%swap3A_1773], %swap3A_1776 {strides = array<i32>} : memref<96xf32, #tpu.memory_space<vmem>>, vector<16xf32>,
        %mul3A_1777 = arith.mulf %sub3A_1708, %sub3A_1712 : vector<16xf32>
        %mul3A_1778 = arith.mulf %mul3A_1777, %select_n3A_1733 : vector<16xf32>
        %swap3A_1779 = arith.constant 0 : index
        %swap3A_1780 = tpu.vector_load %arg22[%swap3A_1779] {strides = array<i32>} : memref<96xf32, #tpu.memory_space<vmem>>, vector<16xf32>,
        %swap3A_1781 = vector.shape_cast %swap3A_1780 : vector<16xf32> to vector<16xf32>
        %swap3A_1782 = vector.shape_cast %mul3A_1778 : vector<16xf32> to vector<16xf32>
        tpu.vector_store %arg22[%swap3A_1779], %swap3A_1782 {strides = array<i32>} : memref<96xf32, #tpu.memory_space<vmem>>, vector<16xf32>,
        %mul3A_1783 = arith.mulf %sub3A_1708, %sub3A_1713 : vector<16xf32>
        %mul3A_1784 = arith.mulf %mul3A_1783, %select_n3A_1733 : vector<16xf32>
        %swap3A_1785 = arith.constant 0 : index
        %swap3A_1786 = tpu.vector_load %arg24[%swap3A_1785] {strides = array<i32>} : memref<96xf32, #tpu.memory_space<vmem>>, vector<16xf32>,
        %swap3A_1787 = vector.shape_cast %swap3A_1786 : vector<16xf32> to vector<16xf32>
        %swap3A_1788 = vector.shape_cast %mul3A_1784 : vector<16xf32> to vector<16xf32>
        tpu.vector_store %arg24[%swap3A_1785], %swap3A_1788 {strides = array<i32>} : memref<96xf32, #tpu.memory_space<vmem>>, vector<16xf32>,
        %get3A_1789 = arith.constant 16 : index
        %get3A_1790 = tpu.vector_load %arg6[%get3A_1789] {strides = array<i32>} : memref<96xf32, #tpu.memory_space<vmem>>, vector<16xf32>,
        %get3A_1791 = vector.shape_cast %get3A_1790 : vector<16xf32> to vector<16xf32>
        %add3A_1792 = arith.constant 1.000000e+00 : f32
        %add3A_1793 = vector.broadcast %add3A_1792 : f32 to vector<16xf32>
        %add3A_1794 = arith.addf %get3A_1791, %add3A_1793 : vector<16xf32>
        %mul3A_1795 = arith.constant 5.000000e-01 : f32
        %mul3A_1796 = vector.broadcast %mul3A_1795 : f32 to vector<16xf32>
        %mul3A_1797 = arith.mulf %mul3A_1796, %add3A_1794 : vector<16xf32>
        %mul3A_1798 = arith.constant 3.840000e+02 : f32
        %mul3A_1799 = vector.broadcast %mul3A_1798 : f32 to vector<16xf32>
        %mul3A_1800 = arith.mulf %mul3A_1797, %mul3A_1799 : vector<16xf32>
        %get3A_1801 = arith.constant 16 : index
        %get3A_1802 = tpu.vector_load %arg8[%get3A_1801] {strides = array<i32>} : memref<96xf32, #tpu.memory_space<vmem>>, vector<16xf32>,
        %get3A_1803 = vector.shape_cast %get3A_1802 : vector<16xf32> to vector<16xf32>
        %add3A_1804 = arith.constant 1.000000e+00 : f32
        %add3A_1805 = vector.broadcast %add3A_1804 : f32 to vector<16xf32>
        %add3A_1806 = arith.addf %get3A_1803, %add3A_1805 : vector<16xf32>
        %mul3A_1807 = arith.constant 5.000000e-01 : f32
        %mul3A_1808 = vector.broadcast %mul3A_1807 : f32 to vector<16xf32>
        %mul3A_1809 = arith.mulf %mul3A_1808, %add3A_1806 : vector<16xf32>
        %mul3A_1810 = arith.constant 3.840000e+02 : f32
        %mul3A_1811 = vector.broadcast %mul3A_1810 : f32 to vector<16xf32>
        %mul3A_1812 = arith.mulf %mul3A_1809, %mul3A_1811 : vector<16xf32>
        %convert_element_type3A_1813 = arith.fptosi %mul3A_1800 : vector<16xf32> to vector<16xi32>
        %convert_element_type3A_1814 = arith.fptosi %mul3A_1812 : vector<16xf32> to vector<16xi32>
        %jit3A_1815 = arith.constant 0 : i32
        %jit3A_1816 = arith.constant 382 : i32
        %max3A_1817 = vector.broadcast %jit3A_1815 : i32 to vector<16xi32>
        %max3A_1818 = arith.maxsi %max3A_1817, %convert_element_type3A_1813 : vector<16xi32>
        %min3A_1819 = vector.broadcast %jit3A_1816 : i32 to vector<16xi32>
        %min3A_1820 = arith.minsi %min3A_1819, %max3A_1818 : vector<16xi32>
        %jit3A_1821 = arith.constant 0 : i32
        %jit3A_1822 = arith.constant 382 : i32
        %max3A_1823 = vector.broadcast %jit3A_1821 : i32 to vector<16xi32>
        %max3A_1824 = arith.maxsi %max3A_1823, %convert_element_type3A_1814 : vector<16xi32>
        %min3A_1825 = vector.broadcast %jit3A_1822 : i32 to vector<16xi32>
        %min3A_1826 = arith.minsi %min3A_1825, %max3A_1824 : vector<16xi32>
        %convert_element_type3A_1827 = arith.sitofp %min3A_1820 : vector<16xi32> to vector<16xf32>
        %convert_element_type3A_1828 = arith.sitofp %min3A_1826 : vector<16xi32> to vector<16xf32>
        %add3A_1829 = arith.constant 1.000000e+00 : f32
        %add3A_1830 = vector.broadcast %add3A_1829 : f32 to vector<16xf32>
        %add3A_1831 = arith.addf %convert_element_type3A_1827, %add3A_1830 : vector<16xf32>
        %sub3A_1832 = arith.subf %add3A_1831, %mul3A_1800 : vector<16xf32>
        %sub3A_1833 = arith.subf %mul3A_1800, %convert_element_type3A_1827 : vector<16xf32>
        %add3A_1834 = arith.constant 1.000000e+00 : f32
        %add3A_1835 = vector.broadcast %add3A_1834 : f32 to vector<16xf32>
        %add3A_1836 = arith.addf %convert_element_type3A_1828, %add3A_1835 : vector<16xf32>
        %sub3A_1837 = arith.subf %add3A_1836, %mul3A_1812 : vector<16xf32>
        %sub3A_1838 = arith.subf %mul3A_1812, %convert_element_type3A_1828 : vector<16xf32>
        %gt3A_1839 = arith.constant -1.000000e+00 : f32
        %gt3A_1840 = vector.broadcast %gt3A_1839 : f32 to vector<16xf32>
        %gt3A_1841 = arith.cmpf ogt, %mul3A_1800, %gt3A_1840 : vector<16xf32>
        %lt3A_1842 = arith.constant 3.830000e+02 : f32
        %lt3A_1843 = vector.broadcast %lt3A_1842 : f32 to vector<16xf32>
        %lt3A_1844 = arith.cmpf olt, %mul3A_1800, %lt3A_1843 : vector<16xf32>
        %and3A_1845 = arith.andi %gt3A_1841, %lt3A_1844 : vector<16xi1>
        %gt3A_1846 = arith.constant -1.000000e+00 : f32
        %gt3A_1847 = vector.broadcast %gt3A_1846 : f32 to vector<16xf32>
        %gt3A_1848 = arith.cmpf ogt, %mul3A_1812, %gt3A_1847 : vector<16xf32>
        %and3A_1849 = arith.andi %and3A_1845, %gt3A_1848 : vector<16xi1>
        %lt3A_1850 = arith.constant 3.830000e+02 : f32
        %lt3A_1851 = vector.broadcast %lt3A_1850 : f32 to vector<16xf32>
        %lt3A_1852 = arith.cmpf olt, %mul3A_1812, %lt3A_1851 : vector<16xf32>
        %and3A_1853 = arith.andi %and3A_1849, %lt3A_1852 : vector<16xi1>
        %jit3A_1854 = arith.constant 1.000000e+00 : f32
        %jit3A_1855 = arith.constant 0.000000e+00 : f32
        %broadcast_in_dim3A_1856 = vector.broadcast %jit3A_1854 : f32 to vector<16xf32>
        %broadcast_in_dim3A_1857 = vector.broadcast %jit3A_1855 : f32 to vector<16xf32>
        %select_n3A_1858 = arith.select %and3A_1853, %broadcast_in_dim3A_1856, %broadcast_in_dim3A_1857 : vector<16xi1>, vector<16xf32>
        %mul3A_1859 = arith.constant 384 : i32
        %mul3A_1860 = vector.broadcast %mul3A_1859 : i32 to vector<16xi32>
        %mul3A_1861 = arith.muli %min3A_1826, %mul3A_1860 : vector<16xi32>
        %add3A_1862 = vector.broadcast %mul3A_20 : i32 to vector<16xi32>
        %add3A_1863 = arith.addi %add3A_1862, %mul3A_1861 : vector<16xi32>
        %add3A_1864 = arith.addi %add3A_1863, %min3A_1820 : vector<16xi32>
        %swap3A_1865 = arith.constant 16 : index
        %swap3A_1866 = tpu.vector_load %arg10[%swap3A_1865] {strides = array<i32>} : memref<96xi32, #tpu.memory_space<vmem>>, vector<16xi32>,
        %swap3A_1867 = vector.shape_cast %swap3A_1866 : vector<16xi32> to vector<16xi32>
        %swap3A_1868 = vector.shape_cast %add3A_1864 : vector<16xi32> to vector<16xi32>
        tpu.vector_store %arg10[%swap3A_1865], %swap3A_1868 {strides = array<i32>} : memref<96xi32, #tpu.memory_space<vmem>>, vector<16xi32>,
        %add3A_1869 = arith.constant 384 : i32
        %add3A_1870 = vector.broadcast %add3A_1869 : i32 to vector<16xi32>
        %add3A_1871 = arith.addi %add3A_1864, %add3A_1870 : vector<16xi32>
        %swap3A_1872 = arith.constant 16 : index
        %swap3A_1873 = tpu.vector_load %arg12[%swap3A_1872] {strides = array<i32>} : memref<96xi32, #tpu.memory_space<vmem>>, vector<16xi32>,
        %swap3A_1874 = vector.shape_cast %swap3A_1873 : vector<16xi32> to vector<16xi32>
        %swap3A_1875 = vector.shape_cast %add3A_1871 : vector<16xi32> to vector<16xi32>
        tpu.vector_store %arg12[%swap3A_1872], %swap3A_1875 {strides = array<i32>} : memref<96xi32, #tpu.memory_space<vmem>>, vector<16xi32>,
        %add3A_1876 = arith.constant 1 : i32
        %add3A_1877 = vector.broadcast %add3A_1876 : i32 to vector<16xi32>
        %add3A_1878 = arith.addi %add3A_1864, %add3A_1877 : vector<16xi32>
        %swap3A_1879 = arith.constant 16 : index
        %swap3A_1880 = tpu.vector_load %arg14[%swap3A_1879] {strides = array<i32>} : memref<96xi32, #tpu.memory_space<vmem>>, vector<16xi32>,
        %swap3A_1881 = vector.shape_cast %swap3A_1880 : vector<16xi32> to vector<16xi32>
        %swap3A_1882 = vector.shape_cast %add3A_1878 : vector<16xi32> to vector<16xi32>
        tpu.vector_store %arg14[%swap3A_1879], %swap3A_1882 {strides = array<i32>} : memref<96xi32, #tpu.memory_space<vmem>>, vector<16xi32>,
        %add3A_1883 = arith.constant 385 : i32
        %add3A_1884 = vector.broadcast %add3A_1883 : i32 to vector<16xi32>
        %add3A_1885 = arith.addi %add3A_1864, %add3A_1884 : vector<16xi32>
        %swap3A_1886 = arith.constant 16 : index
        %swap3A_1887 = tpu.vector_load %arg16[%swap3A_1886] {strides = array<i32>} : memref<96xi32, #tpu.memory_space<vmem>>, vector<16xi32>,
        %swap3A_1888 = vector.shape_cast %swap3A_1887 : vector<16xi32> to vector<16xi32>
        %swap3A_1889 = vector.shape_cast %add3A_1885 : vector<16xi32> to vector<16xi32>
        tpu.vector_store %arg16[%swap3A_1886], %swap3A_1889 {strides = array<i32>} : memref<96xi32, #tpu.memory_space<vmem>>, vector<16xi32>,
        %mul3A_1890 = arith.mulf %sub3A_1832, %sub3A_1837 : vector<16xf32>
        %mul3A_1891 = arith.mulf %mul3A_1890, %select_n3A_1858 : vector<16xf32>
        %swap3A_1892 = arith.constant 16 : index
        %swap3A_1893 = tpu.vector_load %arg18[%swap3A_1892] {strides = array<i32>} : memref<96xf32, #tpu.memory_space<vmem>>, vector<16xf32>,
        %swap3A_1894 = vector.shape_cast %swap3A_1893 : vector<16xf32> to vector<16xf32>
        %swap3A_1895 = vector.shape_cast %mul3A_1891 : vector<16xf32> to vector<16xf32>
        tpu.vector_store %arg18[%swap3A_1892], %swap3A_1895 {strides = array<i32>} : memref<96xf32, #tpu.memory_space<vmem>>, vector<16xf32>,
        %mul3A_1896 = arith.mulf %sub3A_1832, %sub3A_1838 : vector<16xf32>
        %mul3A_1897 = arith.mulf %mul3A_1896, %select_n3A_1858 : vector<16xf32>
        %swap3A_1898 = arith.constant 16 : index
        %swap3A_1899 = tpu.vector_load %arg20[%swap3A_1898] {strides = array<i32>} : memref<96xf32, #tpu.memory_space<vmem>>, vector<16xf32>,
        %swap3A_1900 = vector.shape_cast %swap3A_1899 : vector<16xf32> to vector<16xf32>
        %swap3A_1901 = vector.shape_cast %mul3A_1897 : vector<16xf32> to vector<16xf32>
        tpu.vector_store %arg20[%swap3A_1898], %swap3A_1901 {strides = array<i32>} : memref<96xf32, #tpu.memory_space<vmem>>, vector<16xf32>,
        %mul3A_1902 = arith.mulf %sub3A_1833, %sub3A_1837 : vector<16xf32>
        %mul3A_1903 = arith.mulf %mul3A_1902, %select_n3A_1858 : vector<16xf32>
        %swap3A_1904 = arith.constant 16 : index
        %swap3A_1905 = tpu.vector_load %arg22[%swap3A_1904] {strides = array<i32>} : memref<96xf32, #tpu.memory_space<vmem>>, vector<16xf32>,
        %swap3A_1906 = vector.shape_cast %swap3A_1905 : vector<16xf32> to vector<16xf32>
        %swap3A_1907 = vector.shape_cast %mul3A_1903 : vector<16xf32> to vector<16xf32>
        tpu.vector_store %arg22[%swap3A_1904], %swap3A_1907 {strides = array<i32>} : memref<96xf32, #tpu.memory_space<vmem>>, vector<16xf32>,
        %mul3A_1908 = arith.mulf %sub3A_1833, %sub3A_1838 : vector<16xf32>
        %mul3A_1909 = arith.mulf %mul3A_1908, %select_n3A_1858 : vector<16xf32>
        %swap3A_1910 = arith.constant 16 : index
        %swap3A_1911 = tpu.vector_load %arg24[%swap3A_1910] {strides = array<i32>} : memref<96xf32, #tpu.memory_space<vmem>>, vector<16xf32>,
        %swap3A_1912 = vector.shape_cast %swap3A_1911 : vector<16xf32> to vector<16xf32>
        %swap3A_1913 = vector.shape_cast %mul3A_1909 : vector<16xf32> to vector<16xf32>
        tpu.vector_store %arg24[%swap3A_1910], %swap3A_1913 {strides = array<i32>} : memref<96xf32, #tpu.memory_space<vmem>>, vector<16xf32>,
        %get3A_1914 = arith.constant 32 : index
        %get3A_1915 = tpu.vector_load %arg6[%get3A_1914] {strides = array<i32>} : memref<96xf32, #tpu.memory_space<vmem>>, vector<16xf32>,
        %get3A_1916 = vector.shape_cast %get3A_1915 : vector<16xf32> to vector<16xf32>
        %add3A_1917 = arith.constant 1.000000e+00 : f32
        %add3A_1918 = vector.broadcast %add3A_1917 : f32 to vector<16xf32>
        %add3A_1919 = arith.addf %get3A_1916, %add3A_1918 : vector<16xf32>
        %mul3A_1920 = arith.constant 5.000000e-01 : f32
        %mul3A_1921 = vector.broadcast %mul3A_1920 : f32 to vector<16xf32>
        %mul3A_1922 = arith.mulf %mul3A_1921, %add3A_1919 : vector<16xf32>
        %mul3A_1923 = arith.constant 3.840000e+02 : f32
        %mul3A_1924 = vector.broadcast %mul3A_1923 : f32 to vector<16xf32>
        %mul3A_1925 = arith.mulf %mul3A_1922, %mul3A_1924 : vector<16xf32>
        %get3A_1926 = arith.constant 32 : index
        %get3A_1927 = tpu.vector_load %arg8[%get3A_1926] {strides = array<i32>} : memref<96xf32, #tpu.memory_space<vmem>>, vector<16xf32>,
        %get3A_1928 = vector.shape_cast %get3A_1927 : vector<16xf32> to vector<16xf32>
        %add3A_1929 = arith.constant 1.000000e+00 : f32
        %add3A_1930 = vector.broadcast %add3A_1929 : f32 to vector<16xf32>
        %add3A_1931 = arith.addf %get3A_1928, %add3A_1930 : vector<16xf32>
        %mul3A_1932 = arith.constant 5.000000e-01 : f32
        %mul3A_1933 = vector.broadcast %mul3A_1932 : f32 to vector<16xf32>
        %mul3A_1934 = arith.mulf %mul3A_1933, %add3A_1931 : vector<16xf32>
        %mul3A_1935 = arith.constant 3.840000e+02 : f32
        %mul3A_1936 = vector.broadcast %mul3A_1935 : f32 to vector<16xf32>
        %mul3A_1937 = arith.mulf %mul3A_1934, %mul3A_1936 : vector<16xf32>
        %convert_element_type3A_1938 = arith.fptosi %mul3A_1925 : vector<16xf32> to vector<16xi32>
        %convert_element_type3A_1939 = arith.fptosi %mul3A_1937 : vector<16xf32> to vector<16xi32>
        %jit3A_1940 = arith.constant 0 : i32
        %jit3A_1941 = arith.constant 382 : i32
        %max3A_1942 = vector.broadcast %jit3A_1940 : i32 to vector<16xi32>
        %max3A_1943 = arith.maxsi %max3A_1942, %convert_element_type3A_1938 : vector<16xi32>
        %min3A_1944 = vector.broadcast %jit3A_1941 : i32 to vector<16xi32>
        %min3A_1945 = arith.minsi %min3A_1944, %max3A_1943 : vector<16xi32>
        %jit3A_1946 = arith.constant 0 : i32
        %jit3A_1947 = arith.constant 382 : i32
        %max3A_1948 = vector.broadcast %jit3A_1946 : i32 to vector<16xi32>
        %max3A_1949 = arith.maxsi %max3A_1948, %convert_element_type3A_1939 : vector<16xi32>
        %min3A_1950 = vector.broadcast %jit3A_1947 : i32 to vector<16xi32>
        %min3A_1951 = arith.minsi %min3A_1950, %max3A_1949 : vector<16xi32>
        %convert_element_type3A_1952 = arith.sitofp %min3A_1945 : vector<16xi32> to vector<16xf32>
        %convert_element_type3A_1953 = arith.sitofp %min3A_1951 : vector<16xi32> to vector<16xf32>
        %add3A_1954 = arith.constant 1.000000e+00 : f32
        %add3A_1955 = vector.broadcast %add3A_1954 : f32 to vector<16xf32>
        %add3A_1956 = arith.addf %convert_element_type3A_1952, %add3A_1955 : vector<16xf32>
        %sub3A_1957 = arith.subf %add3A_1956, %mul3A_1925 : vector<16xf32>
        %sub3A_1958 = arith.subf %mul3A_1925, %convert_element_type3A_1952 : vector<16xf32>
        %add3A_1959 = arith.constant 1.000000e+00 : f32
        %add3A_1960 = vector.broadcast %add3A_1959 : f32 to vector<16xf32>
        %add3A_1961 = arith.addf %convert_element_type3A_1953, %add3A_1960 : vector<16xf32>
        %sub3A_1962 = arith.subf %add3A_1961, %mul3A_1937 : vector<16xf32>
        %sub3A_1963 = arith.subf %mul3A_1937, %convert_element_type3A_1953 : vector<16xf32>
        %gt3A_1964 = arith.constant -1.000000e+00 : f32
        %gt3A_1965 = vector.broadcast %gt3A_1964 : f32 to vector<16xf32>
        %gt3A_1966 = arith.cmpf ogt, %mul3A_1925, %gt3A_1965 : vector<16xf32>
        %lt3A_1967 = arith.constant 3.830000e+02 : f32
        %lt3A_1968 = vector.broadcast %lt3A_1967 : f32 to vector<16xf32>
        %lt3A_1969 = arith.cmpf olt, %mul3A_1925, %lt3A_1968 : vector<16xf32>
        %and3A_1970 = arith.andi %gt3A_1966, %lt3A_1969 : vector<16xi1>
        %gt3A_1971 = arith.constant -1.000000e+00 : f32
        %gt3A_1972 = vector.broadcast %gt3A_1971 : f32 to vector<16xf32>
        %gt3A_1973 = arith.cmpf ogt, %mul3A_1937, %gt3A_1972 : vector<16xf32>
        %and3A_1974 = arith.andi %and3A_1970, %gt3A_1973 : vector<16xi1>
        %lt3A_1975 = arith.constant 3.830000e+02 : f32
        %lt3A_1976 = vector.broadcast %lt3A_1975 : f32 to vector<16xf32>
        %lt3A_1977 = arith.cmpf olt, %mul3A_1937, %lt3A_1976 : vector<16xf32>
        %and3A_1978 = arith.andi %and3A_1974, %lt3A_1977 : vector<16xi1>
        %jit3A_1979 = arith.constant 1.000000e+00 : f32
        %jit3A_1980 = arith.constant 0.000000e+00 : f32
        %broadcast_in_dim3A_1981 = vector.broadcast %jit3A_1979 : f32 to vector<16xf32>
        %broadcast_in_dim3A_1982 = vector.broadcast %jit3A_1980 : f32 to vector<16xf32>
        %select_n3A_1983 = arith.select %and3A_1978, %broadcast_in_dim3A_1981, %broadcast_in_dim3A_1982 : vector<16xi1>, vector<16xf32>
        %mul3A_1984 = arith.constant 384 : i32
        %mul3A_1985 = vector.broadcast %mul3A_1984 : i32 to vector<16xi32>
        %mul3A_1986 = arith.muli %min3A_1951, %mul3A_1985 : vector<16xi32>
        %add3A_1987 = vector.broadcast %mul3A_20 : i32 to vector<16xi32>
        %add3A_1988 = arith.addi %add3A_1987, %mul3A_1986 : vector<16xi32>
        %add3A_1989 = arith.addi %add3A_1988, %min3A_1945 : vector<16xi32>
        %swap3A_1990 = arith.constant 32 : index
        %swap3A_1991 = tpu.vector_load %arg10[%swap3A_1990] {strides = array<i32>} : memref<96xi32, #tpu.memory_space<vmem>>, vector<16xi32>,
        %swap3A_1992 = vector.shape_cast %swap3A_1991 : vector<16xi32> to vector<16xi32>
        %swap3A_1993 = vector.shape_cast %add3A_1989 : vector<16xi32> to vector<16xi32>
        tpu.vector_store %arg10[%swap3A_1990], %swap3A_1993 {strides = array<i32>} : memref<96xi32, #tpu.memory_space<vmem>>, vector<16xi32>,
        %add3A_1994 = arith.constant 384 : i32
        %add3A_1995 = vector.broadcast %add3A_1994 : i32 to vector<16xi32>
        %add3A_1996 = arith.addi %add3A_1989, %add3A_1995 : vector<16xi32>
        %swap3A_1997 = arith.constant 32 : index
        %swap3A_1998 = tpu.vector_load %arg12[%swap3A_1997] {strides = array<i32>} : memref<96xi32, #tpu.memory_space<vmem>>, vector<16xi32>,
        %swap3A_1999 = vector.shape_cast %swap3A_1998 : vector<16xi32> to vector<16xi32>
        %swap3A_2000 = vector.shape_cast %add3A_1996 : vector<16xi32> to vector<16xi32>
        tpu.vector_store %arg12[%swap3A_1997], %swap3A_2000 {strides = array<i32>} : memref<96xi32, #tpu.memory_space<vmem>>, vector<16xi32>,
        %add3A_2001 = arith.constant 1 : i32
        %add3A_2002 = vector.broadcast %add3A_2001 : i32 to vector<16xi32>
        %add3A_2003 = arith.addi %add3A_1989, %add3A_2002 : vector<16xi32>
        %swap3A_2004 = arith.constant 32 : index
        %swap3A_2005 = tpu.vector_load %arg14[%swap3A_2004] {strides = array<i32>} : memref<96xi32, #tpu.memory_space<vmem>>, vector<16xi32>,
        %swap3A_2006 = vector.shape_cast %swap3A_2005 : vector<16xi32> to vector<16xi32>
        %swap3A_2007 = vector.shape_cast %add3A_2003 : vector<16xi32> to vector<16xi32>
        tpu.vector_store %arg14[%swap3A_2004], %swap3A_2007 {strides = array<i32>} : memref<96xi32, #tpu.memory_space<vmem>>, vector<16xi32>,
        %add3A_2008 = arith.constant 385 : i32
        %add3A_2009 = vector.broadcast %add3A_2008 : i32 to vector<16xi32>
        %add3A_2010 = arith.addi %add3A_1989, %add3A_2009 : vector<16xi32>
        %swap3A_2011 = arith.constant 32 : index
        %swap3A_2012 = tpu.vector_load %arg16[%swap3A_2011] {strides = array<i32>} : memref<96xi32, #tpu.memory_space<vmem>>, vector<16xi32>,
        %swap3A_2013 = vector.shape_cast %swap3A_2012 : vector<16xi32> to vector<16xi32>
        %swap3A_2014 = vector.shape_cast %add3A_2010 : vector<16xi32> to vector<16xi32>
        tpu.vector_store %arg16[%swap3A_2011], %swap3A_2014 {strides = array<i32>} : memref<96xi32, #tpu.memory_space<vmem>>, vector<16xi32>,
        %mul3A_2015 = arith.mulf %sub3A_1957, %sub3A_1962 : vector<16xf32>
        %mul3A_2016 = arith.mulf %mul3A_2015, %select_n3A_1983 : vector<16xf32>
        %swap3A_2017 = arith.constant 32 : index
        %swap3A_2018 = tpu.vector_load %arg18[%swap3A_2017] {strides = array<i32>} : memref<96xf32, #tpu.memory_space<vmem>>, vector<16xf32>,
        %swap3A_2019 = vector.shape_cast %swap3A_2018 : vector<16xf32> to vector<16xf32>
        %swap3A_2020 = vector.shape_cast %mul3A_2016 : vector<16xf32> to vector<16xf32>
        tpu.vector_store %arg18[%swap3A_2017], %swap3A_2020 {strides = array<i32>} : memref<96xf32, #tpu.memory_space<vmem>>, vector<16xf32>,
        %mul3A_2021 = arith.mulf %sub3A_1957, %sub3A_1963 : vector<16xf32>
        %mul3A_2022 = arith.mulf %mul3A_2021, %select_n3A_1983 : vector<16xf32>
        %swap3A_2023 = arith.constant 32 : index
        %swap3A_2024 = tpu.vector_load %arg20[%swap3A_2023] {strides = array<i32>} : memref<96xf32, #tpu.memory_space<vmem>>, vector<16xf32>,
        %swap3A_2025 = vector.shape_cast %swap3A_2024 : vector<16xf32> to vector<16xf32>
        %swap3A_2026 = vector.shape_cast %mul3A_2022 : vector<16xf32> to vector<16xf32>
        tpu.vector_store %arg20[%swap3A_2023], %swap3A_2026 {strides = array<i32>} : memref<96xf32, #tpu.memory_space<vmem>>, vector<16xf32>,
        %mul3A_2027 = arith.mulf %sub3A_1958, %sub3A_1962 : vector<16xf32>
        %mul3A_2028 = arith.mulf %mul3A_2027, %select_n3A_1983 : vector<16xf32>
        %swap3A_2029 = arith.constant 32 : index
        %swap3A_2030 = tpu.vector_load %arg22[%swap3A_2029] {strides = array<i32>} : memref<96xf32, #tpu.memory_space<vmem>>, vector<16xf32>,
        %swap3A_2031 = vector.shape_cast %swap3A_2030 : vector<16xf32> to vector<16xf32>
        %swap3A_2032 = vector.shape_cast %mul3A_2028 : vector<16xf32> to vector<16xf32>
        tpu.vector_store %arg22[%swap3A_2029], %swap3A_2032 {strides = array<i32>} : memref<96xf32, #tpu.memory_space<vmem>>, vector<16xf32>,
        %mul3A_2033 = arith.mulf %sub3A_1958, %sub3A_1963 : vector<16xf32>
        %mul3A_2034 = arith.mulf %mul3A_2033, %select_n3A_1983 : vector<16xf32>
        %swap3A_2035 = arith.constant 32 : index
        %swap3A_2036 = tpu.vector_load %arg24[%swap3A_2035] {strides = array<i32>} : memref<96xf32, #tpu.memory_space<vmem>>, vector<16xf32>,
        %swap3A_2037 = vector.shape_cast %swap3A_2036 : vector<16xf32> to vector<16xf32>
        %swap3A_2038 = vector.shape_cast %mul3A_2034 : vector<16xf32> to vector<16xf32>
        tpu.vector_store %arg24[%swap3A_2035], %swap3A_2038 {strides = array<i32>} : memref<96xf32, #tpu.memory_space<vmem>>, vector<16xf32>,
        %get3A_2039 = arith.constant 48 : index
        %get3A_2040 = tpu.vector_load %arg6[%get3A_2039] {strides = array<i32>} : memref<96xf32, #tpu.memory_space<vmem>>, vector<16xf32>,
        %get3A_2041 = vector.shape_cast %get3A_2040 : vector<16xf32> to vector<16xf32>
        %add3A_2042 = arith.constant 1.000000e+00 : f32
        %add3A_2043 = vector.broadcast %add3A_2042 : f32 to vector<16xf32>
        %add3A_2044 = arith.addf %get3A_2041, %add3A_2043 : vector<16xf32>
        %mul3A_2045 = arith.constant 5.000000e-01 : f32
        %mul3A_2046 = vector.broadcast %mul3A_2045 : f32 to vector<16xf32>
        %mul3A_2047 = arith.mulf %mul3A_2046, %add3A_2044 : vector<16xf32>
        %mul3A_2048 = arith.constant 3.840000e+02 : f32
        %mul3A_2049 = vector.broadcast %mul3A_2048 : f32 to vector<16xf32>
        %mul3A_2050 = arith.mulf %mul3A_2047, %mul3A_2049 : vector<16xf32>
        %get3A_2051 = arith.constant 48 : index
        %get3A_2052 = tpu.vector_load %arg8[%get3A_2051] {strides = array<i32>} : memref<96xf32, #tpu.memory_space<vmem>>, vector<16xf32>,
        %get3A_2053 = vector.shape_cast %get3A_2052 : vector<16xf32> to vector<16xf32>
        %add3A_2054 = arith.constant 1.000000e+00 : f32
        %add3A_2055 = vector.broadcast %add3A_2054 : f32 to vector<16xf32>
        %add3A_2056 = arith.addf %get3A_2053, %add3A_2055 : vector<16xf32>
        %mul3A_2057 = arith.constant 5.000000e-01 : f32
        %mul3A_2058 = vector.broadcast %mul3A_2057 : f32 to vector<16xf32>
        %mul3A_2059 = arith.mulf %mul3A_2058, %add3A_2056 : vector<16xf32>
        %mul3A_2060 = arith.constant 3.840000e+02 : f32
        %mul3A_2061 = vector.broadcast %mul3A_2060 : f32 to vector<16xf32>
        %mul3A_2062 = arith.mulf %mul3A_2059, %mul3A_2061 : vector<16xf32>
        %convert_element_type3A_2063 = arith.fptosi %mul3A_2050 : vector<16xf32> to vector<16xi32>
        %convert_element_type3A_2064 = arith.fptosi %mul3A_2062 : vector<16xf32> to vector<16xi32>
        %jit3A_2065 = arith.constant 0 : i32
        %jit3A_2066 = arith.constant 382 : i32
        %max3A_2067 = vector.broadcast %jit3A_2065 : i32 to vector<16xi32>
        %max3A_2068 = arith.maxsi %max3A_2067, %convert_element_type3A_2063 : vector<16xi32>
        %min3A_2069 = vector.broadcast %jit3A_2066 : i32 to vector<16xi32>
        %min3A_2070 = arith.minsi %min3A_2069, %max3A_2068 : vector<16xi32>
        %jit3A_2071 = arith.constant 0 : i32
        %jit3A_2072 = arith.constant 382 : i32
        %max3A_2073 = vector.broadcast %jit3A_2071 : i32 to vector<16xi32>
        %max3A_2074 = arith.maxsi %max3A_2073, %convert_element_type3A_2064 : vector<16xi32>
        %min3A_2075 = vector.broadcast %jit3A_2072 : i32 to vector<16xi32>
        %min3A_2076 = arith.minsi %min3A_2075, %max3A_2074 : vector<16xi32>
        %convert_element_type3A_2077 = arith.sitofp %min3A_2070 : vector<16xi32> to vector<16xf32>
        %convert_element_type3A_2078 = arith.sitofp %min3A_2076 : vector<16xi32> to vector<16xf32>
        %add3A_2079 = arith.constant 1.000000e+00 : f32
        %add3A_2080 = vector.broadcast %add3A_2079 : f32 to vector<16xf32>
        %add3A_2081 = arith.addf %convert_element_type3A_2077, %add3A_2080 : vector<16xf32>
        %sub3A_2082 = arith.subf %add3A_2081, %mul3A_2050 : vector<16xf32>
        %sub3A_2083 = arith.subf %mul3A_2050, %convert_element_type3A_2077 : vector<16xf32>
        %add3A_2084 = arith.constant 1.000000e+00 : f32
        %add3A_2085 = vector.broadcast %add3A_2084 : f32 to vector<16xf32>
        %add3A_2086 = arith.addf %convert_element_type3A_2078, %add3A_2085 : vector<16xf32>
        %sub3A_2087 = arith.subf %add3A_2086, %mul3A_2062 : vector<16xf32>
        %sub3A_2088 = arith.subf %mul3A_2062, %convert_element_type3A_2078 : vector<16xf32>
        %gt3A_2089 = arith.constant -1.000000e+00 : f32
        %gt3A_2090 = vector.broadcast %gt3A_2089 : f32 to vector<16xf32>
        %gt3A_2091 = arith.cmpf ogt, %mul3A_2050, %gt3A_2090 : vector<16xf32>
        %lt3A_2092 = arith.constant 3.830000e+02 : f32
        %lt3A_2093 = vector.broadcast %lt3A_2092 : f32 to vector<16xf32>
        %lt3A_2094 = arith.cmpf olt, %mul3A_2050, %lt3A_2093 : vector<16xf32>
        %and3A_2095 = arith.andi %gt3A_2091, %lt3A_2094 : vector<16xi1>
        %gt3A_2096 = arith.constant -1.000000e+00 : f32
        %gt3A_2097 = vector.broadcast %gt3A_2096 : f32 to vector<16xf32>
        %gt3A_2098 = arith.cmpf ogt, %mul3A_2062, %gt3A_2097 : vector<16xf32>
        %and3A_2099 = arith.andi %and3A_2095, %gt3A_2098 : vector<16xi1>
        %lt3A_2100 = arith.constant 3.830000e+02 : f32
        %lt3A_2101 = vector.broadcast %lt3A_2100 : f32 to vector<16xf32>
        %lt3A_2102 = arith.cmpf olt, %mul3A_2062, %lt3A_2101 : vector<16xf32>
        %and3A_2103 = arith.andi %and3A_2099, %lt3A_2102 : vector<16xi1>
        %jit3A_2104 = arith.constant 1.000000e+00 : f32
        %jit3A_2105 = arith.constant 0.000000e+00 : f32
        %broadcast_in_dim3A_2106 = vector.broadcast %jit3A_2104 : f32 to vector<16xf32>
        %broadcast_in_dim3A_2107 = vector.broadcast %jit3A_2105 : f32 to vector<16xf32>
        %select_n3A_2108 = arith.select %and3A_2103, %broadcast_in_dim3A_2106, %broadcast_in_dim3A_2107 : vector<16xi1>, vector<16xf32>
        %mul3A_2109 = arith.constant 384 : i32
        %mul3A_2110 = vector.broadcast %mul3A_2109 : i32 to vector<16xi32>
        %mul3A_2111 = arith.muli %min3A_2076, %mul3A_2110 : vector<16xi32>
        %add3A_2112 = vector.broadcast %mul3A_20 : i32 to vector<16xi32>
        %add3A_2113 = arith.addi %add3A_2112, %mul3A_2111 : vector<16xi32>
        %add3A_2114 = arith.addi %add3A_2113, %min3A_2070 : vector<16xi32>
        %swap3A_2115 = arith.constant 48 : index
        %swap3A_2116 = tpu.vector_load %arg10[%swap3A_2115] {strides = array<i32>} : memref<96xi32, #tpu.memory_space<vmem>>, vector<16xi32>,
        %swap3A_2117 = vector.shape_cast %swap3A_2116 : vector<16xi32> to vector<16xi32>
        %swap3A_2118 = vector.shape_cast %add3A_2114 : vector<16xi32> to vector<16xi32>
        tpu.vector_store %arg10[%swap3A_2115], %swap3A_2118 {strides = array<i32>} : memref<96xi32, #tpu.memory_space<vmem>>, vector<16xi32>,
        %add3A_2119 = arith.constant 384 : i32
        %add3A_2120 = vector.broadcast %add3A_2119 : i32 to vector<16xi32>
        %add3A_2121 = arith.addi %add3A_2114, %add3A_2120 : vector<16xi32>
        %swap3A_2122 = arith.constant 48 : index
        %swap3A_2123 = tpu.vector_load %arg12[%swap3A_2122] {strides = array<i32>} : memref<96xi32, #tpu.memory_space<vmem>>, vector<16xi32>,
        %swap3A_2124 = vector.shape_cast %swap3A_2123 : vector<16xi32> to vector<16xi32>
        %swap3A_2125 = vector.shape_cast %add3A_2121 : vector<16xi32> to vector<16xi32>
        tpu.vector_store %arg12[%swap3A_2122], %swap3A_2125 {strides = array<i32>} : memref<96xi32, #tpu.memory_space<vmem>>, vector<16xi32>,
        %add3A_2126 = arith.constant 1 : i32
        %add3A_2127 = vector.broadcast %add3A_2126 : i32 to vector<16xi32>
        %add3A_2128 = arith.addi %add3A_2114, %add3A_2127 : vector<16xi32>
        %swap3A_2129 = arith.constant 48 : index
        %swap3A_2130 = tpu.vector_load %arg14[%swap3A_2129] {strides = array<i32>} : memref<96xi32, #tpu.memory_space<vmem>>, vector<16xi32>,
        %swap3A_2131 = vector.shape_cast %swap3A_2130 : vector<16xi32> to vector<16xi32>
        %swap3A_2132 = vector.shape_cast %add3A_2128 : vector<16xi32> to vector<16xi32>
        tpu.vector_store %arg14[%swap3A_2129], %swap3A_2132 {strides = array<i32>} : memref<96xi32, #tpu.memory_space<vmem>>, vector<16xi32>,
        %add3A_2133 = arith.constant 385 : i32
        %add3A_2134 = vector.broadcast %add3A_2133 : i32 to vector<16xi32>
        %add3A_2135 = arith.addi %add3A_2114, %add3A_2134 : vector<16xi32>
        %swap3A_2136 = arith.constant 48 : index
        %swap3A_2137 = tpu.vector_load %arg16[%swap3A_2136] {strides = array<i32>} : memref<96xi32, #tpu.memory_space<vmem>>, vector<16xi32>,
        %swap3A_2138 = vector.shape_cast %swap3A_2137 : vector<16xi32> to vector<16xi32>
        %swap3A_2139 = vector.shape_cast %add3A_2135 : vector<16xi32> to vector<16xi32>
        tpu.vector_store %arg16[%swap3A_2136], %swap3A_2139 {strides = array<i32>} : memref<96xi32, #tpu.memory_space<vmem>>, vector<16xi32>,
        %mul3A_2140 = arith.mulf %sub3A_2082, %sub3A_2087 : vector<16xf32>
        %mul3A_2141 = arith.mulf %mul3A_2140, %select_n3A_2108 : vector<16xf32>
        %swap3A_2142 = arith.constant 48 : index
        %swap3A_2143 = tpu.vector_load %arg18[%swap3A_2142] {strides = array<i32>} : memref<96xf32, #tpu.memory_space<vmem>>, vector<16xf32>,
        %swap3A_2144 = vector.shape_cast %swap3A_2143 : vector<16xf32> to vector<16xf32>
        %swap3A_2145 = vector.shape_cast %mul3A_2141 : vector<16xf32> to vector<16xf32>
        tpu.vector_store %arg18[%swap3A_2142], %swap3A_2145 {strides = array<i32>} : memref<96xf32, #tpu.memory_space<vmem>>, vector<16xf32>,
        %mul3A_2146 = arith.mulf %sub3A_2082, %sub3A_2088 : vector<16xf32>
        %mul3A_2147 = arith.mulf %mul3A_2146, %select_n3A_2108 : vector<16xf32>
        %swap3A_2148 = arith.constant 48 : index
        %swap3A_2149 = tpu.vector_load %arg20[%swap3A_2148] {strides = array<i32>} : memref<96xf32, #tpu.memory_space<vmem>>, vector<16xf32>,
        %swap3A_2150 = vector.shape_cast %swap3A_2149 : vector<16xf32> to vector<16xf32>
        %swap3A_2151 = vector.shape_cast %mul3A_2147 : vector<16xf32> to vector<16xf32>
        tpu.vector_store %arg20[%swap3A_2148], %swap3A_2151 {strides = array<i32>} : memref<96xf32, #tpu.memory_space<vmem>>, vector<16xf32>,
        %mul3A_2152 = arith.mulf %sub3A_2083, %sub3A_2087 : vector<16xf32>
        %mul3A_2153 = arith.mulf %mul3A_2152, %select_n3A_2108 : vector<16xf32>
        %swap3A_2154 = arith.constant 48 : index
        %swap3A_2155 = tpu.vector_load %arg22[%swap3A_2154] {strides = array<i32>} : memref<96xf32, #tpu.memory_space<vmem>>, vector<16xf32>,
        %swap3A_2156 = vector.shape_cast %swap3A_2155 : vector<16xf32> to vector<16xf32>
        %swap3A_2157 = vector.shape_cast %mul3A_2153 : vector<16xf32> to vector<16xf32>
        tpu.vector_store %arg22[%swap3A_2154], %swap3A_2157 {strides = array<i32>} : memref<96xf32, #tpu.memory_space<vmem>>, vector<16xf32>,
        %mul3A_2158 = arith.mulf %sub3A_2083, %sub3A_2088 : vector<16xf32>
        %mul3A_2159 = arith.mulf %mul3A_2158, %select_n3A_2108 : vector<16xf32>
        %swap3A_2160 = arith.constant 48 : index
        %swap3A_2161 = tpu.vector_load %arg24[%swap3A_2160] {strides = array<i32>} : memref<96xf32, #tpu.memory_space<vmem>>, vector<16xf32>,
        %swap3A_2162 = vector.shape_cast %swap3A_2161 : vector<16xf32> to vector<16xf32>
        %swap3A_2163 = vector.shape_cast %mul3A_2159 : vector<16xf32> to vector<16xf32>
        tpu.vector_store %arg24[%swap3A_2160], %swap3A_2163 {strides = array<i32>} : memref<96xf32, #tpu.memory_space<vmem>>, vector<16xf32>,
        %get3A_2164 = arith.constant 64 : index
        %get3A_2165 = tpu.vector_load %arg6[%get3A_2164] {strides = array<i32>} : memref<96xf32, #tpu.memory_space<vmem>>, vector<16xf32>,
        %get3A_2166 = vector.shape_cast %get3A_2165 : vector<16xf32> to vector<16xf32>
        %add3A_2167 = arith.constant 1.000000e+00 : f32
        %add3A_2168 = vector.broadcast %add3A_2167 : f32 to vector<16xf32>
        %add3A_2169 = arith.addf %get3A_2166, %add3A_2168 : vector<16xf32>
        %mul3A_2170 = arith.constant 5.000000e-01 : f32
        %mul3A_2171 = vector.broadcast %mul3A_2170 : f32 to vector<16xf32>
        %mul3A_2172 = arith.mulf %mul3A_2171, %add3A_2169 : vector<16xf32>
        %mul3A_2173 = arith.constant 3.840000e+02 : f32
        %mul3A_2174 = vector.broadcast %mul3A_2173 : f32 to vector<16xf32>
        %mul3A_2175 = arith.mulf %mul3A_2172, %mul3A_2174 : vector<16xf32>
        %get3A_2176 = arith.constant 64 : index
        %get3A_2177 = tpu.vector_load %arg8[%get3A_2176] {strides = array<i32>} : memref<96xf32, #tpu.memory_space<vmem>>, vector<16xf32>,
        %get3A_2178 = vector.shape_cast %get3A_2177 : vector<16xf32> to vector<16xf32>
        %add3A_2179 = arith.constant 1.000000e+00 : f32
        %add3A_2180 = vector.broadcast %add3A_2179 : f32 to vector<16xf32>
        %add3A_2181 = arith.addf %get3A_2178, %add3A_2180 : vector<16xf32>
        %mul3A_2182 = arith.constant 5.000000e-01 : f32
        %mul3A_2183 = vector.broadcast %mul3A_2182 : f32 to vector<16xf32>
        %mul3A_2184 = arith.mulf %mul3A_2183, %add3A_2181 : vector<16xf32>
        %mul3A_2185 = arith.constant 3.840000e+02 : f32
        %mul3A_2186 = vector.broadcast %mul3A_2185 : f32 to vector<16xf32>
        %mul3A_2187 = arith.mulf %mul3A_2184, %mul3A_2186 : vector<16xf32>
        %convert_element_type3A_2188 = arith.fptosi %mul3A_2175 : vector<16xf32> to vector<16xi32>
        %convert_element_type3A_2189 = arith.fptosi %mul3A_2187 : vector<16xf32> to vector<16xi32>
        %jit3A_2190 = arith.constant 0 : i32
        %jit3A_2191 = arith.constant 382 : i32
        %max3A_2192 = vector.broadcast %jit3A_2190 : i32 to vector<16xi32>
        %max3A_2193 = arith.maxsi %max3A_2192, %convert_element_type3A_2188 : vector<16xi32>
        %min3A_2194 = vector.broadcast %jit3A_2191 : i32 to vector<16xi32>
        %min3A_2195 = arith.minsi %min3A_2194, %max3A_2193 : vector<16xi32>
        %jit3A_2196 = arith.constant 0 : i32
        %jit3A_2197 = arith.constant 382 : i32
        %max3A_2198 = vector.broadcast %jit3A_2196 : i32 to vector<16xi32>
        %max3A_2199 = arith.maxsi %max3A_2198, %convert_element_type3A_2189 : vector<16xi32>
        %min3A_2200 = vector.broadcast %jit3A_2197 : i32 to vector<16xi32>
        %min3A_2201 = arith.minsi %min3A_2200, %max3A_2199 : vector<16xi32>
        %convert_element_type3A_2202 = arith.sitofp %min3A_2195 : vector<16xi32> to vector<16xf32>
        %convert_element_type3A_2203 = arith.sitofp %min3A_2201 : vector<16xi32> to vector<16xf32>
        %add3A_2204 = arith.constant 1.000000e+00 : f32
        %add3A_2205 = vector.broadcast %add3A_2204 : f32 to vector<16xf32>
        %add3A_2206 = arith.addf %convert_element_type3A_2202, %add3A_2205 : vector<16xf32>
        %sub3A_2207 = arith.subf %add3A_2206, %mul3A_2175 : vector<16xf32>
        %sub3A_2208 = arith.subf %mul3A_2175, %convert_element_type3A_2202 : vector<16xf32>
        %add3A_2209 = arith.constant 1.000000e+00 : f32
        %add3A_2210 = vector.broadcast %add3A_2209 : f32 to vector<16xf32>
        %add3A_2211 = arith.addf %convert_element_type3A_2203, %add3A_2210 : vector<16xf32>
        %sub3A_2212 = arith.subf %add3A_2211, %mul3A_2187 : vector<16xf32>
        %sub3A_2213 = arith.subf %mul3A_2187, %convert_element_type3A_2203 : vector<16xf32>
        %gt3A_2214 = arith.constant -1.000000e+00 : f32
        %gt3A_2215 = vector.broadcast %gt3A_2214 : f32 to vector<16xf32>
        %gt3A_2216 = arith.cmpf ogt, %mul3A_2175, %gt3A_2215 : vector<16xf32>
        %lt3A_2217 = arith.constant 3.830000e+02 : f32
        %lt3A_2218 = vector.broadcast %lt3A_2217 : f32 to vector<16xf32>
        %lt3A_2219 = arith.cmpf olt, %mul3A_2175, %lt3A_2218 : vector<16xf32>
        %and3A_2220 = arith.andi %gt3A_2216, %lt3A_2219 : vector<16xi1>
        %gt3A_2221 = arith.constant -1.000000e+00 : f32
        %gt3A_2222 = vector.broadcast %gt3A_2221 : f32 to vector<16xf32>
        %gt3A_2223 = arith.cmpf ogt, %mul3A_2187, %gt3A_2222 : vector<16xf32>
        %and3A_2224 = arith.andi %and3A_2220, %gt3A_2223 : vector<16xi1>
        %lt3A_2225 = arith.constant 3.830000e+02 : f32
        %lt3A_2226 = vector.broadcast %lt3A_2225 : f32 to vector<16xf32>
        %lt3A_2227 = arith.cmpf olt, %mul3A_2187, %lt3A_2226 : vector<16xf32>
        %and3A_2228 = arith.andi %and3A_2224, %lt3A_2227 : vector<16xi1>
        %jit3A_2229 = arith.constant 1.000000e+00 : f32
        %jit3A_2230 = arith.constant 0.000000e+00 : f32
        %broadcast_in_dim3A_2231 = vector.broadcast %jit3A_2229 : f32 to vector<16xf32>
        %broadcast_in_dim3A_2232 = vector.broadcast %jit3A_2230 : f32 to vector<16xf32>
        %select_n3A_2233 = arith.select %and3A_2228, %broadcast_in_dim3A_2231, %broadcast_in_dim3A_2232 : vector<16xi1>, vector<16xf32>
        %mul3A_2234 = arith.constant 384 : i32
        %mul3A_2235 = vector.broadcast %mul3A_2234 : i32 to vector<16xi32>
        %mul3A_2236 = arith.muli %min3A_2201, %mul3A_2235 : vector<16xi32>
        %add3A_2237 = vector.broadcast %mul3A_20 : i32 to vector<16xi32>
        %add3A_2238 = arith.addi %add3A_2237, %mul3A_2236 : vector<16xi32>
        %add3A_2239 = arith.addi %add3A_2238, %min3A_2195 : vector<16xi32>
        %swap3A_2240 = arith.constant 64 : index
        %swap3A_2241 = tpu.vector_load %arg10[%swap3A_2240] {strides = array<i32>} : memref<96xi32, #tpu.memory_space<vmem>>, vector<16xi32>,
        %swap3A_2242 = vector.shape_cast %swap3A_2241 : vector<16xi32> to vector<16xi32>
        %swap3A_2243 = vector.shape_cast %add3A_2239 : vector<16xi32> to vector<16xi32>
        tpu.vector_store %arg10[%swap3A_2240], %swap3A_2243 {strides = array<i32>} : memref<96xi32, #tpu.memory_space<vmem>>, vector<16xi32>,
        %add3A_2244 = arith.constant 384 : i32
        %add3A_2245 = vector.broadcast %add3A_2244 : i32 to vector<16xi32>
        %add3A_2246 = arith.addi %add3A_2239, %add3A_2245 : vector<16xi32>
        %swap3A_2247 = arith.constant 64 : index
        %swap3A_2248 = tpu.vector_load %arg12[%swap3A_2247] {strides = array<i32>} : memref<96xi32, #tpu.memory_space<vmem>>, vector<16xi32>,
        %swap3A_2249 = vector.shape_cast %swap3A_2248 : vector<16xi32> to vector<16xi32>
        %swap3A_2250 = vector.shape_cast %add3A_2246 : vector<16xi32> to vector<16xi32>
        tpu.vector_store %arg12[%swap3A_2247], %swap3A_2250 {strides = array<i32>} : memref<96xi32, #tpu.memory_space<vmem>>, vector<16xi32>,
        %add3A_2251 = arith.constant 1 : i32
        %add3A_2252 = vector.broadcast %add3A_2251 : i32 to vector<16xi32>
        %add3A_2253 = arith.addi %add3A_2239, %add3A_2252 : vector<16xi32>
        %swap3A_2254 = arith.constant 64 : index
        %swap3A_2255 = tpu.vector_load %arg14[%swap3A_2254] {strides = array<i32>} : memref<96xi32, #tpu.memory_space<vmem>>, vector<16xi32>,
        %swap3A_2256 = vector.shape_cast %swap3A_2255 : vector<16xi32> to vector<16xi32>
        %swap3A_2257 = vector.shape_cast %add3A_2253 : vector<16xi32> to vector<16xi32>
        tpu.vector_store %arg14[%swap3A_2254], %swap3A_2257 {strides = array<i32>} : memref<96xi32, #tpu.memory_space<vmem>>, vector<16xi32>,
        %add3A_2258 = arith.constant 385 : i32
        %add3A_2259 = vector.broadcast %add3A_2258 : i32 to vector<16xi32>
        %add3A_2260 = arith.addi %add3A_2239, %add3A_2259 : vector<16xi32>
        %swap3A_2261 = arith.constant 64 : index
        %swap3A_2262 = tpu.vector_load %arg16[%swap3A_2261] {strides = array<i32>} : memref<96xi32, #tpu.memory_space<vmem>>, vector<16xi32>,
        %swap3A_2263 = vector.shape_cast %swap3A_2262 : vector<16xi32> to vector<16xi32>
        %swap3A_2264 = vector.shape_cast %add3A_2260 : vector<16xi32> to vector<16xi32>
        tpu.vector_store %arg16[%swap3A_2261], %swap3A_2264 {strides = array<i32>} : memref<96xi32, #tpu.memory_space<vmem>>, vector<16xi32>,
        %mul3A_2265 = arith.mulf %sub3A_2207, %sub3A_2212 : vector<16xf32>
        %mul3A_2266 = arith.mulf %mul3A_2265, %select_n3A_2233 : vector<16xf32>
        %swap3A_2267 = arith.constant 64 : index
        %swap3A_2268 = tpu.vector_load %arg18[%swap3A_2267] {strides = array<i32>} : memref<96xf32, #tpu.memory_space<vmem>>, vector<16xf32>,
        %swap3A_2269 = vector.shape_cast %swap3A_2268 : vector<16xf32> to vector<16xf32>
        %swap3A_2270 = vector.shape_cast %mul3A_2266 : vector<16xf32> to vector<16xf32>
        tpu.vector_store %arg18[%swap3A_2267], %swap3A_2270 {strides = array<i32>} : memref<96xf32, #tpu.memory_space<vmem>>, vector<16xf32>,
        %mul3A_2271 = arith.mulf %sub3A_2207, %sub3A_2213 : vector<16xf32>
        %mul3A_2272 = arith.mulf %mul3A_2271, %select_n3A_2233 : vector<16xf32>
        %swap3A_2273 = arith.constant 64 : index
        %swap3A_2274 = tpu.vector_load %arg20[%swap3A_2273] {strides = array<i32>} : memref<96xf32, #tpu.memory_space<vmem>>, vector<16xf32>,
        %swap3A_2275 = vector.shape_cast %swap3A_2274 : vector<16xf32> to vector<16xf32>
        %swap3A_2276 = vector.shape_cast %mul3A_2272 : vector<16xf32> to vector<16xf32>
        tpu.vector_store %arg20[%swap3A_2273], %swap3A_2276 {strides = array<i32>} : memref<96xf32, #tpu.memory_space<vmem>>, vector<16xf32>,
        %mul3A_2277 = arith.mulf %sub3A_2208, %sub3A_2212 : vector<16xf32>
        %mul3A_2278 = arith.mulf %mul3A_2277, %select_n3A_2233 : vector<16xf32>
        %swap3A_2279 = arith.constant 64 : index
        %swap3A_2280 = tpu.vector_load %arg22[%swap3A_2279] {strides = array<i32>} : memref<96xf32, #tpu.memory_space<vmem>>, vector<16xf32>,
        %swap3A_2281 = vector.shape_cast %swap3A_2280 : vector<16xf32> to vector<16xf32>
        %swap3A_2282 = vector.shape_cast %mul3A_2278 : vector<16xf32> to vector<16xf32>
        tpu.vector_store %arg22[%swap3A_2279], %swap3A_2282 {strides = array<i32>} : memref<96xf32, #tpu.memory_space<vmem>>, vector<16xf32>,
        %mul3A_2283 = arith.mulf %sub3A_2208, %sub3A_2213 : vector<16xf32>
        %mul3A_2284 = arith.mulf %mul3A_2283, %select_n3A_2233 : vector<16xf32>
        %swap3A_2285 = arith.constant 64 : index
        %swap3A_2286 = tpu.vector_load %arg24[%swap3A_2285] {strides = array<i32>} : memref<96xf32, #tpu.memory_space<vmem>>, vector<16xf32>,
        %swap3A_2287 = vector.shape_cast %swap3A_2286 : vector<16xf32> to vector<16xf32>
        %swap3A_2288 = vector.shape_cast %mul3A_2284 : vector<16xf32> to vector<16xf32>
        tpu.vector_store %arg24[%swap3A_2285], %swap3A_2288 {strides = array<i32>} : memref<96xf32, #tpu.memory_space<vmem>>, vector<16xf32>,
        %get3A_2289 = arith.constant 80 : index
        %get3A_2290 = tpu.vector_load %arg6[%get3A_2289] {strides = array<i32>} : memref<96xf32, #tpu.memory_space<vmem>>, vector<16xf32>,
        %get3A_2291 = vector.shape_cast %get3A_2290 : vector<16xf32> to vector<16xf32>
        %add3A_2292 = arith.constant 1.000000e+00 : f32
        %add3A_2293 = vector.broadcast %add3A_2292 : f32 to vector<16xf32>
        %add3A_2294 = arith.addf %get3A_2291, %add3A_2293 : vector<16xf32>
        %mul3A_2295 = arith.constant 5.000000e-01 : f32
        %mul3A_2296 = vector.broadcast %mul3A_2295 : f32 to vector<16xf32>
        %mul3A_2297 = arith.mulf %mul3A_2296, %add3A_2294 : vector<16xf32>
        %mul3A_2298 = arith.constant 3.840000e+02 : f32
        %mul3A_2299 = vector.broadcast %mul3A_2298 : f32 to vector<16xf32>
        %mul3A_2300 = arith.mulf %mul3A_2297, %mul3A_2299 : vector<16xf32>
        %get3A_2301 = arith.constant 80 : index
        %get3A_2302 = tpu.vector_load %arg8[%get3A_2301] {strides = array<i32>} : memref<96xf32, #tpu.memory_space<vmem>>, vector<16xf32>,
        %get3A_2303 = vector.shape_cast %get3A_2302 : vector<16xf32> to vector<16xf32>
        %add3A_2304 = arith.constant 1.000000e+00 : f32
        %add3A_2305 = vector.broadcast %add3A_2304 : f32 to vector<16xf32>
        %add3A_2306 = arith.addf %get3A_2303, %add3A_2305 : vector<16xf32>
        %mul3A_2307 = arith.constant 5.000000e-01 : f32
        %mul3A_2308 = vector.broadcast %mul3A_2307 : f32 to vector<16xf32>
        %mul3A_2309 = arith.mulf %mul3A_2308, %add3A_2306 : vector<16xf32>
        %mul3A_2310 = arith.constant 3.840000e+02 : f32
        %mul3A_2311 = vector.broadcast %mul3A_2310 : f32 to vector<16xf32>
        %mul3A_2312 = arith.mulf %mul3A_2309, %mul3A_2311 : vector<16xf32>
        %convert_element_type3A_2313 = arith.fptosi %mul3A_2300 : vector<16xf32> to vector<16xi32>
        %convert_element_type3A_2314 = arith.fptosi %mul3A_2312 : vector<16xf32> to vector<16xi32>
        %jit3A_2315 = arith.constant 0 : i32
        %jit3A_2316 = arith.constant 382 : i32
        %max3A_2317 = vector.broadcast %jit3A_2315 : i32 to vector<16xi32>
        %max3A_2318 = arith.maxsi %max3A_2317, %convert_element_type3A_2313 : vector<16xi32>
        %min3A_2319 = vector.broadcast %jit3A_2316 : i32 to vector<16xi32>
        %min3A_2320 = arith.minsi %min3A_2319, %max3A_2318 : vector<16xi32>
        %jit3A_2321 = arith.constant 0 : i32
        %jit3A_2322 = arith.constant 382 : i32
        %max3A_2323 = vector.broadcast %jit3A_2321 : i32 to vector<16xi32>
        %max3A_2324 = arith.maxsi %max3A_2323, %convert_element_type3A_2314 : vector<16xi32>
        %min3A_2325 = vector.broadcast %jit3A_2322 : i32 to vector<16xi32>
        %min3A_2326 = arith.minsi %min3A_2325, %max3A_2324 : vector<16xi32>
        %convert_element_type3A_2327 = arith.sitofp %min3A_2320 : vector<16xi32> to vector<16xf32>
        %convert_element_type3A_2328 = arith.sitofp %min3A_2326 : vector<16xi32> to vector<16xf32>
        %add3A_2329 = arith.constant 1.000000e+00 : f32
        %add3A_2330 = vector.broadcast %add3A_2329 : f32 to vector<16xf32>
        %add3A_2331 = arith.addf %convert_element_type3A_2327, %add3A_2330 : vector<16xf32>
        %sub3A_2332 = arith.subf %add3A_2331, %mul3A_2300 : vector<16xf32>
        %sub3A_2333 = arith.subf %mul3A_2300, %convert_element_type3A_2327 : vector<16xf32>
        %add3A_2334 = arith.constant 1.000000e+00 : f32
        %add3A_2335 = vector.broadcast %add3A_2334 : f32 to vector<16xf32>
        %add3A_2336 = arith.addf %convert_element_type3A_2328, %add3A_2335 : vector<16xf32>
        %sub3A_2337 = arith.subf %add3A_2336, %mul3A_2312 : vector<16xf32>
        %sub3A_2338 = arith.subf %mul3A_2312, %convert_element_type3A_2328 : vector<16xf32>
        %gt3A_2339 = arith.constant -1.000000e+00 : f32
        %gt3A_2340 = vector.broadcast %gt3A_2339 : f32 to vector<16xf32>
        %gt3A_2341 = arith.cmpf ogt, %mul3A_2300, %gt3A_2340 : vector<16xf32>
        %lt3A_2342 = arith.constant 3.830000e+02 : f32
        %lt3A_2343 = vector.broadcast %lt3A_2342 : f32 to vector<16xf32>
        %lt3A_2344 = arith.cmpf olt, %mul3A_2300, %lt3A_2343 : vector<16xf32>
        %and3A_2345 = arith.andi %gt3A_2341, %lt3A_2344 : vector<16xi1>
        %gt3A_2346 = arith.constant -1.000000e+00 : f32
        %gt3A_2347 = vector.broadcast %gt3A_2346 : f32 to vector<16xf32>
        %gt3A_2348 = arith.cmpf ogt, %mul3A_2312, %gt3A_2347 : vector<16xf32>
        %and3A_2349 = arith.andi %and3A_2345, %gt3A_2348 : vector<16xi1>
        %lt3A_2350 = arith.constant 3.830000e+02 : f32
        %lt3A_2351 = vector.broadcast %lt3A_2350 : f32 to vector<16xf32>
        %lt3A_2352 = arith.cmpf olt, %mul3A_2312, %lt3A_2351 : vector<16xf32>
        %and3A_2353 = arith.andi %and3A_2349, %lt3A_2352 : vector<16xi1>
        %jit3A_2354 = arith.constant 1.000000e+00 : f32
        %jit3A_2355 = arith.constant 0.000000e+00 : f32
        %broadcast_in_dim3A_2356 = vector.broadcast %jit3A_2354 : f32 to vector<16xf32>
        %broadcast_in_dim3A_2357 = vector.broadcast %jit3A_2355 : f32 to vector<16xf32>
        %select_n3A_2358 = arith.select %and3A_2353, %broadcast_in_dim3A_2356, %broadcast_in_dim3A_2357 : vector<16xi1>, vector<16xf32>
        %mul3A_2359 = arith.constant 384 : i32
        %mul3A_2360 = vector.broadcast %mul3A_2359 : i32 to vector<16xi32>
        %mul3A_2361 = arith.muli %min3A_2326, %mul3A_2360 : vector<16xi32>
        %add3A_2362 = vector.broadcast %mul3A_20 : i32 to vector<16xi32>
        %add3A_2363 = arith.addi %add3A_2362, %mul3A_2361 : vector<16xi32>
        %add3A_2364 = arith.addi %add3A_2363, %min3A_2320 : vector<16xi32>
        %swap3A_2365 = arith.constant 80 : index
        %swap3A_2366 = tpu.vector_load %arg10[%swap3A_2365] {strides = array<i32>} : memref<96xi32, #tpu.memory_space<vmem>>, vector<16xi32>,
        %swap3A_2367 = vector.shape_cast %swap3A_2366 : vector<16xi32> to vector<16xi32>
        %swap3A_2368 = vector.shape_cast %add3A_2364 : vector<16xi32> to vector<16xi32>
        tpu.vector_store %arg10[%swap3A_2365], %swap3A_2368 {strides = array<i32>} : memref<96xi32, #tpu.memory_space<vmem>>, vector<16xi32>,
        %add3A_2369 = arith.constant 384 : i32
        %add3A_2370 = vector.broadcast %add3A_2369 : i32 to vector<16xi32>
        %add3A_2371 = arith.addi %add3A_2364, %add3A_2370 : vector<16xi32>
        %swap3A_2372 = arith.constant 80 : index
        %swap3A_2373 = tpu.vector_load %arg12[%swap3A_2372] {strides = array<i32>} : memref<96xi32, #tpu.memory_space<vmem>>, vector<16xi32>,
        %swap3A_2374 = vector.shape_cast %swap3A_2373 : vector<16xi32> to vector<16xi32>
        %swap3A_2375 = vector.shape_cast %add3A_2371 : vector<16xi32> to vector<16xi32>
        tpu.vector_store %arg12[%swap3A_2372], %swap3A_2375 {strides = array<i32>} : memref<96xi32, #tpu.memory_space<vmem>>, vector<16xi32>,
        %add3A_2376 = arith.constant 1 : i32
        %add3A_2377 = vector.broadcast %add3A_2376 : i32 to vector<16xi32>
        %add3A_2378 = arith.addi %add3A_2364, %add3A_2377 : vector<16xi32>
        %swap3A_2379 = arith.constant 80 : index
        %swap3A_2380 = tpu.vector_load %arg14[%swap3A_2379] {strides = array<i32>} : memref<96xi32, #tpu.memory_space<vmem>>, vector<16xi32>,
        %swap3A_2381 = vector.shape_cast %swap3A_2380 : vector<16xi32> to vector<16xi32>
        %swap3A_2382 = vector.shape_cast %add3A_2378 : vector<16xi32> to vector<16xi32>
        tpu.vector_store %arg14[%swap3A_2379], %swap3A_2382 {strides = array<i32>} : memref<96xi32, #tpu.memory_space<vmem>>, vector<16xi32>,
        %add3A_2383 = arith.constant 385 : i32
        %add3A_2384 = vector.broadcast %add3A_2383 : i32 to vector<16xi32>
        %add3A_2385 = arith.addi %add3A_2364, %add3A_2384 : vector<16xi32>
        %swap3A_2386 = arith.constant 80 : index
        %swap3A_2387 = tpu.vector_load %arg16[%swap3A_2386] {strides = array<i32>} : memref<96xi32, #tpu.memory_space<vmem>>, vector<16xi32>,
        %swap3A_2388 = vector.shape_cast %swap3A_2387 : vector<16xi32> to vector<16xi32>
        %swap3A_2389 = vector.shape_cast %add3A_2385 : vector<16xi32> to vector<16xi32>
        tpu.vector_store %arg16[%swap3A_2386], %swap3A_2389 {strides = array<i32>} : memref<96xi32, #tpu.memory_space<vmem>>, vector<16xi32>,
        %mul3A_2390 = arith.mulf %sub3A_2332, %sub3A_2337 : vector<16xf32>
        %mul3A_2391 = arith.mulf %mul3A_2390, %select_n3A_2358 : vector<16xf32>
        %swap3A_2392 = arith.constant 80 : index
        %swap3A_2393 = tpu.vector_load %arg18[%swap3A_2392] {strides = array<i32>} : memref<96xf32, #tpu.memory_space<vmem>>, vector<16xf32>,
        %swap3A_2394 = vector.shape_cast %swap3A_2393 : vector<16xf32> to vector<16xf32>
        %swap3A_2395 = vector.shape_cast %mul3A_2391 : vector<16xf32> to vector<16xf32>
        tpu.vector_store %arg18[%swap3A_2392], %swap3A_2395 {strides = array<i32>} : memref<96xf32, #tpu.memory_space<vmem>>, vector<16xf32>,
        %mul3A_2396 = arith.mulf %sub3A_2332, %sub3A_2338 : vector<16xf32>
        %mul3A_2397 = arith.mulf %mul3A_2396, %select_n3A_2358 : vector<16xf32>
        %swap3A_2398 = arith.constant 80 : index
        %swap3A_2399 = tpu.vector_load %arg20[%swap3A_2398] {strides = array<i32>} : memref<96xf32, #tpu.memory_space<vmem>>, vector<16xf32>,
        %swap3A_2400 = vector.shape_cast %swap3A_2399 : vector<16xf32> to vector<16xf32>
        %swap3A_2401 = vector.shape_cast %mul3A_2397 : vector<16xf32> to vector<16xf32>
        tpu.vector_store %arg20[%swap3A_2398], %swap3A_2401 {strides = array<i32>} : memref<96xf32, #tpu.memory_space<vmem>>, vector<16xf32>,
        %mul3A_2402 = arith.mulf %sub3A_2333, %sub3A_2337 : vector<16xf32>
        %mul3A_2403 = arith.mulf %mul3A_2402, %select_n3A_2358 : vector<16xf32>
        %swap3A_2404 = arith.constant 80 : index
        %swap3A_2405 = tpu.vector_load %arg22[%swap3A_2404] {strides = array<i32>} : memref<96xf32, #tpu.memory_space<vmem>>, vector<16xf32>,
        %swap3A_2406 = vector.shape_cast %swap3A_2405 : vector<16xf32> to vector<16xf32>
        %swap3A_2407 = vector.shape_cast %mul3A_2403 : vector<16xf32> to vector<16xf32>
        tpu.vector_store %arg22[%swap3A_2404], %swap3A_2407 {strides = array<i32>} : memref<96xf32, #tpu.memory_space<vmem>>, vector<16xf32>,
        %mul3A_2408 = arith.mulf %sub3A_2333, %sub3A_2338 : vector<16xf32>
        %mul3A_2409 = arith.mulf %mul3A_2408, %select_n3A_2358 : vector<16xf32>
        %swap3A_2410 = arith.constant 80 : index
        %swap3A_2411 = tpu.vector_load %arg24[%swap3A_2410] {strides = array<i32>} : memref<96xf32, #tpu.memory_space<vmem>>, vector<16xf32>,
        %swap3A_2412 = vector.shape_cast %swap3A_2411 : vector<16xf32> to vector<16xf32>
        %swap3A_2413 = vector.shape_cast %mul3A_2409 : vector<16xf32> to vector<16xf32>
        tpu.vector_store %arg24[%swap3A_2410], %swap3A_2413 {strides = array<i32>} : memref<96xf32, #tpu.memory_space<vmem>>, vector<16xf32>,
        %dma_start3A_2414 = arith.constant 0 : i32
        %dma_start3A_2415 = arith.constant 0 : i32
        %dma_start3A_2416 = tpu.memref_slice %arg2[%dma_start3A_2414, %dma_start3A_2415] : memref<589824x128xf32, #tpu.memory_space<hbm>> -> memref<589824x128xf32, #tpu.memory_space<hbm>>
        tpu.enqueue_indirect_dma source(%dma_start3A_2416 : memref<589824x128xf32, #tpu.memory_space<hbm>>) target(%arg26 : memref<96x128xf32, #tpu.memory_space<vmem>>) offsets(%arg10 : memref<96xi32, #tpu.memory_space<vmem>>) semaphore(%arg36 : memref<!tpu.dma_semaphore, #tpu.memory_space<semaphore_mem>>)
        %dma_start3A_2417 = arith.constant 0 : i32
        %dma_start3A_2418 = arith.constant 0 : i32
        %dma_start3A_2419 = tpu.memref_slice %arg2[%dma_start3A_2417, %dma_start3A_2418] : memref<589824x128xf32, #tpu.memory_space<hbm>> -> memref<589824x128xf32, #tpu.memory_space<hbm>>
        tpu.enqueue_indirect_dma source(%dma_start3A_2419 : memref<589824x128xf32, #tpu.memory_space<hbm>>) target(%arg28 : memref<96x128xf32, #tpu.memory_space<vmem>>) offsets(%arg12 : memref<96xi32, #tpu.memory_space<vmem>>) semaphore(%arg36 : memref<!tpu.dma_semaphore, #tpu.memory_space<semaphore_mem>>)
        %dma_start3A_2420 = arith.constant 0 : i32
        %dma_start3A_2421 = arith.constant 0 : i32
        %dma_start3A_2422 = tpu.memref_slice %arg2[%dma_start3A_2420, %dma_start3A_2421] : memref<589824x128xf32, #tpu.memory_space<hbm>> -> memref<589824x128xf32, #tpu.memory_space<hbm>>
        tpu.enqueue_indirect_dma source(%dma_start3A_2422 : memref<589824x128xf32, #tpu.memory_space<hbm>>) target(%arg30 : memref<96x128xf32, #tpu.memory_space<vmem>>) offsets(%arg14 : memref<96xi32, #tpu.memory_space<vmem>>) semaphore(%arg36 : memref<!tpu.dma_semaphore, #tpu.memory_space<semaphore_mem>>)
        %dma_start3A_2423 = arith.constant 0 : i32
        %dma_start3A_2424 = arith.constant 0 : i32
        %dma_start3A_2425 = tpu.memref_slice %arg2[%dma_start3A_2423, %dma_start3A_2424] : memref<589824x128xf32, #tpu.memory_space<hbm>> -> memref<589824x128xf32, #tpu.memory_space<hbm>>
        tpu.enqueue_indirect_dma source(%dma_start3A_2425 : memref<589824x128xf32, #tpu.memory_space<hbm>>) target(%arg32 : memref<96x128xf32, #tpu.memory_space<vmem>>) offsets(%arg16 : memref<96xi32, #tpu.memory_space<vmem>>) semaphore(%arg36 : memref<!tpu.dma_semaphore, #tpu.memory_space<semaphore_mem>>)
        %add3A_2426 = arith.constant 2 : i32
        %add3A_2427 = arith.addi %add3A_814, %add3A_2426 : i32
        %mul3A_2428 = arith.constant 96 : i32
        %mul3A_2429 = arith.muli %add3A_2427, %mul3A_2428 : i32
        %add3A_2430 = arith.addi %mul3A_18, %mul3A_2429 : i32
        %dma_start3A_2431 = tpu.memref_slice %arg3[%add3A_2430] : memref<589824xf32, #tpu.memory_space<hbm>> -> memref<96xf32, #tpu.memory_space<hbm>>
        %dma_start3A_2432 = tpu.memref_slice %arg3[%add3A_2430] : memref<589824xf32, #tpu.memory_space<hbm>> -> memref<96xf32, #tpu.memory_space<hbm>>
        tpu.enqueue_dma source(%dma_start3A_2432 : memref<96xf32, #tpu.memory_space<hbm>>) target(%arg7 : memref<96xf32, #tpu.memory_space<vmem>>) target_semaphore(%arg39 : memref<!tpu.dma_semaphore, #tpu.memory_space<semaphore_mem>>)
        %dma_start3A_2433 = tpu.memref_slice %arg4[%add3A_2430] : memref<589824xf32, #tpu.memory_space<hbm>> -> memref<96xf32, #tpu.memory_space<hbm>>
        %dma_start3A_2434 = tpu.memref_slice %arg4[%add3A_2430] : memref<589824xf32, #tpu.memory_space<hbm>> -> memref<96xf32, #tpu.memory_space<hbm>>
        tpu.enqueue_dma source(%dma_start3A_2434 : memref<96xf32, #tpu.memory_space<hbm>>) target(%arg9 : memref<96xf32, #tpu.memory_space<vmem>>) target_semaphore(%arg39 : memref<!tpu.dma_semaphore, #tpu.memory_space<semaphore_mem>>)
      } else {
      }
      %dma_wait3A_1623 = arith.constant 0 : i32
      %dma_wait3A_1624 = arith.constant 0 : i32
      %dma_wait3A_1625 = tpu.memref_slice %arg2[%dma_wait3A_1623, %dma_wait3A_1624] : memref<589824x128xf32, #tpu.memory_space<hbm>> -> memref<589824x128xf32, #tpu.memory_space<hbm>>
      tpu.wait_indirect_dma semaphore(%arg37 : memref<!tpu.dma_semaphore, #tpu.memory_space<semaphore_mem>>) src(%dma_wait3A_1625 : memref<589824x128xf32, #tpu.memory_space<hbm>>) dst(%arg27 : memref<96x128xf32, #tpu.memory_space<vmem>>)
      %dma_wait3A_1626 = arith.constant 0 : i32
      %dma_wait3A_1627 = arith.constant 0 : i32
      %dma_wait3A_1628 = tpu.memref_slice %arg2[%dma_wait3A_1626, %dma_wait3A_1627] : memref<589824x128xf32, #tpu.memory_space<hbm>> -> memref<589824x128xf32, #tpu.memory_space<hbm>>
      tpu.wait_indirect_dma semaphore(%arg37 : memref<!tpu.dma_semaphore, #tpu.memory_space<semaphore_mem>>) src(%dma_wait3A_1628 : memref<589824x128xf32, #tpu.memory_space<hbm>>) dst(%arg29 : memref<96x128xf32, #tpu.memory_space<vmem>>)
      %dma_wait3A_1629 = arith.constant 0 : i32
      %dma_wait3A_1630 = arith.constant 0 : i32
      %dma_wait3A_1631 = tpu.memref_slice %arg2[%dma_wait3A_1629, %dma_wait3A_1630] : memref<589824x128xf32, #tpu.memory_space<hbm>> -> memref<589824x128xf32, #tpu.memory_space<hbm>>
      tpu.wait_indirect_dma semaphore(%arg37 : memref<!tpu.dma_semaphore, #tpu.memory_space<semaphore_mem>>) src(%dma_wait3A_1631 : memref<589824x128xf32, #tpu.memory_space<hbm>>) dst(%arg31 : memref<96x128xf32, #tpu.memory_space<vmem>>)
      %dma_wait3A_1632 = arith.constant 0 : i32
      %dma_wait3A_1633 = arith.constant 0 : i32
      %dma_wait3A_1634 = tpu.memref_slice %arg2[%dma_wait3A_1632, %dma_wait3A_1633] : memref<589824x128xf32, #tpu.memory_space<hbm>> -> memref<589824x128xf32, #tpu.memory_space<hbm>>
      tpu.wait_indirect_dma semaphore(%arg37 : memref<!tpu.dma_semaphore, #tpu.memory_space<semaphore_mem>>) src(%dma_wait3A_1634 : memref<589824x128xf32, #tpu.memory_space<hbm>>) dst(%arg33 : memref<96x128xf32, #tpu.memory_space<vmem>>)
      %ge3A_1635 = arith.constant 1 : i32
      %ge3A_1636 = arith.cmpi sge, %scan3A_809, %ge3A_1635 : i32
      %convert_element_type3A_1637 = arith.extui %ge3A_1636 : i1 to i32
      %cond3A_1638 = arith.constant 0 : i32
      %cond3A_1639 = arith.cmpi ne, %convert_element_type3A_1637, %cond3A_1638 : i32
      scf.if %cond3A_1639 {
        %sub3A_1655 = arith.constant 2 : i32
        %sub3A_1656 = arith.subi %add3A_814, %sub3A_1655 : i32
        %mul3A_1657 = arith.constant 96 : i32
        %mul3A_1658 = arith.muli %sub3A_1656, %mul3A_1657 : i32
        %add3A_1659 = arith.addi %mul3A_18, %mul3A_1658 : i32
        %dma_wait3A_1660 = arith.constant 0 : i32
        %dma_wait3A_1661 = tpu.memref_slice %arg5[%add3A_1659, %dma_wait3A_1660] : memref<589824x96xf32, #tpu.memory_space<hbm>> -> memref<96x96xf32, #tpu.memory_space<hbm>>
        %dma_wait3A_1662 = arith.constant 0 : i32
        %dma_wait3A_1663 = tpu.memref_slice %arg5[%add3A_1659, %dma_wait3A_1662] : memref<589824x96xf32, #tpu.memory_space<hbm>> -> memref<96x96xf32, #tpu.memory_space<hbm>>
        tpu.wait_dma2 semaphore(%arg41 : memref<!tpu.dma_semaphore, #tpu.memory_space<semaphore_mem>>) src(%arg35 : memref<96x96xf32, #tpu.memory_space<vmem>>) dst(%dma_wait3A_1663 : memref<96x96xf32, #tpu.memory_space<hbm>>)
      } else {
      }
      %scan3A_1640 = arith.constant 0 : i32
      %scan3A_1641 = arith.constant 0 : i32
      %scan3A_1642 = arith.constant 6 : i32
      %scan3A_1643 = arith.addi %scan3A_1641, %scan3A_1642 : i32
      %scan3A_1644 = arith.constant 1 : i32
      %scan3A_1645 = scf.for %scan3A_1655 = %scan3A_1641 to %scan3A_1643 step %scan3A_1644 iter_args(%scan3A_1656 = %scan3A_1640) -> (i32)  : i32 {
        %mul3A_1657 = arith.constant 16 : i32
        %mul3A_1658 = arith.muli %scan3A_1655, %mul3A_1657 : i32
        %get3A_1659 = arith.index_cast %mul3A_1658 : i32 to index
        %get3A_1660 = tpu.vector_load %arg19[%get3A_1659] {strides = array<i32>} : memref<96xf32, #tpu.memory_space<vmem>>, vector<16xf32>,
        %get3A_1661 = vector.shape_cast %get3A_1660 : vector<16xf32> to vector<16xf32>
        %get3A_1662 = arith.index_cast %mul3A_1658 : i32 to index
        %get3A_1663 = tpu.vector_load %arg21[%get3A_1662] {strides = array<i32>} : memref<96xf32, #tpu.memory_space<vmem>>, vector<16xf32>,
        %get3A_1664 = vector.shape_cast %get3A_1663 : vector<16xf32> to vector<16xf32>
        %get3A_1665 = arith.index_cast %mul3A_1658 : i32 to index
        %get3A_1666 = tpu.vector_load %arg23[%get3A_1665] {strides = array<i32>} : memref<96xf32, #tpu.memory_space<vmem>>, vector<16xf32>,
        %get3A_1667 = vector.shape_cast %get3A_1666 : vector<16xf32> to vector<16xf32>
        %get3A_1668 = arith.index_cast %mul3A_1658 : i32 to index
        %get3A_1669 = tpu.vector_load %arg25[%get3A_1668] {strides = array<i32>} : memref<96xf32, #tpu.memory_space<vmem>>, vector<16xf32>,
        %get3A_1670 = vector.shape_cast %get3A_1669 : vector<16xf32> to vector<16xf32>
        %scan3A_1671 = arith.constant 0 : i32
        %scan3A_1672 = arith.constant 0 : i32
        %scan3A_1673 = arith.constant 16 : i32
        %scan3A_1674 = arith.addi %scan3A_1672, %scan3A_1673 : i32
        %scan3A_1675 = arith.constant 4 : i32
        %scan3A_1676 = scf.for %scan3A_1679 = %scan3A_1672 to %scan3A_1674 step %scan3A_1675 iter_args(%scan3A_1680 = %scan3A_1671) -> (i32)  : i32 {
          %mul3A_1681 = arith.constant 16 : i32
          %mul3A_1682 = arith.muli %scan3A_1655, %mul3A_1681 : i32
          %add3A_1683 = arith.addi %mul3A_1682, %scan3A_1679 : i32
          %broadcast_in_dim3A_1684 = arith.constant 0 : i32
          %broadcast_in_dim3A_1685 = vector.broadcast %broadcast_in_dim3A_1684 : i32 to vector<16xi32>
          %add3A_1686 = vector.broadcast %scan3A_1679 : i32 to vector<16xi32>
          %add3A_1687 = arith.addi %broadcast_in_dim3A_1685, %add3A_1686 : vector<16xi32>
          %broadcast_in_dim3A_1688 = vector.shape_cast %add3A_1687 : vector<16xi32> to vector<16x1xi32>
          %gather3A = vector.shape_cast %broadcast_in_dim3A_1688 : vector<16x1xi32> to vector<16xi32>
          %gather3A_1689 = tpu.dynamic_gather %get3A_1661[%gather3A] in [0] : vector<16xf32>, vector<16xi32> -> vector<16xf32>
          %broadcast_in_dim3A_1690 = vector.shape_cast %add3A_1687 : vector<16xi32> to vector<16x1xi32>
          %gather3A_1691 = vector.shape_cast %broadcast_in_dim3A_1690 : vector<16x1xi32> to vector<16xi32>
          %gather3A_1692 = tpu.dynamic_gather %get3A_1664[%gather3A_1691] in [0] : vector<16xf32>, vector<16xi32> -> vector<16xf32>
          %broadcast_in_dim3A_1693 = vector.shape_cast %add3A_1687 : vector<16xi32> to vector<16x1xi32>
          %gather3A_1694 = vector.shape_cast %broadcast_in_dim3A_1693 : vector<16x1xi32> to vector<16xi32>
          %gather3A_1695 = tpu.dynamic_gather %get3A_1667[%gather3A_1694] in [0] : vector<16xf32>, vector<16xi32> -> vector<16xf32>
          %broadcast_in_dim3A_1696 = vector.shape_cast %add3A_1687 : vector<16xi32> to vector<16x1xi32>
          %gather3A_1697 = vector.shape_cast %broadcast_in_dim3A_1696 : vector<16x1xi32> to vector<16xi32>
          %gather3A_1698 = tpu.dynamic_gather %get3A_1670[%gather3A_1697] in [0] : vector<16xf32>, vector<16xi32> -> vector<16xf32>
          %get3A_1699 = arith.index_cast %add3A_1683 : i32 to index
          %get3A_1700 = arith.constant 0 : index
          %get3A_1701 = tpu.vector_load %arg27[%get3A_1699, %get3A_1700] {strides = array<i32>} : memref<96x128xf32, #tpu.memory_space<vmem>>, vector<1x16xf32>,
          %get3A_1702 = vector.shape_cast %get3A_1701 : vector<1x16xf32> to vector<16xf32>
          %mul3A_1703 = arith.mulf %gather3A_1689, %get3A_1702 : vector<16xf32>
          %get3A_1704 = arith.index_cast %add3A_1683 : i32 to index
          %get3A_1705 = arith.constant 0 : index
          %get3A_1706 = tpu.vector_load %arg29[%get3A_1704, %get3A_1705] {strides = array<i32>} : memref<96x128xf32, #tpu.memory_space<vmem>>, vector<1x16xf32>,
          %get3A_1707 = vector.shape_cast %get3A_1706 : vector<1x16xf32> to vector<16xf32>
          %mul3A_1708 = arith.mulf %gather3A_1692, %get3A_1707 : vector<16xf32>
          %add3A_1709 = arith.addf %mul3A_1703, %mul3A_1708 : vector<16xf32>
          %get3A_1710 = arith.index_cast %add3A_1683 : i32 to index
          %get3A_1711 = arith.constant 0 : index
          %get3A_1712 = tpu.vector_load %arg31[%get3A_1710, %get3A_1711] {strides = array<i32>} : memref<96x128xf32, #tpu.memory_space<vmem>>, vector<1x16xf32>,
          %get3A_1713 = vector.shape_cast %get3A_1712 : vector<1x16xf32> to vector<16xf32>
          %mul3A_1714 = arith.mulf %gather3A_1695, %get3A_1713 : vector<16xf32>
          %add3A_1715 = arith.addf %add3A_1709, %mul3A_1714 : vector<16xf32>
          %get3A_1716 = arith.index_cast %add3A_1683 : i32 to index
          %get3A_1717 = arith.constant 0 : index
          %get3A_1718 = tpu.vector_load %arg33[%get3A_1716, %get3A_1717] {strides = array<i32>} : memref<96x128xf32, #tpu.memory_space<vmem>>, vector<1x16xf32>,
          %get3A_1719 = vector.shape_cast %get3A_1718 : vector<1x16xf32> to vector<16xf32>
          %mul3A_1720 = arith.mulf %gather3A_1698, %get3A_1719 : vector<16xf32>
          %add3A_1721 = arith.addf %add3A_1715, %mul3A_1720 : vector<16xf32>
          %swap3A_1722 = arith.index_cast %add3A_1683 : i32 to index
          %swap3A_1723 = arith.constant 0 : index
          %swap3A_1724 = tpu.vector_load %arg35[%swap3A_1722, %swap3A_1723] {strides = array<i32>} : memref<96x96xf32, #tpu.memory_space<vmem>>, vector<1x16xf32>,
          %swap3A_1725 = vector.shape_cast %swap3A_1724 : vector<1x16xf32> to vector<16xf32>
          %swap3A_1726 = vector.shape_cast %add3A_1721 : vector<16xf32> to vector<1x16xf32>
          tpu.vector_store %arg35[%swap3A_1722, %swap3A_1723], %swap3A_1726 {strides = array<i32>} : memref<96x96xf32, #tpu.memory_space<vmem>>, vector<1x16xf32>,
          %get3A_1727 = arith.index_cast %add3A_1683 : i32 to index
          %get3A_1728 = arith.constant 16 : index
          %get3A_1729 = tpu.vector_load %arg27[%get3A_1727, %get3A_1728] {strides = array<i32>} : memref<96x128xf32, #tpu.memory_space<vmem>>, vector<1x16xf32>,
          %get3A_1730 = vector.shape_cast %get3A_1729 : vector<1x16xf32> to vector<16xf32>
          %mul3A_1731 = arith.mulf %gather3A_1689, %get3A_1730 : vector<16xf32>
          %get3A_1732 = arith.index_cast %add3A_1683 : i32 to index
          %get3A_1733 = arith.constant 16 : index
          %get3A_1734 = tpu.vector_load %arg29[%get3A_1732, %get3A_1733] {strides = array<i32>} : memref<96x128xf32, #tpu.memory_space<vmem>>, vector<1x16xf32>,
          %get3A_1735 = vector.shape_cast %get3A_1734 : vector<1x16xf32> to vector<16xf32>
          %mul3A_1736 = arith.mulf %gather3A_1692, %get3A_1735 : vector<16xf32>
          %add3A_1737 = arith.addf %mul3A_1731, %mul3A_1736 : vector<16xf32>
          %get3A_1738 = arith.index_cast %add3A_1683 : i32 to index
          %get3A_1739 = arith.constant 16 : index
          %get3A_1740 = tpu.vector_load %arg31[%get3A_1738, %get3A_1739] {strides = array<i32>} : memref<96x128xf32, #tpu.memory_space<vmem>>, vector<1x16xf32>,
          %get3A_1741 = vector.shape_cast %get3A_1740 : vector<1x16xf32> to vector<16xf32>
          %mul3A_1742 = arith.mulf %gather3A_1695, %get3A_1741 : vector<16xf32>
          %add3A_1743 = arith.addf %add3A_1737, %mul3A_1742 : vector<16xf32>
          %get3A_1744 = arith.index_cast %add3A_1683 : i32 to index
          %get3A_1745 = arith.constant 16 : index
          %get3A_1746 = tpu.vector_load %arg33[%get3A_1744, %get3A_1745] {strides = array<i32>} : memref<96x128xf32, #tpu.memory_space<vmem>>, vector<1x16xf32>,
          %get3A_1747 = vector.shape_cast %get3A_1746 : vector<1x16xf32> to vector<16xf32>
          %mul3A_1748 = arith.mulf %gather3A_1698, %get3A_1747 : vector<16xf32>
          %add3A_1749 = arith.addf %add3A_1743, %mul3A_1748 : vector<16xf32>
          %swap3A_1750 = arith.index_cast %add3A_1683 : i32 to index
          %swap3A_1751 = arith.constant 16 : index
          %swap3A_1752 = tpu.vector_load %arg35[%swap3A_1750, %swap3A_1751] {strides = array<i32>} : memref<96x96xf32, #tpu.memory_space<vmem>>, vector<1x16xf32>,
          %swap3A_1753 = vector.shape_cast %swap3A_1752 : vector<1x16xf32> to vector<16xf32>
          %swap3A_1754 = vector.shape_cast %add3A_1749 : vector<16xf32> to vector<1x16xf32>
          tpu.vector_store %arg35[%swap3A_1750, %swap3A_1751], %swap3A_1754 {strides = array<i32>} : memref<96x96xf32, #tpu.memory_space<vmem>>, vector<1x16xf32>,
          %get3A_1755 = arith.index_cast %add3A_1683 : i32 to index
          %get3A_1756 = arith.constant 32 : index
          %get3A_1757 = tpu.vector_load %arg27[%get3A_1755, %get3A_1756] {strides = array<i32>} : memref<96x128xf32, #tpu.memory_space<vmem>>, vector<1x16xf32>,
          %get3A_1758 = vector.shape_cast %get3A_1757 : vector<1x16xf32> to vector<16xf32>
          %mul3A_1759 = arith.mulf %gather3A_1689, %get3A_1758 : vector<16xf32>
          %get3A_1760 = arith.index_cast %add3A_1683 : i32 to index
          %get3A_1761 = arith.constant 32 : index
          %get3A_1762 = tpu.vector_load %arg29[%get3A_1760, %get3A_1761] {strides = array<i32>} : memref<96x128xf32, #tpu.memory_space<vmem>>, vector<1x16xf32>,
          %get3A_1763 = vector.shape_cast %get3A_1762 : vector<1x16xf32> to vector<16xf32>
          %mul3A_1764 = arith.mulf %gather3A_1692, %get3A_1763 : vector<16xf32>
          %add3A_1765 = arith.addf %mul3A_1759, %mul3A_1764 : vector<16xf32>
          %get3A_1766 = arith.index_cast %add3A_1683 : i32 to index
          %get3A_1767 = arith.constant 32 : index
          %get3A_1768 = tpu.vector_load %arg31[%get3A_1766, %get3A_1767] {strides = array<i32>} : memref<96x128xf32, #tpu.memory_space<vmem>>, vector<1x16xf32>,
          %get3A_1769 = vector.shape_cast %get3A_1768 : vector<1x16xf32> to vector<16xf32>
          %mul3A_1770 = arith.mulf %gather3A_1695, %get3A_1769 : vector<16xf32>
          %add3A_1771 = arith.addf %add3A_1765, %mul3A_1770 : vector<16xf32>
          %get3A_1772 = arith.index_cast %add3A_1683 : i32 to index
          %get3A_1773 = arith.constant 32 : index
          %get3A_1774 = tpu.vector_load %arg33[%get3A_1772, %get3A_1773] {strides = array<i32>} : memref<96x128xf32, #tpu.memory_space<vmem>>, vector<1x16xf32>,
          %get3A_1775 = vector.shape_cast %get3A_1774 : vector<1x16xf32> to vector<16xf32>
          %mul3A_1776 = arith.mulf %gather3A_1698, %get3A_1775 : vector<16xf32>
          %add3A_1777 = arith.addf %add3A_1771, %mul3A_1776 : vector<16xf32>
          %swap3A_1778 = arith.index_cast %add3A_1683 : i32 to index
          %swap3A_1779 = arith.constant 32 : index
          %swap3A_1780 = tpu.vector_load %arg35[%swap3A_1778, %swap3A_1779] {strides = array<i32>} : memref<96x96xf32, #tpu.memory_space<vmem>>, vector<1x16xf32>,
          %swap3A_1781 = vector.shape_cast %swap3A_1780 : vector<1x16xf32> to vector<16xf32>
          %swap3A_1782 = vector.shape_cast %add3A_1777 : vector<16xf32> to vector<1x16xf32>
          tpu.vector_store %arg35[%swap3A_1778, %swap3A_1779], %swap3A_1782 {strides = array<i32>} : memref<96x96xf32, #tpu.memory_space<vmem>>, vector<1x16xf32>,
          %get3A_1783 = arith.index_cast %add3A_1683 : i32 to index
          %get3A_1784 = arith.constant 48 : index
          %get3A_1785 = tpu.vector_load %arg27[%get3A_1783, %get3A_1784] {strides = array<i32>} : memref<96x128xf32, #tpu.memory_space<vmem>>, vector<1x16xf32>,
          %get3A_1786 = vector.shape_cast %get3A_1785 : vector<1x16xf32> to vector<16xf32>
          %mul3A_1787 = arith.mulf %gather3A_1689, %get3A_1786 : vector<16xf32>
          %get3A_1788 = arith.index_cast %add3A_1683 : i32 to index
          %get3A_1789 = arith.constant 48 : index
          %get3A_1790 = tpu.vector_load %arg29[%get3A_1788, %get3A_1789] {strides = array<i32>} : memref<96x128xf32, #tpu.memory_space<vmem>>, vector<1x16xf32>,
          %get3A_1791 = vector.shape_cast %get3A_1790 : vector<1x16xf32> to vector<16xf32>
          %mul3A_1792 = arith.mulf %gather3A_1692, %get3A_1791 : vector<16xf32>
          %add3A_1793 = arith.addf %mul3A_1787, %mul3A_1792 : vector<16xf32>
          %get3A_1794 = arith.index_cast %add3A_1683 : i32 to index
          %get3A_1795 = arith.constant 48 : index
          %get3A_1796 = tpu.vector_load %arg31[%get3A_1794, %get3A_1795] {strides = array<i32>} : memref<96x128xf32, #tpu.memory_space<vmem>>, vector<1x16xf32>,
          %get3A_1797 = vector.shape_cast %get3A_1796 : vector<1x16xf32> to vector<16xf32>
          %mul3A_1798 = arith.mulf %gather3A_1695, %get3A_1797 : vector<16xf32>
          %add3A_1799 = arith.addf %add3A_1793, %mul3A_1798 : vector<16xf32>
          %get3A_1800 = arith.index_cast %add3A_1683 : i32 to index
          %get3A_1801 = arith.constant 48 : index
          %get3A_1802 = tpu.vector_load %arg33[%get3A_1800, %get3A_1801] {strides = array<i32>} : memref<96x128xf32, #tpu.memory_space<vmem>>, vector<1x16xf32>,
          %get3A_1803 = vector.shape_cast %get3A_1802 : vector<1x16xf32> to vector<16xf32>
          %mul3A_1804 = arith.mulf %gather3A_1698, %get3A_1803 : vector<16xf32>
          %add3A_1805 = arith.addf %add3A_1799, %mul3A_1804 : vector<16xf32>
          %swap3A_1806 = arith.index_cast %add3A_1683 : i32 to index
          %swap3A_1807 = arith.constant 48 : index
          %swap3A_1808 = tpu.vector_load %arg35[%swap3A_1806, %swap3A_1807] {strides = array<i32>} : memref<96x96xf32, #tpu.memory_space<vmem>>, vector<1x16xf32>,
          %swap3A_1809 = vector.shape_cast %swap3A_1808 : vector<1x16xf32> to vector<16xf32>
          %swap3A_1810 = vector.shape_cast %add3A_1805 : vector<16xf32> to vector<1x16xf32>
          tpu.vector_store %arg35[%swap3A_1806, %swap3A_1807], %swap3A_1810 {strides = array<i32>} : memref<96x96xf32, #tpu.memory_space<vmem>>, vector<1x16xf32>,
          %get3A_1811 = arith.index_cast %add3A_1683 : i32 to index
          %get3A_1812 = arith.constant 64 : index
          %get3A_1813 = tpu.vector_load %arg27[%get3A_1811, %get3A_1812] {strides = array<i32>} : memref<96x128xf32, #tpu.memory_space<vmem>>, vector<1x16xf32>,
          %get3A_1814 = vector.shape_cast %get3A_1813 : vector<1x16xf32> to vector<16xf32>
          %mul3A_1815 = arith.mulf %gather3A_1689, %get3A_1814 : vector<16xf32>
          %get3A_1816 = arith.index_cast %add3A_1683 : i32 to index
          %get3A_1817 = arith.constant 64 : index
          %get3A_1818 = tpu.vector_load %arg29[%get3A_1816, %get3A_1817] {strides = array<i32>} : memref<96x128xf32, #tpu.memory_space<vmem>>, vector<1x16xf32>,
          %get3A_1819 = vector.shape_cast %get3A_1818 : vector<1x16xf32> to vector<16xf32>
          %mul3A_1820 = arith.mulf %gather3A_1692, %get3A_1819 : vector<16xf32>
          %add3A_1821 = arith.addf %mul3A_1815, %mul3A_1820 : vector<16xf32>
          %get3A_1822 = arith.index_cast %add3A_1683 : i32 to index
          %get3A_1823 = arith.constant 64 : index
          %get3A_1824 = tpu.vector_load %arg31[%get3A_1822, %get3A_1823] {strides = array<i32>} : memref<96x128xf32, #tpu.memory_space<vmem>>, vector<1x16xf32>,
          %get3A_1825 = vector.shape_cast %get3A_1824 : vector<1x16xf32> to vector<16xf32>
          %mul3A_1826 = arith.mulf %gather3A_1695, %get3A_1825 : vector<16xf32>
          %add3A_1827 = arith.addf %add3A_1821, %mul3A_1826 : vector<16xf32>
          %get3A_1828 = arith.index_cast %add3A_1683 : i32 to index
          %get3A_1829 = arith.constant 64 : index
          %get3A_1830 = tpu.vector_load %arg33[%get3A_1828, %get3A_1829] {strides = array<i32>} : memref<96x128xf32, #tpu.memory_space<vmem>>, vector<1x16xf32>,
          %get3A_1831 = vector.shape_cast %get3A_1830 : vector<1x16xf32> to vector<16xf32>
          %mul3A_1832 = arith.mulf %gather3A_1698, %get3A_1831 : vector<16xf32>
          %add3A_1833 = arith.addf %add3A_1827, %mul3A_1832 : vector<16xf32>
          %swap3A_1834 = arith.index_cast %add3A_1683 : i32 to index
          %swap3A_1835 = arith.constant 64 : index
          %swap3A_1836 = tpu.vector_load %arg35[%swap3A_1834, %swap3A_1835] {strides = array<i32>} : memref<96x96xf32, #tpu.memory_space<vmem>>, vector<1x16xf32>,
          %swap3A_1837 = vector.shape_cast %swap3A_1836 : vector<1x16xf32> to vector<16xf32>
          %swap3A_1838 = vector.shape_cast %add3A_1833 : vector<16xf32> to vector<1x16xf32>
          tpu.vector_store %arg35[%swap3A_1834, %swap3A_1835], %swap3A_1838 {strides = array<i32>} : memref<96x96xf32, #tpu.memory_space<vmem>>, vector<1x16xf32>,
          %get3A_1839 = arith.index_cast %add3A_1683 : i32 to index
          %get3A_1840 = arith.constant 80 : index
          %get3A_1841 = tpu.vector_load %arg27[%get3A_1839, %get3A_1840] {strides = array<i32>} : memref<96x128xf32, #tpu.memory_space<vmem>>, vector<1x16xf32>,
          %get3A_1842 = vector.shape_cast %get3A_1841 : vector<1x16xf32> to vector<16xf32>
          %mul3A_1843 = arith.mulf %gather3A_1689, %get3A_1842 : vector<16xf32>
          %get3A_1844 = arith.index_cast %add3A_1683 : i32 to index
          %get3A_1845 = arith.constant 80 : index
          %get3A_1846 = tpu.vector_load %arg29[%get3A_1844, %get3A_1845] {strides = array<i32>} : memref<96x128xf32, #tpu.memory_space<vmem>>, vector<1x16xf32>,
          %get3A_1847 = vector.shape_cast %get3A_1846 : vector<1x16xf32> to vector<16xf32>
          %mul3A_1848 = arith.mulf %gather3A_1692, %get3A_1847 : vector<16xf32>
          %add3A_1849 = arith.addf %mul3A_1843, %mul3A_1848 : vector<16xf32>
          %get3A_1850 = arith.index_cast %add3A_1683 : i32 to index
          %get3A_1851 = arith.constant 80 : index
          %get3A_1852 = tpu.vector_load %arg31[%get3A_1850, %get3A_1851] {strides = array<i32>} : memref<96x128xf32, #tpu.memory_space<vmem>>, vector<1x16xf32>,
          %get3A_1853 = vector.shape_cast %get3A_1852 : vector<1x16xf32> to vector<16xf32>
          %mul3A_1854 = arith.mulf %gather3A_1695, %get3A_1853 : vector<16xf32>
          %add3A_1855 = arith.addf %add3A_1849, %mul3A_1854 : vector<16xf32>
          %get3A_1856 = arith.index_cast %add3A_1683 : i32 to index
          %get3A_1857 = arith.constant 80 : index
          %get3A_1858 = tpu.vector_load %arg33[%get3A_1856, %get3A_1857] {strides = array<i32>} : memref<96x128xf32, #tpu.memory_space<vmem>>, vector<1x16xf32>,
          %get3A_1859 = vector.shape_cast %get3A_1858 : vector<1x16xf32> to vector<16xf32>
          %mul3A_1860 = arith.mulf %gather3A_1698, %get3A_1859 : vector<16xf32>
          %add3A_1861 = arith.addf %add3A_1855, %mul3A_1860 : vector<16xf32>
          %swap3A_1862 = arith.index_cast %add3A_1683 : i32 to index
          %swap3A_1863 = arith.constant 80 : index
          %swap3A_1864 = tpu.vector_load %arg35[%swap3A_1862, %swap3A_1863] {strides = array<i32>} : memref<96x96xf32, #tpu.memory_space<vmem>>, vector<1x16xf32>,
          %swap3A_1865 = vector.shape_cast %swap3A_1864 : vector<1x16xf32> to vector<16xf32>
          %swap3A_1866 = vector.shape_cast %add3A_1861 : vector<16xf32> to vector<1x16xf32>
          tpu.vector_store %arg35[%swap3A_1862, %swap3A_1863], %swap3A_1866 {strides = array<i32>} : memref<96x96xf32, #tpu.memory_space<vmem>>, vector<1x16xf32>,
          %scan3A_1867 = arith.constant 0 : i32
          %scan3A_1868 = arith.constant 1 : i32
          %scan3A_1869 = arith.addi %scan3A_1679, %scan3A_1868 : i32
          %mul3A_1870 = arith.constant 16 : i32
          %mul3A_1871 = arith.muli %scan3A_1655, %mul3A_1870 : i32
          %add3A_1872 = arith.addi %mul3A_1871, %scan3A_1869 : i32
          %broadcast_in_dim3A_1873 = arith.constant 0 : i32
          %broadcast_in_dim3A_1874 = vector.broadcast %broadcast_in_dim3A_1873 : i32 to vector<16xi32>
          %add3A_1875 = vector.broadcast %scan3A_1869 : i32 to vector<16xi32>
          %add3A_1876 = arith.addi %broadcast_in_dim3A_1874, %add3A_1875 : vector<16xi32>
          %broadcast_in_dim3A_1877 = vector.shape_cast %add3A_1876 : vector<16xi32> to vector<16x1xi32>
          %gather3A_1878 = vector.shape_cast %broadcast_in_dim3A_1877 : vector<16x1xi32> to vector<16xi32>
          %gather3A_1879 = tpu.dynamic_gather %get3A_1661[%gather3A_1878] in [0] : vector<16xf32>, vector<16xi32> -> vector<16xf32>
          %broadcast_in_dim3A_1880 = vector.shape_cast %add3A_1876 : vector<16xi32> to vector<16x1xi32>
          %gather3A_1881 = vector.shape_cast %broadcast_in_dim3A_1880 : vector<16x1xi32> to vector<16xi32>
          %gather3A_1882 = tpu.dynamic_gather %get3A_1664[%gather3A_1881] in [0] : vector<16xf32>, vector<16xi32> -> vector<16xf32>
          %broadcast_in_dim3A_1883 = vector.shape_cast %add3A_1876 : vector<16xi32> to vector<16x1xi32>
          %gather3A_1884 = vector.shape_cast %broadcast_in_dim3A_1883 : vector<16x1xi32> to vector<16xi32>
          %gather3A_1885 = tpu.dynamic_gather %get3A_1667[%gather3A_1884] in [0] : vector<16xf32>, vector<16xi32> -> vector<16xf32>
          %broadcast_in_dim3A_1886 = vector.shape_cast %add3A_1876 : vector<16xi32> to vector<16x1xi32>
          %gather3A_1887 = vector.shape_cast %broadcast_in_dim3A_1886 : vector<16x1xi32> to vector<16xi32>
          %gather3A_1888 = tpu.dynamic_gather %get3A_1670[%gather3A_1887] in [0] : vector<16xf32>, vector<16xi32> -> vector<16xf32>
          %get3A_1889 = arith.index_cast %add3A_1872 : i32 to index
          %get3A_1890 = arith.constant 0 : index
          %get3A_1891 = tpu.vector_load %arg27[%get3A_1889, %get3A_1890] {strides = array<i32>} : memref<96x128xf32, #tpu.memory_space<vmem>>, vector<1x16xf32>,
          %get3A_1892 = vector.shape_cast %get3A_1891 : vector<1x16xf32> to vector<16xf32>
          %mul3A_1893 = arith.mulf %gather3A_1879, %get3A_1892 : vector<16xf32>
          %get3A_1894 = arith.index_cast %add3A_1872 : i32 to index
          %get3A_1895 = arith.constant 0 : index
          %get3A_1896 = tpu.vector_load %arg29[%get3A_1894, %get3A_1895] {strides = array<i32>} : memref<96x128xf32, #tpu.memory_space<vmem>>, vector<1x16xf32>,
          %get3A_1897 = vector.shape_cast %get3A_1896 : vector<1x16xf32> to vector<16xf32>
          %mul3A_1898 = arith.mulf %gather3A_1882, %get3A_1897 : vector<16xf32>
          %add3A_1899 = arith.addf %mul3A_1893, %mul3A_1898 : vector<16xf32>
          %get3A_1900 = arith.index_cast %add3A_1872 : i32 to index
          %get3A_1901 = arith.constant 0 : index
          %get3A_1902 = tpu.vector_load %arg31[%get3A_1900, %get3A_1901] {strides = array<i32>} : memref<96x128xf32, #tpu.memory_space<vmem>>, vector<1x16xf32>,
          %get3A_1903 = vector.shape_cast %get3A_1902 : vector<1x16xf32> to vector<16xf32>
          %mul3A_1904 = arith.mulf %gather3A_1885, %get3A_1903 : vector<16xf32>
          %add3A_1905 = arith.addf %add3A_1899, %mul3A_1904 : vector<16xf32>
          %get3A_1906 = arith.index_cast %add3A_1872 : i32 to index
          %get3A_1907 = arith.constant 0 : index
          %get3A_1908 = tpu.vector_load %arg33[%get3A_1906, %get3A_1907] {strides = array<i32>} : memref<96x128xf32, #tpu.memory_space<vmem>>, vector<1x16xf32>,
          %get3A_1909 = vector.shape_cast %get3A_1908 : vector<1x16xf32> to vector<16xf32>
          %mul3A_1910 = arith.mulf %gather3A_1888, %get3A_1909 : vector<16xf32>
          %add3A_1911 = arith.addf %add3A_1905, %mul3A_1910 : vector<16xf32>
          %swap3A_1912 = arith.index_cast %add3A_1872 : i32 to index
          %swap3A_1913 = arith.constant 0 : index
          %swap3A_1914 = tpu.vector_load %arg35[%swap3A_1912, %swap3A_1913] {strides = array<i32>} : memref<96x96xf32, #tpu.memory_space<vmem>>, vector<1x16xf32>,
          %swap3A_1915 = vector.shape_cast %swap3A_1914 : vector<1x16xf32> to vector<16xf32>
          %swap3A_1916 = vector.shape_cast %add3A_1911 : vector<16xf32> to vector<1x16xf32>
          tpu.vector_store %arg35[%swap3A_1912, %swap3A_1913], %swap3A_1916 {strides = array<i32>} : memref<96x96xf32, #tpu.memory_space<vmem>>, vector<1x16xf32>,
          %get3A_1917 = arith.index_cast %add3A_1872 : i32 to index
          %get3A_1918 = arith.constant 16 : index
          %get3A_1919 = tpu.vector_load %arg27[%get3A_1917, %get3A_1918] {strides = array<i32>} : memref<96x128xf32, #tpu.memory_space<vmem>>, vector<1x16xf32>,
          %get3A_1920 = vector.shape_cast %get3A_1919 : vector<1x16xf32> to vector<16xf32>
          %mul3A_1921 = arith.mulf %gather3A_1879, %get3A_1920 : vector<16xf32>
          %get3A_1922 = arith.index_cast %add3A_1872 : i32 to index
          %get3A_1923 = arith.constant 16 : index
          %get3A_1924 = tpu.vector_load %arg29[%get3A_1922, %get3A_1923] {strides = array<i32>} : memref<96x128xf32, #tpu.memory_space<vmem>>, vector<1x16xf32>,
          %get3A_1925 = vector.shape_cast %get3A_1924 : vector<1x16xf32> to vector<16xf32>
          %mul3A_1926 = arith.mulf %gather3A_1882, %get3A_1925 : vector<16xf32>
          %add3A_1927 = arith.addf %mul3A_1921, %mul3A_1926 : vector<16xf32>
          %get3A_1928 = arith.index_cast %add3A_1872 : i32 to index
          %get3A_1929 = arith.constant 16 : index
          %get3A_1930 = tpu.vector_load %arg31[%get3A_1928, %get3A_1929] {strides = array<i32>} : memref<96x128xf32, #tpu.memory_space<vmem>>, vector<1x16xf32>,
          %get3A_1931 = vector.shape_cast %get3A_1930 : vector<1x16xf32> to vector<16xf32>
          %mul3A_1932 = arith.mulf %gather3A_1885, %get3A_1931 : vector<16xf32>
          %add3A_1933 = arith.addf %add3A_1927, %mul3A_1932 : vector<16xf32>
          %get3A_1934 = arith.index_cast %add3A_1872 : i32 to index
          %get3A_1935 = arith.constant 16 : index
          %get3A_1936 = tpu.vector_load %arg33[%get3A_1934, %get3A_1935] {strides = array<i32>} : memref<96x128xf32, #tpu.memory_space<vmem>>, vector<1x16xf32>,
          %get3A_1937 = vector.shape_cast %get3A_1936 : vector<1x16xf32> to vector<16xf32>
          %mul3A_1938 = arith.mulf %gather3A_1888, %get3A_1937 : vector<16xf32>
          %add3A_1939 = arith.addf %add3A_1933, %mul3A_1938 : vector<16xf32>
          %swap3A_1940 = arith.index_cast %add3A_1872 : i32 to index
          %swap3A_1941 = arith.constant 16 : index
          %swap3A_1942 = tpu.vector_load %arg35[%swap3A_1940, %swap3A_1941] {strides = array<i32>} : memref<96x96xf32, #tpu.memory_space<vmem>>, vector<1x16xf32>,
          %swap3A_1943 = vector.shape_cast %swap3A_1942 : vector<1x16xf32> to vector<16xf32>
          %swap3A_1944 = vector.shape_cast %add3A_1939 : vector<16xf32> to vector<1x16xf32>
          tpu.vector_store %arg35[%swap3A_1940, %swap3A_1941], %swap3A_1944 {strides = array<i32>} : memref<96x96xf32, #tpu.memory_space<vmem>>, vector<1x16xf32>,
          %get3A_1945 = arith.index_cast %add3A_1872 : i32 to index
          %get3A_1946 = arith.constant 32 : index
          %get3A_1947 = tpu.vector_load %arg27[%get3A_1945, %get3A_1946] {strides = array<i32>} : memref<96x128xf32, #tpu.memory_space<vmem>>, vector<1x16xf32>,
          %get3A_1948 = vector.shape_cast %get3A_1947 : vector<1x16xf32> to vector<16xf32>
          %mul3A_1949 = arith.mulf %gather3A_1879, %get3A_1948 : vector<16xf32>
          %get3A_1950 = arith.index_cast %add3A_1872 : i32 to index
          %get3A_1951 = arith.constant 32 : index
          %get3A_1952 = tpu.vector_load %arg29[%get3A_1950, %get3A_1951] {strides = array<i32>} : memref<96x128xf32, #tpu.memory_space<vmem>>, vector<1x16xf32>,
          %get3A_1953 = vector.shape_cast %get3A_1952 : vector<1x16xf32> to vector<16xf32>
          %mul3A_1954 = arith.mulf %gather3A_1882, %get3A_1953 : vector<16xf32>
          %add3A_1955 = arith.addf %mul3A_1949, %mul3A_1954 : vector<16xf32>
          %get3A_1956 = arith.index_cast %add3A_1872 : i32 to index
          %get3A_1957 = arith.constant 32 : index
          %get3A_1958 = tpu.vector_load %arg31[%get3A_1956, %get3A_1957] {strides = array<i32>} : memref<96x128xf32, #tpu.memory_space<vmem>>, vector<1x16xf32>,
          %get3A_1959 = vector.shape_cast %get3A_1958 : vector<1x16xf32> to vector<16xf32>
          %mul3A_1960 = arith.mulf %gather3A_1885, %get3A_1959 : vector<16xf32>
          %add3A_1961 = arith.addf %add3A_1955, %mul3A_1960 : vector<16xf32>
          %get3A_1962 = arith.index_cast %add3A_1872 : i32 to index
          %get3A_1963 = arith.constant 32 : index
          %get3A_1964 = tpu.vector_load %arg33[%get3A_1962, %get3A_1963] {strides = array<i32>} : memref<96x128xf32, #tpu.memory_space<vmem>>, vector<1x16xf32>,
          %get3A_1965 = vector.shape_cast %get3A_1964 : vector<1x16xf32> to vector<16xf32>
          %mul3A_1966 = arith.mulf %gather3A_1888, %get3A_1965 : vector<16xf32>
          %add3A_1967 = arith.addf %add3A_1961, %mul3A_1966 : vector<16xf32>
          %swap3A_1968 = arith.index_cast %add3A_1872 : i32 to index
          %swap3A_1969 = arith.constant 32 : index
          %swap3A_1970 = tpu.vector_load %arg35[%swap3A_1968, %swap3A_1969] {strides = array<i32>} : memref<96x96xf32, #tpu.memory_space<vmem>>, vector<1x16xf32>,
          %swap3A_1971 = vector.shape_cast %swap3A_1970 : vector<1x16xf32> to vector<16xf32>
          %swap3A_1972 = vector.shape_cast %add3A_1967 : vector<16xf32> to vector<1x16xf32>
          tpu.vector_store %arg35[%swap3A_1968, %swap3A_1969], %swap3A_1972 {strides = array<i32>} : memref<96x96xf32, #tpu.memory_space<vmem>>, vector<1x16xf32>,
          %get3A_1973 = arith.index_cast %add3A_1872 : i32 to index
          %get3A_1974 = arith.constant 48 : index
          %get3A_1975 = tpu.vector_load %arg27[%get3A_1973, %get3A_1974] {strides = array<i32>} : memref<96x128xf32, #tpu.memory_space<vmem>>, vector<1x16xf32>,
          %get3A_1976 = vector.shape_cast %get3A_1975 : vector<1x16xf32> to vector<16xf32>
          %mul3A_1977 = arith.mulf %gather3A_1879, %get3A_1976 : vector<16xf32>
          %get3A_1978 = arith.index_cast %add3A_1872 : i32 to index
          %get3A_1979 = arith.constant 48 : index
          %get3A_1980 = tpu.vector_load %arg29[%get3A_1978, %get3A_1979] {strides = array<i32>} : memref<96x128xf32, #tpu.memory_space<vmem>>, vector<1x16xf32>,
          %get3A_1981 = vector.shape_cast %get3A_1980 : vector<1x16xf32> to vector<16xf32>
          %mul3A_1982 = arith.mulf %gather3A_1882, %get3A_1981 : vector<16xf32>
          %add3A_1983 = arith.addf %mul3A_1977, %mul3A_1982 : vector<16xf32>
          %get3A_1984 = arith.index_cast %add3A_1872 : i32 to index
          %get3A_1985 = arith.constant 48 : index
          %get3A_1986 = tpu.vector_load %arg31[%get3A_1984, %get3A_1985] {strides = array<i32>} : memref<96x128xf32, #tpu.memory_space<vmem>>, vector<1x16xf32>,
          %get3A_1987 = vector.shape_cast %get3A_1986 : vector<1x16xf32> to vector<16xf32>
          %mul3A_1988 = arith.mulf %gather3A_1885, %get3A_1987 : vector<16xf32>
          %add3A_1989 = arith.addf %add3A_1983, %mul3A_1988 : vector<16xf32>
          %get3A_1990 = arith.index_cast %add3A_1872 : i32 to index
          %get3A_1991 = arith.constant 48 : index
          %get3A_1992 = tpu.vector_load %arg33[%get3A_1990, %get3A_1991] {strides = array<i32>} : memref<96x128xf32, #tpu.memory_space<vmem>>, vector<1x16xf32>,
          %get3A_1993 = vector.shape_cast %get3A_1992 : vector<1x16xf32> to vector<16xf32>
          %mul3A_1994 = arith.mulf %gather3A_1888, %get3A_1993 : vector<16xf32>
          %add3A_1995 = arith.addf %add3A_1989, %mul3A_1994 : vector<16xf32>
          %swap3A_1996 = arith.index_cast %add3A_1872 : i32 to index
          %swap3A_1997 = arith.constant 48 : index
          %swap3A_1998 = tpu.vector_load %arg35[%swap3A_1996, %swap3A_1997] {strides = array<i32>} : memref<96x96xf32, #tpu.memory_space<vmem>>, vector<1x16xf32>,
          %swap3A_1999 = vector.shape_cast %swap3A_1998 : vector<1x16xf32> to vector<16xf32>
          %swap3A_2000 = vector.shape_cast %add3A_1995 : vector<16xf32> to vector<1x16xf32>
          tpu.vector_store %arg35[%swap3A_1996, %swap3A_1997], %swap3A_2000 {strides = array<i32>} : memref<96x96xf32, #tpu.memory_space<vmem>>, vector<1x16xf32>,
          %get3A_2001 = arith.index_cast %add3A_1872 : i32 to index
          %get3A_2002 = arith.constant 64 : index
          %get3A_2003 = tpu.vector_load %arg27[%get3A_2001, %get3A_2002] {strides = array<i32>} : memref<96x128xf32, #tpu.memory_space<vmem>>, vector<1x16xf32>,
          %get3A_2004 = vector.shape_cast %get3A_2003 : vector<1x16xf32> to vector<16xf32>
          %mul3A_2005 = arith.mulf %gather3A_1879, %get3A_2004 : vector<16xf32>
          %get3A_2006 = arith.index_cast %add3A_1872 : i32 to index
          %get3A_2007 = arith.constant 64 : index
          %get3A_2008 = tpu.vector_load %arg29[%get3A_2006, %get3A_2007] {strides = array<i32>} : memref<96x128xf32, #tpu.memory_space<vmem>>, vector<1x16xf32>,
          %get3A_2009 = vector.shape_cast %get3A_2008 : vector<1x16xf32> to vector<16xf32>
          %mul3A_2010 = arith.mulf %gather3A_1882, %get3A_2009 : vector<16xf32>
          %add3A_2011 = arith.addf %mul3A_2005, %mul3A_2010 : vector<16xf32>
          %get3A_2012 = arith.index_cast %add3A_1872 : i32 to index
          %get3A_2013 = arith.constant 64 : index
          %get3A_2014 = tpu.vector_load %arg31[%get3A_2012, %get3A_2013] {strides = array<i32>} : memref<96x128xf32, #tpu.memory_space<vmem>>, vector<1x16xf32>,
          %get3A_2015 = vector.shape_cast %get3A_2014 : vector<1x16xf32> to vector<16xf32>
          %mul3A_2016 = arith.mulf %gather3A_1885, %get3A_2015 : vector<16xf32>
          %add3A_2017 = arith.addf %add3A_2011, %mul3A_2016 : vector<16xf32>
          %get3A_2018 = arith.index_cast %add3A_1872 : i32 to index
          %get3A_2019 = arith.constant 64 : index
          %get3A_2020 = tpu.vector_load %arg33[%get3A_2018, %get3A_2019] {strides = array<i32>} : memref<96x128xf32, #tpu.memory_space<vmem>>, vector<1x16xf32>,
          %get3A_2021 = vector.shape_cast %get3A_2020 : vector<1x16xf32> to vector<16xf32>
          %mul3A_2022 = arith.mulf %gather3A_1888, %get3A_2021 : vector<16xf32>
          %add3A_2023 = arith.addf %add3A_2017, %mul3A_2022 : vector<16xf32>
          %swap3A_2024 = arith.index_cast %add3A_1872 : i32 to index
          %swap3A_2025 = arith.constant 64 : index
          %swap3A_2026 = tpu.vector_load %arg35[%swap3A_2024, %swap3A_2025] {strides = array<i32>} : memref<96x96xf32, #tpu.memory_space<vmem>>, vector<1x16xf32>,
          %swap3A_2027 = vector.shape_cast %swap3A_2026 : vector<1x16xf32> to vector<16xf32>
          %swap3A_2028 = vector.shape_cast %add3A_2023 : vector<16xf32> to vector<1x16xf32>
          tpu.vector_store %arg35[%swap3A_2024, %swap3A_2025], %swap3A_2028 {strides = array<i32>} : memref<96x96xf32, #tpu.memory_space<vmem>>, vector<1x16xf32>,
          %get3A_2029 = arith.index_cast %add3A_1872 : i32 to index
          %get3A_2030 = arith.constant 80 : index
          %get3A_2031 = tpu.vector_load %arg27[%get3A_2029, %get3A_2030] {strides = array<i32>} : memref<96x128xf32, #tpu.memory_space<vmem>>, vector<1x16xf32>,
          %get3A_2032 = vector.shape_cast %get3A_2031 : vector<1x16xf32> to vector<16xf32>
          %mul3A_2033 = arith.mulf %gather3A_1879, %get3A_2032 : vector<16xf32>
          %get3A_2034 = arith.index_cast %add3A_1872 : i32 to index
          %get3A_2035 = arith.constant 80 : index
          %get3A_2036 = tpu.vector_load %arg29[%get3A_2034, %get3A_2035] {strides = array<i32>} : memref<96x128xf32, #tpu.memory_space<vmem>>, vector<1x16xf32>,
          %get3A_2037 = vector.shape_cast %get3A_2036 : vector<1x16xf32> to vector<16xf32>
          %mul3A_2038 = arith.mulf %gather3A_1882, %get3A_2037 : vector<16xf32>
          %add3A_2039 = arith.addf %mul3A_2033, %mul3A_2038 : vector<16xf32>
          %get3A_2040 = arith.index_cast %add3A_1872 : i32 to index
          %get3A_2041 = arith.constant 80 : index
          %get3A_2042 = tpu.vector_load %arg31[%get3A_2040, %get3A_2041] {strides = array<i32>} : memref<96x128xf32, #tpu.memory_space<vmem>>, vector<1x16xf32>,
          %get3A_2043 = vector.shape_cast %get3A_2042 : vector<1x16xf32> to vector<16xf32>
          %mul3A_2044 = arith.mulf %gather3A_1885, %get3A_2043 : vector<16xf32>
          %add3A_2045 = arith.addf %add3A_2039, %mul3A_2044 : vector<16xf32>
          %get3A_2046 = arith.index_cast %add3A_1872 : i32 to index
          %get3A_2047 = arith.constant 80 : index
          %get3A_2048 = tpu.vector_load %arg33[%get3A_2046, %get3A_2047] {strides = array<i32>} : memref<96x128xf32, #tpu.memory_space<vmem>>, vector<1x16xf32>,
          %get3A_2049 = vector.shape_cast %get3A_2048 : vector<1x16xf32> to vector<16xf32>
          %mul3A_2050 = arith.mulf %gather3A_1888, %get3A_2049 : vector<16xf32>
          %add3A_2051 = arith.addf %add3A_2045, %mul3A_2050 : vector<16xf32>
          %swap3A_2052 = arith.index_cast %add3A_1872 : i32 to index
          %swap3A_2053 = arith.constant 80 : index
          %swap3A_2054 = tpu.vector_load %arg35[%swap3A_2052, %swap3A_2053] {strides = array<i32>} : memref<96x96xf32, #tpu.memory_space<vmem>>, vector<1x16xf32>,
          %swap3A_2055 = vector.shape_cast %swap3A_2054 : vector<1x16xf32> to vector<16xf32>
          %swap3A_2056 = vector.shape_cast %add3A_2051 : vector<16xf32> to vector<1x16xf32>
          tpu.vector_store %arg35[%swap3A_2052, %swap3A_2053], %swap3A_2056 {strides = array<i32>} : memref<96x96xf32, #tpu.memory_space<vmem>>, vector<1x16xf32>,
          %scan3A_2057 = arith.constant 0 : i32
          %scan3A_2058 = arith.constant 2 : i32
          %scan3A_2059 = arith.addi %scan3A_1679, %scan3A_2058 : i32
          %mul3A_2060 = arith.constant 16 : i32
          %mul3A_2061 = arith.muli %scan3A_1655, %mul3A_2060 : i32
          %add3A_2062 = arith.addi %mul3A_2061, %scan3A_2059 : i32
          %broadcast_in_dim3A_2063 = arith.constant 0 : i32
          %broadcast_in_dim3A_2064 = vector.broadcast %broadcast_in_dim3A_2063 : i32 to vector<16xi32>
          %add3A_2065 = vector.broadcast %scan3A_2059 : i32 to vector<16xi32>
          %add3A_2066 = arith.addi %broadcast_in_dim3A_2064, %add3A_2065 : vector<16xi32>
          %broadcast_in_dim3A_2067 = vector.shape_cast %add3A_2066 : vector<16xi32> to vector<16x1xi32>
          %gather3A_2068 = vector.shape_cast %broadcast_in_dim3A_2067 : vector<16x1xi32> to vector<16xi32>
          %gather3A_2069 = tpu.dynamic_gather %get3A_1661[%gather3A_2068] in [0] : vector<16xf32>, vector<16xi32> -> vector<16xf32>
          %broadcast_in_dim3A_2070 = vector.shape_cast %add3A_2066 : vector<16xi32> to vector<16x1xi32>
          %gather3A_2071 = vector.shape_cast %broadcast_in_dim3A_2070 : vector<16x1xi32> to vector<16xi32>
          %gather3A_2072 = tpu.dynamic_gather %get3A_1664[%gather3A_2071] in [0] : vector<16xf32>, vector<16xi32> -> vector<16xf32>
          %broadcast_in_dim3A_2073 = vector.shape_cast %add3A_2066 : vector<16xi32> to vector<16x1xi32>
          %gather3A_2074 = vector.shape_cast %broadcast_in_dim3A_2073 : vector<16x1xi32> to vector<16xi32>
          %gather3A_2075 = tpu.dynamic_gather %get3A_1667[%gather3A_2074] in [0] : vector<16xf32>, vector<16xi32> -> vector<16xf32>
          %broadcast_in_dim3A_2076 = vector.shape_cast %add3A_2066 : vector<16xi32> to vector<16x1xi32>
          %gather3A_2077 = vector.shape_cast %broadcast_in_dim3A_2076 : vector<16x1xi32> to vector<16xi32>
          %gather3A_2078 = tpu.dynamic_gather %get3A_1670[%gather3A_2077] in [0] : vector<16xf32>, vector<16xi32> -> vector<16xf32>
          %get3A_2079 = arith.index_cast %add3A_2062 : i32 to index
          %get3A_2080 = arith.constant 0 : index
          %get3A_2081 = tpu.vector_load %arg27[%get3A_2079, %get3A_2080] {strides = array<i32>} : memref<96x128xf32, #tpu.memory_space<vmem>>, vector<1x16xf32>,
          %get3A_2082 = vector.shape_cast %get3A_2081 : vector<1x16xf32> to vector<16xf32>
          %mul3A_2083 = arith.mulf %gather3A_2069, %get3A_2082 : vector<16xf32>
          %get3A_2084 = arith.index_cast %add3A_2062 : i32 to index
          %get3A_2085 = arith.constant 0 : index
          %get3A_2086 = tpu.vector_load %arg29[%get3A_2084, %get3A_2085] {strides = array<i32>} : memref<96x128xf32, #tpu.memory_space<vmem>>, vector<1x16xf32>,
          %get3A_2087 = vector.shape_cast %get3A_2086 : vector<1x16xf32> to vector<16xf32>
          %mul3A_2088 = arith.mulf %gather3A_2072, %get3A_2087 : vector<16xf32>
          %add3A_2089 = arith.addf %mul3A_2083, %mul3A_2088 : vector<16xf32>
          %get3A_2090 = arith.index_cast %add3A_2062 : i32 to index
          %get3A_2091 = arith.constant 0 : index
          %get3A_2092 = tpu.vector_load %arg31[%get3A_2090, %get3A_2091] {strides = array<i32>} : memref<96x128xf32, #tpu.memory_space<vmem>>, vector<1x16xf32>,
          %get3A_2093 = vector.shape_cast %get3A_2092 : vector<1x16xf32> to vector<16xf32>
          %mul3A_2094 = arith.mulf %gather3A_2075, %get3A_2093 : vector<16xf32>
          %add3A_2095 = arith.addf %add3A_2089, %mul3A_2094 : vector<16xf32>
          %get3A_2096 = arith.index_cast %add3A_2062 : i32 to index
          %get3A_2097 = arith.constant 0 : index
          %get3A_2098 = tpu.vector_load %arg33[%get3A_2096, %get3A_2097] {strides = array<i32>} : memref<96x128xf32, #tpu.memory_space<vmem>>, vector<1x16xf32>,
          %get3A_2099 = vector.shape_cast %get3A_2098 : vector<1x16xf32> to vector<16xf32>
          %mul3A_2100 = arith.mulf %gather3A_2078, %get3A_2099 : vector<16xf32>
          %add3A_2101 = arith.addf %add3A_2095, %mul3A_2100 : vector<16xf32>
          %swap3A_2102 = arith.index_cast %add3A_2062 : i32 to index
          %swap3A_2103 = arith.constant 0 : index
          %swap3A_2104 = tpu.vector_load %arg35[%swap3A_2102, %swap3A_2103] {strides = array<i32>} : memref<96x96xf32, #tpu.memory_space<vmem>>, vector<1x16xf32>,
          %swap3A_2105 = vector.shape_cast %swap3A_2104 : vector<1x16xf32> to vector<16xf32>
          %swap3A_2106 = vector.shape_cast %add3A_2101 : vector<16xf32> to vector<1x16xf32>
          tpu.vector_store %arg35[%swap3A_2102, %swap3A_2103], %swap3A_2106 {strides = array<i32>} : memref<96x96xf32, #tpu.memory_space<vmem>>, vector<1x16xf32>,
          %get3A_2107 = arith.index_cast %add3A_2062 : i32 to index
          %get3A_2108 = arith.constant 16 : index
          %get3A_2109 = tpu.vector_load %arg27[%get3A_2107, %get3A_2108] {strides = array<i32>} : memref<96x128xf32, #tpu.memory_space<vmem>>, vector<1x16xf32>,
          %get3A_2110 = vector.shape_cast %get3A_2109 : vector<1x16xf32> to vector<16xf32>
          %mul3A_2111 = arith.mulf %gather3A_2069, %get3A_2110 : vector<16xf32>
          %get3A_2112 = arith.index_cast %add3A_2062 : i32 to index
          %get3A_2113 = arith.constant 16 : index
          %get3A_2114 = tpu.vector_load %arg29[%get3A_2112, %get3A_2113] {strides = array<i32>} : memref<96x128xf32, #tpu.memory_space<vmem>>, vector<1x16xf32>,
          %get3A_2115 = vector.shape_cast %get3A_2114 : vector<1x16xf32> to vector<16xf32>
          %mul3A_2116 = arith.mulf %gather3A_2072, %get3A_2115 : vector<16xf32>
          %add3A_2117 = arith.addf %mul3A_2111, %mul3A_2116 : vector<16xf32>
          %get3A_2118 = arith.index_cast %add3A_2062 : i32 to index
          %get3A_2119 = arith.constant 16 : index
          %get3A_2120 = tpu.vector_load %arg31[%get3A_2118, %get3A_2119] {strides = array<i32>} : memref<96x128xf32, #tpu.memory_space<vmem>>, vector<1x16xf32>,
          %get3A_2121 = vector.shape_cast %get3A_2120 : vector<1x16xf32> to vector<16xf32>
          %mul3A_2122 = arith.mulf %gather3A_2075, %get3A_2121 : vector<16xf32>
          %add3A_2123 = arith.addf %add3A_2117, %mul3A_2122 : vector<16xf32>
          %get3A_2124 = arith.index_cast %add3A_2062 : i32 to index
          %get3A_2125 = arith.constant 16 : index
          %get3A_2126 = tpu.vector_load %arg33[%get3A_2124, %get3A_2125] {strides = array<i32>} : memref<96x128xf32, #tpu.memory_space<vmem>>, vector<1x16xf32>,
          %get3A_2127 = vector.shape_cast %get3A_2126 : vector<1x16xf32> to vector<16xf32>
          %mul3A_2128 = arith.mulf %gather3A_2078, %get3A_2127 : vector<16xf32>
          %add3A_2129 = arith.addf %add3A_2123, %mul3A_2128 : vector<16xf32>
          %swap3A_2130 = arith.index_cast %add3A_2062 : i32 to index
          %swap3A_2131 = arith.constant 16 : index
          %swap3A_2132 = tpu.vector_load %arg35[%swap3A_2130, %swap3A_2131] {strides = array<i32>} : memref<96x96xf32, #tpu.memory_space<vmem>>, vector<1x16xf32>,
          %swap3A_2133 = vector.shape_cast %swap3A_2132 : vector<1x16xf32> to vector<16xf32>
          %swap3A_2134 = vector.shape_cast %add3A_2129 : vector<16xf32> to vector<1x16xf32>
          tpu.vector_store %arg35[%swap3A_2130, %swap3A_2131], %swap3A_2134 {strides = array<i32>} : memref<96x96xf32, #tpu.memory_space<vmem>>, vector<1x16xf32>,
          %get3A_2135 = arith.index_cast %add3A_2062 : i32 to index
          %get3A_2136 = arith.constant 32 : index
          %get3A_2137 = tpu.vector_load %arg27[%get3A_2135, %get3A_2136] {strides = array<i32>} : memref<96x128xf32, #tpu.memory_space<vmem>>, vector<1x16xf32>,
          %get3A_2138 = vector.shape_cast %get3A_2137 : vector<1x16xf32> to vector<16xf32>
          %mul3A_2139 = arith.mulf %gather3A_2069, %get3A_2138 : vector<16xf32>
          %get3A_2140 = arith.index_cast %add3A_2062 : i32 to index
          %get3A_2141 = arith.constant 32 : index
          %get3A_2142 = tpu.vector_load %arg29[%get3A_2140, %get3A_2141] {strides = array<i32>} : memref<96x128xf32, #tpu.memory_space<vmem>>, vector<1x16xf32>,
          %get3A_2143 = vector.shape_cast %get3A_2142 : vector<1x16xf32> to vector<16xf32>
          %mul3A_2144 = arith.mulf %gather3A_2072, %get3A_2143 : vector<16xf32>
          %add3A_2145 = arith.addf %mul3A_2139, %mul3A_2144 : vector<16xf32>
          %get3A_2146 = arith.index_cast %add3A_2062 : i32 to index
          %get3A_2147 = arith.constant 32 : index
          %get3A_2148 = tpu.vector_load %arg31[%get3A_2146, %get3A_2147] {strides = array<i32>} : memref<96x128xf32, #tpu.memory_space<vmem>>, vector<1x16xf32>,
          %get3A_2149 = vector.shape_cast %get3A_2148 : vector<1x16xf32> to vector<16xf32>
          %mul3A_2150 = arith.mulf %gather3A_2075, %get3A_2149 : vector<16xf32>
          %add3A_2151 = arith.addf %add3A_2145, %mul3A_2150 : vector<16xf32>
          %get3A_2152 = arith.index_cast %add3A_2062 : i32 to index
          %get3A_2153 = arith.constant 32 : index
          %get3A_2154 = tpu.vector_load %arg33[%get3A_2152, %get3A_2153] {strides = array<i32>} : memref<96x128xf32, #tpu.memory_space<vmem>>, vector<1x16xf32>,
          %get3A_2155 = vector.shape_cast %get3A_2154 : vector<1x16xf32> to vector<16xf32>
          %mul3A_2156 = arith.mulf %gather3A_2078, %get3A_2155 : vector<16xf32>
          %add3A_2157 = arith.addf %add3A_2151, %mul3A_2156 : vector<16xf32>
          %swap3A_2158 = arith.index_cast %add3A_2062 : i32 to index
          %swap3A_2159 = arith.constant 32 : index
          %swap3A_2160 = tpu.vector_load %arg35[%swap3A_2158, %swap3A_2159] {strides = array<i32>} : memref<96x96xf32, #tpu.memory_space<vmem>>, vector<1x16xf32>,
          %swap3A_2161 = vector.shape_cast %swap3A_2160 : vector<1x16xf32> to vector<16xf32>
          %swap3A_2162 = vector.shape_cast %add3A_2157 : vector<16xf32> to vector<1x16xf32>
          tpu.vector_store %arg35[%swap3A_2158, %swap3A_2159], %swap3A_2162 {strides = array<i32>} : memref<96x96xf32, #tpu.memory_space<vmem>>, vector<1x16xf32>,
          %get3A_2163 = arith.index_cast %add3A_2062 : i32 to index
          %get3A_2164 = arith.constant 48 : index
          %get3A_2165 = tpu.vector_load %arg27[%get3A_2163, %get3A_2164] {strides = array<i32>} : memref<96x128xf32, #tpu.memory_space<vmem>>, vector<1x16xf32>,
          %get3A_2166 = vector.shape_cast %get3A_2165 : vector<1x16xf32> to vector<16xf32>
          %mul3A_2167 = arith.mulf %gather3A_2069, %get3A_2166 : vector<16xf32>
          %get3A_2168 = arith.index_cast %add3A_2062 : i32 to index
          %get3A_2169 = arith.constant 48 : index
          %get3A_2170 = tpu.vector_load %arg29[%get3A_2168, %get3A_2169] {strides = array<i32>} : memref<96x128xf32, #tpu.memory_space<vmem>>, vector<1x16xf32>,
          %get3A_2171 = vector.shape_cast %get3A_2170 : vector<1x16xf32> to vector<16xf32>
          %mul3A_2172 = arith.mulf %gather3A_2072, %get3A_2171 : vector<16xf32>
          %add3A_2173 = arith.addf %mul3A_2167, %mul3A_2172 : vector<16xf32>
          %get3A_2174 = arith.index_cast %add3A_2062 : i32 to index
          %get3A_2175 = arith.constant 48 : index
          %get3A_2176 = tpu.vector_load %arg31[%get3A_2174, %get3A_2175] {strides = array<i32>} : memref<96x128xf32, #tpu.memory_space<vmem>>, vector<1x16xf32>,
          %get3A_2177 = vector.shape_cast %get3A_2176 : vector<1x16xf32> to vector<16xf32>
          %mul3A_2178 = arith.mulf %gather3A_2075, %get3A_2177 : vector<16xf32>
          %add3A_2179 = arith.addf %add3A_2173, %mul3A_2178 : vector<16xf32>
          %get3A_2180 = arith.index_cast %add3A_2062 : i32 to index
          %get3A_2181 = arith.constant 48 : index
          %get3A_2182 = tpu.vector_load %arg33[%get3A_2180, %get3A_2181] {strides = array<i32>} : memref<96x128xf32, #tpu.memory_space<vmem>>, vector<1x16xf32>,
          %get3A_2183 = vector.shape_cast %get3A_2182 : vector<1x16xf32> to vector<16xf32>
          %mul3A_2184 = arith.mulf %gather3A_2078, %get3A_2183 : vector<16xf32>
          %add3A_2185 = arith.addf %add3A_2179, %mul3A_2184 : vector<16xf32>
          %swap3A_2186 = arith.index_cast %add3A_2062 : i32 to index
          %swap3A_2187 = arith.constant 48 : index
          %swap3A_2188 = tpu.vector_load %arg35[%swap3A_2186, %swap3A_2187] {strides = array<i32>} : memref<96x96xf32, #tpu.memory_space<vmem>>, vector<1x16xf32>,
          %swap3A_2189 = vector.shape_cast %swap3A_2188 : vector<1x16xf32> to vector<16xf32>
          %swap3A_2190 = vector.shape_cast %add3A_2185 : vector<16xf32> to vector<1x16xf32>
          tpu.vector_store %arg35[%swap3A_2186, %swap3A_2187], %swap3A_2190 {strides = array<i32>} : memref<96x96xf32, #tpu.memory_space<vmem>>, vector<1x16xf32>,
          %get3A_2191 = arith.index_cast %add3A_2062 : i32 to index
          %get3A_2192 = arith.constant 64 : index
          %get3A_2193 = tpu.vector_load %arg27[%get3A_2191, %get3A_2192] {strides = array<i32>} : memref<96x128xf32, #tpu.memory_space<vmem>>, vector<1x16xf32>,
          %get3A_2194 = vector.shape_cast %get3A_2193 : vector<1x16xf32> to vector<16xf32>
          %mul3A_2195 = arith.mulf %gather3A_2069, %get3A_2194 : vector<16xf32>
          %get3A_2196 = arith.index_cast %add3A_2062 : i32 to index
          %get3A_2197 = arith.constant 64 : index
          %get3A_2198 = tpu.vector_load %arg29[%get3A_2196, %get3A_2197] {strides = array<i32>} : memref<96x128xf32, #tpu.memory_space<vmem>>, vector<1x16xf32>,
          %get3A_2199 = vector.shape_cast %get3A_2198 : vector<1x16xf32> to vector<16xf32>
          %mul3A_2200 = arith.mulf %gather3A_2072, %get3A_2199 : vector<16xf32>
          %add3A_2201 = arith.addf %mul3A_2195, %mul3A_2200 : vector<16xf32>
          %get3A_2202 = arith.index_cast %add3A_2062 : i32 to index
          %get3A_2203 = arith.constant 64 : index
          %get3A_2204 = tpu.vector_load %arg31[%get3A_2202, %get3A_2203] {strides = array<i32>} : memref<96x128xf32, #tpu.memory_space<vmem>>, vector<1x16xf32>,
          %get3A_2205 = vector.shape_cast %get3A_2204 : vector<1x16xf32> to vector<16xf32>
          %mul3A_2206 = arith.mulf %gather3A_2075, %get3A_2205 : vector<16xf32>
          %add3A_2207 = arith.addf %add3A_2201, %mul3A_2206 : vector<16xf32>
          %get3A_2208 = arith.index_cast %add3A_2062 : i32 to index
          %get3A_2209 = arith.constant 64 : index
          %get3A_2210 = tpu.vector_load %arg33[%get3A_2208, %get3A_2209] {strides = array<i32>} : memref<96x128xf32, #tpu.memory_space<vmem>>, vector<1x16xf32>,
          %get3A_2211 = vector.shape_cast %get3A_2210 : vector<1x16xf32> to vector<16xf32>
          %mul3A_2212 = arith.mulf %gather3A_2078, %get3A_2211 : vector<16xf32>
          %add3A_2213 = arith.addf %add3A_2207, %mul3A_2212 : vector<16xf32>
          %swap3A_2214 = arith.index_cast %add3A_2062 : i32 to index
          %swap3A_2215 = arith.constant 64 : index
          %swap3A_2216 = tpu.vector_load %arg35[%swap3A_2214, %swap3A_2215] {strides = array<i32>} : memref<96x96xf32, #tpu.memory_space<vmem>>, vector<1x16xf32>,
          %swap3A_2217 = vector.shape_cast %swap3A_2216 : vector<1x16xf32> to vector<16xf32>
          %swap3A_2218 = vector.shape_cast %add3A_2213 : vector<16xf32> to vector<1x16xf32>
          tpu.vector_store %arg35[%swap3A_2214, %swap3A_2215], %swap3A_2218 {strides = array<i32>} : memref<96x96xf32, #tpu.memory_space<vmem>>, vector<1x16xf32>,
          %get3A_2219 = arith.index_cast %add3A_2062 : i32 to index
          %get3A_2220 = arith.constant 80 : index
          %get3A_2221 = tpu.vector_load %arg27[%get3A_2219, %get3A_2220] {strides = array<i32>} : memref<96x128xf32, #tpu.memory_space<vmem>>, vector<1x16xf32>,
          %get3A_2222 = vector.shape_cast %get3A_2221 : vector<1x16xf32> to vector<16xf32>
          %mul3A_2223 = arith.mulf %gather3A_2069, %get3A_2222 : vector<16xf32>
          %get3A_2224 = arith.index_cast %add3A_2062 : i32 to index
          %get3A_2225 = arith.constant 80 : index
          %get3A_2226 = tpu.vector_load %arg29[%get3A_2224, %get3A_2225] {strides = array<i32>} : memref<96x128xf32, #tpu.memory_space<vmem>>, vector<1x16xf32>,
          %get3A_2227 = vector.shape_cast %get3A_2226 : vector<1x16xf32> to vector<16xf32>
          %mul3A_2228 = arith.mulf %gather3A_2072, %get3A_2227 : vector<16xf32>
          %add3A_2229 = arith.addf %mul3A_2223, %mul3A_2228 : vector<16xf32>
          %get3A_2230 = arith.index_cast %add3A_2062 : i32 to index
          %get3A_2231 = arith.constant 80 : index
          %get3A_2232 = tpu.vector_load %arg31[%get3A_2230, %get3A_2231] {strides = array<i32>} : memref<96x128xf32, #tpu.memory_space<vmem>>, vector<1x16xf32>,
          %get3A_2233 = vector.shape_cast %get3A_2232 : vector<1x16xf32> to vector<16xf32>
          %mul3A_2234 = arith.mulf %gather3A_2075, %get3A_2233 : vector<16xf32>
          %add3A_2235 = arith.addf %add3A_2229, %mul3A_2234 : vector<16xf32>
          %get3A_2236 = arith.index_cast %add3A_2062 : i32 to index
          %get3A_2237 = arith.constant 80 : index
          %get3A_2238 = tpu.vector_load %arg33[%get3A_2236, %get3A_2237] {strides = array<i32>} : memref<96x128xf32, #tpu.memory_space<vmem>>, vector<1x16xf32>,
          %get3A_2239 = vector.shape_cast %get3A_2238 : vector<1x16xf32> to vector<16xf32>
          %mul3A_2240 = arith.mulf %gather3A_2078, %get3A_2239 : vector<16xf32>
          %add3A_2241 = arith.addf %add3A_2235, %mul3A_2240 : vector<16xf32>
          %swap3A_2242 = arith.index_cast %add3A_2062 : i32 to index
          %swap3A_2243 = arith.constant 80 : index
          %swap3A_2244 = tpu.vector_load %arg35[%swap3A_2242, %swap3A_2243] {strides = array<i32>} : memref<96x96xf32, #tpu.memory_space<vmem>>, vector<1x16xf32>,
          %swap3A_2245 = vector.shape_cast %swap3A_2244 : vector<1x16xf32> to vector<16xf32>
          %swap3A_2246 = vector.shape_cast %add3A_2241 : vector<16xf32> to vector<1x16xf32>
          tpu.vector_store %arg35[%swap3A_2242, %swap3A_2243], %swap3A_2246 {strides = array<i32>} : memref<96x96xf32, #tpu.memory_space<vmem>>, vector<1x16xf32>,
          %scan3A_2247 = arith.constant 0 : i32
          %scan3A_2248 = arith.constant 3 : i32
          %scan3A_2249 = arith.addi %scan3A_1679, %scan3A_2248 : i32
          %mul3A_2250 = arith.constant 16 : i32
          %mul3A_2251 = arith.muli %scan3A_1655, %mul3A_2250 : i32
          %add3A_2252 = arith.addi %mul3A_2251, %scan3A_2249 : i32
          %broadcast_in_dim3A_2253 = arith.constant 0 : i32
          %broadcast_in_dim3A_2254 = vector.broadcast %broadcast_in_dim3A_2253 : i32 to vector<16xi32>
          %add3A_2255 = vector.broadcast %scan3A_2249 : i32 to vector<16xi32>
          %add3A_2256 = arith.addi %broadcast_in_dim3A_2254, %add3A_2255 : vector<16xi32>
          %broadcast_in_dim3A_2257 = vector.shape_cast %add3A_2256 : vector<16xi32> to vector<16x1xi32>
          %gather3A_2258 = vector.shape_cast %broadcast_in_dim3A_2257 : vector<16x1xi32> to vector<16xi32>
          %gather3A_2259 = tpu.dynamic_gather %get3A_1661[%gather3A_2258] in [0] : vector<16xf32>, vector<16xi32> -> vector<16xf32>
          %broadcast_in_dim3A_2260 = vector.shape_cast %add3A_2256 : vector<16xi32> to vector<16x1xi32>
          %gather3A_2261 = vector.shape_cast %broadcast_in_dim3A_2260 : vector<16x1xi32> to vector<16xi32>
          %gather3A_2262 = tpu.dynamic_gather %get3A_1664[%gather3A_2261] in [0] : vector<16xf32>, vector<16xi32> -> vector<16xf32>
          %broadcast_in_dim3A_2263 = vector.shape_cast %add3A_2256 : vector<16xi32> to vector<16x1xi32>
          %gather3A_2264 = vector.shape_cast %broadcast_in_dim3A_2263 : vector<16x1xi32> to vector<16xi32>
          %gather3A_2265 = tpu.dynamic_gather %get3A_1667[%gather3A_2264] in [0] : vector<16xf32>, vector<16xi32> -> vector<16xf32>
          %broadcast_in_dim3A_2266 = vector.shape_cast %add3A_2256 : vector<16xi32> to vector<16x1xi32>
          %gather3A_2267 = vector.shape_cast %broadcast_in_dim3A_2266 : vector<16x1xi32> to vector<16xi32>
          %gather3A_2268 = tpu.dynamic_gather %get3A_1670[%gather3A_2267] in [0] : vector<16xf32>, vector<16xi32> -> vector<16xf32>
          %get3A_2269 = arith.index_cast %add3A_2252 : i32 to index
          %get3A_2270 = arith.constant 0 : index
          %get3A_2271 = tpu.vector_load %arg27[%get3A_2269, %get3A_2270] {strides = array<i32>} : memref<96x128xf32, #tpu.memory_space<vmem>>, vector<1x16xf32>,
          %get3A_2272 = vector.shape_cast %get3A_2271 : vector<1x16xf32> to vector<16xf32>
          %mul3A_2273 = arith.mulf %gather3A_2259, %get3A_2272 : vector<16xf32>
          %get3A_2274 = arith.index_cast %add3A_2252 : i32 to index
          %get3A_2275 = arith.constant 0 : index
          %get3A_2276 = tpu.vector_load %arg29[%get3A_2274, %get3A_2275] {strides = array<i32>} : memref<96x128xf32, #tpu.memory_space<vmem>>, vector<1x16xf32>,
          %get3A_2277 = vector.shape_cast %get3A_2276 : vector<1x16xf32> to vector<16xf32>
          %mul3A_2278 = arith.mulf %gather3A_2262, %get3A_2277 : vector<16xf32>
          %add3A_2279 = arith.addf %mul3A_2273, %mul3A_2278 : vector<16xf32>
          %get3A_2280 = arith.index_cast %add3A_2252 : i32 to index
          %get3A_2281 = arith.constant 0 : index
          %get3A_2282 = tpu.vector_load %arg31[%get3A_2280, %get3A_2281] {strides = array<i32>} : memref<96x128xf32, #tpu.memory_space<vmem>>, vector<1x16xf32>,
          %get3A_2283 = vector.shape_cast %get3A_2282 : vector<1x16xf32> to vector<16xf32>
          %mul3A_2284 = arith.mulf %gather3A_2265, %get3A_2283 : vector<16xf32>
          %add3A_2285 = arith.addf %add3A_2279, %mul3A_2284 : vector<16xf32>
          %get3A_2286 = arith.index_cast %add3A_2252 : i32 to index
          %get3A_2287 = arith.constant 0 : index
          %get3A_2288 = tpu.vector_load %arg33[%get3A_2286, %get3A_2287] {strides = array<i32>} : memref<96x128xf32, #tpu.memory_space<vmem>>, vector<1x16xf32>,
          %get3A_2289 = vector.shape_cast %get3A_2288 : vector<1x16xf32> to vector<16xf32>
          %mul3A_2290 = arith.mulf %gather3A_2268, %get3A_2289 : vector<16xf32>
          %add3A_2291 = arith.addf %add3A_2285, %mul3A_2290 : vector<16xf32>
          %swap3A_2292 = arith.index_cast %add3A_2252 : i32 to index
          %swap3A_2293 = arith.constant 0 : index
          %swap3A_2294 = tpu.vector_load %arg35[%swap3A_2292, %swap3A_2293] {strides = array<i32>} : memref<96x96xf32, #tpu.memory_space<vmem>>, vector<1x16xf32>,
          %swap3A_2295 = vector.shape_cast %swap3A_2294 : vector<1x16xf32> to vector<16xf32>
          %swap3A_2296 = vector.shape_cast %add3A_2291 : vector<16xf32> to vector<1x16xf32>
          tpu.vector_store %arg35[%swap3A_2292, %swap3A_2293], %swap3A_2296 {strides = array<i32>} : memref<96x96xf32, #tpu.memory_space<vmem>>, vector<1x16xf32>,
          %get3A_2297 = arith.index_cast %add3A_2252 : i32 to index
          %get3A_2298 = arith.constant 16 : index
          %get3A_2299 = tpu.vector_load %arg27[%get3A_2297, %get3A_2298] {strides = array<i32>} : memref<96x128xf32, #tpu.memory_space<vmem>>, vector<1x16xf32>,
          %get3A_2300 = vector.shape_cast %get3A_2299 : vector<1x16xf32> to vector<16xf32>
          %mul3A_2301 = arith.mulf %gather3A_2259, %get3A_2300 : vector<16xf32>
          %get3A_2302 = arith.index_cast %add3A_2252 : i32 to index
          %get3A_2303 = arith.constant 16 : index
          %get3A_2304 = tpu.vector_load %arg29[%get3A_2302, %get3A_2303] {strides = array<i32>} : memref<96x128xf32, #tpu.memory_space<vmem>>, vector<1x16xf32>,
          %get3A_2305 = vector.shape_cast %get3A_2304 : vector<1x16xf32> to vector<16xf32>
          %mul3A_2306 = arith.mulf %gather3A_2262, %get3A_2305 : vector<16xf32>
          %add3A_2307 = arith.addf %mul3A_2301, %mul3A_2306 : vector<16xf32>
          %get3A_2308 = arith.index_cast %add3A_2252 : i32 to index
          %get3A_2309 = arith.constant 16 : index
          %get3A_2310 = tpu.vector_load %arg31[%get3A_2308, %get3A_2309] {strides = array<i32>} : memref<96x128xf32, #tpu.memory_space<vmem>>, vector<1x16xf32>,
          %get3A_2311 = vector.shape_cast %get3A_2310 : vector<1x16xf32> to vector<16xf32>
          %mul3A_2312 = arith.mulf %gather3A_2265, %get3A_2311 : vector<16xf32>
          %add3A_2313 = arith.addf %add3A_2307, %mul3A_2312 : vector<16xf32>
          %get3A_2314 = arith.index_cast %add3A_2252 : i32 to index
          %get3A_2315 = arith.constant 16 : index
          %get3A_2316 = tpu.vector_load %arg33[%get3A_2314, %get3A_2315] {strides = array<i32>} : memref<96x128xf32, #tpu.memory_space<vmem>>, vector<1x16xf32>,
          %get3A_2317 = vector.shape_cast %get3A_2316 : vector<1x16xf32> to vector<16xf32>
          %mul3A_2318 = arith.mulf %gather3A_2268, %get3A_2317 : vector<16xf32>
          %add3A_2319 = arith.addf %add3A_2313, %mul3A_2318 : vector<16xf32>
          %swap3A_2320 = arith.index_cast %add3A_2252 : i32 to index
          %swap3A_2321 = arith.constant 16 : index
          %swap3A_2322 = tpu.vector_load %arg35[%swap3A_2320, %swap3A_2321] {strides = array<i32>} : memref<96x96xf32, #tpu.memory_space<vmem>>, vector<1x16xf32>,
          %swap3A_2323 = vector.shape_cast %swap3A_2322 : vector<1x16xf32> to vector<16xf32>
          %swap3A_2324 = vector.shape_cast %add3A_2319 : vector<16xf32> to vector<1x16xf32>
          tpu.vector_store %arg35[%swap3A_2320, %swap3A_2321], %swap3A_2324 {strides = array<i32>} : memref<96x96xf32, #tpu.memory_space<vmem>>, vector<1x16xf32>,
          %get3A_2325 = arith.index_cast %add3A_2252 : i32 to index
          %get3A_2326 = arith.constant 32 : index
          %get3A_2327 = tpu.vector_load %arg27[%get3A_2325, %get3A_2326] {strides = array<i32>} : memref<96x128xf32, #tpu.memory_space<vmem>>, vector<1x16xf32>,
          %get3A_2328 = vector.shape_cast %get3A_2327 : vector<1x16xf32> to vector<16xf32>
          %mul3A_2329 = arith.mulf %gather3A_2259, %get3A_2328 : vector<16xf32>
          %get3A_2330 = arith.index_cast %add3A_2252 : i32 to index
          %get3A_2331 = arith.constant 32 : index
          %get3A_2332 = tpu.vector_load %arg29[%get3A_2330, %get3A_2331] {strides = array<i32>} : memref<96x128xf32, #tpu.memory_space<vmem>>, vector<1x16xf32>,
          %get3A_2333 = vector.shape_cast %get3A_2332 : vector<1x16xf32> to vector<16xf32>
          %mul3A_2334 = arith.mulf %gather3A_2262, %get3A_2333 : vector<16xf32>
          %add3A_2335 = arith.addf %mul3A_2329, %mul3A_2334 : vector<16xf32>
          %get3A_2336 = arith.index_cast %add3A_2252 : i32 to index
          %get3A_2337 = arith.constant 32 : index
          %get3A_2338 = tpu.vector_load %arg31[%get3A_2336, %get3A_2337] {strides = array<i32>} : memref<96x128xf32, #tpu.memory_space<vmem>>, vector<1x16xf32>,
          %get3A_2339 = vector.shape_cast %get3A_2338 : vector<1x16xf32> to vector<16xf32>
          %mul3A_2340 = arith.mulf %gather3A_2265, %get3A_2339 : vector<16xf32>
          %add3A_2341 = arith.addf %add3A_2335, %mul3A_2340 : vector<16xf32>
          %get3A_2342 = arith.index_cast %add3A_2252 : i32 to index
          %get3A_2343 = arith.constant 32 : index
          %get3A_2344 = tpu.vector_load %arg33[%get3A_2342, %get3A_2343] {strides = array<i32>} : memref<96x128xf32, #tpu.memory_space<vmem>>, vector<1x16xf32>,
          %get3A_2345 = vector.shape_cast %get3A_2344 : vector<1x16xf32> to vector<16xf32>
          %mul3A_2346 = arith.mulf %gather3A_2268, %get3A_2345 : vector<16xf32>
          %add3A_2347 = arith.addf %add3A_2341, %mul3A_2346 : vector<16xf32>
          %swap3A_2348 = arith.index_cast %add3A_2252 : i32 to index
          %swap3A_2349 = arith.constant 32 : index
          %swap3A_2350 = tpu.vector_load %arg35[%swap3A_2348, %swap3A_2349] {strides = array<i32>} : memref<96x96xf32, #tpu.memory_space<vmem>>, vector<1x16xf32>,
          %swap3A_2351 = vector.shape_cast %swap3A_2350 : vector<1x16xf32> to vector<16xf32>
          %swap3A_2352 = vector.shape_cast %add3A_2347 : vector<16xf32> to vector<1x16xf32>
          tpu.vector_store %arg35[%swap3A_2348, %swap3A_2349], %swap3A_2352 {strides = array<i32>} : memref<96x96xf32, #tpu.memory_space<vmem>>, vector<1x16xf32>,
          %get3A_2353 = arith.index_cast %add3A_2252 : i32 to index
          %get3A_2354 = arith.constant 48 : index
          %get3A_2355 = tpu.vector_load %arg27[%get3A_2353, %get3A_2354] {strides = array<i32>} : memref<96x128xf32, #tpu.memory_space<vmem>>, vector<1x16xf32>,
          %get3A_2356 = vector.shape_cast %get3A_2355 : vector<1x16xf32> to vector<16xf32>
          %mul3A_2357 = arith.mulf %gather3A_2259, %get3A_2356 : vector<16xf32>
          %get3A_2358 = arith.index_cast %add3A_2252 : i32 to index
          %get3A_2359 = arith.constant 48 : index
          %get3A_2360 = tpu.vector_load %arg29[%get3A_2358, %get3A_2359] {strides = array<i32>} : memref<96x128xf32, #tpu.memory_space<vmem>>, vector<1x16xf32>,
          %get3A_2361 = vector.shape_cast %get3A_2360 : vector<1x16xf32> to vector<16xf32>
          %mul3A_2362 = arith.mulf %gather3A_2262, %get3A_2361 : vector<16xf32>
          %add3A_2363 = arith.addf %mul3A_2357, %mul3A_2362 : vector<16xf32>
          %get3A_2364 = arith.index_cast %add3A_2252 : i32 to index
          %get3A_2365 = arith.constant 48 : index
          %get3A_2366 = tpu.vector_load %arg31[%get3A_2364, %get3A_2365] {strides = array<i32>} : memref<96x128xf32, #tpu.memory_space<vmem>>, vector<1x16xf32>,
          %get3A_2367 = vector.shape_cast %get3A_2366 : vector<1x16xf32> to vector<16xf32>
          %mul3A_2368 = arith.mulf %gather3A_2265, %get3A_2367 : vector<16xf32>
          %add3A_2369 = arith.addf %add3A_2363, %mul3A_2368 : vector<16xf32>
          %get3A_2370 = arith.index_cast %add3A_2252 : i32 to index
          %get3A_2371 = arith.constant 48 : index
          %get3A_2372 = tpu.vector_load %arg33[%get3A_2370, %get3A_2371] {strides = array<i32>} : memref<96x128xf32, #tpu.memory_space<vmem>>, vector<1x16xf32>,
          %get3A_2373 = vector.shape_cast %get3A_2372 : vector<1x16xf32> to vector<16xf32>
          %mul3A_2374 = arith.mulf %gather3A_2268, %get3A_2373 : vector<16xf32>
          %add3A_2375 = arith.addf %add3A_2369, %mul3A_2374 : vector<16xf32>
          %swap3A_2376 = arith.index_cast %add3A_2252 : i32 to index
          %swap3A_2377 = arith.constant 48 : index
          %swap3A_2378 = tpu.vector_load %arg35[%swap3A_2376, %swap3A_2377] {strides = array<i32>} : memref<96x96xf32, #tpu.memory_space<vmem>>, vector<1x16xf32>,
          %swap3A_2379 = vector.shape_cast %swap3A_2378 : vector<1x16xf32> to vector<16xf32>
          %swap3A_2380 = vector.shape_cast %add3A_2375 : vector<16xf32> to vector<1x16xf32>
          tpu.vector_store %arg35[%swap3A_2376, %swap3A_2377], %swap3A_2380 {strides = array<i32>} : memref<96x96xf32, #tpu.memory_space<vmem>>, vector<1x16xf32>,
          %get3A_2381 = arith.index_cast %add3A_2252 : i32 to index
          %get3A_2382 = arith.constant 64 : index
          %get3A_2383 = tpu.vector_load %arg27[%get3A_2381, %get3A_2382] {strides = array<i32>} : memref<96x128xf32, #tpu.memory_space<vmem>>, vector<1x16xf32>,
          %get3A_2384 = vector.shape_cast %get3A_2383 : vector<1x16xf32> to vector<16xf32>
          %mul3A_2385 = arith.mulf %gather3A_2259, %get3A_2384 : vector<16xf32>
          %get3A_2386 = arith.index_cast %add3A_2252 : i32 to index
          %get3A_2387 = arith.constant 64 : index
          %get3A_2388 = tpu.vector_load %arg29[%get3A_2386, %get3A_2387] {strides = array<i32>} : memref<96x128xf32, #tpu.memory_space<vmem>>, vector<1x16xf32>,
          %get3A_2389 = vector.shape_cast %get3A_2388 : vector<1x16xf32> to vector<16xf32>
          %mul3A_2390 = arith.mulf %gather3A_2262, %get3A_2389 : vector<16xf32>
          %add3A_2391 = arith.addf %mul3A_2385, %mul3A_2390 : vector<16xf32>
          %get3A_2392 = arith.index_cast %add3A_2252 : i32 to index
          %get3A_2393 = arith.constant 64 : index
          %get3A_2394 = tpu.vector_load %arg31[%get3A_2392, %get3A_2393] {strides = array<i32>} : memref<96x128xf32, #tpu.memory_space<vmem>>, vector<1x16xf32>,
          %get3A_2395 = vector.shape_cast %get3A_2394 : vector<1x16xf32> to vector<16xf32>
          %mul3A_2396 = arith.mulf %gather3A_2265, %get3A_2395 : vector<16xf32>
          %add3A_2397 = arith.addf %add3A_2391, %mul3A_2396 : vector<16xf32>
          %get3A_2398 = arith.index_cast %add3A_2252 : i32 to index
          %get3A_2399 = arith.constant 64 : index
          %get3A_2400 = tpu.vector_load %arg33[%get3A_2398, %get3A_2399] {strides = array<i32>} : memref<96x128xf32, #tpu.memory_space<vmem>>, vector<1x16xf32>,
          %get3A_2401 = vector.shape_cast %get3A_2400 : vector<1x16xf32> to vector<16xf32>
          %mul3A_2402 = arith.mulf %gather3A_2268, %get3A_2401 : vector<16xf32>
          %add3A_2403 = arith.addf %add3A_2397, %mul3A_2402 : vector<16xf32>
          %swap3A_2404 = arith.index_cast %add3A_2252 : i32 to index
          %swap3A_2405 = arith.constant 64 : index
          %swap3A_2406 = tpu.vector_load %arg35[%swap3A_2404, %swap3A_2405] {strides = array<i32>} : memref<96x96xf32, #tpu.memory_space<vmem>>, vector<1x16xf32>,
          %swap3A_2407 = vector.shape_cast %swap3A_2406 : vector<1x16xf32> to vector<16xf32>
          %swap3A_2408 = vector.shape_cast %add3A_2403 : vector<16xf32> to vector<1x16xf32>
          tpu.vector_store %arg35[%swap3A_2404, %swap3A_2405], %swap3A_2408 {strides = array<i32>} : memref<96x96xf32, #tpu.memory_space<vmem>>, vector<1x16xf32>,
          %get3A_2409 = arith.index_cast %add3A_2252 : i32 to index
          %get3A_2410 = arith.constant 80 : index
          %get3A_2411 = tpu.vector_load %arg27[%get3A_2409, %get3A_2410] {strides = array<i32>} : memref<96x128xf32, #tpu.memory_space<vmem>>, vector<1x16xf32>,
          %get3A_2412 = vector.shape_cast %get3A_2411 : vector<1x16xf32> to vector<16xf32>
          %mul3A_2413 = arith.mulf %gather3A_2259, %get3A_2412 : vector<16xf32>
          %get3A_2414 = arith.index_cast %add3A_2252 : i32 to index
          %get3A_2415 = arith.constant 80 : index
          %get3A_2416 = tpu.vector_load %arg29[%get3A_2414, %get3A_2415] {strides = array<i32>} : memref<96x128xf32, #tpu.memory_space<vmem>>, vector<1x16xf32>,
          %get3A_2417 = vector.shape_cast %get3A_2416 : vector<1x16xf32> to vector<16xf32>
          %mul3A_2418 = arith.mulf %gather3A_2262, %get3A_2417 : vector<16xf32>
          %add3A_2419 = arith.addf %mul3A_2413, %mul3A_2418 : vector<16xf32>
          %get3A_2420 = arith.index_cast %add3A_2252 : i32 to index
          %get3A_2421 = arith.constant 80 : index
          %get3A_2422 = tpu.vector_load %arg31[%get3A_2420, %get3A_2421] {strides = array<i32>} : memref<96x128xf32, #tpu.memory_space<vmem>>, vector<1x16xf32>,
          %get3A_2423 = vector.shape_cast %get3A_2422 : vector<1x16xf32> to vector<16xf32>
          %mul3A_2424 = arith.mulf %gather3A_2265, %get3A_2423 : vector<16xf32>
          %add3A_2425 = arith.addf %add3A_2419, %mul3A_2424 : vector<16xf32>
          %get3A_2426 = arith.index_cast %add3A_2252 : i32 to index
          %get3A_2427 = arith.constant 80 : index
          %get3A_2428 = tpu.vector_load %arg33[%get3A_2426, %get3A_2427] {strides = array<i32>} : memref<96x128xf32, #tpu.memory_space<vmem>>, vector<1x16xf32>,
          %get3A_2429 = vector.shape_cast %get3A_2428 : vector<1x16xf32> to vector<16xf32>
          %mul3A_2430 = arith.mulf %gather3A_2268, %get3A_2429 : vector<16xf32>
          %add3A_2431 = arith.addf %add3A_2425, %mul3A_2430 : vector<16xf32>
          %swap3A_2432 = arith.index_cast %add3A_2252 : i32 to index
          %swap3A_2433 = arith.constant 80 : index
          %swap3A_2434 = tpu.vector_load %arg35[%swap3A_2432, %swap3A_2433] {strides = array<i32>} : memref<96x96xf32, #tpu.memory_space<vmem>>, vector<1x16xf32>,
          %swap3A_2435 = vector.shape_cast %swap3A_2434 : vector<1x16xf32> to vector<16xf32>
          %swap3A_2436 = vector.shape_cast %add3A_2431 : vector<16xf32> to vector<1x16xf32>
          tpu.vector_store %arg35[%swap3A_2432, %swap3A_2433], %swap3A_2436 {strides = array<i32>} : memref<96x96xf32, #tpu.memory_space<vmem>>, vector<1x16xf32>,
          %scan3A_2437 = arith.constant 0 : i32
          scf.yield %scan3A_2437 : i32
        }
        %scan3A_1677 = arith.constant 16 : i32
        %scan3A_1678 = arith.constant 0 : i32
        scf.yield %scan3A_1678 : i32
      }
      %scan3A_1646 = arith.constant 6 : i32
      %mul3A_1647 = arith.constant 96 : i32
      %mul3A_1648 = arith.muli %add3A_814, %mul3A_1647 : i32
      %add3A_1649 = arith.addi %mul3A_18, %mul3A_1648 : i32
      %dma_start3A_1650 = arith.constant 0 : i32
      %dma_start3A_1651 = tpu.memref_slice %arg5[%add3A_1649, %dma_start3A_1650] : memref<589824x96xf32, #tpu.memory_space<hbm>> -> memref<96x96xf32, #tpu.memory_space<hbm>>
      %dma_start3A_1652 = arith.constant 0 : i32
      %dma_start3A_1653 = tpu.memref_slice %arg5[%add3A_1649, %dma_start3A_1652] : memref<589824x96xf32, #tpu.memory_space<hbm>> -> memref<96x96xf32, #tpu.memory_space<hbm>>
      tpu.enqueue_dma source(%arg35 : memref<96x96xf32, #tpu.memory_space<vmem>>) target(%dma_start3A_1653 : memref<96x96xf32, #tpu.memory_space<hbm>>) target_semaphore(%arg41 : memref<!tpu.dma_semaphore, #tpu.memory_space<semaphore_mem>>)
      %scan3A_1654 = arith.constant 0 : i32
      scf.yield %scan3A_1654 : i32
    }
    %scan3A_796 = arith.constant 96 : i32
    %add3A_797 = arith.constant 18240 : i32
    %add3A_798 = arith.addi %mul3A_18, %add3A_797 : i32
    %dma_wait3A_799 = arith.constant 0 : i32
    %dma_wait3A_800 = tpu.memref_slice %arg5[%add3A_798, %dma_wait3A_799] : memref<589824x96xf32, #tpu.memory_space<hbm>> -> memref<96x96xf32, #tpu.memory_space<hbm>>
    %dma_wait3A_801 = arith.constant 0 : i32
    %dma_wait3A_802 = tpu.memref_slice %arg5[%add3A_798, %dma_wait3A_801] : memref<589824x96xf32, #tpu.memory_space<hbm>> -> memref<96x96xf32, #tpu.memory_space<hbm>>
    tpu.wait_dma2 semaphore(%arg40 : memref<!tpu.dma_semaphore, #tpu.memory_space<semaphore_mem>>) src(%arg34 : memref<96x96xf32, #tpu.memory_space<vmem>>) dst(%dma_wait3A_802 : memref<96x96xf32, #tpu.memory_space<hbm>>)
    %add3A_803 = arith.constant 18336 : i32
    %add3A_804 = arith.addi %mul3A_18, %add3A_803 : i32
    %dma_wait3A_805 = arith.constant 0 : i32
    %dma_wait3A_806 = tpu.memref_slice %arg5[%add3A_804, %dma_wait3A_805] : memref<589824x96xf32, #tpu.memory_space<hbm>> -> memref<96x96xf32, #tpu.memory_space<hbm>>
    %dma_wait3A_807 = arith.constant 0 : i32
    %dma_wait3A_808 = tpu.memref_slice %arg5[%add3A_804, %dma_wait3A_807] : memref<589824x96xf32, #tpu.memory_space<hbm>> -> memref<96x96xf32, #tpu.memory_space<hbm>>
    tpu.wait_dma2 semaphore(%arg41 : memref<!tpu.dma_semaphore, #tpu.memory_space<semaphore_mem>>) src(%arg35 : memref<96x96xf32, #tpu.memory_space<vmem>>) dst(%dma_wait3A_808 : memref<96x96xf32, #tpu.memory_space<hbm>>)
    return
  }
}

</mosaic_0001>

<sc_bundles>
// kernel: kernel.3.cloned.1.call-start
scs
__scs_entry_jumppad:
0x0: {  	(pc) =	sbr.rel $0x88, $3  }
0x1: {  	(tag) =	ssettag $0x0;
	lr =	simm.s32 $0x1  }
0x2: {  	[smem:$0x3F9F] =	sst lr;
	_ =	strace $0xD0000000  }
0x3: {  	_ = 	snop  }
0x4: {  	_ = 	snop  }
0x5: {  	_ = 	snop  }
0x6: {  	_ = 	snop  }
0x7: {  	_ = 	snop  }
__scs_overlays_trampoline_lowered:
0x8: {  	[smem:$0x3FAE] =	sst s0  }
0x9: {  	[smem:$0x3FAF] =	sst s1  }
0xa: {  	[smem:$0x3FB0] =	sst s2  }
0xb: {  	[smem:$0x3FB1] =	sst s3  }
0xc: {  	[smem:$0x3FB2] =	sst s4  }
0xd: {  	[smem:$0x3FB3] =	sst s5  }
0xe: {  	[smem:$0x3FB4] =	sst s6  }
0xf: {  	[smem:$0x3FB5] =	sst s7  }
0x10: {  	[smem:$0x3FB6] =	sst s8  }
0x11: {  	[smem:$0x3FB7] =	sst s9;
	s0 =	simm.s32 @!p0 $0x0  }
0x12: {  	s1 =	sld [smem:$0x3F9D];
	s0 =	simm.s32 @p0 $0x1  }
0x13: {  	[smem:$0x3FB8] =	sst s0;
	s0 =	simm.s32 @!p1 $0x0  }
0x14: {  	s2 =	sld [smem:$0x3F9C];
	s0 =	simm.s32 @p1 $0x1  }
0x15: {  	[smem:$0x3FB9] =	sst s0;
	s0 =	simm.s32 @!p2 $0x0  }
0x16: {  	s3 =	sld [smem:$0x3FDB];
	s0 =	simm.s32 @p2 $0x1  }
0x17: {  	s4 =	simm.s32 $0x1BF5;
	[smem:$0x3FBB] =	sst s0  }
0x18: {  	s0 =	sld [smem:$0x3F9E];
	_ =	swait.ge [sflag:s4], $0x0  }
0x19: {  	s7 =	sld [smem:$0x3F9F]  }
0x1a: {  	s8 =	sadd.s32 $0xFFFFE003, lr  }
0x1b: {  	s9 =	sadd.s32 $0xFFFFFEF7, lr;
	s5 =	simm.s32 $0xFFFFFFFF;
	p2 =	slt.u32 s8, $0xFFFFF086  }
0x1c: {  	p1 =	slt.u32 s9, $0xF7A;
	s5 =	simm.s32 @!p2 $0x0  }
0x1d: {  	s5 =	simm.s32 @p1 $0x1;
	p0 =	seq.s32 s7, s2  }
0x1e: {  	s7 =	smul.u32 @!p0 $0xF7A, s2;
	p2 =	seq.s32 @!p0 s5, $0x0  }
0x1f: {  	s9 =	smul.u32 $0xF7A, s1;
	s8 =	simm.s32 @!p0 $0x1BF5;
	p2 =	por !p2, p0  }
0x20: {  	[sflag:s8] =	ssyncset.s32 @!p0 $0xFFFFF086;
	s6 =	sadd.s32 @!p0 s3, s7;
	s7 =	simm.s32 @!p0 $0x108  }
0x21: {  	s3 =	sadd.s32 s3, s9;
	s6 =	sadd.s32 @!p0 $0x88, s6;
	s7 =	simm.s32 @p2 $0x1082  }
0x22: {  	[simem:s7], [sflag:s8] =	dma.local @!p0 [hbm:s6], $0xF7A  }
0x23: {  	s9 =	sor.u32 $0xD0000000, s2;
	s6 =	simm.s32 $0x108;
	_ =	swait.ge @!p0 [sflag:s8], $0x0  }
0x24: {  	s3 =	sadd.s32 $0x88, s3;
	s6 =	simm.s32 @!p1 $0x1082;
	[sflag:s4] =	ssyncset.s32 $0xFFFFF086  }
0x25: {  	[simem:s6], [sflag:s4] =	dma.local [hbm:s3], $0xF7A  }
0x26: {  	[smem:$0x3F9F] =	sst s1;
	(tag) =	ssettag s2;
	_ =	strace s9  }
0x27: {  	s1 =	sld [smem:$0x3FAF]  }
0x28: {  	s2 =	sld [smem:$0x3FB0]  }
0x29: {  	s4 =	sld [smem:$0x3FB2]  }
0x2a: {  	p0 =	seq.s32 s5, $0x0;
	s5 =	sld [smem:$0x3FB3]  }
0x2b: {  	s6 =	sld [smem:$0x3FB4]  }
0x2c: {  	s7 =	sld [smem:$0x3FB5]  }
0x2d: {  	s3 =	simm.s32 $0x108;
	s8 =	sld [smem:$0x3FB6]  }
0x2e: {  	s3 =	simm.s32 @!p0 $0x1082;
	s9 =	sld [smem:$0x3FB7]  }
0x2f: {  	lr =	sadd.s32 s0, s3;
	s0 =	sld [smem:$0x3FAE]  }
0x30: {  	s3 =	sld [smem:$0x3FB1]  }
0x31: {  	[smem:$0x3FBA] =	sst s10  }
0x32: {  	s10 =	sld [smem:$0x3FB8];
	_ =	sdelay $0x3  }
0x33: {  	p0 =	seq.s32 s10, $0x1;
	s10 =	sld [smem:$0x3FBA];
	_ =	sdelay $0x3  }
0x34: {  	[smem:$0x3FBA] =	sst s10  }
0x35: {  	s10 =	sld [smem:$0x3FB9];
	_ =	sdelay $0x3  }
0x36: {  	p1 =	seq.s32 s10, $0x1;
	s10 =	sld [smem:$0x3FBA];
	_ =	sdelay $0x3  }
0x37: {  	[smem:$0x3FBA] =	sst s10  }
0x38: {  	s10 =	sld [smem:$0x3FBB]  }
0x39: {  	_ = 	snop;
	(pc) =	sbr.ind lr, $3  }
0x3a: {  	_ = 	snop  }
0x3b: {  	_ = 	snop  }
0x3c: {  	p2 =	seq.s32 s10, $0x1;
	s10 =	sld [smem:$0x3FBA]  }
0x3d: {  	_ =	shalt  }
0x3e: {  	_ =	shalt  }
0x3f: {  	_ =	shalt  }
0x40: {  	_ =	shalt  }
0x41: {  	_ =	shalt  }
0x42: {  	_ =	shalt  }
0x43: {  	_ =	shalt  }
0x44: {  	_ =	shalt  }
0x45: {  	_ =	shalt  }
0x46: {  	_ =	shalt  }
0x47: {  	_ =	shalt  }
0x48: {  	_ =	shalt  }
0x49: {  	_ =	shalt  }
0x4a: {  	_ =	shalt  }
0x4b: {  	_ =	shalt  }
0x4c: {  	_ =	shalt  }
0x4d: {  	_ =	shalt  }
0x4e: {  	_ =	shalt  }
0x4f: {  	_ =	shalt  }
0x50: {  	_ =	shalt  }
0x51: {  	_ =	shalt  }
0x52: {  	_ =	shalt  }
0x53: {  	_ =	shalt  }
0x54: {  	_ =	shalt  }
0x55: {  	_ =	shalt  }
0x56: {  	_ =	shalt  }
0x57: {  	_ =	shalt  }
0x58: {  	_ =	shalt  }
0x59: {  	_ =	shalt  }
0x5a: {  	_ =	shalt  }
0x5b: {  	_ =	shalt  }
0x5c: {  	_ =	shalt  }
0x5d: {  	_ =	shalt  }
0x5e: {  	_ =	shalt  }
0x5f: {  	_ =	shalt  }
0x60: {  	_ =	shalt  }
0x61: {  	_ =	shalt  }
0x62: {  	_ =	shalt  }
0x63: {  	_ =	shalt  }
0x64: {  	_ =	shalt  }
0x65: {  	_ =	shalt  }
0x66: {  	_ =	shalt  }
0x67: {  	_ =	shalt  }
0x68: {  	_ =	shalt  }
0x69: {  	_ =	shalt  }
0x6a: {  	_ =	shalt  }
0x6b: {  	_ =	shalt  }
0x6c: {  	_ =	shalt  }
0x6d: {  	_ =	shalt  }
0x6e: {  	_ =	shalt  }
0x6f: {  	_ =	shalt  }
0x70: {  	_ =	shalt  }
0x71: {  	_ =	shalt  }
0x72: {  	_ =	shalt  }
0x73: {  	_ =	shalt  }
0x74: {  	_ =	shalt  }
0x75: {  	_ =	shalt  }
0x76: {  	_ =	shalt  }
0x77: {  	_ =	shalt  }
0x78: {  	_ =	shalt  }
0x79: {  	_ =	shalt  }
0x7a: {  	_ =	shalt  }
0x7b: {  	_ =	shalt  }
0x7c: {  	_ =	shalt  }
0x7d: {  	_ =	shalt  }
0x7e: {  	_ =	shalt  }
0x7f: {  	_ =	shalt  }
0x80: {  	_ =	shalt  }
0x81: {  	_ =	shalt  }
0x82: {  	_ =	shalt  }
0x83: {  	_ =	shalt  }
0x84: {  	_ =	shalt  }
0x85: {  	_ =	shalt  }
0x86: {  	_ =	shalt  }
0x87: {  	_ =	shalt  }
.Lfunc_end0:
.L_simem_size_0:
called_computation.1_lowered:
.L_overlay_start_0:
0x88: {  	s2 =	sld [smem:$0x3FD9]  }
0x89: {  	s3 =	sld [smem:$0x3FFE];
	_ =	sdelay $0x1  }
0x8a: {  	s1 =	srdreg.scid  }
0x8b: {  	s0 =	sand.u32 $0x1, s1  }
0x8c: {  	s17 =	sshll.u32 s0, $0xA;
	s2 =	sadd.s32 s3, s2  }
0x8d: {  	s2 =	sadd.s32 s2, s17  }
0x8e: {  	[smem:$0x3FC6] =	sst s2  }
0x8f: {  	_ = 	snop  }
0x90: {  	s2 =	sld [smem:$0x3FD0];
	(tm) =	ssettm $0x1  }
0x91: {  	s18 =	sld [smem:$0x3FFB];
	_ =	sdelay $0x3  }
0x92: {  	_ =	strace s18  }
0x93: {  	s3 =	sld [smem:$0x3FFC];
	_ =	sdelay $0x3  }
0x94: {  	_ =	strace s3  }
0x95: {  	s3 =	sld [smem:$0x3FFD];
	_ =	sdelay $0x3  }
0x96: {  	_ =	strace s3  }
0x97: {  	_ =	strace $0x8FFFFFFF  }
0x98: {  	s19 =	sld [smem:$0x3FDB];
	_ =	sdelay $0x1  }
0x99: {  	s4 =	simm.s32 $_scs_section_size  }
0x9a: {  	s5 =	simm.s32 $_size__tile_overlayer_lowered;
	s6 =	simm.s32 $_tile_overlayer_lowered  }
0x9b: {  	s22 =	simm.s32 $0x1BFF;
	s21 =	sshll.u32 s6, $0x1;
	s3 =	sadd.s32 s4, s19  }
0x9c: {  	s7 =	simm.s32 $0x0;
	s20 =	sshll.u32 s5, $0x1;
	s5 =	sadd.s32 s21, s3  }
0x9d: {  	[timem:s7], [sflag:s22] =	dma.local [hbm:s5], s20  }
0x9e: {  	_ =	swait.ge [sflag:s22], s20  }
0x9f: {  	s4 =	ssub.s32 $0x0, s20;
	[sflag:s22] =	ssyncset.done $0x0  }
0xa0: {  	[sflag:s22] =	ssyncadd.s32 s4;
	_ =	sdelay $0x1  }
0xa1: {  	s23 =	simm.s32 $0x1B8B  }
0xa2: {  	_ =	swait.ge [sflag:s23], $0x1  }
0xa3: {  	[sflag:s23] =	ssyncset.done $0x0  }
0xa4: {  	s25 =	simm.s32 $0x1B8E;
	s24 =	sld [smem:$0x3FFE];
	[sflag:s23] =	ssyncadd.s32 $0xFFFFFFFF  }
0xa5: {  	s26 =	simm.s32 $execute0_lowered;
	[smem:$0x3FD2] =	sst s25  }
0xa6: {  	s5 =	sshll.u32 s26, $0x1;
	_ =	strace $0x80000046;
	[dreg:$0x1] =	wrdreg $0xFFFFFFFF  }
0xa7: {  	s28 =	simm.s32 $_size_execute0_lowered;
	s3 =	sadd.s32 s3, s5;
	[dreg:$0x0] =	wrdreg $0x0  }
0xa8: {  	s5 =	sshll.u32 s28, $0x1;
	[dreg:$0x2] =	wrdreg s3  }
0xa9: {  	[dreg:$0x3] =	wrdreg s5  }
0xaa: {  	[dreg:$0x4] =	wrdreg $0xC0  }
0xab: {  	_ =	task [dreg:s7], $0x5FFFF  }
0xac: {  	[dreg:$0x1] =	wrdreg $0xFFFFFFFF  }
0xad: {  	[dreg:$0x0] =	wrdreg $0x60  }
0xae: {  	[dreg:$0x2] =	wrdreg s24  }
0xaf: {  	[dreg:$0x3] =	wrdreg s2  }
0xb0: {  	[dreg:$0x4] =	wrdreg $0x9  }
0xb1: {  	_ =	task.clear_ibuf [dreg:s7], $0x5FFFF;
	_ =	strace $0x90000046  }
0xb2: {  	s29 =	simm.s32 $0x9;
	_ =	strace $0x80000048  }
0xb3: {  	_ =	swait.ge [sflag:s29], $0x1  }
0xb4: {  	[sflag:s29] =	ssyncadd.s32 $0xFFFFFFFF  }
0xb5: {  	_ =	strace $0x90000048  }
0xb6: {  	_ =	sfence  }
0xb7: {  	s30 =	sld [smem:$0x0];
	_ =	sdelay $0x2  }
0xb8: {  	s31 =	sshll.u32 s1, $0xD;
	s1 =	sshrl.u32 s1, $0x2  }
0xb9: {  	s3 =	sand.u32 $0x4000, s31;
	s1 =	sadd.s32 s1, s30  }
0xba: {  	s0 =	sor.u32 s3, s0;
	s1 =	sshll.u32 s1, $0x11  }
0xbb: {  	s0 =	sor.u32 s1, s0  }
0xbc: {  	s0 =	sadd.s32 $0x8F2B, s0  }
0xbd: {  	[sflag:s0] =	ssyncadd.remote.s32 $0x1  }
0xbe: {  	_ =	sfence.sel $0xFFFF  }
0xbf: {  	[dreg:$0x0] =	wrdreg $0xFFFFFFFF;
	(pc) =	sbr.abs _section_cstart, $3  }
0xc0: {  	[dreg:$0x1] =	wrdreg $0xFFFFFFFF  }
0xc1: {  	_ =	task.clear_ibuf [dreg:s7], $0x2FFFF;
	_ =	strace $0x9FFFFFFF  }
0xc2: {  	(tm) =	ssettm $0x7FFFFFFF  }
0xc3: {  	_ =	shalt  }
tec
execute0_lowered:
.L_overlay_start_1:
0x0: {  	(tag) =	ssettag $0x1  }
0x1: {  	s0 =	rddreg [dreg:$0x0]  }
0x2: {  	s2 =	rddreg [dreg:$0x1];
	s3 =	simm.s32 $0x0;
	s1 =	srdreg.scid  }
0x3: {  	s8 =	stileid.u32;
	s17 =	simm.s32 $0x3;
	s18 =	simm.s32 $0x60  }
0x4: {  	s30 =	simm.s32 $0x4;
	s15 =	simm.s32 $0x1;
	s19 =	simm.s32 $0x18A00  }
0x5: {  	s20 =	simm.s32 $0x2;
	s1 =	sand.u32 $0x1, s1;
	s4 =	sshll.u32 s8, $0x1  }
0x6: {  	s21 =	simm.s32 $0x1BA00;
	[smem:$0x7FF] =	sst s3;
	s5 =	sor.u32 s1, s4  }
0x7: {  	s6 =	sadd.s32 $0xA00, s0;
	s1 =	ssub.s32 $0x2, s1;
	s5 =	smul.u32 $0x4800, s5  }
0x8: {  	s7 =	sadd.s32 $0x12A00, s0;
	_ =	strace $0x80000047;
	s23 =	sshrl.u32 s1, $0x1  }
0x9: {  	s4 =	sadd.s32 $0x912A00, s0;
	s0 =	ssub.s32 s1, s23;
	s31 =	sor.u32 $0x120, s5  }
0xa: {  	s25 =	sshrl.u32 s5, $0x3;
	s0 =	smax.u32 s0, $0x1;
	[dreg:$0x7] =	wrdreg s31  }
0xb: {  	s24 =	sshrl.u32 s8, $0x2;
	s9 =	sadd.s32 s6, s25;
	[dreg:$0x8] =	wrdreg s0  }
0xc: {  	s26 =	sor.u32 $0xC, s25;
	s8 =	sadd.s32 s2, s25;
	[dreg:$0x3] =	wrdreg s9  }
0xd: {  	s1 =	smul.u32 $0x24000, s24;
	[dreg:$0x4] =	wrdreg s8;
	s28 =	sadd.s32 s6, s26  }
0xe: {  	s12 =	sor.u32 $0x60, s5;
	s29 =	sadd.s32 s2, s26;
	[dreg:$0x5] =	wrdreg s28  }
0xf: {  	v1 =	vimm.f32 $0.0e+00;
	s13 =	sor.u32 $0xC0, s5;
	v0 =	vmov s1;
	s8 =	simm.s32 $0x0;
	[dreg:$0x6] =	wrdreg s29  }
.LBB2_1:
0x10: {  	[dreg:$0x9] =	wrdreg s8  }
0x11: {  	s0 =	rddreg [dreg:$0x3]  }
0x12: {  	[tilespmem:s3], [sflag:$0x3] =	stream.linear.gather [hbm4b:s0+s3], $0x60, $0x38;
	[tilespmem:$0x1EA00] =	vst v63  }
0x13: {  	s9 =	rddreg [dreg:$0x4];
	s1 =	simm.s32 $0x100  }
0x14: {  	[tilespmem:s1], [sflag:$0x3] =	stream.linear.gather [hbm4b:s9+s3], $0x60, $0x38;
	[tilespmem:$0x1EA00] =	vst v63  }
0x15: {  	_ =	swait.ge [sflag:s17], $0x60  }
0x16: {  	[sflag:s17] =	ssyncset.done $0x0  }
0x17: {  	[sflag:s17] =	ssyncadd.s32 $0xFFFFFFA0  }
0x18: {  	_ =	swait.ge [sflag:s17], $0x60  }
0x19: {  	[sflag:s17] =	ssyncset.done $0x0  }
0x1a: {  	[sflag:s17] =	ssyncadd.s32 $0xFFFFFFA0  }
0x1b: {  	v2 =	vld [tilespmem:$0x0]  }
0x1c: {  	v3 =	vld [tilespmem:$0x100]  }
0x1d: {  	v6 =	vld [tilespmem:$0x10]  }
0x1e: {  	v7 =	vld [tilespmem:$0x110]  }
0x1f: {  	v13 =	vld [tilespmem:$0x20]  }
0x20: {  	v24 =	vld [tilespmem:$0x130];
	_ =	sdelay $0x1  }
0x21: {  	v2 =	vadd.f32 $1.000000000e+00, v2  }
0x22: {  	v20 =	vld [tilespmem:$0x120];
	v3 =	vadd.f32 $1.000000000e+00, v3;
	v6 =	vadd.f32 $1.000000000e+00, v6  }
0x23: {  	v21 =	vld [tilespmem:$0x30];
	v7 =	vadd.f32 $1.000000000e+00, v7;
	v13 =	vadd.f32 $1.000000000e+00, v13  }
0x24: {  	v55 =	vld [tilespmem:$0x140];
	v45 =	vadd.f32 $1.000000000e+00, v24;
	v2 =	vmul.f32 $5.000000000e-01, v2;
	v3 =	vmul.f32 $5.000000000e-01, v3  }
0x25: {  	v6 =	vmul.f32 $5.000000000e-01, v6;
	v7 =	vmul.f32 $5.000000000e-01, v7  }
0x26: {  	v13 =	vmul.f32 $5.000000000e-01, v13;
	v46 =	vmul.f32 $5.000000000e-01, v45  }
0x27: {  	v35 =	vadd.f32 $1.000000000e+00, v20;
	v2 =	vmul.f32 $3.840000000e+02, v2;
	v3 =	vmul.f32 $3.840000000e+02, v3  }
0x28: {  	v41 =	vadd.f32 $1.000000000e+00, v21;
	v7 =	vmul.f32 $3.840000000e+02, v7;
	v13 =	vmul.f32 $3.840000000e+02, v13  }
0x29: {  	v61 =	vadd.f32 $1.000000000e+00, v55;
	v4 =	vtrunc.f32 v2;
	v5 =	vtrunc.f32 v3  }
0x2a: {  	vm8 =	vgt.f32 v2, $-1.000000000e+00;
	vm1 =	vgt.f32 v3, $-1.000000000e+00;
	vm2 =	vlt.f32 v2, $3.830000000e+02  }
0x2b: {  	vm9 =	vlt.f32 v3, $3.830000000e+02;
	v4 =	vcvt.f32.s32 v4;
	v5 =	vcvt.f32.s32 v5  }
0x2c: {  	v30 =	vtrunc.f32 v7;
	vm13 =	vgt.f32 v7, $-1.000000000e+00;
	vm15 =	vlt.f32 v7, $3.830000000e+02  }
0x2d: {  	v36 =	vtrunc.f32 v13;
	vm0 =	vgt.s32 v4, $0x0;
	vm7 =	vgt.s32 v5, $0x0  }
0x2e: {  	vm6 =	vgt.f32 v13, $-1.000000000e+00;
	v4 =	vnsel vm0, $0x0, v4;
	v5 =	vnsel vm7, $0x0, v5  }
0x2f: {  	v31 =	vcvt.f32.s32 v30;
	v4 =	vmin.u32 v4, $0x17E;
	v5 =	vmin.u32 v5, $0x17E  }
0x30: {  	vm0 =	vmand vm8, vm1;
	v8 =	vcvt.s32.f32 v4;
	v9 =	vcvt.s32.f32 v5  }
0x31: {  	vm11 =	vgt.s32 v31, $0x0;
	vm8 =	vlt.f32 v13, $3.830000000e+02;
	vm0 =	vmand vm0, vm2  }
0x32: {  	v4 =	vor.u32 v0, v4;
	v10 =	vadd.f32 $1.000000000e+00, v8;
	v11 =	vadd.f32 $1.000000000e+00, v9  }
0x33: {  	vm0 =	vmand vm9, vm0;
	v8 =	vsub.f32 v2, v8;
	v28 =	vsub.f32 v3, v9  }
0x34: {  	v9 =	vmul.f32 $5.000000000e-01, v41;
	v10 =	vsub.f32 v10, v2;
	v2 =	vmul.f32 $3.840000000e+02, v6  }
0x35: {  	v11 =	vsub.f32 v11, v3;
	v3 =	vmul.u32 $0x180, v5;
	v6 =	vmul.f32 v28, v8  }
0x36: {  	v32 =	vsel vm0, $0x3F800000, v1;
	v9 =	vmul.f32 $3.840000000e+02, v9;
	v29 =	vtrunc.f32 v2  }
0x37: {  	v3 =	vadd.s32 v3, v4;
	v14 =	vmul.f32 v11, v10;
	v10 =	vmul.f32 v28, v10  }
0x38: {  	v4 =	vnsel vm11, $0x0, v31;
	v11 =	vmul.f32 v11, v8;
	v6 =	vmul.f32 v6, v32  }
0x39: {  	vm12 =	vgt.f32 v2, $-1.000000000e+00;
	vm14 =	vlt.f32 v2, $3.830000000e+02;
	v48 =	vtrunc.f32 v9  }
0x3a: {  	v5 =	vcvt.f32.s32 v29;
	v12 =	vadd.s32 $0x180, v3;
	v15 =	vadd.s32 $0x1, v3  }
0x3b: {  	v4 =	vmin.u32 v4, $0x17E;
	v17 =	vadd.s32 $0x181, v3;
	vm0 =	vmand vm12, vm13  }
0x3c: {  	v24 =	vcvt.f32.s32 v48;
	vm12 =	vgt.f32 v9, $-1.000000000e+00;
	v14 =	vmul.f32 v14, v32  }
0x3d: {  	v28 =	vld [tilespmem:$0x40];
	vm13 =	vlt.f32 v9, $3.830000000e+02;
	v18 =	vcvt.s32.f32 v4;
	v10 =	vmul.f32 v10, v32  }
0x3e: {  	v11 =	vmul.f32 v11, v32;
	vm0 =	vmand vm0, vm14;
	vm10 =	vgt.s32 v5, $0x0  }
0x3f: {  	v4 =	vmul.u32 $0x180, v4;
	vm0 =	vmand vm15, vm0;
	v5 =	vnsel vm10, $0x0, v5  }
0x40: {  	v30 =	vld [tilespmem:$0x50];
	v33 =	vadd.f32 $1.000000000e+00, v18;
	v34 =	vsub.f32 v7, v18;
	v18 =	vmul.f32 $5.000000000e-01, v35  }
0x41: {  	v37 =	vsel vm0, $0x3F800000, v1;
	vm10 =	vgt.s32 v24, $0x0;
	[tilespmem:$0x800] =	vst v11;
	v11 =	vmul.f32 $5.000000000e-01, v61  }
0x42: {  	v5 =	vmin.u32 v5, $0x17E;
	v24 =	vnsel vm10, $0x0, v24;
	v58 =	vadd.f32 $1.000000000e+00, v28  }
0x43: {  	v16 =	vcvt.s32.f32 v5;
	v8 =	vsub.f32 v33, v7;
	v7 =	vcvt.f32.s32 v36  }
0x44: {  	v18 =	vmul.f32 $3.840000000e+02, v18;
	v5 =	vor.u32 v0, v5;
	v24 =	vmin.u32 v24, $0x17E  }
0x45: {  	v11 =	vmul.f32 $3.840000000e+02, v11;
	v36 =	vadd.f32 $1.000000000e+00, v30;
	v4 =	vadd.s32 v4, v5  }
0x46: {  	v27 =	vcvt.s32.f32 v24;
	v19 =	vadd.f32 $1.000000000e+00, v16;
	vm4 =	vgt.s32 v7, $0x0  }
0x47: {  	v22 =	vtrunc.f32 v18;
	vm7 =	vgt.f32 v18, $-1.000000000e+00;
	vm9 =	vlt.f32 v18, $3.830000000e+02  }
0x48: {  	v60 =	vadd.s32 $0x180, v4;
	v62 =	vadd.s32 $0x1, v4;
	[tilespmem:$0x210] =	vst v4;
	v4 =	vadd.s32 $0x181, v4  }
0x49: {  	v7 =	vnsel vm4, $0x0, v7;
	v22 =	vcvt.f32.s32 v22;
	vm0 =	vmand vm6, vm7  }
0x4a: {  	v51 =	vadd.f32 $1.000000000e+00, v27;
	v56 =	vsub.f32 v9, v27;
	v27 =	vtrunc.f32 v11  }
0x4b: {  	vm7 =	vgt.f32 v11, $-1.000000000e+00;
	v19 =	vsub.f32 v19, v2;
	v2 =	vsub.f32 v2, v16  }
0x4c: {  	v7 =	vmin.u32 v7, $0x17E;
	vm0 =	vmand vm0, vm8;
	v29 =	vcvt.f32.s32 v27  }
0x4d: {  	v23 =	vcvt.s32.f32 v7;
	vm5 =	vgt.s32 v22, $0x0;
	vm0 =	vmand vm9, vm0  }
0x4e: {  	v7 =	vor.u32 v0, v7;
	v54 =	vsub.f32 v51, v9;
	v9 =	vmul.f32 $5.000000000e-01, v58  }
0x4f: {  	vm9 =	vlt.f32 v11, $3.830000000e+02;
	v38 =	vmul.f32 v8, v19;
	v19 =	vmul.f32 v34, v19  }
0x50: {  	v39 =	vmul.f32 v8, v2;
	v2 =	vmul.f32 v34, v2;
	v42 =	vnsel vm5, $0x0, v22  }
0x51: {  	v32 =	vld [tilespmem:$0x150];
	v49 =	vsel vm0, $0x3F800000, v1;
	vm5 =	vgt.s32 v29, $0x0;
	v40 =	vadd.f32 $1.000000000e+00, v23  }
0x52: {  	v16 =	vmin.u32 v42, $0x17E;
	v9 =	vmul.f32 $3.840000000e+02, v9;
	v20 =	vmul.f32 v38, v37  }
0x53: {  	v44 =	vsub.f32 v13, v23;
	v19 =	vmul.f32 v19, v37;
	v5 =	vmul.f32 v39, v37  }
0x54: {  	v2 =	vmul.f32 v2, v37;
	v43 =	vcvt.s32.f32 v16;
	v16 =	vmul.u32 $0x180, v16  }
0x55: {  	[tilespmem:$0x200] =	vst v3;
	v38 =	vmul.f32 $5.000000000e-01, v36;
	v8 =	vsub.f32 v40, v13;
	v13 =	vmul.f32 $3.840000000e+02, v46  }
0x56: {  	[tilespmem:$0x300] =	vst v12;
	v39 =	vadd.f32 $1.000000000e+00, v32;
	vm6 =	vgt.f32 v9, $-1.000000000e+00;
	v47 =	vadd.f32 $1.000000000e+00, v43  }
0x57: {  	[tilespmem:$0x400] =	vst v15;
	vm8 =	vlt.f32 v9, $3.830000000e+02;
	v7 =	vadd.s32 v16, v7;
	v25 =	vtrunc.f32 v13  }
0x58: {  	[tilespmem:$0x500] =	vst v17;
	vm14 =	vgt.f32 v13, $-1.000000000e+00;
	vm15 =	vlt.f32 v13, $3.830000000e+02;
	v23 =	vsub.f32 v47, v18  }
0x59: {  	[tilespmem:$0x900] =	vst v6;
	v18 =	vsub.f32 v18, v43;
	v25 =	vcvt.f32.s32 v25;
	vm0 =	vmand vm12, vm14  }
0x5a: {  	[tilespmem:$0x600] =	vst v14;
	v33 =	vadd.s32 $0x1, v7;
	vm0 =	vmand vm0, vm13;
	v26 =	vmul.f32 v23, v8  }
0x5b: {  	[tilespmem:$0x700] =	vst v10;
	vm11 =	vgt.s32 v25, $0x0;
	v8 =	vmul.f32 v18, v8;
	v23 =	vmul.f32 v23, v44  }
0x5c: {  	[tilespmem:$0x310] =	vst v60;
	v3 =	vmul.f32 v18, v44;
	vm0 =	vmand vm15, vm0;
	v18 =	vor.u32 v0, v24  }
0x5d: {  	[tilespmem:$0x410] =	vst v62;
	v25 =	vnsel vm11, $0x0, v25;
	v24 =	vsel vm0, $0x3F800000, v1;
	v26 =	vmul.f32 v26, v49  }
0x5e: {  	[tilespmem:$0x510] =	vst v4;
	vm0 =	vmand vm6, vm7;
	v8 =	vmul.f32 v8, v49;
	v53 =	vmul.f32 v23, v49  }
0x5f: {  	[tilespmem:$0x610] =	vst v20;
	v50 =	vmin.u32 v25, $0x17E;
	v3 =	vmul.f32 v3, v49;
	v23 =	vtrunc.f32 v9  }
0x60: {  	[tilespmem:$0x710] =	vst v19;
	v25 =	vadd.s32 $0x180, v7;
	vm0 =	vmand vm0, vm8;
	v52 =	vcvt.s32.f32 v50  }
0x61: {  	[tilespmem:$0x220] =	vst v7;
	v63 =	vmul.u32 $0x180, v50;
	v14 =	vcvt.f32.s32 v23;
	vm0 =	vmand vm9, vm0  }
0x62: {  	v7 =	vadd.s32 $0x181, v7;
	[tilespmem:$0x720] =	vst v8;
	v8 =	vmul.f32 $3.840000000e+02, v38;
	v45 =	vsel vm0, $0x3F800000, v1  }
0x63: {  	[tilespmem:$0x810] =	vst v5;
	v57 =	vadd.f32 $1.000000000e+00, v52;
	v21 =	vadd.s32 v63, v18;
	vm4 =	vgt.s32 v14, $0x0  }
0x64: {  	[tilespmem:$0x910] =	vst v2;
	v12 =	vsub.f32 v13, v52;
	v14 =	vnsel vm4, $0x0, v14;
	v40 =	vadd.s32 $0x180, v21  }
0x65: {  	[tilespmem:$0x920] =	vst v3;
	v3 =	vadd.s32 $0x1, v21;
	v44 =	vtrunc.f32 v8;
	v6 =	vadd.s32 $0x181, v21  }
0x66: {  	[tilespmem:$0x420] =	vst v33;
	vm12 =	vgt.f32 v8, $-1.000000000e+00;
	v59 =	vsub.f32 v57, v13;
	v16 =	vmul.f32 v12, v54  }
0x67: {  	[tilespmem:$0x320] =	vst v25;
	v28 =	vmul.f32 v12, v56;
	v14 =	vmin.u32 v14, $0x17E;
	v12 =	vnsel vm5, $0x0, v29  }
0x68: {  	[tilespmem:$0x520] =	vst v7;
	vm14 =	vlt.f32 v8, $3.830000000e+02;
	v31 =	vcvt.s32.f32 v14;
	v35 =	vmin.u32 v12, $0x17E  }
0x69: {  	[tilespmem:$0x620] =	vst v26;
	v46 =	vor.u32 v0, v14;
	v22 =	vmul.f32 v59, v54;
	v10 =	vmul.f32 v59, v56  }
0x6a: {  	[tilespmem:$0x820] =	vst v53;
	v2 =	vmul.f32 v16, v24;
	v37 =	vcvt.s32.f32 v35;
	v34 =	vadd.f32 $1.000000000e+00, v31  }
0x6b: {  	[tilespmem:$0x230] =	vst v21;
	v4 =	vmul.f32 v28, v24;
	v7 =	vmul.u32 $0x180, v35;
	v5 =	vsub.f32 v9, v31  }
0x6c: {  	[tilespmem:$0x330] =	vst v40;
	v41 =	vadd.f32 $1.000000000e+00, v37;
	v18 =	vsub.f32 v34, v9;
	v9 =	vmul.f32 $5.000000000e-01, v39  }
0x6d: {  	[tilespmem:$0x430] =	vst v3;
	v13 =	vmul.f32 v22, v24;
	v10 =	vmul.f32 v10, v24;
	v43 =	vsub.f32 v11, v37  }
0x6e: {  	[tilespmem:$0x530] =	vst v6;
	v7 =	vadd.s32 v7, v46;
	v42 =	vsub.f32 v41, v11;
	v3 =	vmul.f32 $3.840000000e+02, v9  }
0x6f: {  	[tilespmem:$0x730] =	vst v2;
	v2 =	vadd.s32 $0x180, v7;
	v9 =	vcvt.f32.s32 v44;
	v50 =	vmul.f32 v43, v18  }
0x70: {  	[tilespmem:$0x340] =	vst v2;
	v2 =	vadd.s32 $0x1, v7;
	v49 =	vmul.f32 v42, v18;
	v47 =	vtrunc.f32 v3  }
0x71: {  	[tilespmem:$0x440] =	vst v2;
	v2 =	vadd.s32 $0x181, v7;
	v12 =	vmul.f32 v42, v5;
	v48 =	vcvt.f32.s32 v47  }
0x72: {  	[tilespmem:$0x830] =	vst v10;
	v5 =	vmul.f32 v43, v5;
	vm10 =	vgt.s32 v9, $0x0;
	v10 =	vmul.f32 v50, v45  }
0x73: {  	[tilespmem:$0x930] =	vst v4;
	vm13 =	vgt.f32 v3, $-1.000000000e+00;
	v9 =	vnsel vm10, $0x0, v9;
	vm11 =	vgt.s32 v48, $0x0  }
0x74: {  	[tilespmem:$0x240] =	vst v7;
	vm15 =	vlt.f32 v3, $3.830000000e+02;
	v9 =	vmin.u32 v9, $0x17E;
	v11 =	vnsel vm11, $0x0, v48  }
0x75: {  	[tilespmem:$0x630] =	vst v13;
	v51 =	vmul.f32 v49, v45;
	v52 =	vcvt.s32.f32 v9;
	v11 =	vmin.u32 v11, $0x17E  }
0x76: {  	[tilespmem:$0x540] =	vst v2;
	v54 =	vmul.f32 v12, v45;
	vm0 =	vmand vm12, vm13;
	v55 =	vcvt.s32.f32 v11  }
0x77: {  	v2 =	vmul.f32 v5, v45;
	[tilespmem:$0x740] =	vst v10;
	vm0 =	vmand vm0, vm14;
	v53 =	vadd.f32 $1.000000000e+00, v52  }
0x78: {  	[tilespmem:$0x640] =	vst v51;
	v9 =	vor.u32 v0, v9;
	v59 =	vmul.u32 $0x180, v11;
	v58 =	vadd.f32 $1.000000000e+00, v55  }
0x79: {  	[tilespmem:$0x840] =	vst v54;
	vm0 =	vmand vm15, vm0;
	v56 =	vsub.f32 v53, v8;
	v60 =	vsub.f32 v3, v55  }
0x7a: {  	[tilespmem:$0x940] =	vst v2;
	v62 =	vsel vm0, $0x3F800000, v1;
	v2 =	vadd.s32 v59, v9;
	v4 =	vsub.f32 v58, v3  }
0x7b: {  	v57 =	vsub.f32 v8, v52;
	[tilespmem:$0x250] =	vst v2;
	v3 =	vadd.s32 $0x180, v2;
	v5 =	vmul.f32 v60, v56  }
0x7c: {  	[tilespmem:$0x350] =	vst v3;
	v3 =	vadd.s32 $0x1, v2;
	v2 =	vadd.s32 $0x181, v2;
	v61 =	vmul.f32 v4, v56  }
0x7d: {  	v63 =	vmul.f32 v60, v57;
	[tilespmem:$0x550] =	vst v2;
	v2 =	vmul.f32 v5, v62  }
0x7e: {  	[tilespmem:$0x450] =	vst v3;
	v4 =	vmul.f32 v4, v57;
	v3 =	vmul.f32 v61, v62  }
0x7f: {  	[tilespmem:$0x750] =	vst v2;
	v2 =	vmul.f32 v63, v62  }
0x80: {  	[tilespmem:$0x650] =	vst v3;
	v3 =	vmul.f32 v4, v62  }
0x81: {  	[tilespmem:$0x950] =	vst v2  }
0x82: {  	s10 =	simm.s32 $0x200;
	s11 =	simm.s32 $0xA00;
	[tilespmem:$0x850] =	vst v3  }
0x83: {  	[tilespmem:s11], [sflag:$0x1] =	stream.indirect.gather [hbm4b:s4+s18], $0x80, s10, s18, $0xb8;
	[tilespmem:$0x1EA00] =	vst v63  }
0x84: {  	s14 =	simm.s32 $0x300;
	s16 =	simm.s32 $0x6A00  }
0x85: {  	[tilespmem:s16], [sflag:$0x1] =	stream.indirect.gather [hbm4b:s4+s18], $0x80, s14, s18, $0xb8;
	[tilespmem:$0x1EA00] =	vst v63  }
0x86: {  	s22 =	simm.s32 $0x400;
	s23 =	simm.s32 $0xCA00  }
0x87: {  	[tilespmem:s23], [sflag:$0x1] =	stream.indirect.gather [hbm4b:s4+s18], $0x80, s22, s18, $0xb8;
	[tilespmem:$0x1EA00] =	vst v63  }
0x88: {  	s24 =	simm.s32 $0x500;
	s25 =	simm.s32 $0x12A00  }
0x89: {  	[tilespmem:s25], [sflag:$0x1] =	stream.indirect.gather [hbm4b:s4+s18], $0x80, s24, s18, $0xb8;
	[tilespmem:$0x1EA00] =	vst v63  }
0x8a: {  	s28 =	simm.s32 $0x80;
	s26 =	rddreg [dreg:$0x5]  }
0x8b: {  	[tilespmem:s28], [sflag:$0x4] =	stream.linear.gather [hbm4b:s26+s3], $0x60, $0x38;
	[tilespmem:$0x1EA00] =	vst v63  }
0x8c: {  	s31 =	simm.s32 $0x180;
	s29 =	rddreg [dreg:$0x6];
	s22 =	simm.s32 $0x0  }
0x8d: {  	[tilespmem:s31], [sflag:$0x4] =	stream.linear.gather [hbm4b:s29+s3], $0x60, $0x38;
	[tilespmem:$0x1EA00] =	vst v63  }
.LBB2_2:
0x8e: {  	_ =	swait.ge [sflag:s30], $0x60  }
0x8f: {  	[sflag:s30] =	ssyncset.done $0x0  }
0x90: {  	[sflag:s30] =	ssyncadd.s32 $0xFFFFFFA0  }
0x91: {  	_ =	swait.ge [sflag:s30], $0x60  }
0x92: {  	[sflag:s30] =	ssyncset.done $0x0  }
0x93: {  	[sflag:s30] =	ssyncadd.s32 $0xFFFFFFA0  }
0x94: {  	v2 =	vld [tilespmem:$0x80]  }
0x95: {  	v3 =	vld [tilespmem:$0x180]  }
0x96: {  	v6 =	vld [tilespmem:$0x90]  }
0x97: {  	v7 =	vld [tilespmem:$0x190]  }
0x98: {  	v13 =	vld [tilespmem:$0xA0]  }
0x99: {  	v24 =	vld [tilespmem:$0x1B0];
	_ =	sdelay $0x1  }
0x9a: {  	v2 =	vadd.f32 $1.000000000e+00, v2  }
0x9b: {  	v20 =	vld [tilespmem:$0x1A0];
	v3 =	vadd.f32 $1.000000000e+00, v3;
	v6 =	vadd.f32 $1.000000000e+00, v6  }
0x9c: {  	v21 =	vld [tilespmem:$0xB0];
	v7 =	vadd.f32 $1.000000000e+00, v7;
	v13 =	vadd.f32 $1.000000000e+00, v13  }
0x9d: {  	v55 =	vld [tilespmem:$0x1C0];
	v45 =	vadd.f32 $1.000000000e+00, v24;
	v2 =	vmul.f32 $5.000000000e-01, v2;
	v3 =	vmul.f32 $5.000000000e-01, v3  }
0x9e: {  	v6 =	vmul.f32 $5.000000000e-01, v6;
	v7 =	vmul.f32 $5.000000000e-01, v7  }
0x9f: {  	v13 =	vmul.f32 $5.000000000e-01, v13;
	v46 =	vmul.f32 $5.000000000e-01, v45  }
0xa0: {  	v35 =	vadd.f32 $1.000000000e+00, v20;
	v2 =	vmul.f32 $3.840000000e+02, v2;
	v3 =	vmul.f32 $3.840000000e+02, v3  }
0xa1: {  	v41 =	vadd.f32 $1.000000000e+00, v21;
	v7 =	vmul.f32 $3.840000000e+02, v7;
	v13 =	vmul.f32 $3.840000000e+02, v13  }
0xa2: {  	v61 =	vadd.f32 $1.000000000e+00, v55;
	v4 =	vtrunc.f32 v2;
	v5 =	vtrunc.f32 v3  }
0xa3: {  	vm8 =	vgt.f32 v2, $-1.000000000e+00;
	vm1 =	vgt.f32 v3, $-1.000000000e+00;
	vm2 =	vlt.f32 v2, $3.830000000e+02  }
0xa4: {  	vm9 =	vlt.f32 v3, $3.830000000e+02;
	v4 =	vcvt.f32.s32 v4;
	v5 =	vcvt.f32.s32 v5  }
0xa5: {  	v30 =	vtrunc.f32 v7;
	vm13 =	vgt.f32 v7, $-1.000000000e+00;
	vm15 =	vlt.f32 v7, $3.830000000e+02  }
0xa6: {  	v36 =	vtrunc.f32 v13;
	vm0 =	vgt.s32 v4, $0x0;
	vm7 =	vgt.s32 v5, $0x0  }
0xa7: {  	vm6 =	vgt.f32 v13, $-1.000000000e+00;
	v4 =	vnsel vm0, $0x0, v4;
	v5 =	vnsel vm7, $0x0, v5  }
0xa8: {  	v31 =	vcvt.f32.s32 v30;
	v4 =	vmin.u32 v4, $0x17E;
	v5 =	vmin.u32 v5, $0x17E  }
0xa9: {  	vm0 =	vmand vm8, vm1;
	v8 =	vcvt.s32.f32 v4;
	v9 =	vcvt.s32.f32 v5  }
0xaa: {  	vm11 =	vgt.s32 v31, $0x0;
	vm8 =	vlt.f32 v13, $3.830000000e+02;
	vm0 =	vmand vm0, vm2  }
0xab: {  	v4 =	vor.u32 v0, v4;
	v10 =	vadd.f32 $1.000000000e+00, v8;
	v11 =	vadd.f32 $1.000000000e+00, v9  }
0xac: {  	vm0 =	vmand vm9, vm0;
	v8 =	vsub.f32 v2, v8;
	v28 =	vsub.f32 v3, v9  }
0xad: {  	v9 =	vmul.f32 $5.000000000e-01, v41;
	v10 =	vsub.f32 v10, v2;
	v2 =	vmul.f32 $3.840000000e+02, v6  }
0xae: {  	v11 =	vsub.f32 v11, v3;
	v3 =	vmul.u32 $0x180, v5;
	v6 =	vmul.f32 v28, v8  }
0xaf: {  	v32 =	vsel vm0, $0x3F800000, v1;
	v9 =	vmul.f32 $3.840000000e+02, v9;
	v29 =	vtrunc.f32 v2  }
0xb0: {  	v3 =	vadd.s32 v3, v4;
	v14 =	vmul.f32 v11, v10;
	v10 =	vmul.f32 v28, v10  }
0xb1: {  	v4 =	vnsel vm11, $0x0, v31;
	v11 =	vmul.f32 v11, v8;
	v6 =	vmul.f32 v6, v32  }
0xb2: {  	vm12 =	vgt.f32 v2, $-1.000000000e+00;
	vm14 =	vlt.f32 v2, $3.830000000e+02;
	v48 =	vtrunc.f32 v9  }
0xb3: {  	v5 =	vcvt.f32.s32 v29;
	v12 =	vadd.s32 $0x180, v3;
	v15 =	vadd.s32 $0x1, v3  }
0xb4: {  	v4 =	vmin.u32 v4, $0x17E;
	v17 =	vadd.s32 $0x181, v3;
	vm0 =	vmand vm12, vm13  }
0xb5: {  	v24 =	vcvt.f32.s32 v48;
	vm12 =	vgt.f32 v9, $-1.000000000e+00;
	v14 =	vmul.f32 v14, v32  }
0xb6: {  	v28 =	vld [tilespmem:$0xC0];
	vm13 =	vlt.f32 v9, $3.830000000e+02;
	v18 =	vcvt.s32.f32 v4;
	v10 =	vmul.f32 v10, v32  }
0xb7: {  	v11 =	vmul.f32 v11, v32;
	vm0 =	vmand vm0, vm14;
	vm10 =	vgt.s32 v5, $0x0  }
0xb8: {  	v4 =	vmul.u32 $0x180, v4;
	vm0 =	vmand vm15, vm0;
	v5 =	vnsel vm10, $0x0, v5  }
0xb9: {  	v30 =	vld [tilespmem:$0xD0];
	v33 =	vadd.f32 $1.000000000e+00, v18;
	v34 =	vsub.f32 v7, v18;
	v18 =	vmul.f32 $5.000000000e-01, v35  }
0xba: {  	v37 =	vsel vm0, $0x3F800000, v1;
	vm10 =	vgt.s32 v24, $0x0;
	[tilespmem:$0x880] =	vst v11;
	v11 =	vmul.f32 $5.000000000e-01, v61  }
0xbb: {  	v5 =	vmin.u32 v5, $0x17E;
	v24 =	vnsel vm10, $0x0, v24;
	v58 =	vadd.f32 $1.000000000e+00, v28  }
0xbc: {  	v16 =	vcvt.s32.f32 v5;
	v8 =	vsub.f32 v33, v7;
	v7 =	vcvt.f32.s32 v36  }
0xbd: {  	v18 =	vmul.f32 $3.840000000e+02, v18;
	v5 =	vor.u32 v0, v5;
	v24 =	vmin.u32 v24, $0x17E  }
0xbe: {  	v11 =	vmul.f32 $3.840000000e+02, v11;
	v36 =	vadd.f32 $1.000000000e+00, v30;
	v4 =	vadd.s32 v4, v5  }
0xbf: {  	v27 =	vcvt.s32.f32 v24;
	v19 =	vadd.f32 $1.000000000e+00, v16;
	vm4 =	vgt.s32 v7, $0x0  }
0xc0: {  	v22 =	vtrunc.f32 v18;
	vm7 =	vgt.f32 v18, $-1.000000000e+00;
	vm9 =	vlt.f32 v18, $3.830000000e+02  }
0xc1: {  	v60 =	vadd.s32 $0x180, v4;
	v62 =	vadd.s32 $0x1, v4;
	[tilespmem:$0x290] =	vst v4;
	v4 =	vadd.s32 $0x181, v4  }
0xc2: {  	v7 =	vnsel vm4, $0x0, v7;
	v22 =	vcvt.f32.s32 v22;
	vm0 =	vmand vm6, vm7  }
0xc3: {  	v51 =	vadd.f32 $1.000000000e+00, v27;
	v56 =	vsub.f32 v9, v27;
	v27 =	vtrunc.f32 v11  }
0xc4: {  	vm7 =	vgt.f32 v11, $-1.000000000e+00;
	v19 =	vsub.f32 v19, v2;
	v2 =	vsub.f32 v2, v16  }
0xc5: {  	v7 =	vmin.u32 v7, $0x17E;
	vm0 =	vmand vm0, vm8;
	v29 =	vcvt.f32.s32 v27  }
0xc6: {  	v23 =	vcvt.s32.f32 v7;
	vm5 =	vgt.s32 v22, $0x0;
	vm0 =	vmand vm9, vm0  }
0xc7: {  	v7 =	vor.u32 v0, v7;
	v54 =	vsub.f32 v51, v9;
	v9 =	vmul.f32 $5.000000000e-01, v58  }
0xc8: {  	vm9 =	vlt.f32 v11, $3.830000000e+02;
	v38 =	vmul.f32 v8, v19;
	v19 =	vmul.f32 v34, v19  }
0xc9: {  	v39 =	vmul.f32 v8, v2;
	v2 =	vmul.f32 v34, v2;
	v42 =	vnsel vm5, $0x0, v22  }
0xca: {  	v32 =	vld [tilespmem:$0x1D0];
	v49 =	vsel vm0, $0x3F800000, v1;
	vm5 =	vgt.s32 v29, $0x0;
	v40 =	vadd.f32 $1.000000000e+00, v23  }
0xcb: {  	v16 =	vmin.u32 v42, $0x17E;
	v9 =	vmul.f32 $3.840000000e+02, v9;
	v20 =	vmul.f32 v38, v37  }
0xcc: {  	v44 =	vsub.f32 v13, v23;
	v19 =	vmul.f32 v19, v37;
	v5 =	vmul.f32 v39, v37  }
0xcd: {  	v2 =	vmul.f32 v2, v37;
	v43 =	vcvt.s32.f32 v16;
	v16 =	vmul.u32 $0x180, v16  }
0xce: {  	[tilespmem:$0x280] =	vst v3;
	v38 =	vmul.f32 $5.000000000e-01, v36;
	v8 =	vsub.f32 v40, v13;
	v13 =	vmul.f32 $3.840000000e+02, v46  }
0xcf: {  	[tilespmem:$0x380] =	vst v12;
	v39 =	vadd.f32 $1.000000000e+00, v32;
	vm6 =	vgt.f32 v9, $-1.000000000e+00;
	v47 =	vadd.f32 $1.000000000e+00, v43  }
0xd0: {  	[tilespmem:$0x480] =	vst v15;
	vm8 =	vlt.f32 v9, $3.830000000e+02;
	v7 =	vadd.s32 v16, v7;
	v25 =	vtrunc.f32 v13  }
0xd1: {  	[tilespmem:$0x580] =	vst v17;
	vm14 =	vgt.f32 v13, $-1.000000000e+00;
	vm15 =	vlt.f32 v13, $3.830000000e+02;
	v23 =	vsub.f32 v47, v18  }
0xd2: {  	[tilespmem:$0x980] =	vst v6;
	v18 =	vsub.f32 v18, v43;
	v25 =	vcvt.f32.s32 v25;
	vm0 =	vmand vm12, vm14  }
0xd3: {  	[tilespmem:$0x680] =	vst v14;
	v33 =	vadd.s32 $0x1, v7;
	vm0 =	vmand vm0, vm13;
	v26 =	vmul.f32 v23, v8  }
0xd4: {  	[tilespmem:$0x780] =	vst v10;
	vm11 =	vgt.s32 v25, $0x0;
	v8 =	vmul.f32 v18, v8;
	v23 =	vmul.f32 v23, v44  }
0xd5: {  	[tilespmem:$0x390] =	vst v60;
	v3 =	vmul.f32 v18, v44;
	vm0 =	vmand vm15, vm0;
	v18 =	vor.u32 v0, v24  }
0xd6: {  	[tilespmem:$0x490] =	vst v62;
	v25 =	vnsel vm11, $0x0, v25;
	v24 =	vsel vm0, $0x3F800000, v1;
	v26 =	vmul.f32 v26, v49  }
0xd7: {  	[tilespmem:$0x590] =	vst v4;
	vm0 =	vmand vm6, vm7;
	v8 =	vmul.f32 v8, v49;
	v53 =	vmul.f32 v23, v49  }
0xd8: {  	[tilespmem:$0x690] =	vst v20;
	v50 =	vmin.u32 v25, $0x17E;
	v3 =	vmul.f32 v3, v49;
	v23 =	vtrunc.f32 v9  }
0xd9: {  	[tilespmem:$0x790] =	vst v19;
	v25 =	vadd.s32 $0x180, v7;
	vm0 =	vmand vm0, vm8;
	v52 =	vcvt.s32.f32 v50  }
0xda: {  	[tilespmem:$0x2A0] =	vst v7;
	v63 =	vmul.u32 $0x180, v50;
	v14 =	vcvt.f32.s32 v23;
	vm0 =	vmand vm9, vm0  }
0xdb: {  	v7 =	vadd.s32 $0x181, v7;
	[tilespmem:$0x7A0] =	vst v8;
	v8 =	vmul.f32 $3.840000000e+02, v38;
	v45 =	vsel vm0, $0x3F800000, v1  }
0xdc: {  	[tilespmem:$0x890] =	vst v5;
	v57 =	vadd.f32 $1.000000000e+00, v52;
	v21 =	vadd.s32 v63, v18;
	vm4 =	vgt.s32 v14, $0x0  }
0xdd: {  	[tilespmem:$0x990] =	vst v2;
	v12 =	vsub.f32 v13, v52;
	v14 =	vnsel vm4, $0x0, v14;
	v40 =	vadd.s32 $0x180, v21  }
0xde: {  	[tilespmem:$0x9A0] =	vst v3;
	v3 =	vadd.s32 $0x1, v21;
	v44 =	vtrunc.f32 v8;
	v6 =	vadd.s32 $0x181, v21  }
0xdf: {  	[tilespmem:$0x4A0] =	vst v33;
	vm12 =	vgt.f32 v8, $-1.000000000e+00;
	v59 =	vsub.f32 v57, v13;
	v16 =	vmul.f32 v12, v54  }
0xe0: {  	[tilespmem:$0x3A0] =	vst v25;
	v28 =	vmul.f32 v12, v56;
	v14 =	vmin.u32 v14, $0x17E;
	v12 =	vnsel vm5, $0x0, v29  }
0xe1: {  	[tilespmem:$0x5A0] =	vst v7;
	vm14 =	vlt.f32 v8, $3.830000000e+02;
	v31 =	vcvt.s32.f32 v14;
	v35 =	vmin.u32 v12, $0x17E  }
0xe2: {  	[tilespmem:$0x6A0] =	vst v26;
	v46 =	vor.u32 v0, v14;
	v22 =	vmul.f32 v59, v54;
	v10 =	vmul.f32 v59, v56  }
0xe3: {  	[tilespmem:$0x8A0] =	vst v53;
	v2 =	vmul.f32 v16, v24;
	v37 =	vcvt.s32.f32 v35;
	v34 =	vadd.f32 $1.000000000e+00, v31  }
0xe4: {  	[tilespmem:$0x2B0] =	vst v21;
	v4 =	vmul.f32 v28, v24;
	v7 =	vmul.u32 $0x180, v35;
	v5 =	vsub.f32 v9, v31  }
0xe5: {  	[tilespmem:$0x3B0] =	vst v40;
	v41 =	vadd.f32 $1.000000000e+00, v37;
	v18 =	vsub.f32 v34, v9;
	v9 =	vmul.f32 $5.000000000e-01, v39  }
0xe6: {  	[tilespmem:$0x4B0] =	vst v3;
	v13 =	vmul.f32 v22, v24;
	v10 =	vmul.f32 v10, v24;
	v43 =	vsub.f32 v11, v37  }
0xe7: {  	[tilespmem:$0x5B0] =	vst v6;
	v7 =	vadd.s32 v7, v46;
	v42 =	vsub.f32 v41, v11;
	v3 =	vmul.f32 $3.840000000e+02, v9  }
0xe8: {  	[tilespmem:$0x7B0] =	vst v2;
	v2 =	vadd.s32 $0x180, v7;
	v9 =	vcvt.f32.s32 v44;
	v50 =	vmul.f32 v43, v18  }
0xe9: {  	[tilespmem:$0x3C0] =	vst v2;
	v2 =	vadd.s32 $0x1, v7;
	v49 =	vmul.f32 v42, v18;
	v47 =	vtrunc.f32 v3  }
0xea: {  	[tilespmem:$0x4C0] =	vst v2;
	v2 =	vadd.s32 $0x181, v7;
	v12 =	vmul.f32 v42, v5;
	v48 =	vcvt.f32.s32 v47  }
0xeb: {  	[tilespmem:$0x8B0] =	vst v10;
	v5 =	vmul.f32 v43, v5;
	vm10 =	vgt.s32 v9, $0x0;
	v10 =	vmul.f32 v50, v45  }
0xec: {  	[tilespmem:$0x9B0] =	vst v4;
	vm13 =	vgt.f32 v3, $-1.000000000e+00;
	v9 =	vnsel vm10, $0x0, v9;
	vm11 =	vgt.s32 v48, $0x0  }
0xed: {  	[tilespmem:$0x2C0] =	vst v7;
	vm15 =	vlt.f32 v3, $3.830000000e+02;
	v9 =	vmin.u32 v9, $0x17E;
	v11 =	vnsel vm11, $0x0, v48  }
0xee: {  	[tilespmem:$0x6B0] =	vst v13;
	v51 =	vmul.f32 v49, v45;
	v52 =	vcvt.s32.f32 v9;
	v11 =	vmin.u32 v11, $0x17E  }
0xef: {  	[tilespmem:$0x5C0] =	vst v2;
	v54 =	vmul.f32 v12, v45;
	vm0 =	vmand vm12, vm13;
	v55 =	vcvt.s32.f32 v11  }
0xf0: {  	v2 =	vmul.f32 v5, v45;
	[tilespmem:$0x7C0] =	vst v10;
	vm0 =	vmand vm0, vm14;
	v53 =	vadd.f32 $1.000000000e+00, v52  }
0xf1: {  	[tilespmem:$0x6C0] =	vst v51;
	v9 =	vor.u32 v0, v9;
	v59 =	vmul.u32 $0x180, v11;
	v58 =	vadd.f32 $1.000000000e+00, v55  }
0xf2: {  	[tilespmem:$0x8C0] =	vst v54;
	vm0 =	vmand vm15, vm0;
	v56 =	vsub.f32 v53, v8;
	v60 =	vsub.f32 v3, v55  }
0xf3: {  	[tilespmem:$0x9C0] =	vst v2;
	v62 =	vsel vm0, $0x3F800000, v1;
	v2 =	vadd.s32 v59, v9;
	v4 =	vsub.f32 v58, v3  }
0xf4: {  	v57 =	vsub.f32 v8, v52;
	[tilespmem:$0x2D0] =	vst v2;
	v3 =	vadd.s32 $0x180, v2;
	v5 =	vmul.f32 v60, v56  }
0xf5: {  	[tilespmem:$0x3D0] =	vst v3;
	v3 =	vadd.s32 $0x1, v2;
	v2 =	vadd.s32 $0x181, v2;
	v61 =	vmul.f32 v4, v56  }
0xf6: {  	v63 =	vmul.f32 v60, v57;
	[tilespmem:$0x5D0] =	vst v2;
	v2 =	vmul.f32 v5, v62  }
0xf7: {  	[tilespmem:$0x4D0] =	vst v3;
	v4 =	vmul.f32 v4, v57;
	v3 =	vmul.f32 v61, v62  }
0xf8: {  	[tilespmem:$0x7D0] =	vst v2;
	v2 =	vmul.f32 v63, v62  }
0xf9: {  	[tilespmem:$0x6D0] =	vst v3;
	v3 =	vmul.f32 v4, v62  }
0xfa: {  	[tilespmem:$0x9D0] =	vst v2  }
0xfb: {  	s0 =	simm.s32 $0x280;
	s1 =	simm.s32 $0x3A00;
	[tilespmem:$0x8D0] =	vst v3  }
0xfc: {  	[tilespmem:s1], [sflag:$0x2] =	stream.indirect.gather [hbm4b:s4+s18], $0x80, s0, s18, $0xb8;
	[tilespmem:$0x1EA00] =	vst v63  }
0xfd: {  	s24 =	simm.s32 $0x380;
	s25 =	simm.s32 $0x9A00;
	s26 =	simm.s32 $0x480  }
0xfe: {  	[tilespmem:s25], [sflag:$0x2] =	stream.indirect.gather [hbm4b:s4+s18], $0x80, s24, s18, $0xb8;
	[tilespmem:$0x1EA00] =	vst v63  }
0xff: {  	s28 =	simm.s32 $0xFA00;
	p1 =	seq.s32 s22, $0x5F;
	s24 =	smul.u32 $0xC0, s22  }
0x100: {  	[tilespmem:s28], [sflag:$0x2] =	stream.indirect.gather [hbm4b:s4+s18], $0x80, s26, s18, $0xb8;
	[tilespmem:$0x1EA00] =	vst v63  }
0x101: {  	s0 =	sadd.s32 @!p1 s24, s13  }
0x102: {  	s29 =	simm.s32 $0x580;
	s31 =	simm.s32 $0x15A00;
	s0 =	sshrl.u32 @!p1 s0, $0x3  }
0x103: {  	[tilespmem:s31], [sflag:$0x2] =	stream.indirect.gather [hbm4b:s4+s18], $0x80, s29, s18, $0xb8;
	[tilespmem:$0x1EA00] =	vst v63  }
0x104: {  	s8 =	simm.s32 @!p1 $0x0;
	s1 =	sadd.s32 @!p1 s6, s0  }
0x105: {  	[tilespmem:s8], [sflag:$0x3] =	stream.linear.gather @!p1 [hbm4b:s1+s8], $0x60, $0x38;
	[tilespmem:$0x1EA00] =	vst v63  }
0x106: {  	s0 =	sadd.s32 @!p1 s2, s0;
	s1 =	simm.s32 @!p1 $0x100  }
0x107: {  	[tilespmem:s1], [sflag:$0x3] =	stream.linear.gather @!p1 [hbm4b:s0+s8], $0x60, $0x38;
	[tilespmem:$0x1EA00] =	vst v63  }
0x108: {  	_ =	swait.ge [sflag:s15], $0x3000  }
0x109: {  	[sflag:s15] =	ssyncset.done $0x0  }
0x10a: {  	[sflag:s15] =	ssyncadd.s32 $0xFFFFD000  }
0x10b: {  	_ =	swait.ge [sflag:s15], $0x3000  }
0x10c: {  	[sflag:s15] =	ssyncset.done $0x0  }
0x10d: {  	[sflag:s15] =	ssyncadd.s32 $0xFFFFD000  }
0x10e: {  	_ =	swait.ge [sflag:s15], $0x3000  }
0x10f: {  	[sflag:s15] =	ssyncset.done $0x0  }
0x110: {  	[sflag:s15] =	ssyncadd.s32 $0xFFFFD000  }
0x111: {  	_ =	swait.ge [sflag:s15], $0x3000  }
0x112: {  	p0 =	seq.s32 s22, $0x0;
	[sflag:s15] =	ssyncset.done $0x0  }
0x113: {  	s9 =	simm.s32 $0x6B00;
	s0 =	simm.s32 @!p0 $0x5;
	[sflag:s15] =	ssyncadd.s32 $0xFFFFD000  }
0x114: {  	s16 =	simm.s32 $0x12B00;
	s25 =	simm.s32 $0x0;
	_ =	swait.ge @!p0 [sflag:s0], $0x3000  }
0x115: {  	s23 =	sadd.s32 s24, s12;
	s8 =	simm.s32 $0xCB00;
	[sflag:s0] =	ssyncset.done @!p0 $0x0  }
0x116: {  	s1 =	simm.s32 $0x18B00;
	[sflag:s0] =	ssyncadd.s32 @!p0 $0xFFFFD000;
	s0 =	simm.s32 $0xB00  }
.LBB2_3:
0x117: {  	s10 =	sshll.u32 s25, $0x4  }
0x118: {  	v2 =	vld [tilespmem:s10+$0x600]  }
0x119: {  	v3 =	vld [tilespmem:s10+$0x700]  }
0x11a: {  	s31 =	smov.u32 s0;
	s14 =	smov.u32 s1;
	s29 =	smov.u32 s16;
	v4 =	vld [tilespmem:s10+$0x800]  }
0x11b: {  	s28 =	smov.u32 s8;
	s26 =	smov.u32 s9;
	v5 =	vld [tilespmem:s10+$0x900];
	s10 =	simm.s32 $0x0  }
.LBB2_4:
0x11c: {  	v6 =	vmov s10;
	v7 =	vld [tilespmem:s31+$0xFFFFFF00]  }
0x11d: {  	v8 =	vld [tilespmem:s26+$0xFFFFFF00];
	v6 =	vand.u32 $0xF, v6  }
0x11e: {  	v6 =	vbroadcast v6, $0x0  }
0x11f: {  	v9 =	vld [tilespmem:s28+$0xFFFFFF00]  }
0x120: {  	v10 =	vperm.xlane v2, v6;
	v11 =	vperm.xlane v3, v6  }
0x121: {  	v13 =	vld [tilespmem:s29+$0xFFFFFF00];
	v12 =	vperm.xlane v4, v6  }
0x122: {  	v7 =	vmul.f32 v7, v10;
	v8 =	vmul.f32 v8, v11;
	_ =	sdelay $0x1  }
0x123: {  	v6 =	vperm.xlane v5, v6;
	v39 =	vmul.f32 v9, v12;
	v7 =	vadd.f32 v8, v7;
	_ =	sdelay $0x1  }
0x124: {  	v40 =	vmul.f32 v13, v6;
	v7 =	vadd.f32 v39, v7;
	_ =	sdelay $0x1  }
0x125: {  	v7 =	vadd.f32 v40, v7;
	_ =	sdelay $0x1  }
0x126: {  	[tilespmem:s14+$0xFFFFFF00] =	vst v7  }
0x127: {  	v7 =	vld [tilespmem:s31+$0xFFFFFF10]  }
0x128: {  	v41 =	vld [tilespmem:s26+$0xFFFFFF10];
	_ =	sdelay $0x1  }
0x129: {  	v42 =	vld [tilespmem:s28+$0xFFFFFF10];
	_ =	sdelay $0x1  }
0x12a: {  	v43 =	vld [tilespmem:s29+$0xFFFFFF10]  }
0x12b: {  	v7 =	vmul.f32 v7, v10;
	v8 =	vmul.f32 v41, v11;
	_ =	sdelay $0x1  }
0x12c: {  	v44 =	vmul.f32 v42, v12;
	v7 =	vadd.f32 v8, v7;
	_ =	sdelay $0x1  }
0x12d: {  	v45 =	vmul.f32 v43, v6;
	v7 =	vadd.f32 v44, v7;
	_ =	sdelay $0x1  }
0x12e: {  	v7 =	vadd.f32 v45, v7;
	_ =	sdelay $0x1  }
0x12f: {  	[tilespmem:s14+$0xFFFFFF10] =	vst v7  }
0x130: {  	v7 =	vld [tilespmem:s31+$0xFFFFFF20]  }
0x131: {  	v46 =	vld [tilespmem:s26+$0xFFFFFF20];
	_ =	sdelay $0x1  }
0x132: {  	v47 =	vld [tilespmem:s28+$0xFFFFFF20];
	_ =	sdelay $0x1  }
0x133: {  	v48 =	vld [tilespmem:s29+$0xFFFFFF20]  }
0x134: {  	v7 =	vmul.f32 v7, v10;
	v8 =	vmul.f32 v46, v11;
	_ =	sdelay $0x1  }
0x135: {  	v49 =	vmul.f32 v47, v12;
	v7 =	vadd.f32 v8, v7;
	_ =	sdelay $0x1  }
0x136: {  	v50 =	vmul.f32 v48, v6;
	v7 =	vadd.f32 v49, v7;
	_ =	sdelay $0x1  }
0x137: {  	v7 =	vadd.f32 v50, v7;
	_ =	sdelay $0x1  }
0x138: {  	[tilespmem:s14+$0xFFFFFF20] =	vst v7  }
0x139: {  	v7 =	vld [tilespmem:s31+$0xFFFFFF30]  }
0x13a: {  	v51 =	vld [tilespmem:s26+$0xFFFFFF30];
	_ =	sdelay $0x1  }
0x13b: {  	v52 =	vld [tilespmem:s28+$0xFFFFFF30];
	_ =	sdelay $0x1  }
0x13c: {  	v53 =	vld [tilespmem:s29+$0xFFFFFF30]  }
0x13d: {  	v7 =	vmul.f32 v7, v10;
	v8 =	vmul.f32 v51, v11;
	_ =	sdelay $0x1  }
0x13e: {  	v54 =	vmul.f32 v52, v12;
	v7 =	vadd.f32 v8, v7;
	_ =	sdelay $0x1  }
0x13f: {  	v55 =	vmul.f32 v53, v6;
	v7 =	vadd.f32 v54, v7;
	_ =	sdelay $0x1  }
0x140: {  	v7 =	vadd.f32 v55, v7;
	_ =	sdelay $0x1  }
0x141: {  	[tilespmem:s14+$0xFFFFFF30] =	vst v7  }
0x142: {  	v7 =	vld [tilespmem:s31+$0xFFFFFF40]  }
0x143: {  	v56 =	vld [tilespmem:s26+$0xFFFFFF40];
	_ =	sdelay $0x1  }
0x144: {  	v57 =	vld [tilespmem:s28+$0xFFFFFF40];
	_ =	sdelay $0x1  }
0x145: {  	v58 =	vld [tilespmem:s29+$0xFFFFFF40]  }
0x146: {  	v7 =	vmul.f32 v7, v10;
	v8 =	vmul.f32 v56, v11;
	_ =	sdelay $0x1  }
0x147: {  	v59 =	vmul.f32 v57, v12;
	v7 =	vadd.f32 v8, v7;
	_ =	sdelay $0x1  }
0x148: {  	v60 =	vmul.f32 v58, v6;
	v7 =	vadd.f32 v59, v7;
	_ =	sdelay $0x1  }
0x149: {  	v7 =	vadd.f32 v60, v7;
	_ =	sdelay $0x1  }
0x14a: {  	[tilespmem:s14+$0xFFFFFF40] =	vst v7  }
0x14b: {  	v7 =	vld [tilespmem:s31+$0xFFFFFF50]  }
0x14c: {  	v61 =	vld [tilespmem:s26+$0xFFFFFF50];
	_ =	sdelay $0x1  }
0x14d: {  	v62 =	vld [tilespmem:s28+$0xFFFFFF50];
	_ =	sdelay $0x1  }
0x14e: {  	v63 =	vld [tilespmem:s29+$0xFFFFFF50]  }
0x14f: {  	v7 =	vmul.f32 v7, v10;
	v8 =	vmul.f32 v61, v11;
	_ =	sdelay $0x1  }
0x150: {  	v15 =	vmul.f32 v62, v12;
	v7 =	vadd.f32 v8, v7;
	_ =	sdelay $0x1  }
0x151: {  	v6 =	vmul.f32 v63, v6;
	v7 =	vadd.f32 v15, v7;
	_ =	sdelay $0x1  }
0x152: {  	v6 =	vadd.f32 v6, v7;
	_ =	sdelay $0x1  }
0x153: {  	s11 =	sadd.s32 $0x1, s10;
	[tilespmem:s14+$0xFFFFFF50] =	vst v6  }
0x154: {  	v6 =	vmov s11;
	v7 =	vld [tilespmem:s31+$0xFFFFFF80]  }
0x155: {  	v6 =	vand.u32 $0xF, v6;
	v16 =	vld [tilespmem:s26+$0xFFFFFF80]  }
0x156: {  	v6 =	vbroadcast v6, $0x0  }
0x157: {  	v17 =	vld [tilespmem:s28+$0xFFFFFF80]  }
0x158: {  	v18 =	vperm.xlane v2, v6;
	v19 =	vperm.xlane v3, v6  }
0x159: {  	v21 =	vld [tilespmem:s29+$0xFFFFFF80];
	v20 =	vperm.xlane v4, v6  }
0x15a: {  	v7 =	vmul.f32 v7, v18;
	v8 =	vmul.f32 v16, v19;
	_ =	sdelay $0x1  }
0x15b: {  	v6 =	vperm.xlane v5, v6;
	v22 =	vmul.f32 v17, v20;
	v7 =	vadd.f32 v8, v7;
	_ =	sdelay $0x1  }
0x15c: {  	v23 =	vmul.f32 v21, v6;
	v7 =	vadd.f32 v22, v7;
	_ =	sdelay $0x1  }
0x15d: {  	v7 =	vadd.f32 v23, v7;
	_ =	sdelay $0x1  }
0x15e: {  	[tilespmem:s14+$0xFFFFFF80] =	vst v7  }
0x15f: {  	v7 =	vld [tilespmem:s31+$0xFFFFFF90]  }
0x160: {  	v24 =	vld [tilespmem:s26+$0xFFFFFF90];
	_ =	sdelay $0x1  }
0x161: {  	v25 =	vld [tilespmem:s28+$0xFFFFFF90];
	_ =	sdelay $0x1  }
0x162: {  	v26 =	vld [tilespmem:s29+$0xFFFFFF90]  }
0x163: {  	v7 =	vmul.f32 v7, v18;
	v8 =	vmul.f32 v24, v19;
	_ =	sdelay $0x1  }
0x164: {  	v27 =	vmul.f32 v25, v20;
	v7 =	vadd.f32 v8, v7;
	_ =	sdelay $0x1  }
0x165: {  	v28 =	vmul.f32 v26, v6;
	v7 =	vadd.f32 v27, v7;
	_ =	sdelay $0x1  }
0x166: {  	v7 =	vadd.f32 v28, v7;
	_ =	sdelay $0x1  }
0x167: {  	[tilespmem:s14+$0xFFFFFF90] =	vst v7  }
0x168: {  	v7 =	vld [tilespmem:s31+$0xFFFFFFA0]  }
0x169: {  	v29 =	vld [tilespmem:s26+$0xFFFFFFA0];
	_ =	sdelay $0x1  }
0x16a: {  	v30 =	vld [tilespmem:s28+$0xFFFFFFA0];
	_ =	sdelay $0x1  }
0x16b: {  	v31 =	vld [tilespmem:s29+$0xFFFFFFA0]  }
0x16c: {  	v7 =	vmul.f32 v7, v18;
	v8 =	vmul.f32 v29, v19;
	_ =	sdelay $0x1  }
0x16d: {  	v32 =	vmul.f32 v30, v20;
	v7 =	vadd.f32 v8, v7;
	_ =	sdelay $0x1  }
0x16e: {  	v33 =	vmul.f32 v31, v6;
	v7 =	vadd.f32 v32, v7;
	_ =	sdelay $0x1  }
0x16f: {  	v7 =	vadd.f32 v33, v7;
	_ =	sdelay $0x1  }
0x170: {  	[tilespmem:s14+$0xFFFFFFA0] =	vst v7  }
0x171: {  	v7 =	vld [tilespmem:s31+$0xFFFFFFB0]  }
0x172: {  	v34 =	vld [tilespmem:s26+$0xFFFFFFB0];
	_ =	sdelay $0x1  }
0x173: {  	v35 =	vld [tilespmem:s28+$0xFFFFFFB0];
	_ =	sdelay $0x1  }
0x174: {  	v36 =	vld [tilespmem:s29+$0xFFFFFFB0]  }
0x175: {  	v7 =	vmul.f32 v7, v18;
	v8 =	vmul.f32 v34, v19;
	_ =	sdelay $0x1  }
0x176: {  	v37 =	vmul.f32 v35, v20;
	v7 =	vadd.f32 v8, v7;
	_ =	sdelay $0x1  }
0x177: {  	v38 =	vmul.f32 v36, v6;
	v7 =	vadd.f32 v37, v7;
	_ =	sdelay $0x1  }
0x178: {  	v7 =	vadd.f32 v38, v7;
	_ =	sdelay $0x1  }
0x179: {  	[tilespmem:s14+$0xFFFFFFB0] =	vst v7  }
0x17a: {  	v7 =	vld [tilespmem:s31+$0xFFFFFFC0]  }
0x17b: {  	v39 =	vld [tilespmem:s26+$0xFFFFFFC0];
	_ =	sdelay $0x1  }
0x17c: {  	v40 =	vld [tilespmem:s28+$0xFFFFFFC0];
	_ =	sdelay $0x1  }
0x17d: {  	v41 =	vld [tilespmem:s29+$0xFFFFFFC0]  }
0x17e: {  	v7 =	vmul.f32 v7, v18;
	v8 =	vmul.f32 v39, v19;
	_ =	sdelay $0x1  }
0x17f: {  	v42 =	vmul.f32 v40, v20;
	v7 =	vadd.f32 v8, v7;
	_ =	sdelay $0x1  }
0x180: {  	v43 =	vmul.f32 v41, v6;
	v7 =	vadd.f32 v42, v7;
	_ =	sdelay $0x1  }
0x181: {  	v7 =	vadd.f32 v43, v7;
	_ =	sdelay $0x1  }
0x182: {  	[tilespmem:s14+$0xFFFFFFC0] =	vst v7  }
0x183: {  	v7 =	vld [tilespmem:s31+$0xFFFFFFD0]  }
0x184: {  	v44 =	vld [tilespmem:s26+$0xFFFFFFD0];
	_ =	sdelay $0x1  }
0x185: {  	v45 =	vld [tilespmem:s28+$0xFFFFFFD0];
	_ =	sdelay $0x1  }
0x186: {  	v46 =	vld [tilespmem:s29+$0xFFFFFFD0]  }
0x187: {  	v7 =	vmul.f32 v7, v18;
	v8 =	vmul.f32 v44, v19;
	_ =	sdelay $0x1  }
0x188: {  	v47 =	vmul.f32 v45, v20;
	v7 =	vadd.f32 v8, v7;
	_ =	sdelay $0x1  }
0x189: {  	v6 =	vmul.f32 v46, v6;
	v7 =	vadd.f32 v47, v7;
	_ =	sdelay $0x1  }
0x18a: {  	v6 =	vadd.f32 v6, v7;
	_ =	sdelay $0x1  }
0x18b: {  	s11 =	sadd.s32 $0x2, s10;
	[tilespmem:s14+$0xFFFFFFD0] =	vst v6  }
0x18c: {  	v6 =	vmov s11;
	v7 =	vld [tilespmem:s31+$0x0]  }
0x18d: {  	v6 =	vand.u32 $0xF, v6;
	v48 =	vld [tilespmem:s26+$0x0]  }
0x18e: {  	v6 =	vbroadcast v6, $0x0  }
0x18f: {  	v49 =	vld [tilespmem:s28+$0x0]  }
0x190: {  	v50 =	vperm.xlane v2, v6;
	v51 =	vperm.xlane v3, v6  }
0x191: {  	v53 =	vld [tilespmem:s29+$0x0];
	v52 =	vperm.xlane v4, v6  }
0x192: {  	v7 =	vmul.f32 v7, v50;
	v8 =	vmul.f32 v48, v51;
	_ =	sdelay $0x1  }
0x193: {  	v6 =	vperm.xlane v5, v6;
	v54 =	vmul.f32 v49, v52;
	v7 =	vadd.f32 v8, v7;
	_ =	sdelay $0x1  }
0x194: {  	v55 =	vmul.f32 v53, v6;
	v7 =	vadd.f32 v54, v7;
	_ =	sdelay $0x1  }
0x195: {  	v7 =	vadd.f32 v55, v7;
	_ =	sdelay $0x1  }
0x196: {  	[tilespmem:s14+$0x0] =	vst v7  }
0x197: {  	v7 =	vld [tilespmem:s31+$0x10]  }
0x198: {  	v56 =	vld [tilespmem:s26+$0x10];
	_ =	sdelay $0x1  }
0x199: {  	v57 =	vld [tilespmem:s28+$0x10];
	_ =	sdelay $0x1  }
0x19a: {  	v58 =	vld [tilespmem:s29+$0x10]  }
0x19b: {  	v7 =	vmul.f32 v7, v50;
	v8 =	vmul.f32 v56, v51;
	_ =	sdelay $0x1  }
0x19c: {  	v59 =	vmul.f32 v57, v52;
	v7 =	vadd.f32 v8, v7;
	_ =	sdelay $0x1  }
0x19d: {  	v60 =	vmul.f32 v58, v6;
	v7 =	vadd.f32 v59, v7;
	_ =	sdelay $0x1  }
0x19e: {  	v7 =	vadd.f32 v60, v7;
	_ =	sdelay $0x1  }
0x19f: {  	[tilespmem:s14+$0x10] =	vst v7  }
0x1a0: {  	v7 =	vld [tilespmem:s31+$0x20]  }
0x1a1: {  	v61 =	vld [tilespmem:s26+$0x20];
	_ =	sdelay $0x1  }
0x1a2: {  	v62 =	vld [tilespmem:s28+$0x20];
	_ =	sdelay $0x1  }
0x1a3: {  	v63 =	vld [tilespmem:s29+$0x20]  }
0x1a4: {  	v7 =	vmul.f32 v7, v50;
	v8 =	vmul.f32 v61, v51;
	_ =	sdelay $0x1  }
0x1a5: {  	v16 =	vmul.f32 v62, v52;
	v7 =	vadd.f32 v8, v7;
	_ =	sdelay $0x1  }
0x1a6: {  	v17 =	vmul.f32 v63, v6;
	v7 =	vadd.f32 v16, v7;
	_ =	sdelay $0x1  }
0x1a7: {  	v7 =	vadd.f32 v17, v7;
	_ =	sdelay $0x1  }
0x1a8: {  	[tilespmem:s14+$0x20] =	vst v7  }
0x1a9: {  	v7 =	vld [tilespmem:s31+$0x30]  }
0x1aa: {  	v18 =	vld [tilespmem:s26+$0x30];
	_ =	sdelay $0x1  }
0x1ab: {  	v19 =	vld [tilespmem:s28+$0x30];
	_ =	sdelay $0x1  }
0x1ac: {  	v20 =	vld [tilespmem:s29+$0x30]  }
0x1ad: {  	v7 =	vmul.f32 v7, v50;
	v8 =	vmul.f32 v18, v51;
	_ =	sdelay $0x1  }
0x1ae: {  	v21 =	vmul.f32 v19, v52;
	v7 =	vadd.f32 v8, v7;
	_ =	sdelay $0x1  }
0x1af: {  	v22 =	vmul.f32 v20, v6;
	v7 =	vadd.f32 v21, v7;
	_ =	sdelay $0x1  }
0x1b0: {  	v7 =	vadd.f32 v22, v7;
	_ =	sdelay $0x1  }
0x1b1: {  	[tilespmem:s14+$0x30] =	vst v7  }
0x1b2: {  	v7 =	vld [tilespmem:s31+$0x40]  }
0x1b3: {  	v23 =	vld [tilespmem:s26+$0x40];
	_ =	sdelay $0x1  }
0x1b4: {  	v24 =	vld [tilespmem:s28+$0x40];
	_ =	sdelay $0x1  }
0x1b5: {  	v25 =	vld [tilespmem:s29+$0x40]  }
0x1b6: {  	v7 =	vmul.f32 v7, v50;
	v8 =	vmul.f32 v23, v51;
	_ =	sdelay $0x1  }
0x1b7: {  	v26 =	vmul.f32 v24, v52;
	v7 =	vadd.f32 v8, v7;
	_ =	sdelay $0x1  }
0x1b8: {  	v27 =	vmul.f32 v25, v6;
	v7 =	vadd.f32 v26, v7;
	_ =	sdelay $0x1  }
0x1b9: {  	v7 =	vadd.f32 v27, v7;
	_ =	sdelay $0x1  }
0x1ba: {  	[tilespmem:s14+$0x40] =	vst v7  }
0x1bb: {  	v7 =	vld [tilespmem:s31+$0x50]  }
0x1bc: {  	v28 =	vld [tilespmem:s26+$0x50];
	_ =	sdelay $0x1  }
0x1bd: {  	v29 =	vld [tilespmem:s28+$0x50];
	_ =	sdelay $0x1  }
0x1be: {  	v30 =	vld [tilespmem:s29+$0x50]  }
0x1bf: {  	v7 =	vmul.f32 v7, v50;
	v8 =	vmul.f32 v28, v51;
	_ =	sdelay $0x1  }
0x1c0: {  	v31 =	vmul.f32 v29, v52;
	v7 =	vadd.f32 v8, v7;
	_ =	sdelay $0x1  }
0x1c1: {  	v6 =	vmul.f32 v30, v6;
	v7 =	vadd.f32 v31, v7;
	_ =	sdelay $0x1  }
0x1c2: {  	v6 =	vadd.f32 v6, v7;
	_ =	sdelay $0x1  }
0x1c3: {  	s11 =	sadd.s32 $0x3, s10;
	[tilespmem:s14+$0x50] =	vst v6  }
0x1c4: {  	v6 =	vmov s11;
	v7 =	vld [tilespmem:s31+$0x80]  }
0x1c5: {  	v6 =	vand.u32 $0xF, v6;
	v32 =	vld [tilespmem:s26+$0x80]  }
0x1c6: {  	v6 =	vbroadcast v6, $0x0  }
0x1c7: {  	v33 =	vld [tilespmem:s28+$0x80]  }
0x1c8: {  	v34 =	vperm.xlane v2, v6;
	v35 =	vperm.xlane v3, v6  }
0x1c9: {  	v37 =	vld [tilespmem:s29+$0x80];
	v36 =	vperm.xlane v4, v6  }
0x1ca: {  	v7 =	vmul.f32 v7, v34;
	v8 =	vmul.f32 v32, v35;
	_ =	sdelay $0x1  }
0x1cb: {  	v6 =	vperm.xlane v5, v6;
	v38 =	vmul.f32 v33, v36;
	v7 =	vadd.f32 v8, v7;
	_ =	sdelay $0x1  }
0x1cc: {  	v39 =	vmul.f32 v37, v6;
	v7 =	vadd.f32 v38, v7;
	_ =	sdelay $0x1  }
0x1cd: {  	v7 =	vadd.f32 v39, v7;
	_ =	sdelay $0x1  }
0x1ce: {  	[tilespmem:s14+$0x80] =	vst v7  }
0x1cf: {  	v7 =	vld [tilespmem:s31+$0x90]  }
0x1d0: {  	v40 =	vld [tilespmem:s26+$0x90];
	_ =	sdelay $0x1  }
0x1d1: {  	v41 =	vld [tilespmem:s28+$0x90];
	_ =	sdelay $0x1  }
0x1d2: {  	v42 =	vld [tilespmem:s29+$0x90]  }
0x1d3: {  	v7 =	vmul.f32 v7, v34;
	v8 =	vmul.f32 v40, v35;
	_ =	sdelay $0x1  }
0x1d4: {  	v43 =	vmul.f32 v41, v36;
	v7 =	vadd.f32 v8, v7;
	_ =	sdelay $0x1  }
0x1d5: {  	v44 =	vmul.f32 v42, v6;
	v7 =	vadd.f32 v43, v7;
	_ =	sdelay $0x1  }
0x1d6: {  	v7 =	vadd.f32 v44, v7;
	_ =	sdelay $0x1  }
0x1d7: {  	[tilespmem:s14+$0x90] =	vst v7  }
0x1d8: {  	v7 =	vld [tilespmem:s31+$0xA0]  }
0x1d9: {  	v45 =	vld [tilespmem:s26+$0xA0];
	_ =	sdelay $0x1  }
0x1da: {  	v46 =	vld [tilespmem:s28+$0xA0];
	_ =	sdelay $0x1  }
0x1db: {  	v47 =	vld [tilespmem:s29+$0xA0]  }
0x1dc: {  	v7 =	vmul.f32 v7, v34;
	v8 =	vmul.f32 v45, v35;
	_ =	sdelay $0x1  }
0x1dd: {  	v48 =	vmul.f32 v46, v36;
	v7 =	vadd.f32 v8, v7;
	_ =	sdelay $0x1  }
0x1de: {  	v49 =	vmul.f32 v47, v6;
	v7 =	vadd.f32 v48, v7;
	_ =	sdelay $0x1  }
0x1df: {  	v7 =	vadd.f32 v49, v7;
	_ =	sdelay $0x1  }
0x1e0: {  	[tilespmem:s14+$0xA0] =	vst v7  }
0x1e1: {  	v7 =	vld [tilespmem:s31+$0xB0]  }
0x1e2: {  	v50 =	vld [tilespmem:s26+$0xB0];
	_ =	sdelay $0x1  }
0x1e3: {  	v51 =	vld [tilespmem:s28+$0xB0];
	_ =	sdelay $0x1  }
0x1e4: {  	v52 =	vld [tilespmem:s29+$0xB0]  }
0x1e5: {  	v7 =	vmul.f32 v7, v34;
	v8 =	vmul.f32 v50, v35;
	_ =	sdelay $0x1  }
0x1e6: {  	v53 =	vmul.f32 v51, v36;
	v7 =	vadd.f32 v8, v7;
	_ =	sdelay $0x1  }
0x1e7: {  	v54 =	vmul.f32 v52, v6;
	v7 =	vadd.f32 v53, v7;
	_ =	sdelay $0x1  }
0x1e8: {  	v7 =	vadd.f32 v54, v7;
	_ =	sdelay $0x1  }
0x1e9: {  	[tilespmem:s14+$0xB0] =	vst v7  }
0x1ea: {  	v7 =	vld [tilespmem:s31+$0xC0]  }
0x1eb: {  	v55 =	vld [tilespmem:s26+$0xC0];
	_ =	sdelay $0x1  }
0x1ec: {  	v56 =	vld [tilespmem:s28+$0xC0];
	_ =	sdelay $0x1  }
0x1ed: {  	v57 =	vld [tilespmem:s29+$0xC0]  }
0x1ee: {  	v7 =	vmul.f32 v7, v34;
	v8 =	vmul.f32 v55, v35;
	_ =	sdelay $0x1  }
0x1ef: {  	v58 =	vmul.f32 v56, v36;
	v7 =	vadd.f32 v8, v7;
	_ =	sdelay $0x1  }
0x1f0: {  	v59 =	vmul.f32 v57, v6;
	v7 =	vadd.f32 v58, v7;
	_ =	sdelay $0x1  }
0x1f1: {  	v7 =	vadd.f32 v59, v7;
	_ =	sdelay $0x1  }
0x1f2: {  	[tilespmem:s14+$0xC0] =	vst v7  }
0x1f3: {  	v7 =	vld [tilespmem:s31+$0xD0]  }
0x1f4: {  	v60 =	vld [tilespmem:s26+$0xD0];
	_ =	sdelay $0x1  }
0x1f5: {  	v61 =	vld [tilespmem:s28+$0xD0];
	_ =	sdelay $0x1  }
0x1f6: {  	v62 =	vld [tilespmem:s29+$0xD0]  }
0x1f7: {  	v7 =	vmul.f32 v7, v34;
	v8 =	vmul.f32 v60, v35;
	_ =	sdelay $0x1  }
0x1f8: {  	v63 =	vmul.f32 v61, v36;
	v7 =	vadd.f32 v8, v7  }
0x1f9: {  	p2 =	slt.u32 s10, $0xC  }
.Ltmp0:
0x1fa: {  	v6 =	vmul.f32 v62, v6;
	v7 =	vadd.f32 v63, v7;
	(pc) =	sbr.rel @p2 .LBB2_4-.Ltmp0, $4  }
0x1fb: {  	_ = 	snop  }
0x1fc: {  	v6 =	vadd.f32 v6, v7  }
0x1fd: {  	s10 =	sadd.s32 $0x4, s10;
	s26 =	sadd.s32 $0x200, s26;
	s28 =	sadd.s32 $0x200, s28  }
0x1fe: {  	s29 =	sadd.s32 $0x200, s29;
	s31 =	sadd.s32 $0x200, s31;
	[tilespmem:s14+$0xD0] =	vst v6;
	s14 =	sadd.s32 $0x200, s14  }
0x1ff: {  	s25 =	sadd.s32 $0x1, s25  }
0x200: {  	p2 =	sne.s32 s25, $0x6  }
.Ltmp1:
0x201: {  	_ = 	snop;
	(pc) =	sbr.rel @p2 .LBB2_3-.Ltmp1, $3  }
0x202: {  	_ =	sdelay $0x1  }
0x203: {  	s9 =	sadd.s32 $0x800, s9;
	s8 =	sadd.s32 $0x800, s8  }
0x204: {  	s16 =	sadd.s32 $0x800, s16;
	s1 =	sadd.s32 $0x800, s1;
	s0 =	sadd.s32 $0x800, s0  }
.Ltmp2:
0x205: {  	(pc) =	sbr.rel @p1 .LBB2_8-.Ltmp2, $4  }
0x206: {  	s0 =	sadd.s32 s5, s24  }
0x207: {  	s0 =	sshll.u32 s0, $0x4  }
0x208: {  	s0 =	sadd.s32 s7, s0  }
0x209: {  	[hbm4b:s0+s3] =	stream.linear.scatter [tilespmem:s19], [sflag:$0x5], $0x3000, $0x38;
	[tilespmem:$0x1EA00] =	vst v63  }
0x20a: {  	_ =	swait.ge [sflag:s17], $0x60  }
0x20b: {  	[sflag:s17] =	ssyncset.done $0x0  }
0x20c: {  	[sflag:s17] =	ssyncadd.s32 $0xFFFFFFA0  }
0x20d: {  	_ =	swait.ge [sflag:s17], $0x60  }
0x20e: {  	[sflag:s17] =	ssyncset.done $0x0  }
0x20f: {  	[sflag:s17] =	ssyncadd.s32 $0xFFFFFFA0  }
0x210: {  	v2 =	vld [tilespmem:$0x0]  }
0x211: {  	v3 =	vld [tilespmem:$0x100]  }
0x212: {  	v6 =	vld [tilespmem:$0x10]  }
0x213: {  	v7 =	vld [tilespmem:$0x110]  }
0x214: {  	v13 =	vld [tilespmem:$0x20]  }
0x215: {  	v24 =	vld [tilespmem:$0x130];
	_ =	sdelay $0x1  }
0x216: {  	v2 =	vadd.f32 $1.000000000e+00, v2  }
0x217: {  	v20 =	vld [tilespmem:$0x120];
	v3 =	vadd.f32 $1.000000000e+00, v3;
	v6 =	vadd.f32 $1.000000000e+00, v6  }
0x218: {  	v21 =	vld [tilespmem:$0x30];
	v7 =	vadd.f32 $1.000000000e+00, v7;
	v13 =	vadd.f32 $1.000000000e+00, v13  }
0x219: {  	v55 =	vld [tilespmem:$0x140];
	v45 =	vadd.f32 $1.000000000e+00, v24;
	v2 =	vmul.f32 $5.000000000e-01, v2;
	v3 =	vmul.f32 $5.000000000e-01, v3  }
0x21a: {  	v6 =	vmul.f32 $5.000000000e-01, v6;
	v7 =	vmul.f32 $5.000000000e-01, v7  }
0x21b: {  	v13 =	vmul.f32 $5.000000000e-01, v13;
	v46 =	vmul.f32 $5.000000000e-01, v45  }
0x21c: {  	v35 =	vadd.f32 $1.000000000e+00, v20;
	v2 =	vmul.f32 $3.840000000e+02, v2;
	v3 =	vmul.f32 $3.840000000e+02, v3  }
0x21d: {  	v41 =	vadd.f32 $1.000000000e+00, v21;
	v7 =	vmul.f32 $3.840000000e+02, v7;
	v13 =	vmul.f32 $3.840000000e+02, v13  }
0x21e: {  	v61 =	vadd.f32 $1.000000000e+00, v55;
	v4 =	vtrunc.f32 v2;
	v5 =	vtrunc.f32 v3  }
0x21f: {  	vm8 =	vgt.f32 v2, $-1.000000000e+00;
	vm1 =	vgt.f32 v3, $-1.000000000e+00;
	vm2 =	vlt.f32 v2, $3.830000000e+02  }
0x220: {  	vm9 =	vlt.f32 v3, $3.830000000e+02;
	v4 =	vcvt.f32.s32 v4;
	v5 =	vcvt.f32.s32 v5  }
0x221: {  	v30 =	vtrunc.f32 v7;
	vm13 =	vgt.f32 v7, $-1.000000000e+00;
	vm15 =	vlt.f32 v7, $3.830000000e+02  }
0x222: {  	v36 =	vtrunc.f32 v13;
	vm0 =	vgt.s32 v4, $0x0;
	vm7 =	vgt.s32 v5, $0x0  }
0x223: {  	vm6 =	vgt.f32 v13, $-1.000000000e+00;
	v4 =	vnsel vm0, $0x0, v4;
	v5 =	vnsel vm7, $0x0, v5  }
0x224: {  	v31 =	vcvt.f32.s32 v30;
	v4 =	vmin.u32 v4, $0x17E;
	v5 =	vmin.u32 v5, $0x17E  }
0x225: {  	vm0 =	vmand vm8, vm1;
	v8 =	vcvt.s32.f32 v4;
	v9 =	vcvt.s32.f32 v5  }
0x226: {  	vm11 =	vgt.s32 v31, $0x0;
	vm8 =	vlt.f32 v13, $3.830000000e+02;
	vm0 =	vmand vm0, vm2  }
0x227: {  	v4 =	vor.u32 v0, v4;
	v10 =	vadd.f32 $1.000000000e+00, v8;
	v11 =	vadd.f32 $1.000000000e+00, v9  }
0x228: {  	vm0 =	vmand vm9, vm0;
	v8 =	vsub.f32 v2, v8;
	v28 =	vsub.f32 v3, v9  }
0x229: {  	v9 =	vmul.f32 $5.000000000e-01, v41;
	v10 =	vsub.f32 v10, v2;
	v2 =	vmul.f32 $3.840000000e+02, v6  }
0x22a: {  	v11 =	vsub.f32 v11, v3;
	v3 =	vmul.u32 $0x180, v5;
	v6 =	vmul.f32 v28, v8  }
0x22b: {  	v32 =	vsel vm0, $0x3F800000, v1;
	v9 =	vmul.f32 $3.840000000e+02, v9;
	v29 =	vtrunc.f32 v2  }
0x22c: {  	v3 =	vadd.s32 v3, v4;
	v14 =	vmul.f32 v11, v10;
	v10 =	vmul.f32 v28, v10  }
0x22d: {  	v4 =	vnsel vm11, $0x0, v31;
	v11 =	vmul.f32 v11, v8;
	v6 =	vmul.f32 v6, v32  }
0x22e: {  	vm12 =	vgt.f32 v2, $-1.000000000e+00;
	vm14 =	vlt.f32 v2, $3.830000000e+02;
	v48 =	vtrunc.f32 v9  }
0x22f: {  	v5 =	vcvt.f32.s32 v29;
	v12 =	vadd.s32 $0x180, v3;
	v15 =	vadd.s32 $0x1, v3  }
0x230: {  	v4 =	vmin.u32 v4, $0x17E;
	v17 =	vadd.s32 $0x181, v3;
	vm0 =	vmand vm12, vm13  }
0x231: {  	v24 =	vcvt.f32.s32 v48;
	vm12 =	vgt.f32 v9, $-1.000000000e+00;
	v14 =	vmul.f32 v14, v32  }
0x232: {  	v28 =	vld [tilespmem:$0x40];
	vm13 =	vlt.f32 v9, $3.830000000e+02;
	v18 =	vcvt.s32.f32 v4;
	v10 =	vmul.f32 v10, v32  }
0x233: {  	v11 =	vmul.f32 v11, v32;
	vm0 =	vmand vm0, vm14;
	vm10 =	vgt.s32 v5, $0x0  }
0x234: {  	v4 =	vmul.u32 $0x180, v4;
	vm0 =	vmand vm15, vm0;
	v5 =	vnsel vm10, $0x0, v5  }
0x235: {  	v30 =	vld [tilespmem:$0x50];
	v33 =	vadd.f32 $1.000000000e+00, v18;
	v34 =	vsub.f32 v7, v18;
	v18 =	vmul.f32 $5.000000000e-01, v35  }
0x236: {  	v37 =	vsel vm0, $0x3F800000, v1;
	vm10 =	vgt.s32 v24, $0x0;
	[tilespmem:$0x800] =	vst v11;
	v11 =	vmul.f32 $5.000000000e-01, v61  }
0x237: {  	v5 =	vmin.u32 v5, $0x17E;
	v24 =	vnsel vm10, $0x0, v24;
	v58 =	vadd.f32 $1.000000000e+00, v28  }
0x238: {  	v16 =	vcvt.s32.f32 v5;
	v8 =	vsub.f32 v33, v7;
	v7 =	vcvt.f32.s32 v36  }
0x239: {  	v18 =	vmul.f32 $3.840000000e+02, v18;
	v5 =	vor.u32 v0, v5;
	v24 =	vmin.u32 v24, $0x17E  }
0x23a: {  	v11 =	vmul.f32 $3.840000000e+02, v11;
	v36 =	vadd.f32 $1.000000000e+00, v30;
	v4 =	vadd.s32 v4, v5  }
0x23b: {  	v27 =	vcvt.s32.f32 v24;
	v19 =	vadd.f32 $1.000000000e+00, v16;
	vm4 =	vgt.s32 v7, $0x0  }
0x23c: {  	v22 =	vtrunc.f32 v18;
	vm7 =	vgt.f32 v18, $-1.000000000e+00;
	vm9 =	vlt.f32 v18, $3.830000000e+02  }
0x23d: {  	v60 =	vadd.s32 $0x180, v4;
	v62 =	vadd.s32 $0x1, v4;
	[tilespmem:$0x210] =	vst v4;
	v4 =	vadd.s32 $0x181, v4  }
0x23e: {  	v7 =	vnsel vm4, $0x0, v7;
	v22 =	vcvt.f32.s32 v22;
	vm0 =	vmand vm6, vm7  }
0x23f: {  	v51 =	vadd.f32 $1.000000000e+00, v27;
	v56 =	vsub.f32 v9, v27;
	v27 =	vtrunc.f32 v11  }
0x240: {  	vm7 =	vgt.f32 v11, $-1.000000000e+00;
	v19 =	vsub.f32 v19, v2;
	v2 =	vsub.f32 v2, v16  }
0x241: {  	v7 =	vmin.u32 v7, $0x17E;
	vm0 =	vmand vm0, vm8;
	v29 =	vcvt.f32.s32 v27  }
0x242: {  	v23 =	vcvt.s32.f32 v7;
	vm5 =	vgt.s32 v22, $0x0;
	vm0 =	vmand vm9, vm0  }
0x243: {  	v7 =	vor.u32 v0, v7;
	v54 =	vsub.f32 v51, v9;
	v9 =	vmul.f32 $5.000000000e-01, v58  }
0x244: {  	vm9 =	vlt.f32 v11, $3.830000000e+02;
	v38 =	vmul.f32 v8, v19;
	v19 =	vmul.f32 v34, v19  }
0x245: {  	v39 =	vmul.f32 v8, v2;
	v2 =	vmul.f32 v34, v2;
	v42 =	vnsel vm5, $0x0, v22  }
0x246: {  	v32 =	vld [tilespmem:$0x150];
	v49 =	vsel vm0, $0x3F800000, v1;
	vm5 =	vgt.s32 v29, $0x0;
	v40 =	vadd.f32 $1.000000000e+00, v23  }
0x247: {  	v16 =	vmin.u32 v42, $0x17E;
	v9 =	vmul.f32 $3.840000000e+02, v9;
	v20 =	vmul.f32 v38, v37  }
0x248: {  	v44 =	vsub.f32 v13, v23;
	v19 =	vmul.f32 v19, v37;
	v5 =	vmul.f32 v39, v37  }
0x249: {  	v2 =	vmul.f32 v2, v37;
	v43 =	vcvt.s32.f32 v16;
	v16 =	vmul.u32 $0x180, v16  }
0x24a: {  	[tilespmem:$0x200] =	vst v3;
	v38 =	vmul.f32 $5.000000000e-01, v36;
	v8 =	vsub.f32 v40, v13;
	v13 =	vmul.f32 $3.840000000e+02, v46  }
0x24b: {  	[tilespmem:$0x300] =	vst v12;
	v39 =	vadd.f32 $1.000000000e+00, v32;
	vm6 =	vgt.f32 v9, $-1.000000000e+00;
	v47 =	vadd.f32 $1.000000000e+00, v43  }
0x24c: {  	[tilespmem:$0x400] =	vst v15;
	vm8 =	vlt.f32 v9, $3.830000000e+02;
	v7 =	vadd.s32 v16, v7;
	v25 =	vtrunc.f32 v13  }
0x24d: {  	[tilespmem:$0x500] =	vst v17;
	vm14 =	vgt.f32 v13, $-1.000000000e+00;
	vm15 =	vlt.f32 v13, $3.830000000e+02;
	v23 =	vsub.f32 v47, v18  }
0x24e: {  	[tilespmem:$0x900] =	vst v6;
	v18 =	vsub.f32 v18, v43;
	v25 =	vcvt.f32.s32 v25;
	vm0 =	vmand vm12, vm14  }
0x24f: {  	[tilespmem:$0x600] =	vst v14;
	v33 =	vadd.s32 $0x1, v7;
	vm0 =	vmand vm0, vm13;
	v26 =	vmul.f32 v23, v8  }
0x250: {  	[tilespmem:$0x700] =	vst v10;
	vm11 =	vgt.s32 v25, $0x0;
	v8 =	vmul.f32 v18, v8;
	v23 =	vmul.f32 v23, v44  }
0x251: {  	[tilespmem:$0x310] =	vst v60;
	v3 =	vmul.f32 v18, v44;
	vm0 =	vmand vm15, vm0;
	v18 =	vor.u32 v0, v24  }
0x252: {  	[tilespmem:$0x410] =	vst v62;
	v25 =	vnsel vm11, $0x0, v25;
	v24 =	vsel vm0, $0x3F800000, v1;
	v26 =	vmul.f32 v26, v49  }
0x253: {  	[tilespmem:$0x510] =	vst v4;
	vm0 =	vmand vm6, vm7;
	v8 =	vmul.f32 v8, v49;
	v53 =	vmul.f32 v23, v49  }
0x254: {  	[tilespmem:$0x610] =	vst v20;
	v50 =	vmin.u32 v25, $0x17E;
	v3 =	vmul.f32 v3, v49;
	v23 =	vtrunc.f32 v9  }
0x255: {  	[tilespmem:$0x710] =	vst v19;
	v25 =	vadd.s32 $0x180, v7;
	vm0 =	vmand vm0, vm8;
	v52 =	vcvt.s32.f32 v50  }
0x256: {  	[tilespmem:$0x220] =	vst v7;
	v63 =	vmul.u32 $0x180, v50;
	v14 =	vcvt.f32.s32 v23;
	vm0 =	vmand vm9, vm0  }
0x257: {  	v7 =	vadd.s32 $0x181, v7;
	[tilespmem:$0x720] =	vst v8;
	v8 =	vmul.f32 $3.840000000e+02, v38;
	v45 =	vsel vm0, $0x3F800000, v1  }
0x258: {  	[tilespmem:$0x810] =	vst v5;
	v57 =	vadd.f32 $1.000000000e+00, v52;
	v21 =	vadd.s32 v63, v18;
	vm4 =	vgt.s32 v14, $0x0  }
0x259: {  	[tilespmem:$0x910] =	vst v2;
	v12 =	vsub.f32 v13, v52;
	v14 =	vnsel vm4, $0x0, v14;
	v40 =	vadd.s32 $0x180, v21  }
0x25a: {  	[tilespmem:$0x920] =	vst v3;
	v3 =	vadd.s32 $0x1, v21;
	v44 =	vtrunc.f32 v8;
	v6 =	vadd.s32 $0x181, v21  }
0x25b: {  	[tilespmem:$0x420] =	vst v33;
	vm12 =	vgt.f32 v8, $-1.000000000e+00;
	v59 =	vsub.f32 v57, v13;
	v16 =	vmul.f32 v12, v54  }
0x25c: {  	[tilespmem:$0x320] =	vst v25;
	v28 =	vmul.f32 v12, v56;
	v14 =	vmin.u32 v14, $0x17E;
	v12 =	vnsel vm5, $0x0, v29  }
0x25d: {  	[tilespmem:$0x520] =	vst v7;
	vm14 =	vlt.f32 v8, $3.830000000e+02;
	v31 =	vcvt.s32.f32 v14;
	v35 =	vmin.u32 v12, $0x17E  }
0x25e: {  	[tilespmem:$0x620] =	vst v26;
	v46 =	vor.u32 v0, v14;
	v22 =	vmul.f32 v59, v54;
	v10 =	vmul.f32 v59, v56  }
0x25f: {  	[tilespmem:$0x820] =	vst v53;
	v2 =	vmul.f32 v16, v24;
	v37 =	vcvt.s32.f32 v35;
	v34 =	vadd.f32 $1.000000000e+00, v31  }
0x260: {  	[tilespmem:$0x230] =	vst v21;
	v4 =	vmul.f32 v28, v24;
	v7 =	vmul.u32 $0x180, v35;
	v5 =	vsub.f32 v9, v31  }
0x261: {  	[tilespmem:$0x330] =	vst v40;
	v41 =	vadd.f32 $1.000000000e+00, v37;
	v18 =	vsub.f32 v34, v9;
	v9 =	vmul.f32 $5.000000000e-01, v39  }
0x262: {  	[tilespmem:$0x430] =	vst v3;
	v13 =	vmul.f32 v22, v24;
	v10 =	vmul.f32 v10, v24;
	v43 =	vsub.f32 v11, v37  }
0x263: {  	[tilespmem:$0x530] =	vst v6;
	v7 =	vadd.s32 v7, v46;
	v42 =	vsub.f32 v41, v11;
	v3 =	vmul.f32 $3.840000000e+02, v9  }
0x264: {  	[tilespmem:$0x730] =	vst v2;
	v2 =	vadd.s32 $0x180, v7;
	v9 =	vcvt.f32.s32 v44;
	v50 =	vmul.f32 v43, v18  }
0x265: {  	[tilespmem:$0x340] =	vst v2;
	v2 =	vadd.s32 $0x1, v7;
	v49 =	vmul.f32 v42, v18;
	v47 =	vtrunc.f32 v3  }
0x266: {  	[tilespmem:$0x440] =	vst v2;
	v2 =	vadd.s32 $0x181, v7;
	v12 =	vmul.f32 v42, v5;
	v48 =	vcvt.f32.s32 v47  }
0x267: {  	[tilespmem:$0x830] =	vst v10;
	v5 =	vmul.f32 v43, v5;
	vm10 =	vgt.s32 v9, $0x0;
	v10 =	vmul.f32 v50, v45  }
0x268: {  	[tilespmem:$0x930] =	vst v4;
	vm13 =	vgt.f32 v3, $-1.000000000e+00;
	v9 =	vnsel vm10, $0x0, v9;
	vm11 =	vgt.s32 v48, $0x0  }
0x269: {  	[tilespmem:$0x240] =	vst v7;
	vm15 =	vlt.f32 v3, $3.830000000e+02;
	v9 =	vmin.u32 v9, $0x17E;
	v11 =	vnsel vm11, $0x0, v48  }
0x26a: {  	[tilespmem:$0x630] =	vst v13;
	v51 =	vmul.f32 v49, v45;
	v52 =	vcvt.s32.f32 v9;
	v11 =	vmin.u32 v11, $0x17E  }
0x26b: {  	[tilespmem:$0x540] =	vst v2;
	v54 =	vmul.f32 v12, v45;
	vm0 =	vmand vm12, vm13;
	v55 =	vcvt.s32.f32 v11  }
0x26c: {  	v2 =	vmul.f32 v5, v45;
	[tilespmem:$0x740] =	vst v10;
	vm0 =	vmand vm0, vm14;
	v53 =	vadd.f32 $1.000000000e+00, v52  }
0x26d: {  	[tilespmem:$0x640] =	vst v51;
	v9 =	vor.u32 v0, v9;
	v59 =	vmul.u32 $0x180, v11;
	v58 =	vadd.f32 $1.000000000e+00, v55  }
0x26e: {  	[tilespmem:$0x840] =	vst v54;
	vm0 =	vmand vm15, vm0;
	v56 =	vsub.f32 v53, v8;
	v60 =	vsub.f32 v3, v55  }
0x26f: {  	[tilespmem:$0x940] =	vst v2;
	v62 =	vsel vm0, $0x3F800000, v1;
	v2 =	vadd.s32 v59, v9;
	v4 =	vsub.f32 v58, v3  }
0x270: {  	v57 =	vsub.f32 v8, v52;
	[tilespmem:$0x250] =	vst v2;
	v3 =	vadd.s32 $0x180, v2;
	v5 =	vmul.f32 v60, v56  }
0x271: {  	[tilespmem:$0x350] =	vst v3;
	v3 =	vadd.s32 $0x1, v2;
	v2 =	vadd.s32 $0x181, v2;
	v61 =	vmul.f32 v4, v56  }
0x272: {  	v63 =	vmul.f32 v60, v57;
	[tilespmem:$0x550] =	vst v2;
	v2 =	vmul.f32 v5, v62  }
0x273: {  	[tilespmem:$0x450] =	vst v3;
	v4 =	vmul.f32 v4, v57;
	v3 =	vmul.f32 v61, v62  }
0x274: {  	[tilespmem:$0x750] =	vst v2;
	v2 =	vmul.f32 v63, v62  }
0x275: {  	[tilespmem:$0x650] =	vst v3;
	v3 =	vmul.f32 v4, v62  }
0x276: {  	[tilespmem:$0x950] =	vst v2  }
0x277: {  	s0 =	simm.s32 $0x200;
	s1 =	simm.s32 $0xA00;
	[tilespmem:$0x850] =	vst v3  }
0x278: {  	[tilespmem:s1], [sflag:$0x1] =	stream.indirect.gather [hbm4b:s4+s18], $0x80, s0, s18, $0xb8;
	[tilespmem:$0x1EA00] =	vst v63  }
0x279: {  	s10 =	simm.s32 $0x300;
	s11 =	simm.s32 $0x6A00;
	s28 =	rddreg [dreg:$0x7]  }
0x27a: {  	[tilespmem:s11], [sflag:$0x1] =	stream.indirect.gather [hbm4b:s4+s18], $0x80, s10, s18, $0xb8;
	[tilespmem:$0x1EA00] =	vst v63  }
0x27b: {  	s14 =	simm.s32 $0x400;
	s16 =	simm.s32 $0xCA00;
	s0 =	sadd.s32 s24, s28  }
0x27c: {  	[tilespmem:s16], [sflag:$0x1] =	stream.indirect.gather [hbm4b:s4+s18], $0x80, s14, s18, $0xb8;
	[tilespmem:$0x1EA00] =	vst v63  }
0x27d: {  	s25 =	simm.s32 $0x500;
	s26 =	simm.s32 $0x12A00;
	s0 =	sshrl.u32 s0, $0x3  }
0x27e: {  	[tilespmem:s26], [sflag:$0x1] =	stream.indirect.gather [hbm4b:s4+s18], $0x80, s25, s18, $0xb8;
	[tilespmem:$0x1EA00] =	vst v63  }
0x27f: {  	s8 =	simm.s32 $0x80;
	s29 =	sadd.s32 s6, s0  }
0x280: {  	[tilespmem:s8], [sflag:$0x4] =	stream.linear.gather [hbm4b:s29+s3], $0x60, $0x38;
	[tilespmem:$0x1EA00] =	vst v63  }
0x281: {  	s31 =	simm.s32 $0x180;
	s0 =	sadd.s32 s2, s0  }
0x282: {  	[tilespmem:s31], [sflag:$0x4] =	stream.linear.gather [hbm4b:s0+s3], $0x60, $0x38;
	[tilespmem:$0x1EA00] =	vst v63  }
.LBB2_8:
0x283: {  	_ =	swait.ge [sflag:s20], $0x3000  }
0x284: {  	[sflag:s20] =	ssyncset.done $0x0  }
0x285: {  	[sflag:s20] =	ssyncadd.s32 $0xFFFFD000  }
0x286: {  	_ =	swait.ge [sflag:s20], $0x3000  }
0x287: {  	[sflag:s20] =	ssyncset.done $0x0  }
0x288: {  	[sflag:s20] =	ssyncadd.s32 $0xFFFFD000  }
0x289: {  	_ =	swait.ge [sflag:s20], $0x3000  }
0x28a: {  	[sflag:s20] =	ssyncset.done $0x0  }
0x28b: {  	[sflag:s20] =	ssyncadd.s32 $0xFFFFD000  }
0x28c: {  	_ =	swait.ge [sflag:s20], $0x3000  }
0x28d: {  	[sflag:s20] =	ssyncset.done $0x0  }
0x28e: {  	s0 =	simm.s32 @!p0 $0x6;
	[sflag:s20] =	ssyncadd.s32 $0xFFFFD000  }
0x28f: {  	s24 =	simm.s32 $0x0;
	s25 =	simm.s32 $0x9B00;
	_ =	swait.ge @!p0 [sflag:s0], $0x3000  }
0x290: {  	s26 =	simm.s32 $0xFB00;
	s28 =	simm.s32 $0x15B00;
	[sflag:s0] =	ssyncset.done @!p0 $0x0  }
0x291: {  	s14 =	simm.s32 $0x1BB00;
	s29 =	simm.s32 $0x3B00;
	[sflag:s0] =	ssyncadd.s32 @!p0 $0xFFFFD000  }
.LBB2_9:
0x292: {  	s0 =	sshll.u32 s24, $0x4  }
0x293: {  	v2 =	vld [tilespmem:s0+$0x680]  }
0x294: {  	v3 =	vld [tilespmem:s0+$0x780]  }
0x295: {  	s1 =	smov.u32 s14;
	s16 =	smov.u32 s28;
	s8 =	smov.u32 s26;
	v4 =	vld [tilespmem:s0+$0x880]  }
0x296: {  	s9 =	smov.u32 s25;
	s10 =	simm.s32 $0x0;
	v5 =	vld [tilespmem:s0+$0x980];
	s0 =	smov.u32 s29  }
.LBB2_10:
0x297: {  	v6 =	vmov s10;
	v7 =	vld [tilespmem:s0+$0xFFFFFF00]  }
0x298: {  	v8 =	vld [tilespmem:s9+$0xFFFFFF00];
	v6 =	vand.u32 $0xF, v6  }
0x299: {  	v6 =	vbroadcast v6, $0x0  }
0x29a: {  	v9 =	vld [tilespmem:s8+$0xFFFFFF00]  }
0x29b: {  	v10 =	vperm.xlane v2, v6;
	v11 =	vperm.xlane v3, v6  }
0x29c: {  	v13 =	vld [tilespmem:s16+$0xFFFFFF00];
	v12 =	vperm.xlane v4, v6  }
0x29d: {  	v7 =	vmul.f32 v7, v10;
	v8 =	vmul.f32 v8, v11;
	_ =	sdelay $0x1  }
0x29e: {  	v6 =	vperm.xlane v5, v6;
	v39 =	vmul.f32 v9, v12;
	v7 =	vadd.f32 v8, v7;
	_ =	sdelay $0x1  }
0x29f: {  	v40 =	vmul.f32 v13, v6;
	v7 =	vadd.f32 v39, v7;
	_ =	sdelay $0x1  }
0x2a0: {  	v7 =	vadd.f32 v40, v7;
	_ =	sdelay $0x1  }
0x2a1: {  	[tilespmem:s1+$0xFFFFFF00] =	vst v7  }
0x2a2: {  	v7 =	vld [tilespmem:s0+$0xFFFFFF10]  }
0x2a3: {  	v41 =	vld [tilespmem:s9+$0xFFFFFF10];
	_ =	sdelay $0x1  }
0x2a4: {  	v42 =	vld [tilespmem:s8+$0xFFFFFF10];
	_ =	sdelay $0x1  }
0x2a5: {  	v43 =	vld [tilespmem:s16+$0xFFFFFF10]  }
0x2a6: {  	v7 =	vmul.f32 v7, v10;
	v8 =	vmul.f32 v41, v11;
	_ =	sdelay $0x1  }
0x2a7: {  	v44 =	vmul.f32 v42, v12;
	v7 =	vadd.f32 v8, v7;
	_ =	sdelay $0x1  }
0x2a8: {  	v45 =	vmul.f32 v43, v6;
	v7 =	vadd.f32 v44, v7;
	_ =	sdelay $0x1  }
0x2a9: {  	v7 =	vadd.f32 v45, v7;
	_ =	sdelay $0x1  }
0x2aa: {  	[tilespmem:s1+$0xFFFFFF10] =	vst v7  }
0x2ab: {  	v7 =	vld [tilespmem:s0+$0xFFFFFF20]  }
0x2ac: {  	v46 =	vld [tilespmem:s9+$0xFFFFFF20];
	_ =	sdelay $0x1  }
0x2ad: {  	v47 =	vld [tilespmem:s8+$0xFFFFFF20];
	_ =	sdelay $0x1  }
0x2ae: {  	v48 =	vld [tilespmem:s16+$0xFFFFFF20]  }
0x2af: {  	v7 =	vmul.f32 v7, v10;
	v8 =	vmul.f32 v46, v11;
	_ =	sdelay $0x1  }
0x2b0: {  	v49 =	vmul.f32 v47, v12;
	v7 =	vadd.f32 v8, v7;
	_ =	sdelay $0x1  }
0x2b1: {  	v50 =	vmul.f32 v48, v6;
	v7 =	vadd.f32 v49, v7;
	_ =	sdelay $0x1  }
0x2b2: {  	v7 =	vadd.f32 v50, v7;
	_ =	sdelay $0x1  }
0x2b3: {  	[tilespmem:s1+$0xFFFFFF20] =	vst v7  }
0x2b4: {  	v7 =	vld [tilespmem:s0+$0xFFFFFF30]  }
0x2b5: {  	v51 =	vld [tilespmem:s9+$0xFFFFFF30];
	_ =	sdelay $0x1  }
0x2b6: {  	v52 =	vld [tilespmem:s8+$0xFFFFFF30];
	_ =	sdelay $0x1  }
0x2b7: {  	v53 =	vld [tilespmem:s16+$0xFFFFFF30]  }
0x2b8: {  	v7 =	vmul.f32 v7, v10;
	v8 =	vmul.f32 v51, v11;
	_ =	sdelay $0x1  }
0x2b9: {  	v54 =	vmul.f32 v52, v12;
	v7 =	vadd.f32 v8, v7;
	_ =	sdelay $0x1  }
0x2ba: {  	v55 =	vmul.f32 v53, v6;
	v7 =	vadd.f32 v54, v7;
	_ =	sdelay $0x1  }
0x2bb: {  	v7 =	vadd.f32 v55, v7;
	_ =	sdelay $0x1  }
0x2bc: {  	[tilespmem:s1+$0xFFFFFF30] =	vst v7  }
0x2bd: {  	v7 =	vld [tilespmem:s0+$0xFFFFFF40]  }
0x2be: {  	v56 =	vld [tilespmem:s9+$0xFFFFFF40];
	_ =	sdelay $0x1  }
0x2bf: {  	v57 =	vld [tilespmem:s8+$0xFFFFFF40];
	_ =	sdelay $0x1  }
0x2c0: {  	v58 =	vld [tilespmem:s16+$0xFFFFFF40]  }
0x2c1: {  	v7 =	vmul.f32 v7, v10;
	v8 =	vmul.f32 v56, v11;
	_ =	sdelay $0x1  }
0x2c2: {  	v59 =	vmul.f32 v57, v12;
	v7 =	vadd.f32 v8, v7;
	_ =	sdelay $0x1  }
0x2c3: {  	v60 =	vmul.f32 v58, v6;
	v7 =	vadd.f32 v59, v7;
	_ =	sdelay $0x1  }
0x2c4: {  	v7 =	vadd.f32 v60, v7;
	_ =	sdelay $0x1  }
0x2c5: {  	[tilespmem:s1+$0xFFFFFF40] =	vst v7  }
0x2c6: {  	v7 =	vld [tilespmem:s0+$0xFFFFFF50]  }
0x2c7: {  	v61 =	vld [tilespmem:s9+$0xFFFFFF50];
	_ =	sdelay $0x1  }
0x2c8: {  	v62 =	vld [tilespmem:s8+$0xFFFFFF50];
	_ =	sdelay $0x1  }
0x2c9: {  	v63 =	vld [tilespmem:s16+$0xFFFFFF50]  }
0x2ca: {  	v7 =	vmul.f32 v7, v10;
	v8 =	vmul.f32 v61, v11;
	_ =	sdelay $0x1  }
0x2cb: {  	v15 =	vmul.f32 v62, v12;
	v7 =	vadd.f32 v8, v7;
	_ =	sdelay $0x1  }
0x2cc: {  	v6 =	vmul.f32 v63, v6;
	v7 =	vadd.f32 v15, v7;
	_ =	sdelay $0x1  }
0x2cd: {  	v6 =	vadd.f32 v6, v7;
	_ =	sdelay $0x1  }
0x2ce: {  	s11 =	sadd.s32 $0x1, s10;
	[tilespmem:s1+$0xFFFFFF50] =	vst v6  }
0x2cf: {  	v6 =	vmov s11;
	v7 =	vld [tilespmem:s0+$0xFFFFFF80]  }
0x2d0: {  	v6 =	vand.u32 $0xF, v6;
	v16 =	vld [tilespmem:s9+$0xFFFFFF80]  }
0x2d1: {  	v6 =	vbroadcast v6, $0x0  }
0x2d2: {  	v17 =	vld [tilespmem:s8+$0xFFFFFF80]  }
0x2d3: {  	v18 =	vperm.xlane v2, v6;
	v19 =	vperm.xlane v3, v6  }
0x2d4: {  	v21 =	vld [tilespmem:s16+$0xFFFFFF80];
	v20 =	vperm.xlane v4, v6  }
0x2d5: {  	v7 =	vmul.f32 v7, v18;
	v8 =	vmul.f32 v16, v19;
	_ =	sdelay $0x1  }
0x2d6: {  	v6 =	vperm.xlane v5, v6;
	v22 =	vmul.f32 v17, v20;
	v7 =	vadd.f32 v8, v7;
	_ =	sdelay $0x1  }
0x2d7: {  	v23 =	vmul.f32 v21, v6;
	v7 =	vadd.f32 v22, v7;
	_ =	sdelay $0x1  }
0x2d8: {  	v7 =	vadd.f32 v23, v7;
	_ =	sdelay $0x1  }
0x2d9: {  	[tilespmem:s1+$0xFFFFFF80] =	vst v7  }
0x2da: {  	v7 =	vld [tilespmem:s0+$0xFFFFFF90]  }
0x2db: {  	v24 =	vld [tilespmem:s9+$0xFFFFFF90];
	_ =	sdelay $0x1  }
0x2dc: {  	v25 =	vld [tilespmem:s8+$0xFFFFFF90];
	_ =	sdelay $0x1  }
0x2dd: {  	v26 =	vld [tilespmem:s16+$0xFFFFFF90]  }
0x2de: {  	v7 =	vmul.f32 v7, v18;
	v8 =	vmul.f32 v24, v19;
	_ =	sdelay $0x1  }
0x2df: {  	v27 =	vmul.f32 v25, v20;
	v7 =	vadd.f32 v8, v7;
	_ =	sdelay $0x1  }
0x2e0: {  	v28 =	vmul.f32 v26, v6;
	v7 =	vadd.f32 v27, v7;
	_ =	sdelay $0x1  }
0x2e1: {  	v7 =	vadd.f32 v28, v7;
	_ =	sdelay $0x1  }
0x2e2: {  	[tilespmem:s1+$0xFFFFFF90] =	vst v7  }
0x2e3: {  	v7 =	vld [tilespmem:s0+$0xFFFFFFA0]  }
0x2e4: {  	v29 =	vld [tilespmem:s9+$0xFFFFFFA0];
	_ =	sdelay $0x1  }
0x2e5: {  	v30 =	vld [tilespmem:s8+$0xFFFFFFA0];
	_ =	sdelay $0x1  }
0x2e6: {  	v31 =	vld [tilespmem:s16+$0xFFFFFFA0]  }
0x2e7: {  	v7 =	vmul.f32 v7, v18;
	v8 =	vmul.f32 v29, v19;
	_ =	sdelay $0x1  }
0x2e8: {  	v32 =	vmul.f32 v30, v20;
	v7 =	vadd.f32 v8, v7;
	_ =	sdelay $0x1  }
0x2e9: {  	v33 =	vmul.f32 v31, v6;
	v7 =	vadd.f32 v32, v7;
	_ =	sdelay $0x1  }
0x2ea: {  	v7 =	vadd.f32 v33, v7;
	_ =	sdelay $0x1  }
0x2eb: {  	[tilespmem:s1+$0xFFFFFFA0] =	vst v7  }
0x2ec: {  	v7 =	vld [tilespmem:s0+$0xFFFFFFB0]  }
0x2ed: {  	v34 =	vld [tilespmem:s9+$0xFFFFFFB0];
	_ =	sdelay $0x1  }
0x2ee: {  	v35 =	vld [tilespmem:s8+$0xFFFFFFB0];
	_ =	sdelay $0x1  }
0x2ef: {  	v36 =	vld [tilespmem:s16+$0xFFFFFFB0]  }
0x2f0: {  	v7 =	vmul.f32 v7, v18;
	v8 =	vmul.f32 v34, v19;
	_ =	sdelay $0x1  }
0x2f1: {  	v37 =	vmul.f32 v35, v20;
	v7 =	vadd.f32 v8, v7;
	_ =	sdelay $0x1  }
0x2f2: {  	v38 =	vmul.f32 v36, v6;
	v7 =	vadd.f32 v37, v7;
	_ =	sdelay $0x1  }
0x2f3: {  	v7 =	vadd.f32 v38, v7;
	_ =	sdelay $0x1  }
0x2f4: {  	[tilespmem:s1+$0xFFFFFFB0] =	vst v7  }
0x2f5: {  	v7 =	vld [tilespmem:s0+$0xFFFFFFC0]  }
0x2f6: {  	v39 =	vld [tilespmem:s9+$0xFFFFFFC0];
	_ =	sdelay $0x1  }
0x2f7: {  	v40 =	vld [tilespmem:s8+$0xFFFFFFC0];
	_ =	sdelay $0x1  }
0x2f8: {  	v41 =	vld [tilespmem:s16+$0xFFFFFFC0]  }
0x2f9: {  	v7 =	vmul.f32 v7, v18;
	v8 =	vmul.f32 v39, v19;
	_ =	sdelay $0x1  }
0x2fa: {  	v42 =	vmul.f32 v40, v20;
	v7 =	vadd.f32 v8, v7;
	_ =	sdelay $0x1  }
0x2fb: {  	v43 =	vmul.f32 v41, v6;
	v7 =	vadd.f32 v42, v7;
	_ =	sdelay $0x1  }
0x2fc: {  	v7 =	vadd.f32 v43, v7;
	_ =	sdelay $0x1  }
0x2fd: {  	[tilespmem:s1+$0xFFFFFFC0] =	vst v7  }
0x2fe: {  	v7 =	vld [tilespmem:s0+$0xFFFFFFD0]  }
0x2ff: {  	v44 =	vld [tilespmem:s9+$0xFFFFFFD0];
	_ =	sdelay $0x1  }
0x300: {  	v45 =	vld [tilespmem:s8+$0xFFFFFFD0];
	_ =	sdelay $0x1  }
0x301: {  	v46 =	vld [tilespmem:s16+$0xFFFFFFD0]  }
0x302: {  	v7 =	vmul.f32 v7, v18;
	v8 =	vmul.f32 v44, v19;
	_ =	sdelay $0x1  }
0x303: {  	v47 =	vmul.f32 v45, v20;
	v7 =	vadd.f32 v8, v7;
	_ =	sdelay $0x1  }
0x304: {  	v6 =	vmul.f32 v46, v6;
	v7 =	vadd.f32 v47, v7;
	_ =	sdelay $0x1  }
0x305: {  	v6 =	vadd.f32 v6, v7;
	_ =	sdelay $0x1  }
0x306: {  	s31 =	sadd.s32 $0x2, s10;
	[tilespmem:s1+$0xFFFFFFD0] =	vst v6  }
0x307: {  	v6 =	vmov s31;
	v7 =	vld [tilespmem:s0+$0x0]  }
0x308: {  	v6 =	vand.u32 $0xF, v6;
	v48 =	vld [tilespmem:s9+$0x0]  }
0x309: {  	v6 =	vbroadcast v6, $0x0  }
0x30a: {  	v49 =	vld [tilespmem:s8+$0x0]  }
0x30b: {  	v50 =	vperm.xlane v2, v6;
	v51 =	vperm.xlane v3, v6  }
0x30c: {  	v53 =	vld [tilespmem:s16+$0x0];
	v52 =	vperm.xlane v4, v6  }
0x30d: {  	v7 =	vmul.f32 v7, v50;
	v8 =	vmul.f32 v48, v51;
	_ =	sdelay $0x1  }
0x30e: {  	v6 =	vperm.xlane v5, v6;
	v54 =	vmul.f32 v49, v52;
	v7 =	vadd.f32 v8, v7;
	_ =	sdelay $0x1  }
0x30f: {  	v55 =	vmul.f32 v53, v6;
	v7 =	vadd.f32 v54, v7;
	_ =	sdelay $0x1  }
0x310: {  	v7 =	vadd.f32 v55, v7;
	_ =	sdelay $0x1  }
0x311: {  	[tilespmem:s1+$0x0] =	vst v7  }
0x312: {  	v7 =	vld [tilespmem:s0+$0x10]  }
0x313: {  	v56 =	vld [tilespmem:s9+$0x10];
	_ =	sdelay $0x1  }
0x314: {  	v57 =	vld [tilespmem:s8+$0x10];
	_ =	sdelay $0x1  }
0x315: {  	v58 =	vld [tilespmem:s16+$0x10]  }
0x316: {  	v7 =	vmul.f32 v7, v50;
	v8 =	vmul.f32 v56, v51;
	_ =	sdelay $0x1  }
0x317: {  	v59 =	vmul.f32 v57, v52;
	v7 =	vadd.f32 v8, v7;
	_ =	sdelay $0x1  }
0x318: {  	v60 =	vmul.f32 v58, v6;
	v7 =	vadd.f32 v59, v7;
	_ =	sdelay $0x1  }
0x319: {  	v7 =	vadd.f32 v60, v7;
	_ =	sdelay $0x1  }
0x31a: {  	[tilespmem:s1+$0x10] =	vst v7  }
0x31b: {  	v7 =	vld [tilespmem:s0+$0x20]  }
0x31c: {  	v61 =	vld [tilespmem:s9+$0x20];
	_ =	sdelay $0x1  }
0x31d: {  	v62 =	vld [tilespmem:s8+$0x20];
	_ =	sdelay $0x1  }
0x31e: {  	v63 =	vld [tilespmem:s16+$0x20]  }
0x31f: {  	v7 =	vmul.f32 v7, v50;
	v8 =	vmul.f32 v61, v51;
	_ =	sdelay $0x1  }
0x320: {  	v16 =	vmul.f32 v62, v52;
	v7 =	vadd.f32 v8, v7;
	_ =	sdelay $0x1  }
0x321: {  	v17 =	vmul.f32 v63, v6;
	v7 =	vadd.f32 v16, v7;
	_ =	sdelay $0x1  }
0x322: {  	v7 =	vadd.f32 v17, v7;
	_ =	sdelay $0x1  }
0x323: {  	[tilespmem:s1+$0x20] =	vst v7  }
0x324: {  	v7 =	vld [tilespmem:s0+$0x30]  }
0x325: {  	v18 =	vld [tilespmem:s9+$0x30];
	_ =	sdelay $0x1  }
0x326: {  	v19 =	vld [tilespmem:s8+$0x30];
	_ =	sdelay $0x1  }
0x327: {  	v20 =	vld [tilespmem:s16+$0x30]  }
0x328: {  	v7 =	vmul.f32 v7, v50;
	v8 =	vmul.f32 v18, v51;
	_ =	sdelay $0x1  }
0x329: {  	v21 =	vmul.f32 v19, v52;
	v7 =	vadd.f32 v8, v7;
	_ =	sdelay $0x1  }
0x32a: {  	v22 =	vmul.f32 v20, v6;
	v7 =	vadd.f32 v21, v7;
	_ =	sdelay $0x1  }
0x32b: {  	v7 =	vadd.f32 v22, v7;
	_ =	sdelay $0x1  }
0x32c: {  	[tilespmem:s1+$0x30] =	vst v7  }
0x32d: {  	v7 =	vld [tilespmem:s0+$0x40]  }
0x32e: {  	v23 =	vld [tilespmem:s9+$0x40];
	_ =	sdelay $0x1  }
0x32f: {  	v24 =	vld [tilespmem:s8+$0x40];
	_ =	sdelay $0x1  }
0x330: {  	v25 =	vld [tilespmem:s16+$0x40]  }
0x331: {  	v7 =	vmul.f32 v7, v50;
	v8 =	vmul.f32 v23, v51;
	_ =	sdelay $0x1  }
0x332: {  	v26 =	vmul.f32 v24, v52;
	v7 =	vadd.f32 v8, v7;
	_ =	sdelay $0x1  }
0x333: {  	v27 =	vmul.f32 v25, v6;
	v7 =	vadd.f32 v26, v7;
	_ =	sdelay $0x1  }
0x334: {  	v7 =	vadd.f32 v27, v7;
	_ =	sdelay $0x1  }
0x335: {  	[tilespmem:s1+$0x40] =	vst v7  }
0x336: {  	v7 =	vld [tilespmem:s0+$0x50]  }
0x337: {  	v28 =	vld [tilespmem:s9+$0x50];
	_ =	sdelay $0x1  }
0x338: {  	v29 =	vld [tilespmem:s8+$0x50];
	_ =	sdelay $0x1  }
0x339: {  	v30 =	vld [tilespmem:s16+$0x50]  }
0x33a: {  	v7 =	vmul.f32 v7, v50;
	v8 =	vmul.f32 v28, v51;
	_ =	sdelay $0x1  }
0x33b: {  	v31 =	vmul.f32 v29, v52;
	v7 =	vadd.f32 v8, v7;
	_ =	sdelay $0x1  }
0x33c: {  	v6 =	vmul.f32 v30, v6;
	v7 =	vadd.f32 v31, v7;
	_ =	sdelay $0x1  }
0x33d: {  	v6 =	vadd.f32 v6, v7;
	_ =	sdelay $0x1  }
0x33e: {  	s31 =	sadd.s32 $0x3, s10;
	[tilespmem:s1+$0x50] =	vst v6  }
0x33f: {  	v6 =	vmov s31;
	v7 =	vld [tilespmem:s0+$0x80]  }
0x340: {  	v6 =	vand.u32 $0xF, v6;
	v32 =	vld [tilespmem:s9+$0x80]  }
0x341: {  	v6 =	vbroadcast v6, $0x0  }
0x342: {  	v33 =	vld [tilespmem:s8+$0x80]  }
0x343: {  	v34 =	vperm.xlane v2, v6;
	v35 =	vperm.xlane v3, v6  }
0x344: {  	v37 =	vld [tilespmem:s16+$0x80];
	v36 =	vperm.xlane v4, v6  }
0x345: {  	v7 =	vmul.f32 v7, v34;
	v8 =	vmul.f32 v32, v35;
	_ =	sdelay $0x1  }
0x346: {  	v6 =	vperm.xlane v5, v6;
	v38 =	vmul.f32 v33, v36;
	v7 =	vadd.f32 v8, v7;
	_ =	sdelay $0x1  }
0x347: {  	v39 =	vmul.f32 v37, v6;
	v7 =	vadd.f32 v38, v7;
	_ =	sdelay $0x1  }
0x348: {  	v7 =	vadd.f32 v39, v7;
	_ =	sdelay $0x1  }
0x349: {  	[tilespmem:s1+$0x80] =	vst v7  }
0x34a: {  	v7 =	vld [tilespmem:s0+$0x90]  }
0x34b: {  	v40 =	vld [tilespmem:s9+$0x90];
	_ =	sdelay $0x1  }
0x34c: {  	v41 =	vld [tilespmem:s8+$0x90];
	_ =	sdelay $0x1  }
0x34d: {  	v42 =	vld [tilespmem:s16+$0x90]  }
0x34e: {  	v7 =	vmul.f32 v7, v34;
	v8 =	vmul.f32 v40, v35;
	_ =	sdelay $0x1  }
0x34f: {  	v43 =	vmul.f32 v41, v36;
	v7 =	vadd.f32 v8, v7;
	_ =	sdelay $0x1  }
0x350: {  	v44 =	vmul.f32 v42, v6;
	v7 =	vadd.f32 v43, v7;
	_ =	sdelay $0x1  }
0x351: {  	v7 =	vadd.f32 v44, v7;
	_ =	sdelay $0x1  }
0x352: {  	[tilespmem:s1+$0x90] =	vst v7  }
0x353: {  	v7 =	vld [tilespmem:s0+$0xA0]  }
0x354: {  	v45 =	vld [tilespmem:s9+$0xA0];
	_ =	sdelay $0x1  }
0x355: {  	v46 =	vld [tilespmem:s8+$0xA0];
	_ =	sdelay $0x1  }
0x356: {  	v47 =	vld [tilespmem:s16+$0xA0]  }
0x357: {  	v7 =	vmul.f32 v7, v34;
	v8 =	vmul.f32 v45, v35;
	_ =	sdelay $0x1  }
0x358: {  	v48 =	vmul.f32 v46, v36;
	v7 =	vadd.f32 v8, v7;
	_ =	sdelay $0x1  }
0x359: {  	v49 =	vmul.f32 v47, v6;
	v7 =	vadd.f32 v48, v7;
	_ =	sdelay $0x1  }
0x35a: {  	v7 =	vadd.f32 v49, v7;
	_ =	sdelay $0x1  }
0x35b: {  	[tilespmem:s1+$0xA0] =	vst v7  }
0x35c: {  	v7 =	vld [tilespmem:s0+$0xB0]  }
0x35d: {  	v50 =	vld [tilespmem:s9+$0xB0];
	_ =	sdelay $0x1  }
0x35e: {  	v51 =	vld [tilespmem:s8+$0xB0];
	_ =	sdelay $0x1  }
0x35f: {  	v52 =	vld [tilespmem:s16+$0xB0]  }
0x360: {  	v7 =	vmul.f32 v7, v34;
	v8 =	vmul.f32 v50, v35;
	_ =	sdelay $0x1  }
0x361: {  	v53 =	vmul.f32 v51, v36;
	v7 =	vadd.f32 v8, v7;
	_ =	sdelay $0x1  }
0x362: {  	v54 =	vmul.f32 v52, v6;
	v7 =	vadd.f32 v53, v7;
	_ =	sdelay $0x1  }
0x363: {  	v7 =	vadd.f32 v54, v7;
	_ =	sdelay $0x1  }
0x364: {  	[tilespmem:s1+$0xB0] =	vst v7  }
0x365: {  	v7 =	vld [tilespmem:s0+$0xC0]  }
0x366: {  	v55 =	vld [tilespmem:s9+$0xC0];
	_ =	sdelay $0x1  }
0x367: {  	v56 =	vld [tilespmem:s8+$0xC0];
	_ =	sdelay $0x1  }
0x368: {  	v57 =	vld [tilespmem:s16+$0xC0]  }
0x369: {  	v7 =	vmul.f32 v7, v34;
	v8 =	vmul.f32 v55, v35;
	_ =	sdelay $0x1  }
0x36a: {  	v58 =	vmul.f32 v56, v36;
	v7 =	vadd.f32 v8, v7;
	_ =	sdelay $0x1  }
0x36b: {  	v59 =	vmul.f32 v57, v6;
	v7 =	vadd.f32 v58, v7;
	_ =	sdelay $0x1  }
0x36c: {  	v7 =	vadd.f32 v59, v7;
	_ =	sdelay $0x1  }
0x36d: {  	[tilespmem:s1+$0xC0] =	vst v7  }
0x36e: {  	v7 =	vld [tilespmem:s0+$0xD0]  }
0x36f: {  	v60 =	vld [tilespmem:s9+$0xD0];
	_ =	sdelay $0x1  }
0x370: {  	v61 =	vld [tilespmem:s8+$0xD0];
	_ =	sdelay $0x1  }
0x371: {  	v62 =	vld [tilespmem:s16+$0xD0]  }
0x372: {  	v7 =	vmul.f32 v7, v34;
	v8 =	vmul.f32 v60, v35;
	_ =	sdelay $0x1  }
0x373: {  	v63 =	vmul.f32 v61, v36;
	v7 =	vadd.f32 v8, v7  }
0x374: {  	p0 =	slt.u32 s10, $0xC  }
.Ltmp3:
0x375: {  	v6 =	vmul.f32 v62, v6;
	v7 =	vadd.f32 v63, v7;
	(pc) =	sbr.rel @p0 .LBB2_10-.Ltmp3, $4  }
0x376: {  	_ = 	snop  }
0x377: {  	v6 =	vadd.f32 v6, v7  }
0x378: {  	s10 =	sadd.s32 $0x4, s10;
	s9 =	sadd.s32 $0x200, s9;
	s8 =	sadd.s32 $0x200, s8  }
0x379: {  	s16 =	sadd.s32 $0x200, s16;
	s0 =	sadd.s32 $0x200, s0;
	[tilespmem:s1+$0xD0] =	vst v6;
	s1 =	sadd.s32 $0x200, s1  }
0x37a: {  	s24 =	sadd.s32 $0x1, s24  }
0x37b: {  	p0 =	sne.s32 s24, $0x6  }
.Ltmp4:
0x37c: {  	_ = 	snop;
	(pc) =	sbr.rel @p0 .LBB2_9-.Ltmp4, $3  }
0x37d: {  	_ =	sdelay $0x1  }
0x37e: {  	s25 =	sadd.s32 $0x800, s25;
	s26 =	sadd.s32 $0x800, s26  }
0x37f: {  	s28 =	sadd.s32 $0x800, s28;
	s14 =	sadd.s32 $0x800, s14;
	s29 =	sadd.s32 $0x800, s29  }
0x380: {  	s22 =	sadd.s32 $0x1, s22  }
0x381: {  	p0 =	sne.s32 s22, $0x60  }
.Ltmp5:
0x382: {  	_ = 	snop;
	(pc) =	sbr.rel @p0 .LBB2_2-.Ltmp5, $4  }
0x383: {  	_ = 	snop  }
0x384: {  	s0 =	sshll.u32 s23, $0x4  }
0x385: {  	s0 =	sadd.s32 s7, s0  }
0x386: {  	[hbm4b:s0+s3] =	stream.linear.scatter [tilespmem:s21], [sflag:$0x6], $0x3000, $0x38;
	[tilespmem:$0x1EA00] =	vst v63  }
0x387: {  	s0 =	simm.s32 $0x5  }
0x388: {  	_ =	swait.ge [sflag:s0], $0x3000  }
0x389: {  	[sflag:s0] =	ssyncset.done $0x0  }
0x38a: {  	s1 =	simm.s32 $0x6;
	[sflag:s0] =	ssyncadd.s32 $0xFFFFD000  }
0x38b: {  	_ =	swait.ge [sflag:s1], $0x3000  }
0x38c: {  	s8 =	rddreg [dreg:$0x9]  }
0x38d: {  	s31 =	rddreg [dreg:$0x8];
	s8 =	sadd.s32 $0x1, s8  }
0x38e: {  	p0 =	sne.s32 s8, s31  }
.Ltmp6:
0x38f: {  	_ = 	snop;
	(pc) =	sbr.rel @p0 .LBB2_1-.Ltmp6, $3  }
0x390: {  	_ =	sdelay $0x1  }
0x391: {  	[sflag:s1] =	ssyncset.done $0x0  }
0x392: {  	[sflag:s1] =	ssyncadd.s32 $0xFFFFD000  }
0x393: {  	_ =	sfence.sel $0x180000  }
0x394: {  	[bflag:$0x0] =	sbarrier.arrive $0xFFFF  }
0x395: {  	_ =	strace $0x90000047  }
0x396: {  	s0 =	stileid.u32;
	[bflag:$0x2] =	sbarrier.arrive $0xFFFF  }
0x397: {  	p0 =	sne.s32 s0, $0x0;
	s0 =	rddreg [dreg:$0x2]  }
0x398: {  	s0 =	sadd.s32 @!p0 $0x100000, s0  }
0x399: {  	[sflag:s0] =	ssyncadd.tile.s32 @!p0 $0x1;
	_ =	shalt  }
.Lfunc_end2:
_tile_overlayer_lowered:
.L_overlay_start_2:
0x39a: {  	(tag) =	ssettag $0x2  }
0x39b: {  	s0 =	rddreg [dreg:$0x0];
	s2 =	stileid.u32  }
0x39c: {  	s1 =	rddreg [dreg:$0x1];
	p0 =	sne.s32 s2, $0x0  }
0x39d: {  	s3 =	rddreg [dreg:$0x2];
	[bflag:$0x3] =	sbarrier.arrive $0xFFFF;
	s2 =	simm.s32 @!p0 $0x1C07  }
0x39e: {  	[timem:s3], [sflag:s2] =	dma.local @!p0 [hbm:s0], s1  }
0x39f: {  	s0 =	simm.s32 @!p0 $0x7  }
0x3a0: {  	_ =	swait.ge @!p0 [sflag:s0], s1  }
0x3a1: {  	s1 =	ssub.s32 @!p0 $0x0, s1;
	[sflag:s0] =	ssyncset.done @!p0 $0x0  }
0x3a2: {  	[sflag:s0] =	ssyncadd.s32 @!p0 s1  }
0x3a3: {  	[bflag:$0x3] =	sbarrier.arrive $0xFFFF  }
0x3a4: {  	_ =	shalt  }

// kernel: sparse-core-data-format-call.cloned.1.call-start
scs
called_computation_lowered:
.L_overlay_start_0:
0x0: {  	s2 =	sld [smem:$0x3FD9]  }
0x1: {  	s3 =	sld [smem:$0x3FFE];
	_ =	sdelay $0x1  }
0x2: {  	s1 =	srdreg.scid  }
0x3: {  	s0 =	sand.u32 $0x1, s1  }
0x4: {  	s18 =	sshll.u32 s0, $0xA;
	s2 =	sadd.s32 s3, s2  }
0x5: {  	s2 =	sadd.s32 s2, s18  }
0x6: {  	[smem:$0x3FC6] =	sst s2  }
0x7: {  	_ = 	snop  }
0x8: {  	s2 =	sld [smem:$0x3FD0];
	(tm) =	ssettm $0x1  }
0x9: {  	s19 =	sld [smem:$0x3FFB];
	_ =	sdelay $0x3  }
0xa: {  	_ =	strace s19  }
0xb: {  	s3 =	sld [smem:$0x3FFC];
	_ =	sdelay $0x3  }
0xc: {  	_ =	strace s3  }
0xd: {  	s3 =	sld [smem:$0x3FFD];
	_ =	sdelay $0x3  }
0xe: {  	_ =	strace s3  }
0xf: {  	_ =	strace $0x8FFFFFFF  }
0x10: {  	s20 =	sld [smem:$0x3FDB];
	_ =	sdelay $0x1  }
0x11: {  	s4 =	simm.s32 $_scs_section_size  }
0x12: {  	s5 =	simm.s32 $_size__tile_overlayer_lowered;
	s6 =	simm.s32 $_tile_overlayer_lowered  }
0x13: {  	s23 =	simm.s32 $0x1BFF;
	s22 =	sshll.u32 s6, $0x1;
	s3 =	sadd.s32 s4, s20  }
0x14: {  	s7 =	simm.s32 $0x0;
	s21 =	sshll.u32 s5, $0x1;
	s5 =	sadd.s32 s22, s3  }
0x15: {  	[timem:s7], [sflag:s23] =	dma.local [hbm:s5], s21  }
0x16: {  	_ =	swait.ge [sflag:s23], s21  }
0x17: {  	s4 =	ssub.s32 $0x0, s21;
	[sflag:s23] =	ssyncset.done $0x0  }
0x18: {  	[sflag:s23] =	ssyncadd.s32 s4;
	_ =	sdelay $0x1  }
0x19: {  	s24 =	simm.s32 $0x1B8B  }
0x1a: {  	_ =	swait.ge [sflag:s24], $0x1  }
0x1b: {  	[sflag:s24] =	ssyncset.done $0x0  }
0x1c: {  	s26 =	simm.s32 $0x1B8E;
	s25 =	sld [smem:$0x3FFE];
	[sflag:s24] =	ssyncadd.s32 $0xFFFFFFFF  }
0x1d: {  	s27 =	simm.s32 $execute0_lowered;
	[smem:$0x3FD2] =	sst s26  }
0x1e: {  	s5 =	sshll.u32 s27, $0x1;
	_ =	strace $0x80000049;
	[dreg:$0x1] =	wrdreg $0xFFFFFFFF  }
0x1f: {  	s28 =	simm.s32 $_size_execute0_lowered;
	s3 =	sadd.s32 s3, s5;
	[dreg:$0x0] =	wrdreg $0x0  }
0x20: {  	s5 =	sshll.u32 s28, $0x1;
	[dreg:$0x2] =	wrdreg s3  }
0x21: {  	[dreg:$0x3] =	wrdreg s5  }
0x22: {  	[dreg:$0x4] =	wrdreg $0xC0  }
0x23: {  	_ =	task [dreg:s7], $0x5FFFF  }
0x24: {  	[dreg:$0x1] =	wrdreg $0xFFFFFFFF  }
0x25: {  	[dreg:$0x0] =	wrdreg $0x60  }
0x26: {  	[dreg:$0x2] =	wrdreg s25  }
0x27: {  	[dreg:$0x3] =	wrdreg s2  }
0x28: {  	[dreg:$0x4] =	wrdreg $0x9  }
0x29: {  	_ =	task.clear_ibuf [dreg:s7], $0x5FFFF;
	_ =	strace $0x90000049  }
0x2a: {  	s29 =	simm.s32 $0x9;
	_ =	strace $0x8000004B  }
0x2b: {  	_ =	swait.ge [sflag:s29], $0x1  }
0x2c: {  	[sflag:s29] =	ssyncadd.s32 $0xFFFFFFFF  }
0x2d: {  	_ =	strace $0x9000004B  }
0x2e: {  	_ =	sfence  }
0x2f: {  	s30 =	sld [smem:$0x0];
	_ =	sdelay $0x2  }
0x30: {  	s31 =	sshll.u32 s1, $0xD;
	s1 =	sshrl.u32 s1, $0x2  }
0x31: {  	s3 =	sand.u32 $0x4000, s31;
	s1 =	sadd.s32 s1, s30  }
0x32: {  	s0 =	sor.u32 s3, s0;
	s1 =	sshll.u32 s1, $0x11  }
0x33: {  	s0 =	sor.u32 s1, s0  }
0x34: {  	s0 =	sadd.s32 $0x8F2B, s0  }
0x35: {  	[sflag:s0] =	ssyncadd.remote.s32 $0x1  }
0x36: {  	_ =	sfence.sel $0xFFFF  }
0x37: {  	[dreg:$0x0] =	wrdreg $0xFFFFFFFF;
	(pc) =	sbr.abs _section_cstart, $3  }
0x38: {  	[dreg:$0x1] =	wrdreg $0xFFFFFFFF  }
0x39: {  	_ =	task.clear_ibuf [dreg:s7], $0x2FFFF;
	_ =	strace $0x9FFFFFFF  }
0x3a: {  	(tm) =	ssettm $0x7FFFFFFF  }
0x3b: {  	_ =	shalt  }
tec
execute0_lowered:
.L_overlay_start_1:
0x0: {  	(tag) =	ssettag $0x1  }
0x1: {  	s3 =	rddreg [dreg:$0x0]  }
0x2: {  	s2 =	rddreg [dreg:$0x1]  }
0x3: {  	s1 =	srdreg.scid;
	s0 =	rddreg [dreg:$0x2];
	_ =	strace $0x8000004A  }
0x4: {  	s7 =	simm.s32 $0x2;
	s15 =	simm.s32 $0x0;
	p0 =	por $0x0, $0x0  }
0x5: {  	s16 =	simm.s32 $0x0;
	s17 =	simm.s32 $0x0;
	s8 =	simm.s32 $0x0  }
0x6: {  	s10 =	simm.s32 $0x0;
	s11 =	simm.s32 $0x0;
	s12 =	simm.s32 $0x0  }
.Ltmp0:
0x7: {  	s9 =	simm.s32 $0x0;
	s4 =	sshll.u32 s1, $0x4;
	(pc) =	sbr.rel .LBB1_1-.Ltmp0, $4  }
0x8: {  	s1 =	stileid.u32;
	s3 =	sadd.s32 $0x12A00, s3;
	s4 =	sand.u32 $0x10, s4  }
0x9: {  	s5 =	sand.u32 $0x3, s1;
	s6 =	sor.u32 s1, s4;
	s4 =	simm.s32 $0x1  }
0xa: {  	s14 =	smov.u32 s5;
	[sflag:s4] =	ssyncpa.u1 $0x0;
	s6 =	sshrl.u32 s6, $0x2  }
0xb: {  	[sflag:s7] =	ssyncpa.u1 $0x0;
	s7 =	simm.s32 $0xC00;
	s13 =	smov.u32 s6  }
.LBB1_5:
0xc: {  	p1 =	slt.u32 s9, $0x2;
	s18 =	smov.u32 s17  }
0xd: {  	p2 =	sgt.s32 @!p1 s17, $0x3;
	s19 =	sshra.s32 @!p1 s17, $0x1F;
	s20 =	sshra.s32 @!p1 s16, $0x1F  }
0xe: {  	p2 =	por !p2, p1;
	s17 =	sand.u32 @!p1 s19, s17;
	s19 =	smov.u32 s16  }
0xf: {  	s18 =	simm.s32 @p2 $0x3;
	p2 =	sgt.s32 @!p1 s16, $0x17F;
	s16 =	sand.u32 @!p1 s20, s16  }
0x10: {  	s20 =	sshra.s32 @!p1 s15, $0x1F;
	s17 =	ssub.s32 @!p1 s18, s17;
	p3 =	por !p2, p1  }
0x11: {  	s18 =	sadd.s32 @!p1 $0xFFFFFFFD, s17;
	s19 =	simm.s32 @p3 $0x17F;
	s17 =	ssub.s32 @!p1 $0x4, s17  }
0x12: {  	p3 =	sgt.s32 @!p1 s15, $0x100;
	p2 =	sgt.s32 @!p1 s18, $0x0;
	s16 =	ssub.s32 @!p1 s19, s16  }
0x13: {  	p3 =	por !p3, p1;
	s19 =	smov.u32 s15;
	s15 =	sand.u32 @!p1 s20, s15  }
0x14: {  	s17 =	smul.u32 @!p1 $0x60, s17;
	s18 =	sadd.s32 @!p1 $0xFFFFFE81, s16;
	s19 =	simm.s32 @p3 $0x100  }
0x15: {  	s16 =	ssub.s32 @!p1 $0x180, s16;
	p3 =	sgt.s32 @!p1 s18, $0x0;
	s15 =	ssub.s32 @!p1 s19, s15  }
0x16: {  	p2 =	por !p2, p1;
	p3 =	por !p3, p1;
	s18 =	sadd.s32 @!p1 $0xFFFFFF00, s15  }
0x17: {  	s17 =	simm.s32 @!p2 $0x0;
	s16 =	simm.s32 @!p3 $0x0;
	p3 =	sgt.s32 @!p1 s18, $0x7F  }
0x18: {  	s15 =	ssub.s32 @!p1 $0x180, s15;
	p2 =	por !p3, p1;
	s16 =	smul.u32 @!p1 s16, s17  }
0x19: {  	s19 =	smov.u32 s13;
	s18 =	sadd.s32 $0x80, s12;
	s15 =	simm.s32 @!p2 $0x0  }
0x1a: {  	p2 =	sgt.s32 s18, $0x17F;
	s15 =	smul.u32 @!p1 s15, s16;
	s16 =	sadd.s32 $0x8, s13  }
0x1b: {  	s19 =	smov.u32 @p2 s16  }
0x1c: {  	s21 =	smov.u32 s14;
	s16 =	sadd.s32 $0x4, s14;
	p3 =	sgt.s32 s19, $0x17F  }
0x1d: {  	s9 =	sadd.s32 $0x1, s9;
	p0 =	por !p0, !p0;
	s21 =	smov.u32 @p3 s16  }
0x1e: {  	s20 =	simm.s32 @!p1 $0x2;
	s18 =	simm.s32 @p2 $0x0;
	p2 =	sgt.s32 s21, $0x3  }
0x1f: {  	s17 =	smov.u32 s11;
	s21 =	smov.u32 @p2 s5;
	p2 =	sne.s32 s9, $0x92  }
.Ltmp1:
0x20: {  	s11 =	smov.u32 s14;
	s15 =	sand.u32 @!p1 $0x3FFFFFE0, s15;
	(pc) =	sbr.rel @!p2 .LBB1_6-.Ltmp1, $4  }
0x21: {  	_ =	swait.ge @!p1 [sflag:s20], s15;
	s22 =	ssub.s32 @!p1 $0x0, s15;
	s15 =	smov.u32 s8  }
0x22: {  	s16 =	smov.u32 s10;
	s19 =	smov.u32 @p3 s6;
	s8 =	smov.u32 s12  }
0x23: {  	s10 =	smov.u32 s13;
	s12 =	smov.u32 s18;
	[sflag:s20] =	ssyncset.done @!p1 $0x0  }
0x24: {  	s13 =	smov.u32 s19;
	[sflag:s20] =	ssyncadd.s32 @!p1 s22;
	s14 =	smov.u32 s21  }
.LBB1_1:
0x25: {  	p1 =	sgt.u32 s9, $0x8F  }
0x26: {  	s18 =	sand.u32 @!p1 $0x1FFFFFF, s12  }
0x27: {  	s19 =	smulhi.u32 @!p1 $0xAAAAAB, s18  }
0x28: {  	s20 =	smul.u32 @!p1 $0x240000, s14  }
0x29: {  	s19 =	smul.u32 @!p1 $0x180, s19  }
0x2a: {  	s21 =	smul.u32 @!p1 $0x1800, s13  }
0x2b: {  	s20 =	sadd.s32 @!p1 s3, s20;
	s18 =	ssub.s32 @!p1 s18, s19;
	s19 =	sxor.u32 @!p1 $0xFFFFFFFF, s9  }
0x2c: {  	s20 =	sadd.s32 @!p1 s21, s20;
	s19 =	sshll.u32 @!p1 s19, $0xE;
	s18 =	sshll.u32 @!p1 s18, $0x4  }
0x2d: {  	s19 =	sand.u32 @!p1 $0x4000, s19;
	s18 =	sadd.s32 @!p1 s18, s20;
	s20 =	simm.s32 @!p1 $0x0  }
0x2e: {  	[tilespmem:s19], [sflag:$0x1] =	stream.linear.gather @!p1 [hbm4b:s18+s20], $0x4000, $0x38;
	[tilespmem:$0x10100] =	vst v63  }
0x2f: {  	p1 =	seq.s32 s9, $0x0  }
0x30: {  	p2 =	seq.s32 @!p1 s9, $0x91  }
0x31: {  	p1 =	por p1, p2  }
.Ltmp2:
0x32: {  	_ = 	snop;
	(pc) =	sbr.rel @p1 .LBB1_5-.Ltmp2, $1  }
0x33: {  	_ =	sdelay $0x3  }
0x34: {  	s18 =	simm.s32 $0x1  }
0x35: {  	_ =	swait.ge [sflag:s4], $0x4000;
	s18 =	simm.s32 @!p0 $0x0  }
0x36: {  	[sflag:s4] =	ssyncset.done $0x0;
	s19 =	sshll.u32 s18, $0xE  }
0x37: {  	[sflag:s4] =	ssyncadd.s32 $0xFFFFC000;
	s19 =	sor.u32 $0x40, s19  }
0x38: {  	s18 =	smul.u32 $0x10200, s18;
	v0 =	vld [tilespmem:s19+$0x30]  }
0x39: {  	v1 =	vld [tilespmem:s19+$0xFFFFFFD0]  }
0x3a: {  	s18 =	sshrl.u32 s18, $0x2;
	v5 =	vld [tilespmem:s19+$0xFFFFFFE0]  }
0x3b: {  	v6 =	vld [tilespmem:s19+$0xFFFFFFF0];
	s21 =	sor.u32 $0x8000, s18  }
0x3c: {  	s31 =	sand.u32 $0x1, s9;
	v4 =	vld [tilespmem:s19+$0x0];
	s20 =	sadd.s32 $0x0, s21  }
0x3d: {  	v3 =	vld [tilespmem:s19+$0x10];
	s18 =	smul.u32 $0x10200, s31;
	[tilespmem:s20+$0x3870 ss:$0x81] =	vst.msk $0xffff, v0  }
0x3e: {  	v2 =	vld [tilespmem:s19+$0x20];
	[tilespmem:s20+$0x810 ss:$0x81] =	vst.msk $0xffff, v1  }
0x3f: {  	s18 =	sshrl.u32 s18, $0x2;
	v1 =	vld [tilespmem:s19+$0xFFFFFFC0];
	[tilespmem:s20+$0x1020 ss:$0x81] =	vst.msk $0xffff, v5;
	s19 =	sadd.s32 $0x80, s19  }
0x40: {  	s22 =	simm.s32 $0x4;
	s23 =	simm.s32 $0x8;
	s18 =	sor.u32 $0x8000, s18;
	[tilespmem:s20+$0x1830 ss:$0x81] =	vst.msk $0xffff, v6;
	v0 =	vld [tilespmem:s19+$0x30]  }
.LBB1_3:
0x41: {  	p1 =	sne.s32 s23, $0x1FC;
	v5 =	vld [tilespmem:s19+$0xFFFFFFD0];
	[tilespmem:s20+$0x2040 ss:$0x81] =	vst.msk $0xffff, v4  }
0x42: {  	v6 =	vld [tilespmem:s19+$0xFFFFFFE0];
	[tilespmem:s20+$0x2850 ss:$0x81] =	vst.msk $0xffff, v3  }
0x43: {  	s24 =	sshra.s32 s22, $0x2;
	s22 =	smov.u32 s23;
	v7 =	vld [tilespmem:s19+$0xFFFFFFF0];
	[tilespmem:s20+$0x3060 ss:$0x81] =	vst.msk $0xffff, v2  }
.Ltmp3:
0x44: {  	v4 =	vld [tilespmem:s19+$0x0];
	[tilespmem:s20+$0x0 ss:$0x81] =	vst.msk $0xffff, v1;
	s20 =	sadd.s32 s24, s21;
	(pc) =	sbr.rel @p1 .LBB1_3-.Ltmp3, $4  }
0x45: {  	v3 =	vld [tilespmem:s19+$0x10];
	[tilespmem:s20+$0x3870 ss:$0x81] =	vst.msk $0xffff, v0  }
0x46: {  	[tilespmem:s20+$0x810 ss:$0x81] =	vst.msk $0xffff, v5;
	v2 =	vld [tilespmem:s19+$0x20]  }
0x47: {  	v1 =	vld [tilespmem:s19+$0xFFFFFFC0];
	[tilespmem:s20+$0x1020 ss:$0x81] =	vst.msk $0xffff, v6;
	s19 =	sadd.s32 $0x80, s19  }
0x48: {  	s23 =	sadd.s32 $0x4, s23;
	v0 =	vld [tilespmem:s19+$0x30];
	[tilespmem:s20+$0x1830 ss:$0x81] =	vst.msk $0xffff, v7  }
0x49: {  	s23 =	sshll.u32 s8, $0x3  }
0x4a: {  	s24 =	sand.u32 $0x7F, s8;
	s22 =	sshra.s32 s22, $0x2;
	s23 =	sand.u32 $0xFFFFFC00, s23  }
0x4b: {  	p1 =	sgt.s32 s11, $0x3;
	s24 =	sor.u32 s24, s23;
	s23 =	smulhi.u32 $0xAAAAAAAB, s23  }
0x4c: {  	s26 =	sshra.s32 s11, $0x1F;
	s28 =	sshra.s32 s10, $0x1F;
	s25 =	smulhi.u32 $0xAAAAAAAB, s24  }
0x4d: {  	s21 =	sadd.s32 s22, s21;
	s26 =	sand.u32 s26, s11;
	s28 =	sand.u32 s28, s10  }
0x4e: {  	[tilespmem:s20+$0x2040 ss:$0x81] =	vst.msk $0xffff, v4;
	s23 =	sshrl.u32 s23, $0x8;
	s30 =	sshrl.u32 s25, $0x8;
	s25 =	smov.u32 s11  }
0x4f: {  	[tilespmem:s20+$0x2850 ss:$0x81] =	vst.msk $0xffff, v3;
	s27 =	smulhi.u32 $0x2AAAAAB, s23;
	s25 =	simm.s32 @!p1 $0x3;
	p1 =	sgt.s32 s10, $0x17F  }
0x50: {  	[tilespmem:s20+$0x3060 ss:$0x81] =	vst.msk $0xffff, v2;
	s22 =	smul.u32 $0x180, s30;
	s25 =	ssub.s32 s25, s26;
	s26 =	smov.u32 s10  }
0x51: {  	[tilespmem:s20+$0x0 ss:$0x81] =	vst.msk $0xffff, v1;
	s20 =	smov.u32 s8;
	s27 =	smul.u32 $0x60, s27;
	s26 =	simm.s32 @!p1 $0x17F  }
0x52: {  	v5 =	vld [tilespmem:s19+$0xFFFFFFD0];
	s31 =	sadd.s32 $0xFFFFFFFD, s25;
	s25 =	ssub.s32 $0x4, s25;
	s26 =	ssub.s32 s26, s28  }
0x53: {  	v58 =	vld [tilespmem:s19+$0xFFFFFFE0];
	s30 =	sshra.s32 s8, $0x1F;
	s25 =	smul.u32 $0x60, s25;
	s29 =	sadd.s32 $0xFFFFFE81, s26  }
0x54: {  	v59 =	vld [tilespmem:s19+$0xFFFFFFF0];
	p1 =	sgt.s32 s31, $0x0;
	s26 =	ssub.s32 $0x180, s26;
	p2 =	sgt.s32 s29, $0x0  }
0x55: {  	v60 =	vld [tilespmem:s19+$0x0];
	s25 =	simm.s32 @p1 $0x0;
	s26 =	simm.s32 @p2 $0x0;
	p2 =	sgt.s32 s8, $0x100  }
0x56: {  	v61 =	vld [tilespmem:s19+$0x10];
	[tilespmem:s21+$0x3870 ss:$0x81] =	vst.msk $0xffff, v0;
	s28 =	sand.u32 s30, s8;
	s20 =	simm.s32 @!p2 $0x100;
	s31 =	smul.u32 s26, s25  }
0x57: {  	v62 =	vld [tilespmem:s19+$0x20];
	[tilespmem:s21+$0x810 ss:$0x81] =	vst.msk $0xffff, v5;
	s25 =	ssub.s32 s23, s27;
	s27 =	smul.u32 $0x1B0000, s11;
	s20 =	ssub.s32 s20, s28  }
0x58: {  	v63 =	vld [tilespmem:s19+$0xFFFFFFC0];
	[tilespmem:s21+$0x1020 ss:$0x81] =	vst.msk $0xffff, v58;
	s22 =	ssub.s32 s24, s22;
	s28 =	smul.u32 $0x1200, s10;
	s26 =	sadd.s32 $0xFFFFFF00, s20  }
0x59: {  	[tilespmem:s21+$0x1830 ss:$0x81] =	vst.msk $0xffff, v59;
	s19 =	smul.u32 $0x30, s25;
	s20 =	ssub.s32 $0x180, s20;
	p1 =	sgt.s32 s26, $0x7F  }
.Ltmp4:
0x5a: {  	[tilespmem:s21+$0x2040 ss:$0x81] =	vst.msk $0xffff, v60;
	s25 =	sadd.s32 s2, s27;
	s20 =	simm.s32 @p1 $0x0;
	(pc) =	sbr.rel .LBB1_5-.Ltmp4, $4  }
0x5b: {  	[tilespmem:s21+$0x2850 ss:$0x81] =	vst.msk $0xffff, v61;
	s29 =	sand.u32 $0x7, s22;
	s23 =	sadd.s32 s28, s25;
	s20 =	smul.u32 s20, s31  }
0x5c: {  	[tilespmem:s21+$0x3060 ss:$0x81] =	vst.msk $0xffff, v62;
	s22 =	sshrl.u32 s22, $0x3;
	s30 =	sshll.u32 s29, $0x12;
	s19 =	sadd.s32 s19, s23  }
0x5d: {  	[tilespmem:s21+$0x0 ss:$0x81] =	vst.msk $0xffff, v63;
	s19 =	sadd.s32 s22, s19;
	s31 =	sor.u32 $0x400, s30;
	s20 =	sand.u32 $0x3FFFFFE0, s20  }
0x5e: {  	[hbm4b:s19+s31] =	stream.strided.scatter [tilespmem:s18], [sflag:$0x2], s20, s7, s31, $0x20;
	[tilespmem:$0x10100] =	vst v63  }
.LBB1_6:
0x5f: {  	_ =	sfence.sel $0x180000  }
0x60: {  	s2 =	simm.s32 $0x1;
	[bflag:$0x0] =	sbarrier.arrive $0xFFFF  }
0x61: {  	s31 =	simm.s32 $0x2;
	[sflag:s2] =	ssyncpa.u1 $0x1  }
0x62: {  	[sflag:s31] =	ssyncpa.u1 $0x1  }
0x63: {  	p0 =	sne.s32 s1, $0x0;
	_ =	strace $0x9000004A  }
0x64: {  	s0 =	sadd.s32 @!p0 $0x100000, s0;
	[bflag:$0x2] =	sbarrier.arrive $0xFFFF  }
0x65: {  	[sflag:s0] =	ssyncadd.tile.s32 @!p0 $0x1;
	_ =	shalt  }
.Lfunc_end1:
_tile_overlayer_lowered:
.L_overlay_start_2:
0x66: {  	(tag) =	ssettag $0x2  }
0x67: {  	s0 =	rddreg [dreg:$0x0];
	s2 =	stileid.u32  }
0x68: {  	s1 =	rddreg [dreg:$0x1];
	p0 =	sne.s32 s2, $0x0  }
0x69: {  	s3 =	rddreg [dreg:$0x2];
	[bflag:$0x3] =	sbarrier.arrive $0xFFFF;
	s2 =	simm.s32 @!p0 $0x1C01  }
0x6a: {  	[timem:s3], [sflag:s2] =	dma.local @!p0 [hbm:s0], s1  }
0x6b: {  	s0 =	simm.s32 @!p0 $0x1  }
0x6c: {  	_ =	swait.ge @!p0 [sflag:s0], s1  }
0x6d: {  	s1 =	ssub.s32 @!p0 $0x0, s1;
	[sflag:s0] =	ssyncset.done @!p0 $0x0  }
0x6e: {  	[sflag:s0] =	ssyncadd.s32 @!p0 s1  }
0x6f: {  	[bflag:$0x3] =	sbarrier.arrive $0xFFFF  }
0x70: {  	_ =	shalt  }

</sc_bundles>
